<compile_context>
chip_gen: v7x
topology: tpu7x:2x2x1
jax: 0.10.2.dev20260603
libtpu: 0.0.44.dev20260713+nightly
codegen_flags: <defaults>
</compile_context>

<pallas_src>
import functools

import jax
import jax.numpy as jnp
from jax import lax
from jax.experimental import pallas as pl
from jax.experimental.pallas import tpu as pltpu
from jax.experimental.pallas import tpu_sc as plsc

D_MODEL = 1024
MAX_LEN = 8192
BATCH = 4
SEQ = 4096

NUM_CORES = 2
NUM_SUBCORES = 16
LANES = 16
NW = NUM_CORES * NUM_SUBCORES

ROWS_PER_W = SEQ // NW
CHUNK = 16
NCHUNK = ROWS_PER_W // CHUNK
VECS = D_MODEL // LANES
NBX = 5
LOOKAHEAD = 2


def _build_sc_kernel():
    mesh = plsc.VectorSubcoreMesh(
        core_axis_name="c", subcore_axis_name="s", num_cores=NUM_CORES
    )

    @functools.partial(
        pl.kernel,
        mesh=mesh,
        out_type=jax.ShapeDtypeStruct((BATCH, SEQ, D_MODEL), jnp.float32),
        scratch_types=[
            pltpu.VMEM((ROWS_PER_W,), jnp.int32),
            [pltpu.VMEM((CHUNK, D_MODEL), jnp.float32)] * 2,
            [pltpu.VMEM((CHUNK, D_MODEL), jnp.float32)] * NBX,
            [pltpu.SemaphoreType.DMA] * 2,
            [pltpu.SemaphoreType.DMA] * NBX,
            [pltpu.SemaphoreType.DMA] * NBX,
        ],
    )
    def sc_kernel(x_hbm, idx_hbm, pe_hbm, out_hbm,
                  idx_v, pe_bufs, x_bufs, gsems, xsems, osems):
        wid = lax.axis_index("s") * NUM_CORES + lax.axis_index("c")
        base = wid * ROWS_PER_W
        pltpu.sync_copy(idx_hbm.at[pl.ds(base, ROWS_PER_W)], idx_v)

        steps = [(c, b) for c in range(NCHUNK) for b in range(BATCH)]
        T = len(steps)

        def start_gather(c):
            return pltpu.async_copy(
                pe_hbm.at[0].at[idx_v.at[pl.ds(c * CHUNK, CHUNK)]],
                pe_bufs[c % 2], gsems[c % 2],
            )

        def start_xload(t):
            c, b = steps[t]
            return pltpu.async_copy(
                x_hbm.at[b, pl.ds(base + c * CHUNK, CHUNK)],
                x_bufs[t % NBX], xsems[t % NBX],
            )

        gather_d = {0: start_gather(0)}
        xload_d = {t: start_xload(t) for t in range(LOOKAHEAD)}
        store_d = {}

        for t, (c, b) in enumerate(steps):
            xbuf = t % NBX
            pe_v = pe_bufs[c % 2]
            x_v = x_bufs[xbuf]

            if b == 0:
                if c + 1 < NCHUNK:
                    gather_d[c + 1] = start_gather(c + 1)
                gather_d[c].wait()

            ta = t + LOOKAHEAD
            if ta < T:
                if ta >= NBX:
                    store_d[ta - NBX].wait()
                xload_d[ta] = start_xload(ta)

            xload_d[t].wait()

            @plsc.parallel_loop(0, CHUNK * VECS, unroll=8)
            def _add(i):
                r = i >> 6
                col = pl.multiple_of((i & (VECS - 1)) << 4, LANES)
                plsc.addupdate(
                    x_v.at[r, pl.ds(col, LANES)], pe_v[r, pl.ds(col, LANES)]
                )

            store_d[t] = pltpu.async_copy(
                x_v, out_hbm.at[b, pl.ds(base + c * CHUNK, CHUNK)],
                osems[xbuf],
            )

        for t in range(T - NBX, T):
            store_d[t].wait()

    return sc_kernel


_sc_kernel = _build_sc_kernel()


@jax.jit
def kernel(x, indices, pe):
    return _sc_kernel(x, indices, pe)

# --- scband reference (transcript-rebuilt; emitter-appended) ---
"""Pipeline reference for scband-positional-encoding-1108101562457 (READ-ONLY COPY).

The authoritative reference and input builder live on the scoring server;
editing this copy changes nothing except your own understanding.
"""

import math
import jax, jax.numpy as jnp
import numpy as np

D_MODEL = 1024
MAX_LEN = 8192
BATCH = 4
SEQ = 4096

def _build_pe(max_len, d_model):
    position = jnp.arange(max_len, dtype=jnp.float32)[:, None]
    div_term = jnp.exp(jnp.arange(0, d_model, 2, dtype=jnp.float32) * (-math.log(10000.0) / d_model))
    pe = jnp.zeros((max_len, d_model), dtype=jnp.float32)
    pe = pe.at[:, 0::2].set(jnp.sin(position * div_term))
    pe = pe.at[:, 1::2].set(jnp.cos(position * div_term))
    return pe[None, :, :]  # (1, max_len, d_model), matches registered buffer

def setup_inputs(seed: int = 0) -> dict:
    key = jax.random.key(seed)
    k1, k2 = jax.random.split(key)
    x = jax.random.normal(k1, (BATCH, SEQ, D_MODEL), dtype=jnp.float32)
    indices = jax.random.randint(k2, (SEQ,), 0, MAX_LEN, dtype=jnp.int32)
    pe = _build_pe(MAX_LEN, D_MODEL)
    return {"x": x, "indices": indices, "pe": pe}

def reference(x, indices, pe):
    # index_transform: lambda x: x.long() -> integer cast (already int)
    # indices is 1-D, so: x = x + pe[:, indices, :]
    gathered = jnp.take(pe, indices, axis=1)  # (1, SEQ, D_MODEL), broadcasts over batch
    out = x + gathered
    # squeeze_dim=None -> return as-is
    return out

if __name__ == "__main__":
    import jax
    _d = setup_inputs()
    print(jax.jit(kernel)(*tuple(_d.values())))

</pallas_src>

<mosaic_0001>
#map = affine_map<(d0, d1) -> (0, 0, 0)>
#map1 = affine_map<(d0, d1) -> (0)>
module attributes {stable_mosaic.version = 14 : i64} {
  func.func @sc_kernel(%arg0: i32, %arg1: i32, %arg2: memref<4x4096x1024xf32, #tpu.memory_space<hbm>>, %arg3: memref<4096xi32, #tpu.memory_space<hbm>>, %arg4: memref<1x8192x1024xf32, #tpu.memory_space<hbm>>, %arg5: memref<4x4096x1024xf32, #tpu.memory_space<hbm>>, %arg6: memref<128xi32, #tpu.memory_space<vmem>>, %arg7: memref<16x1024xf32, #tpu.memory_space<vmem>>, %arg8: memref<16x1024xf32, #tpu.memory_space<vmem>>, %arg9: memref<16x1024xf32, #tpu.memory_space<vmem>>, %arg10: memref<16x1024xf32, #tpu.memory_space<vmem>>, %arg11: memref<16x1024xf32, #tpu.memory_space<vmem>>, %arg12: memref<16x1024xf32, #tpu.memory_space<vmem>>, %arg13: memref<16x1024xf32, #tpu.memory_space<vmem>>, %arg14: memref<!tpu.dma_semaphore, #tpu.memory_space<semaphore_mem>>, %arg15: memref<!tpu.dma_semaphore, #tpu.memory_space<semaphore_mem>>, %arg16: memref<!tpu.dma_semaphore, #tpu.memory_space<semaphore_mem>>, %arg17: memref<!tpu.dma_semaphore, #tpu.memory_space<semaphore_mem>>, %arg18: memref<!tpu.dma_semaphore, #tpu.memory_space<semaphore_mem>>, %arg19: memref<!tpu.dma_semaphore, #tpu.memory_space<semaphore_mem>>, %arg20: memref<!tpu.dma_semaphore, #tpu.memory_space<semaphore_mem>>, %arg21: memref<!tpu.dma_semaphore, #tpu.memory_space<semaphore_mem>>, %arg22: memref<!tpu.dma_semaphore, #tpu.memory_space<semaphore_mem>>, %arg23: memref<!tpu.dma_semaphore, #tpu.memory_space<semaphore_mem>>, %arg24: memref<!tpu.dma_semaphore, #tpu.memory_space<semaphore_mem>>, %arg25: memref<!tpu.dma_semaphore, #tpu.memory_space<semaphore_mem>>) attributes {dimension_semantics = [#tpu.dimension_semantics<core_parallel>, #tpu.dimension_semantics<subcore_parallel>], iteration_bounds = array<i64: 2, 16>, scalar_prefetch = 0 : i64, scratch_operands = 20 : i64, tpu.core_type = #tpu.core_type<sc_vector_subcore>, window_params = [{transform_indices = #map}, {transform_indices = #map1}, {transform_indices = #map}, {transform_indices = #map}]} {
    %mul3A = arith.constant 2 : i32
    %mul3A_0 = arith.muli %arg1, %mul3A : i32
    %add3A = arith.addi %mul3A_0, %arg0 : i32
    %mul3A_1 = arith.constant 128 : i32
    %mul3A_2 = arith.muli %add3A, %mul3A_1 : i32
    "tpu.region"() ({
      %run_scoped3A = tpu.sem_alloc : memref<!tpu.dma_semaphore, #tpu.memory_space<semaphore_mem>>
      %dma_start3A_1280 = tpu.memref_slice %arg3[%mul3A_2] : memref<4096xi32, #tpu.memory_space<hbm>> -> memref<128xi32, #tpu.memory_space<hbm>>
      %dma_start3A_1281 = tpu.memref_slice %arg3[%mul3A_2] : memref<4096xi32, #tpu.memory_space<hbm>> -> memref<128xi32, #tpu.memory_space<hbm>>
      tpu.enqueue_dma source(%dma_start3A_1281 : memref<128xi32, #tpu.memory_space<hbm>>) target(%arg6 : memref<128xi32, #tpu.memory_space<vmem>>) target_semaphore(%run_scoped3A : memref<!tpu.dma_semaphore, #tpu.memory_space<semaphore_mem>>)
      %dma_wait3A_1282 = tpu.memref_slice %arg3[%mul3A_2] : memref<4096xi32, #tpu.memory_space<hbm>> -> memref<128xi32, #tpu.memory_space<hbm>>
      %dma_wait3A_1283 = tpu.memref_slice %arg3[%mul3A_2] : memref<4096xi32, #tpu.memory_space<hbm>> -> memref<128xi32, #tpu.memory_space<hbm>>
      tpu.wait_dma2 semaphore(%run_scoped3A : memref<!tpu.dma_semaphore, #tpu.memory_space<semaphore_mem>>) src(%dma_wait3A_1283 : memref<128xi32, #tpu.memory_space<hbm>>) dst(%arg6 : memref<128xi32, #tpu.memory_space<vmem>>)
      tpu.yield
    }) : () -> ()
    %dma_start3A = arith.constant 0 : i32
    %dma_start3A_3 = arith.constant 0 : i32
    %dma_start3A_4 = tpu.memref_slice %arg6[%dma_start3A_3] : memref<128xi32, #tpu.memory_space<vmem>> -> memref<16xi32, #tpu.memory_space<vmem>>
    %dma_start3A_5 = arith.constant 0 : i32
    %dma_start3A_6 = arith.constant 0 : i32
    %dma_start3A_7 = tpu.memref_slice %arg4[%dma_start3A, %dma_start3A_5, %dma_start3A_6] : memref<1x8192x1024xf32, #tpu.memory_space<hbm>> -> memref<1x8192x1024xf32, #tpu.memory_space<hbm>>
    %dma_start3A_8 = tpu.memref_squeeze %dma_start3A_7 : memref<1x8192x1024xf32, #tpu.memory_space<hbm>> -> memref<8192x1024xf32, #tpu.memory_space<hbm>>
    %dma_start3A_9 = arith.constant 0 : i32
    %dma_start3A_10 = arith.constant 0 : i32
    %dma_start3A_11 = tpu.memref_slice %dma_start3A_8[%dma_start3A_9, %dma_start3A_10] : memref<8192x1024xf32, #tpu.memory_space<hbm>> -> memref<8192x1024xf32, #tpu.memory_space<hbm>>
    tpu.enqueue_indirect_dma source(%dma_start3A_11 : memref<8192x1024xf32, #tpu.memory_space<hbm>>) target(%arg7 : memref<16x1024xf32, #tpu.memory_space<vmem>>) offsets(%dma_start3A_4 : memref<16xi32, #tpu.memory_space<vmem>>) semaphore(%arg14 : memref<!tpu.dma_semaphore, #tpu.memory_space<semaphore_mem>>)
    %add3A_12 = arith.constant 0 : i32
    %add3A_13 = arith.addi %mul3A_2, %add3A_12 : i32
    %dma_start3A_14 = arith.constant 0 : i32
    %dma_start3A_15 = arith.constant 0 : i32
    %dma_start3A_16 = tpu.memref_slice %arg2[%dma_start3A_14, %add3A_13, %dma_start3A_15] : memref<4x4096x1024xf32, #tpu.memory_space<hbm>> -> memref<1x16x1024xf32, #tpu.memory_space<hbm>>
    %dma_start3A_17 = tpu.memref_squeeze %dma_start3A_16 : memref<1x16x1024xf32, #tpu.memory_space<hbm>> -> memref<16x1024xf32, #tpu.memory_space<hbm>>
    %dma_start3A_18 = arith.constant 0 : i32
    %dma_start3A_19 = tpu.memref_slice %arg2[%dma_start3A_14, %add3A_13, %dma_start3A_18] : memref<4x4096x1024xf32, #tpu.memory_space<hbm>> -> memref<1x16x1024xf32, #tpu.memory_space<hbm>>
    %dma_start3A_20 = tpu.memref_squeeze %dma_start3A_19 : memref<1x16x1024xf32, #tpu.memory_space<hbm>> -> memref<16x1024xf32, #tpu.memory_space<hbm>>
    tpu.enqueue_dma source(%dma_start3A_20 : memref<16x1024xf32, #tpu.memory_space<hbm>>) target(%arg9 : memref<16x1024xf32, #tpu.memory_space<vmem>>) target_semaphore(%arg16 : memref<!tpu.dma_semaphore, #tpu.memory_space<semaphore_mem>>)
    %add3A_21 = arith.constant 0 : i32
    %add3A_22 = arith.addi %mul3A_2, %add3A_21 : i32
    %dma_start3A_23 = arith.constant 1 : i32
    %dma_start3A_24 = arith.constant 0 : i32
    %dma_start3A_25 = tpu.memref_slice %arg2[%dma_start3A_23, %add3A_22, %dma_start3A_24] : memref<4x4096x1024xf32, #tpu.memory_space<hbm>> -> memref<1x16x1024xf32, #tpu.memory_space<hbm>>
    %dma_start3A_26 = tpu.memref_squeeze %dma_start3A_25 : memref<1x16x1024xf32, #tpu.memory_space<hbm>> -> memref<16x1024xf32, #tpu.memory_space<hbm>>
    %dma_start3A_27 = arith.constant 0 : i32
    %dma_start3A_28 = tpu.memref_slice %arg2[%dma_start3A_23, %add3A_22, %dma_start3A_27] : memref<4x4096x1024xf32, #tpu.memory_space<hbm>> -> memref<1x16x1024xf32, #tpu.memory_space<hbm>>
    %dma_start3A_29 = tpu.memref_squeeze %dma_start3A_28 : memref<1x16x1024xf32, #tpu.memory_space<hbm>> -> memref<16x1024xf32, #tpu.memory_space<hbm>>
    tpu.enqueue_dma source(%dma_start3A_29 : memref<16x1024xf32, #tpu.memory_space<hbm>>) target(%arg10 : memref<16x1024xf32, #tpu.memory_space<vmem>>) target_semaphore(%arg17 : memref<!tpu.dma_semaphore, #tpu.memory_space<semaphore_mem>>)
    %dma_start3A_30 = arith.constant 0 : i32
    %dma_start3A_31 = arith.constant 16 : i32
    %dma_start3A_32 = tpu.memref_slice %arg6[%dma_start3A_31] : memref<128xi32, #tpu.memory_space<vmem>> -> memref<16xi32, #tpu.memory_space<vmem>>
    %dma_start3A_33 = arith.constant 0 : i32
    %dma_start3A_34 = arith.constant 0 : i32
    %dma_start3A_35 = tpu.memref_slice %arg4[%dma_start3A_30, %dma_start3A_33, %dma_start3A_34] : memref<1x8192x1024xf32, #tpu.memory_space<hbm>> -> memref<1x8192x1024xf32, #tpu.memory_space<hbm>>
    %dma_start3A_36 = tpu.memref_squeeze %dma_start3A_35 : memref<1x8192x1024xf32, #tpu.memory_space<hbm>> -> memref<8192x1024xf32, #tpu.memory_space<hbm>>
    %dma_start3A_37 = arith.constant 0 : i32
    %dma_start3A_38 = arith.constant 0 : i32
    %dma_start3A_39 = tpu.memref_slice %dma_start3A_36[%dma_start3A_37, %dma_start3A_38] : memref<8192x1024xf32, #tpu.memory_space<hbm>> -> memref<8192x1024xf32, #tpu.memory_space<hbm>>
    tpu.enqueue_indirect_dma source(%dma_start3A_39 : memref<8192x1024xf32, #tpu.memory_space<hbm>>) target(%arg8 : memref<16x1024xf32, #tpu.memory_space<vmem>>) offsets(%dma_start3A_32 : memref<16xi32, #tpu.memory_space<vmem>>) semaphore(%arg15 : memref<!tpu.dma_semaphore, #tpu.memory_space<semaphore_mem>>)
    %dma_wait3A = arith.constant 0 : i32
    %dma_wait3A_40 = arith.constant 0 : i32
    %dma_wait3A_41 = tpu.memref_slice %arg6[%dma_wait3A_40] : memref<128xi32, #tpu.memory_space<vmem>> -> memref<16xi32, #tpu.memory_space<vmem>>
    %dma_wait3A_42 = arith.constant 0 : i32
    %dma_wait3A_43 = arith.constant 0 : i32
    %dma_wait3A_44 = tpu.memref_slice %arg4[%dma_wait3A, %dma_wait3A_42, %dma_wait3A_43] : memref<1x8192x1024xf32, #tpu.memory_space<hbm>> -> memref<1x8192x1024xf32, #tpu.memory_space<hbm>>
    %dma_wait3A_45 = tpu.memref_squeeze %dma_wait3A_44 : memref<1x8192x1024xf32, #tpu.memory_space<hbm>> -> memref<8192x1024xf32, #tpu.memory_space<hbm>>
    %dma_wait3A_46 = arith.constant 0 : i32
    %dma_wait3A_47 = arith.constant 0 : i32
    %dma_wait3A_48 = tpu.memref_slice %dma_wait3A_45[%dma_wait3A_46, %dma_wait3A_47] : memref<8192x1024xf32, #tpu.memory_space<hbm>> -> memref<8192x1024xf32, #tpu.memory_space<hbm>>
    tpu.wait_indirect_dma semaphore(%arg14 : memref<!tpu.dma_semaphore, #tpu.memory_space<semaphore_mem>>) src(%dma_wait3A_48 : memref<8192x1024xf32, #tpu.memory_space<hbm>>) dst(%arg7 : memref<16x1024xf32, #tpu.memory_space<vmem>>)
    %add3A_49 = arith.constant 0 : i32
    %add3A_50 = arith.addi %mul3A_2, %add3A_49 : i32
    %dma_start3A_51 = arith.constant 2 : i32
    %dma_start3A_52 = arith.constant 0 : i32
    %dma_start3A_53 = tpu.memref_slice %arg2[%dma_start3A_51, %add3A_50, %dma_start3A_52] : memref<4x4096x1024xf32, #tpu.memory_space<hbm>> -> memref<1x16x1024xf32, #tpu.memory_space<hbm>>
    %dma_start3A_54 = tpu.memref_squeeze %dma_start3A_53 : memref<1x16x1024xf32, #tpu.memory_space<hbm>> -> memref<16x1024xf32, #tpu.memory_space<hbm>>
    %dma_start3A_55 = arith.constant 0 : i32
    %dma_start3A_56 = tpu.memref_slice %arg2[%dma_start3A_51, %add3A_50, %dma_start3A_55] : memref<4x4096x1024xf32, #tpu.memory_space<hbm>> -> memref<1x16x1024xf32, #tpu.memory_space<hbm>>
    %dma_start3A_57 = tpu.memref_squeeze %dma_start3A_56 : memref<1x16x1024xf32, #tpu.memory_space<hbm>> -> memref<16x1024xf32, #tpu.memory_space<hbm>>
    tpu.enqueue_dma source(%dma_start3A_57 : memref<16x1024xf32, #tpu.memory_space<hbm>>) target(%arg11 : memref<16x1024xf32, #tpu.memory_space<vmem>>) target_semaphore(%arg18 : memref<!tpu.dma_semaphore, #tpu.memory_space<semaphore_mem>>)
    %dma_wait3A_58 = arith.constant 0 : i32
    %dma_wait3A_59 = arith.constant 0 : i32
    %dma_wait3A_60 = tpu.memref_slice %arg2[%dma_wait3A_58, %add3A_13, %dma_wait3A_59] : memref<4x4096x1024xf32, #tpu.memory_space<hbm>> -> memref<1x16x1024xf32, #tpu.memory_space<hbm>>
    %dma_wait3A_61 = tpu.memref_squeeze %dma_wait3A_60 : memref<1x16x1024xf32, #tpu.memory_space<hbm>> -> memref<16x1024xf32, #tpu.memory_space<hbm>>
    %dma_wait3A_62 = arith.constant 0 : i32
    %dma_wait3A_63 = tpu.memref_slice %arg2[%dma_wait3A_58, %add3A_13, %dma_wait3A_62] : memref<4x4096x1024xf32, #tpu.memory_space<hbm>> -> memref<1x16x1024xf32, #tpu.memory_space<hbm>>
    %dma_wait3A_64 = tpu.memref_squeeze %dma_wait3A_63 : memref<1x16x1024xf32, #tpu.memory_space<hbm>> -> memref<16x1024xf32, #tpu.memory_space<hbm>>
    tpu.wait_dma2 semaphore(%arg16 : memref<!tpu.dma_semaphore, #tpu.memory_space<semaphore_mem>>) src(%dma_wait3A_64 : memref<16x1024xf32, #tpu.memory_space<hbm>>) dst(%arg9 : memref<16x1024xf32, #tpu.memory_space<vmem>>)
    %parallel_loop3A = arith.constant 0 : i32
    %parallel_loop3A_65 = arith.constant 1024 : i32
    %parallel_loop3A_66 = arith.constant 1 : i32
    scf.for %parallel_loop3A_1280 = %parallel_loop3A to %parallel_loop3A_65 step %parallel_loop3A_66  : i32 {
      %parallel_loop3A_1281 = arith.constant 6 : i32
      %parallel_loop3A_1282 = arith.shrsi %parallel_loop3A_1280, %parallel_loop3A_1281 : i32
      %parallel_loop3A_1283 = arith.constant 63 : i32
      %parallel_loop3A_1284 = arith.andi %parallel_loop3A_1280, %parallel_loop3A_1283 : i32
      %parallel_loop3A_1285 = arith.constant 4 : i32
      %parallel_loop3A_1286 = arith.shli %parallel_loop3A_1284, %parallel_loop3A_1285 : i32
      %parallel_loop3A_1287 = tpu.assume_multiple %parallel_loop3A_1286, 16 : i32
      %parallel_loop3A_1288 = arith.index_cast %parallel_loop3A_1282 : i32 to index
      %parallel_loop3A_1289 = arith.index_cast %parallel_loop3A_1287 : i32 to index
      %parallel_loop3A_1290 = tpu.vector_load %arg7[%parallel_loop3A_1288, %parallel_loop3A_1289] {strides = array<i32>} : memref<16x1024xf32, #tpu.memory_space<vmem>>, vector<1x16xf32>,
      %parallel_loop3A_1291 = vector.shape_cast %parallel_loop3A_1290 : vector<1x16xf32> to vector<16xf32>
      %parallel_loop3A_1292 = arith.index_cast %parallel_loop3A_1282 : i32 to index
      %parallel_loop3A_1293 = arith.index_cast %parallel_loop3A_1287 : i32 to index
      %parallel_loop3A_1294 = tpu.vector_load %arg9[%parallel_loop3A_1292, %parallel_loop3A_1293] {strides = array<i32>} : memref<16x1024xf32, #tpu.memory_space<vmem>>, vector<1x16xf32>,
      %parallel_loop3A_1295 = vector.shape_cast %parallel_loop3A_1294 : vector<1x16xf32> to vector<16xf32>
      %parallel_loop3A_1296 = vector.shape_cast %parallel_loop3A_1291 : vector<16xf32> to vector<1x16xf32>
      tpu.vector_store %arg9[%parallel_loop3A_1292, %parallel_loop3A_1293], %parallel_loop3A_1296 {add = true, strides = array<i32>} : memref<16x1024xf32, #tpu.memory_space<vmem>>, vector<1x16xf32>,
    } {sc.loop_unroll_factor = 8 : i64, sc.parallel_access}
    %add3A_67 = arith.constant 0 : i32
    %add3A_68 = arith.addi %mul3A_2, %add3A_67 : i32
    %dma_start3A_69 = arith.constant 0 : i32
    %dma_start3A_70 = arith.constant 0 : i32
    %dma_start3A_71 = tpu.memref_slice %arg5[%dma_start3A_69, %add3A_68, %dma_start3A_70] : memref<4x4096x1024xf32, #tpu.memory_space<hbm>> -> memref<1x16x1024xf32, #tpu.memory_space<hbm>>
    %dma_start3A_72 = tpu.memref_squeeze %dma_start3A_71 : memref<1x16x1024xf32, #tpu.memory_space<hbm>> -> memref<16x1024xf32, #tpu.memory_space<hbm>>
    %dma_start3A_73 = arith.constant 0 : i32
    %dma_start3A_74 = tpu.memref_slice %arg5[%dma_start3A_69, %add3A_68, %dma_start3A_73] : memref<4x4096x1024xf32, #tpu.memory_space<hbm>> -> memref<1x16x1024xf32, #tpu.memory_space<hbm>>
    %dma_start3A_75 = tpu.memref_squeeze %dma_start3A_74 : memref<1x16x1024xf32, #tpu.memory_space<hbm>> -> memref<16x1024xf32, #tpu.memory_space<hbm>>
    tpu.enqueue_dma source(%arg9 : memref<16x1024xf32, #tpu.memory_space<vmem>>) target(%dma_start3A_75 : memref<16x1024xf32, #tpu.memory_space<hbm>>) target_semaphore(%arg21 : memref<!tpu.dma_semaphore, #tpu.memory_space<semaphore_mem>>)
    %add3A_76 = arith.constant 0 : i32
    %add3A_77 = arith.addi %mul3A_2, %add3A_76 : i32
    %dma_start3A_78 = arith.constant 3 : i32
    %dma_start3A_79 = arith.constant 0 : i32
    %dma_start3A_80 = tpu.memref_slice %arg2[%dma_start3A_78, %add3A_77, %dma_start3A_79] : memref<4x4096x1024xf32, #tpu.memory_space<hbm>> -> memref<1x16x1024xf32, #tpu.memory_space<hbm>>
    %dma_start3A_81 = tpu.memref_squeeze %dma_start3A_80 : memref<1x16x1024xf32, #tpu.memory_space<hbm>> -> memref<16x1024xf32, #tpu.memory_space<hbm>>
    %dma_start3A_82 = arith.constant 0 : i32
    %dma_start3A_83 = tpu.memref_slice %arg2[%dma_start3A_78, %add3A_77, %dma_start3A_82] : memref<4x4096x1024xf32, #tpu.memory_space<hbm>> -> memref<1x16x1024xf32, #tpu.memory_space<hbm>>
    %dma_start3A_84 = tpu.memref_squeeze %dma_start3A_83 : memref<1x16x1024xf32, #tpu.memory_space<hbm>> -> memref<16x1024xf32, #tpu.memory_space<hbm>>
    tpu.enqueue_dma source(%dma_start3A_84 : memref<16x1024xf32, #tpu.memory_space<hbm>>) target(%arg12 : memref<16x1024xf32, #tpu.memory_space<vmem>>) target_semaphore(%arg19 : memref<!tpu.dma_semaphore, #tpu.memory_space<semaphore_mem>>)
    %dma_wait3A_85 = arith.constant 1 : i32
    %dma_wait3A_86 = arith.constant 0 : i32
    %dma_wait3A_87 = tpu.memref_slice %arg2[%dma_wait3A_85, %add3A_22, %dma_wait3A_86] : memref<4x4096x1024xf32, #tpu.memory_space<hbm>> -> memref<1x16x1024xf32, #tpu.memory_space<hbm>>
    %dma_wait3A_88 = tpu.memref_squeeze %dma_wait3A_87 : memref<1x16x1024xf32, #tpu.memory_space<hbm>> -> memref<16x1024xf32, #tpu.memory_space<hbm>>
    %dma_wait3A_89 = arith.constant 0 : i32
    %dma_wait3A_90 = tpu.memref_slice %arg2[%dma_wait3A_85, %add3A_22, %dma_wait3A_89] : memref<4x4096x1024xf32, #tpu.memory_space<hbm>> -> memref<1x16x1024xf32, #tpu.memory_space<hbm>>
    %dma_wait3A_91 = tpu.memref_squeeze %dma_wait3A_90 : memref<1x16x1024xf32, #tpu.memory_space<hbm>> -> memref<16x1024xf32, #tpu.memory_space<hbm>>
    tpu.wait_dma2 semaphore(%arg17 : memref<!tpu.dma_semaphore, #tpu.memory_space<semaphore_mem>>) src(%dma_wait3A_91 : memref<16x1024xf32, #tpu.memory_space<hbm>>) dst(%arg10 : memref<16x1024xf32, #tpu.memory_space<vmem>>)
    %parallel_loop3A_92 = arith.constant 0 : i32
    %parallel_loop3A_93 = arith.constant 1024 : i32
    %parallel_loop3A_94 = arith.constant 1 : i32
    scf.for %parallel_loop3A_1280 = %parallel_loop3A_92 to %parallel_loop3A_93 step %parallel_loop3A_94  : i32 {
      %parallel_loop3A_1281 = arith.constant 6 : i32
      %parallel_loop3A_1282 = arith.shrsi %parallel_loop3A_1280, %parallel_loop3A_1281 : i32
      %parallel_loop3A_1283 = arith.constant 63 : i32
      %parallel_loop3A_1284 = arith.andi %parallel_loop3A_1280, %parallel_loop3A_1283 : i32
      %parallel_loop3A_1285 = arith.constant 4 : i32
      %parallel_loop3A_1286 = arith.shli %parallel_loop3A_1284, %parallel_loop3A_1285 : i32
      %parallel_loop3A_1287 = tpu.assume_multiple %parallel_loop3A_1286, 16 : i32
      %parallel_loop3A_1288 = arith.index_cast %parallel_loop3A_1282 : i32 to index
      %parallel_loop3A_1289 = arith.index_cast %parallel_loop3A_1287 : i32 to index
      %parallel_loop3A_1290 = tpu.vector_load %arg7[%parallel_loop3A_1288, %parallel_loop3A_1289] {strides = array<i32>} : memref<16x1024xf32, #tpu.memory_space<vmem>>, vector<1x16xf32>,
      %parallel_loop3A_1291 = vector.shape_cast %parallel_loop3A_1290 : vector<1x16xf32> to vector<16xf32>
      %parallel_loop3A_1292 = arith.index_cast %parallel_loop3A_1282 : i32 to index
      %parallel_loop3A_1293 = arith.index_cast %parallel_loop3A_1287 : i32 to index
      %parallel_loop3A_1294 = tpu.vector_load %arg10[%parallel_loop3A_1292, %parallel_loop3A_1293] {strides = array<i32>} : memref<16x1024xf32, #tpu.memory_space<vmem>>, vector<1x16xf32>,
      %parallel_loop3A_1295 = vector.shape_cast %parallel_loop3A_1294 : vector<1x16xf32> to vector<16xf32>
      %parallel_loop3A_1296 = vector.shape_cast %parallel_loop3A_1291 : vector<16xf32> to vector<1x16xf32>
      tpu.vector_store %arg10[%parallel_loop3A_1292, %parallel_loop3A_1293], %parallel_loop3A_1296 {add = true, strides = array<i32>} : memref<16x1024xf32, #tpu.memory_space<vmem>>, vector<1x16xf32>,
    } {sc.loop_unroll_factor = 8 : i64, sc.parallel_access}
    %add3A_95 = arith.constant 0 : i32
    %add3A_96 = arith.addi %mul3A_2, %add3A_95 : i32
    %dma_start3A_97 = arith.constant 1 : i32
    %dma_start3A_98 = arith.constant 0 : i32
    %dma_start3A_99 = tpu.memref_slice %arg5[%dma_start3A_97, %add3A_96, %dma_start3A_98] : memref<4x4096x1024xf32, #tpu.memory_space<hbm>> -> memref<1x16x1024xf32, #tpu.memory_space<hbm>>
    %dma_start3A_100 = tpu.memref_squeeze %dma_start3A_99 : memref<1x16x1024xf32, #tpu.memory_space<hbm>> -> memref<16x1024xf32, #tpu.memory_space<hbm>>
    %dma_start3A_101 = arith.constant 0 : i32
    %dma_start3A_102 = tpu.memref_slice %arg5[%dma_start3A_97, %add3A_96, %dma_start3A_101] : memref<4x4096x1024xf32, #tpu.memory_space<hbm>> -> memref<1x16x1024xf32, #tpu.memory_space<hbm>>
    %dma_start3A_103 = tpu.memref_squeeze %dma_start3A_102 : memref<1x16x1024xf32, #tpu.memory_space<hbm>> -> memref<16x1024xf32, #tpu.memory_space<hbm>>
    tpu.enqueue_dma source(%arg10 : memref<16x1024xf32, #tpu.memory_space<vmem>>) target(%dma_start3A_103 : memref<16x1024xf32, #tpu.memory_space<hbm>>) target_semaphore(%arg22 : memref<!tpu.dma_semaphore, #tpu.memory_space<semaphore_mem>>)
    %add3A_104 = arith.constant 16 : i32
    %add3A_105 = arith.addi %mul3A_2, %add3A_104 : i32
    %dma_start3A_106 = arith.constant 0 : i32
    %dma_start3A_107 = arith.constant 0 : i32
    %dma_start3A_108 = tpu.memref_slice %arg2[%dma_start3A_106, %add3A_105, %dma_start3A_107] : memref<4x4096x1024xf32, #tpu.memory_space<hbm>> -> memref<1x16x1024xf32, #tpu.memory_space<hbm>>
    %dma_start3A_109 = tpu.memref_squeeze %dma_start3A_108 : memref<1x16x1024xf32, #tpu.memory_space<hbm>> -> memref<16x1024xf32, #tpu.memory_space<hbm>>
    %dma_start3A_110 = arith.constant 0 : i32
    %dma_start3A_111 = tpu.memref_slice %arg2[%dma_start3A_106, %add3A_105, %dma_start3A_110] : memref<4x4096x1024xf32, #tpu.memory_space<hbm>> -> memref<1x16x1024xf32, #tpu.memory_space<hbm>>
    %dma_start3A_112 = tpu.memref_squeeze %dma_start3A_111 : memref<1x16x1024xf32, #tpu.memory_space<hbm>> -> memref<16x1024xf32, #tpu.memory_space<hbm>>
    tpu.enqueue_dma source(%dma_start3A_112 : memref<16x1024xf32, #tpu.memory_space<hbm>>) target(%arg13 : memref<16x1024xf32, #tpu.memory_space<vmem>>) target_semaphore(%arg20 : memref<!tpu.dma_semaphore, #tpu.memory_space<semaphore_mem>>)
    %dma_wait3A_113 = arith.constant 2 : i32
    %dma_wait3A_114 = arith.constant 0 : i32
    %dma_wait3A_115 = tpu.memref_slice %arg2[%dma_wait3A_113, %add3A_50, %dma_wait3A_114] : memref<4x4096x1024xf32, #tpu.memory_space<hbm>> -> memref<1x16x1024xf32, #tpu.memory_space<hbm>>
    %dma_wait3A_116 = tpu.memref_squeeze %dma_wait3A_115 : memref<1x16x1024xf32, #tpu.memory_space<hbm>> -> memref<16x1024xf32, #tpu.memory_space<hbm>>
    %dma_wait3A_117 = arith.constant 0 : i32
    %dma_wait3A_118 = tpu.memref_slice %arg2[%dma_wait3A_113, %add3A_50, %dma_wait3A_117] : memref<4x4096x1024xf32, #tpu.memory_space<hbm>> -> memref<1x16x1024xf32, #tpu.memory_space<hbm>>
    %dma_wait3A_119 = tpu.memref_squeeze %dma_wait3A_118 : memref<1x16x1024xf32, #tpu.memory_space<hbm>> -> memref<16x1024xf32, #tpu.memory_space<hbm>>
    tpu.wait_dma2 semaphore(%arg18 : memref<!tpu.dma_semaphore, #tpu.memory_space<semaphore_mem>>) src(%dma_wait3A_119 : memref<16x1024xf32, #tpu.memory_space<hbm>>) dst(%arg11 : memref<16x1024xf32, #tpu.memory_space<vmem>>)
    %parallel_loop3A_120 = arith.constant 0 : i32
    %parallel_loop3A_121 = arith.constant 1024 : i32
    %parallel_loop3A_122 = arith.constant 1 : i32
    scf.for %parallel_loop3A_1280 = %parallel_loop3A_120 to %parallel_loop3A_121 step %parallel_loop3A_122  : i32 {
      %parallel_loop3A_1281 = arith.constant 6 : i32
      %parallel_loop3A_1282 = arith.shrsi %parallel_loop3A_1280, %parallel_loop3A_1281 : i32
      %parallel_loop3A_1283 = arith.constant 63 : i32
      %parallel_loop3A_1284 = arith.andi %parallel_loop3A_1280, %parallel_loop3A_1283 : i32
      %parallel_loop3A_1285 = arith.constant 4 : i32
      %parallel_loop3A_1286 = arith.shli %parallel_loop3A_1284, %parallel_loop3A_1285 : i32
      %parallel_loop3A_1287 = tpu.assume_multiple %parallel_loop3A_1286, 16 : i32
      %parallel_loop3A_1288 = arith.index_cast %parallel_loop3A_1282 : i32 to index
      %parallel_loop3A_1289 = arith.index_cast %parallel_loop3A_1287 : i32 to index
      %parallel_loop3A_1290 = tpu.vector_load %arg7[%parallel_loop3A_1288, %parallel_loop3A_1289] {strides = array<i32>} : memref<16x1024xf32, #tpu.memory_space<vmem>>, vector<1x16xf32>,
      %parallel_loop3A_1291 = vector.shape_cast %parallel_loop3A_1290 : vector<1x16xf32> to vector<16xf32>
      %parallel_loop3A_1292 = arith.index_cast %parallel_loop3A_1282 : i32 to index
      %parallel_loop3A_1293 = arith.index_cast %parallel_loop3A_1287 : i32 to index
      %parallel_loop3A_1294 = tpu.vector_load %arg11[%parallel_loop3A_1292, %parallel_loop3A_1293] {strides = array<i32>} : memref<16x1024xf32, #tpu.memory_space<vmem>>, vector<1x16xf32>,
      %parallel_loop3A_1295 = vector.shape_cast %parallel_loop3A_1294 : vector<1x16xf32> to vector<16xf32>
      %parallel_loop3A_1296 = vector.shape_cast %parallel_loop3A_1291 : vector<16xf32> to vector<1x16xf32>
      tpu.vector_store %arg11[%parallel_loop3A_1292, %parallel_loop3A_1293], %parallel_loop3A_1296 {add = true, strides = array<i32>} : memref<16x1024xf32, #tpu.memory_space<vmem>>, vector<1x16xf32>,
    } {sc.loop_unroll_factor = 8 : i64, sc.parallel_access}
    %add3A_123 = arith.constant 0 : i32
    %add3A_124 = arith.addi %mul3A_2, %add3A_123 : i32
    %dma_start3A_125 = arith.constant 2 : i32
    %dma_start3A_126 = arith.constant 0 : i32
    %dma_start3A_127 = tpu.memref_slice %arg5[%dma_start3A_125, %add3A_124, %dma_start3A_126] : memref<4x4096x1024xf32, #tpu.memory_space<hbm>> -> memref<1x16x1024xf32, #tpu.memory_space<hbm>>
    %dma_start3A_128 = tpu.memref_squeeze %dma_start3A_127 : memref<1x16x1024xf32, #tpu.memory_space<hbm>> -> memref<16x1024xf32, #tpu.memory_space<hbm>>
    %dma_start3A_129 = arith.constant 0 : i32
    %dma_start3A_130 = tpu.memref_slice %arg5[%dma_start3A_125, %add3A_124, %dma_start3A_129] : memref<4x4096x1024xf32, #tpu.memory_space<hbm>> -> memref<1x16x1024xf32, #tpu.memory_space<hbm>>
    %dma_start3A_131 = tpu.memref_squeeze %dma_start3A_130 : memref<1x16x1024xf32, #tpu.memory_space<hbm>> -> memref<16x1024xf32, #tpu.memory_space<hbm>>
    tpu.enqueue_dma source(%arg11 : memref<16x1024xf32, #tpu.memory_space<vmem>>) target(%dma_start3A_131 : memref<16x1024xf32, #tpu.memory_space<hbm>>) target_semaphore(%arg23 : memref<!tpu.dma_semaphore, #tpu.memory_space<semaphore_mem>>)
    %dma_wait3A_132 = arith.constant 0 : i32
    %dma_wait3A_133 = arith.constant 0 : i32
    %dma_wait3A_134 = tpu.memref_slice %arg5[%dma_wait3A_132, %add3A_68, %dma_wait3A_133] : memref<4x4096x1024xf32, #tpu.memory_space<hbm>> -> memref<1x16x1024xf32, #tpu.memory_space<hbm>>
    %dma_wait3A_135 = tpu.memref_squeeze %dma_wait3A_134 : memref<1x16x1024xf32, #tpu.memory_space<hbm>> -> memref<16x1024xf32, #tpu.memory_space<hbm>>
    %dma_wait3A_136 = arith.constant 0 : i32
    %dma_wait3A_137 = tpu.memref_slice %arg5[%dma_wait3A_132, %add3A_68, %dma_wait3A_136] : memref<4x4096x1024xf32, #tpu.memory_space<hbm>> -> memref<1x16x1024xf32, #tpu.memory_space<hbm>>
    %dma_wait3A_138 = tpu.memref_squeeze %dma_wait3A_137 : memref<1x16x1024xf32, #tpu.memory_space<hbm>> -> memref<16x1024xf32, #tpu.memory_space<hbm>>
    tpu.wait_dma2 semaphore(%arg21 : memref<!tpu.dma_semaphore, #tpu.memory_space<semaphore_mem>>) src(%arg9 : memref<16x1024xf32, #tpu.memory_space<vmem>>) dst(%dma_wait3A_138 : memref<16x1024xf32, #tpu.memory_space<hbm>>)
    %add3A_139 = arith.constant 16 : i32
    %add3A_140 = arith.addi %mul3A_2, %add3A_139 : i32
    %dma_start3A_141 = arith.constant 1 : i32
    %dma_start3A_142 = arith.constant 0 : i32
    %dma_start3A_143 = tpu.memref_slice %arg2[%dma_start3A_141, %add3A_140, %dma_start3A_142] : memref<4x4096x1024xf32, #tpu.memory_space<hbm>> -> memref<1x16x1024xf32, #tpu.memory_space<hbm>>
    %dma_start3A_144 = tpu.memref_squeeze %dma_start3A_143 : memref<1x16x1024xf32, #tpu.memory_space<hbm>> -> memref<16x1024xf32, #tpu.memory_space<hbm>>
    %dma_start3A_145 = arith.constant 0 : i32
    %dma_start3A_146 = tpu.memref_slice %arg2[%dma_start3A_141, %add3A_140, %dma_start3A_145] : memref<4x4096x1024xf32, #tpu.memory_space<hbm>> -> memref<1x16x1024xf32, #tpu.memory_space<hbm>>
    %dma_start3A_147 = tpu.memref_squeeze %dma_start3A_146 : memref<1x16x1024xf32, #tpu.memory_space<hbm>> -> memref<16x1024xf32, #tpu.memory_space<hbm>>
    tpu.enqueue_dma source(%dma_start3A_147 : memref<16x1024xf32, #tpu.memory_space<hbm>>) target(%arg9 : memref<16x1024xf32, #tpu.memory_space<vmem>>) target_semaphore(%arg16 : memref<!tpu.dma_semaphore, #tpu.memory_space<semaphore_mem>>)
    %dma_wait3A_148 = arith.constant 3 : i32
    %dma_wait3A_149 = arith.constant 0 : i32
    %dma_wait3A_150 = tpu.memref_slice %arg2[%dma_wait3A_148, %add3A_77, %dma_wait3A_149] : memref<4x4096x1024xf32, #tpu.memory_space<hbm>> -> memref<1x16x1024xf32, #tpu.memory_space<hbm>>
    %dma_wait3A_151 = tpu.memref_squeeze %dma_wait3A_150 : memref<1x16x1024xf32, #tpu.memory_space<hbm>> -> memref<16x1024xf32, #tpu.memory_space<hbm>>
    %dma_wait3A_152 = arith.constant 0 : i32
    %dma_wait3A_153 = tpu.memref_slice %arg2[%dma_wait3A_148, %add3A_77, %dma_wait3A_152] : memref<4x4096x1024xf32, #tpu.memory_space<hbm>> -> memref<1x16x1024xf32, #tpu.memory_space<hbm>>
    %dma_wait3A_154 = tpu.memref_squeeze %dma_wait3A_153 : memref<1x16x1024xf32, #tpu.memory_space<hbm>> -> memref<16x1024xf32, #tpu.memory_space<hbm>>
    tpu.wait_dma2 semaphore(%arg19 : memref<!tpu.dma_semaphore, #tpu.memory_space<semaphore_mem>>) src(%dma_wait3A_154 : memref<16x1024xf32, #tpu.memory_space<hbm>>) dst(%arg12 : memref<16x1024xf32, #tpu.memory_space<vmem>>)
    %parallel_loop3A_155 = arith.constant 0 : i32
    %parallel_loop3A_156 = arith.constant 1024 : i32
    %parallel_loop3A_157 = arith.constant 1 : i32
    scf.for %parallel_loop3A_1280 = %parallel_loop3A_155 to %parallel_loop3A_156 step %parallel_loop3A_157  : i32 {
      %parallel_loop3A_1281 = arith.constant 6 : i32
      %parallel_loop3A_1282 = arith.shrsi %parallel_loop3A_1280, %parallel_loop3A_1281 : i32
      %parallel_loop3A_1283 = arith.constant 63 : i32
      %parallel_loop3A_1284 = arith.andi %parallel_loop3A_1280, %parallel_loop3A_1283 : i32
      %parallel_loop3A_1285 = arith.constant 4 : i32
      %parallel_loop3A_1286 = arith.shli %parallel_loop3A_1284, %parallel_loop3A_1285 : i32
      %parallel_loop3A_1287 = tpu.assume_multiple %parallel_loop3A_1286, 16 : i32
      %parallel_loop3A_1288 = arith.index_cast %parallel_loop3A_1282 : i32 to index
      %parallel_loop3A_1289 = arith.index_cast %parallel_loop3A_1287 : i32 to index
      %parallel_loop3A_1290 = tpu.vector_load %arg7[%parallel_loop3A_1288, %parallel_loop3A_1289] {strides = array<i32>} : memref<16x1024xf32, #tpu.memory_space<vmem>>, vector<1x16xf32>,
      %parallel_loop3A_1291 = vector.shape_cast %parallel_loop3A_1290 : vector<1x16xf32> to vector<16xf32>
      %parallel_loop3A_1292 = arith.index_cast %parallel_loop3A_1282 : i32 to index
      %parallel_loop3A_1293 = arith.index_cast %parallel_loop3A_1287 : i32 to index
      %parallel_loop3A_1294 = tpu.vector_load %arg12[%parallel_loop3A_1292, %parallel_loop3A_1293] {strides = array<i32>} : memref<16x1024xf32, #tpu.memory_space<vmem>>, vector<1x16xf32>,
      %parallel_loop3A_1295 = vector.shape_cast %parallel_loop3A_1294 : vector<1x16xf32> to vector<16xf32>
      %parallel_loop3A_1296 = vector.shape_cast %parallel_loop3A_1291 : vector<16xf32> to vector<1x16xf32>
      tpu.vector_store %arg12[%parallel_loop3A_1292, %parallel_loop3A_1293], %parallel_loop3A_1296 {add = true, strides = array<i32>} : memref<16x1024xf32, #tpu.memory_space<vmem>>, vector<1x16xf32>,
    } {sc.loop_unroll_factor = 8 : i64, sc.parallel_access}
    %add3A_158 = arith.constant 0 : i32
    %add3A_159 = arith.addi %mul3A_2, %add3A_158 : i32
    %dma_start3A_160 = arith.constant 3 : i32
    %dma_start3A_161 = arith.constant 0 : i32
    %dma_start3A_162 = tpu.memref_slice %arg5[%dma_start3A_160, %add3A_159, %dma_start3A_161] : memref<4x4096x1024xf32, #tpu.memory_space<hbm>> -> memref<1x16x1024xf32, #tpu.memory_space<hbm>>
    %dma_start3A_163 = tpu.memref_squeeze %dma_start3A_162 : memref<1x16x1024xf32, #tpu.memory_space<hbm>> -> memref<16x1024xf32, #tpu.memory_space<hbm>>
    %dma_start3A_164 = arith.constant 0 : i32
    %dma_start3A_165 = tpu.memref_slice %arg5[%dma_start3A_160, %add3A_159, %dma_start3A_164] : memref<4x4096x1024xf32, #tpu.memory_space<hbm>> -> memref<1x16x1024xf32, #tpu.memory_space<hbm>>
    %dma_start3A_166 = tpu.memref_squeeze %dma_start3A_165 : memref<1x16x1024xf32, #tpu.memory_space<hbm>> -> memref<16x1024xf32, #tpu.memory_space<hbm>>
    tpu.enqueue_dma source(%arg12 : memref<16x1024xf32, #tpu.memory_space<vmem>>) target(%dma_start3A_166 : memref<16x1024xf32, #tpu.memory_space<hbm>>) target_semaphore(%arg24 : memref<!tpu.dma_semaphore, #tpu.memory_space<semaphore_mem>>)
    %dma_start3A_167 = arith.constant 0 : i32
    %dma_start3A_168 = arith.constant 32 : i32
    %dma_start3A_169 = tpu.memref_slice %arg6[%dma_start3A_168] : memref<128xi32, #tpu.memory_space<vmem>> -> memref<16xi32, #tpu.memory_space<vmem>>
    %dma_start3A_170 = arith.constant 0 : i32
    %dma_start3A_171 = arith.constant 0 : i32
    %dma_start3A_172 = tpu.memref_slice %arg4[%dma_start3A_167, %dma_start3A_170, %dma_start3A_171] : memref<1x8192x1024xf32, #tpu.memory_space<hbm>> -> memref<1x8192x1024xf32, #tpu.memory_space<hbm>>
    %dma_start3A_173 = tpu.memref_squeeze %dma_start3A_172 : memref<1x8192x1024xf32, #tpu.memory_space<hbm>> -> memref<8192x1024xf32, #tpu.memory_space<hbm>>
    %dma_start3A_174 = arith.constant 0 : i32
    %dma_start3A_175 = arith.constant 0 : i32
    %dma_start3A_176 = tpu.memref_slice %dma_start3A_173[%dma_start3A_174, %dma_start3A_175] : memref<8192x1024xf32, #tpu.memory_space<hbm>> -> memref<8192x1024xf32, #tpu.memory_space<hbm>>
    tpu.enqueue_indirect_dma source(%dma_start3A_176 : memref<8192x1024xf32, #tpu.memory_space<hbm>>) target(%arg7 : memref<16x1024xf32, #tpu.memory_space<vmem>>) offsets(%dma_start3A_169 : memref<16xi32, #tpu.memory_space<vmem>>) semaphore(%arg14 : memref<!tpu.dma_semaphore, #tpu.memory_space<semaphore_mem>>)
    %dma_wait3A_177 = arith.constant 0 : i32
    %dma_wait3A_178 = arith.constant 16 : i32
    %dma_wait3A_179 = tpu.memref_slice %arg6[%dma_wait3A_178] : memref<128xi32, #tpu.memory_space<vmem>> -> memref<16xi32, #tpu.memory_space<vmem>>
    %dma_wait3A_180 = arith.constant 0 : i32
    %dma_wait3A_181 = arith.constant 0 : i32
    %dma_wait3A_182 = tpu.memref_slice %arg4[%dma_wait3A_177, %dma_wait3A_180, %dma_wait3A_181] : memref<1x8192x1024xf32, #tpu.memory_space<hbm>> -> memref<1x8192x1024xf32, #tpu.memory_space<hbm>>
    %dma_wait3A_183 = tpu.memref_squeeze %dma_wait3A_182 : memref<1x8192x1024xf32, #tpu.memory_space<hbm>> -> memref<8192x1024xf32, #tpu.memory_space<hbm>>
    %dma_wait3A_184 = arith.constant 0 : i32
    %dma_wait3A_185 = arith.constant 0 : i32
    %dma_wait3A_186 = tpu.memref_slice %dma_wait3A_183[%dma_wait3A_184, %dma_wait3A_185] : memref<8192x1024xf32, #tpu.memory_space<hbm>> -> memref<8192x1024xf32, #tpu.memory_space<hbm>>
    tpu.wait_indirect_dma semaphore(%arg15 : memref<!tpu.dma_semaphore, #tpu.memory_space<semaphore_mem>>) src(%dma_wait3A_186 : memref<8192x1024xf32, #tpu.memory_space<hbm>>) dst(%arg8 : memref<16x1024xf32, #tpu.memory_space<vmem>>)
    %dma_wait3A_187 = arith.constant 1 : i32
    %dma_wait3A_188 = arith.constant 0 : i32
    %dma_wait3A_189 = tpu.memref_slice %arg5[%dma_wait3A_187, %add3A_96, %dma_wait3A_188] : memref<4x4096x1024xf32, #tpu.memory_space<hbm>> -> memref<1x16x1024xf32, #tpu.memory_space<hbm>>
    %dma_wait3A_190 = tpu.memref_squeeze %dma_wait3A_189 : memref<1x16x1024xf32, #tpu.memory_space<hbm>> -> memref<16x1024xf32, #tpu.memory_space<hbm>>
    %dma_wait3A_191 = arith.constant 0 : i32
    %dma_wait3A_192 = tpu.memref_slice %arg5[%dma_wait3A_187, %add3A_96, %dma_wait3A_191] : memref<4x4096x1024xf32, #tpu.memory_space<hbm>> -> memref<1x16x1024xf32, #tpu.memory_space<hbm>>
    %dma_wait3A_193 = tpu.memref_squeeze %dma_wait3A_192 : memref<1x16x1024xf32, #tpu.memory_space<hbm>> -> memref<16x1024xf32, #tpu.memory_space<hbm>>
    tpu.wait_dma2 semaphore(%arg22 : memref<!tpu.dma_semaphore, #tpu.memory_space<semaphore_mem>>) src(%arg10 : memref<16x1024xf32, #tpu.memory_space<vmem>>) dst(%dma_wait3A_193 : memref<16x1024xf32, #tpu.memory_space<hbm>>)
    %add3A_194 = arith.constant 16 : i32
    %add3A_195 = arith.addi %mul3A_2, %add3A_194 : i32
    %dma_start3A_196 = arith.constant 2 : i32
    %dma_start3A_197 = arith.constant 0 : i32
    %dma_start3A_198 = tpu.memref_slice %arg2[%dma_start3A_196, %add3A_195, %dma_start3A_197] : memref<4x4096x1024xf32, #tpu.memory_space<hbm>> -> memref<1x16x1024xf32, #tpu.memory_space<hbm>>
    %dma_start3A_199 = tpu.memref_squeeze %dma_start3A_198 : memref<1x16x1024xf32, #tpu.memory_space<hbm>> -> memref<16x1024xf32, #tpu.memory_space<hbm>>
    %dma_start3A_200 = arith.constant 0 : i32
    %dma_start3A_201 = tpu.memref_slice %arg2[%dma_start3A_196, %add3A_195, %dma_start3A_200] : memref<4x4096x1024xf32, #tpu.memory_space<hbm>> -> memref<1x16x1024xf32, #tpu.memory_space<hbm>>
    %dma_start3A_202 = tpu.memref_squeeze %dma_start3A_201 : memref<1x16x1024xf32, #tpu.memory_space<hbm>> -> memref<16x1024xf32, #tpu.memory_space<hbm>>
    tpu.enqueue_dma source(%dma_start3A_202 : memref<16x1024xf32, #tpu.memory_space<hbm>>) target(%arg10 : memref<16x1024xf32, #tpu.memory_space<vmem>>) target_semaphore(%arg17 : memref<!tpu.dma_semaphore, #tpu.memory_space<semaphore_mem>>)
    %dma_wait3A_203 = arith.constant 0 : i32
    %dma_wait3A_204 = arith.constant 0 : i32
    %dma_wait3A_205 = tpu.memref_slice %arg2[%dma_wait3A_203, %add3A_105, %dma_wait3A_204] : memref<4x4096x1024xf32, #tpu.memory_space<hbm>> -> memref<1x16x1024xf32, #tpu.memory_space<hbm>>
    %dma_wait3A_206 = tpu.memref_squeeze %dma_wait3A_205 : memref<1x16x1024xf32, #tpu.memory_space<hbm>> -> memref<16x1024xf32, #tpu.memory_space<hbm>>
    %dma_wait3A_207 = arith.constant 0 : i32
    %dma_wait3A_208 = tpu.memref_slice %arg2[%dma_wait3A_203, %add3A_105, %dma_wait3A_207] : memref<4x4096x1024xf32, #tpu.memory_space<hbm>> -> memref<1x16x1024xf32, #tpu.memory_space<hbm>>
    %dma_wait3A_209 = tpu.memref_squeeze %dma_wait3A_208 : memref<1x16x1024xf32, #tpu.memory_space<hbm>> -> memref<16x1024xf32, #tpu.memory_space<hbm>>
    tpu.wait_dma2 semaphore(%arg20 : memref<!tpu.dma_semaphore, #tpu.memory_space<semaphore_mem>>) src(%dma_wait3A_209 : memref<16x1024xf32, #tpu.memory_space<hbm>>) dst(%arg13 : memref<16x1024xf32, #tpu.memory_space<vmem>>)
    %parallel_loop3A_210 = arith.constant 0 : i32
    %parallel_loop3A_211 = arith.constant 1024 : i32
    %parallel_loop3A_212 = arith.constant 1 : i32
    scf.for %parallel_loop3A_1280 = %parallel_loop3A_210 to %parallel_loop3A_211 step %parallel_loop3A_212  : i32 {
      %parallel_loop3A_1281 = arith.constant 6 : i32
      %parallel_loop3A_1282 = arith.shrsi %parallel_loop3A_1280, %parallel_loop3A_1281 : i32
      %parallel_loop3A_1283 = arith.constant 63 : i32
      %parallel_loop3A_1284 = arith.andi %parallel_loop3A_1280, %parallel_loop3A_1283 : i32
      %parallel_loop3A_1285 = arith.constant 4 : i32
      %parallel_loop3A_1286 = arith.shli %parallel_loop3A_1284, %parallel_loop3A_1285 : i32
      %parallel_loop3A_1287 = tpu.assume_multiple %parallel_loop3A_1286, 16 : i32
      %parallel_loop3A_1288 = arith.index_cast %parallel_loop3A_1282 : i32 to index
      %parallel_loop3A_1289 = arith.index_cast %parallel_loop3A_1287 : i32 to index
      %parallel_loop3A_1290 = tpu.vector_load %arg8[%parallel_loop3A_1288, %parallel_loop3A_1289] {strides = array<i32>} : memref<16x1024xf32, #tpu.memory_space<vmem>>, vector<1x16xf32>,
      %parallel_loop3A_1291 = vector.shape_cast %parallel_loop3A_1290 : vector<1x16xf32> to vector<16xf32>
      %parallel_loop3A_1292 = arith.index_cast %parallel_loop3A_1282 : i32 to index
      %parallel_loop3A_1293 = arith.index_cast %parallel_loop3A_1287 : i32 to index
      %parallel_loop3A_1294 = tpu.vector_load %arg13[%parallel_loop3A_1292, %parallel_loop3A_1293] {strides = array<i32>} : memref<16x1024xf32, #tpu.memory_space<vmem>>, vector<1x16xf32>,
      %parallel_loop3A_1295 = vector.shape_cast %parallel_loop3A_1294 : vector<1x16xf32> to vector<16xf32>
      %parallel_loop3A_1296 = vector.shape_cast %parallel_loop3A_1291 : vector<16xf32> to vector<1x16xf32>
      tpu.vector_store %arg13[%parallel_loop3A_1292, %parallel_loop3A_1293], %parallel_loop3A_1296 {add = true, strides = array<i32>} : memref<16x1024xf32, #tpu.memory_space<vmem>>, vector<1x16xf32>,
    } {sc.loop_unroll_factor = 8 : i64, sc.parallel_access}
    %add3A_213 = arith.constant 16 : i32
    %add3A_214 = arith.addi %mul3A_2, %add3A_213 : i32
    %dma_start3A_215 = arith.constant 0 : i32
    %dma_start3A_216 = arith.constant 0 : i32
    %dma_start3A_217 = tpu.memref_slice %arg5[%dma_start3A_215, %add3A_214, %dma_start3A_216] : memref<4x4096x1024xf32, #tpu.memory_space<hbm>> -> memref<1x16x1024xf32, #tpu.memory_space<hbm>>
    %dma_start3A_218 = tpu.memref_squeeze %dma_start3A_217 : memref<1x16x1024xf32, #tpu.memory_space<hbm>> -> memref<16x1024xf32, #tpu.memory_space<hbm>>
    %dma_start3A_219 = arith.constant 0 : i32
    %dma_start3A_220 = tpu.memref_slice %arg5[%dma_start3A_215, %add3A_214, %dma_start3A_219] : memref<4x4096x1024xf32, #tpu.memory_space<hbm>> -> memref<1x16x1024xf32, #tpu.memory_space<hbm>>
    %dma_start3A_221 = tpu.memref_squeeze %dma_start3A_220 : memref<1x16x1024xf32, #tpu.memory_space<hbm>> -> memref<16x1024xf32, #tpu.memory_space<hbm>>
    tpu.enqueue_dma source(%arg13 : memref<16x1024xf32, #tpu.memory_space<vmem>>) target(%dma_start3A_221 : memref<16x1024xf32, #tpu.memory_space<hbm>>) target_semaphore(%arg25 : memref<!tpu.dma_semaphore, #tpu.memory_space<semaphore_mem>>)
    %dma_wait3A_222 = arith.constant 2 : i32
    %dma_wait3A_223 = arith.constant 0 : i32
    %dma_wait3A_224 = tpu.memref_slice %arg5[%dma_wait3A_222, %add3A_124, %dma_wait3A_223] : memref<4x4096x1024xf32, #tpu.memory_space<hbm>> -> memref<1x16x1024xf32, #tpu.memory_space<hbm>>
    %dma_wait3A_225 = tpu.memref_squeeze %dma_wait3A_224 : memref<1x16x1024xf32, #tpu.memory_space<hbm>> -> memref<16x1024xf32, #tpu.memory_space<hbm>>
    %dma_wait3A_226 = arith.constant 0 : i32
    %dma_wait3A_227 = tpu.memref_slice %arg5[%dma_wait3A_222, %add3A_124, %dma_wait3A_226] : memref<4x4096x1024xf32, #tpu.memory_space<hbm>> -> memref<1x16x1024xf32, #tpu.memory_space<hbm>>
    %dma_wait3A_228 = tpu.memref_squeeze %dma_wait3A_227 : memref<1x16x1024xf32, #tpu.memory_space<hbm>> -> memref<16x1024xf32, #tpu.memory_space<hbm>>
    tpu.wait_dma2 semaphore(%arg23 : memref<!tpu.dma_semaphore, #tpu.memory_space<semaphore_mem>>) src(%arg11 : memref<16x1024xf32, #tpu.memory_space<vmem>>) dst(%dma_wait3A_228 : memref<16x1024xf32, #tpu.memory_space<hbm>>)
    %add3A_229 = arith.constant 16 : i32
    %add3A_230 = arith.addi %mul3A_2, %add3A_229 : i32
    %dma_start3A_231 = arith.constant 3 : i32
    %dma_start3A_232 = arith.constant 0 : i32
    %dma_start3A_233 = tpu.memref_slice %arg2[%dma_start3A_231, %add3A_230, %dma_start3A_232] : memref<4x4096x1024xf32, #tpu.memory_space<hbm>> -> memref<1x16x1024xf32, #tpu.memory_space<hbm>>
    %dma_start3A_234 = tpu.memref_squeeze %dma_start3A_233 : memref<1x16x1024xf32, #tpu.memory_space<hbm>> -> memref<16x1024xf32, #tpu.memory_space<hbm>>
    %dma_start3A_235 = arith.constant 0 : i32
    %dma_start3A_236 = tpu.memref_slice %arg2[%dma_start3A_231, %add3A_230, %dma_start3A_235] : memref<4x4096x1024xf32, #tpu.memory_space<hbm>> -> memref<1x16x1024xf32, #tpu.memory_space<hbm>>
    %dma_start3A_237 = tpu.memref_squeeze %dma_start3A_236 : memref<1x16x1024xf32, #tpu.memory_space<hbm>> -> memref<16x1024xf32, #tpu.memory_space<hbm>>
    tpu.enqueue_dma source(%dma_start3A_237 : memref<16x1024xf32, #tpu.memory_space<hbm>>) target(%arg11 : memref<16x1024xf32, #tpu.memory_space<vmem>>) target_semaphore(%arg18 : memref<!tpu.dma_semaphore, #tpu.memory_space<semaphore_mem>>)
    %dma_wait3A_238 = arith.constant 1 : i32
    %dma_wait3A_239 = arith.constant 0 : i32
    %dma_wait3A_240 = tpu.memref_slice %arg2[%dma_wait3A_238, %add3A_140, %dma_wait3A_239] : memref<4x4096x1024xf32, #tpu.memory_space<hbm>> -> memref<1x16x1024xf32, #tpu.memory_space<hbm>>
    %dma_wait3A_241 = tpu.memref_squeeze %dma_wait3A_240 : memref<1x16x1024xf32, #tpu.memory_space<hbm>> -> memref<16x1024xf32, #tpu.memory_space<hbm>>
    %dma_wait3A_242 = arith.constant 0 : i32
    %dma_wait3A_243 = tpu.memref_slice %arg2[%dma_wait3A_238, %add3A_140, %dma_wait3A_242] : memref<4x4096x1024xf32, #tpu.memory_space<hbm>> -> memref<1x16x1024xf32, #tpu.memory_space<hbm>>
    %dma_wait3A_244 = tpu.memref_squeeze %dma_wait3A_243 : memref<1x16x1024xf32, #tpu.memory_space<hbm>> -> memref<16x1024xf32, #tpu.memory_space<hbm>>
    tpu.wait_dma2 semaphore(%arg16 : memref<!tpu.dma_semaphore, #tpu.memory_space<semaphore_mem>>) src(%dma_wait3A_244 : memref<16x1024xf32, #tpu.memory_space<hbm>>) dst(%arg9 : memref<16x1024xf32, #tpu.memory_space<vmem>>)
    %parallel_loop3A_245 = arith.constant 0 : i32
    %parallel_loop3A_246 = arith.constant 1024 : i32
    %parallel_loop3A_247 = arith.constant 1 : i32
    scf.for %parallel_loop3A_1280 = %parallel_loop3A_245 to %parallel_loop3A_246 step %parallel_loop3A_247  : i32 {
      %parallel_loop3A_1281 = arith.constant 6 : i32
      %parallel_loop3A_1282 = arith.shrsi %parallel_loop3A_1280, %parallel_loop3A_1281 : i32
      %parallel_loop3A_1283 = arith.constant 63 : i32
      %parallel_loop3A_1284 = arith.andi %parallel_loop3A_1280, %parallel_loop3A_1283 : i32
      %parallel_loop3A_1285 = arith.constant 4 : i32
      %parallel_loop3A_1286 = arith.shli %parallel_loop3A_1284, %parallel_loop3A_1285 : i32
      %parallel_loop3A_1287 = tpu.assume_multiple %parallel_loop3A_1286, 16 : i32
      %parallel_loop3A_1288 = arith.index_cast %parallel_loop3A_1282 : i32 to index
      %parallel_loop3A_1289 = arith.index_cast %parallel_loop3A_1287 : i32 to index
      %parallel_loop3A_1290 = tpu.vector_load %arg8[%parallel_loop3A_1288, %parallel_loop3A_1289] {strides = array<i32>} : memref<16x1024xf32, #tpu.memory_space<vmem>>, vector<1x16xf32>,
      %parallel_loop3A_1291 = vector.shape_cast %parallel_loop3A_1290 : vector<1x16xf32> to vector<16xf32>
      %parallel_loop3A_1292 = arith.index_cast %parallel_loop3A_1282 : i32 to index
      %parallel_loop3A_1293 = arith.index_cast %parallel_loop3A_1287 : i32 to index
      %parallel_loop3A_1294 = tpu.vector_load %arg9[%parallel_loop3A_1292, %parallel_loop3A_1293] {strides = array<i32>} : memref<16x1024xf32, #tpu.memory_space<vmem>>, vector<1x16xf32>,
      %parallel_loop3A_1295 = vector.shape_cast %parallel_loop3A_1294 : vector<1x16xf32> to vector<16xf32>
      %parallel_loop3A_1296 = vector.shape_cast %parallel_loop3A_1291 : vector<16xf32> to vector<1x16xf32>
      tpu.vector_store %arg9[%parallel_loop3A_1292, %parallel_loop3A_1293], %parallel_loop3A_1296 {add = true, strides = array<i32>} : memref<16x1024xf32, #tpu.memory_space<vmem>>, vector<1x16xf32>,
    } {sc.loop_unroll_factor = 8 : i64, sc.parallel_access}
    %add3A_248 = arith.constant 16 : i32
    %add3A_249 = arith.addi %mul3A_2, %add3A_248 : i32
    %dma_start3A_250 = arith.constant 1 : i32
    %dma_start3A_251 = arith.constant 0 : i32
    %dma_start3A_252 = tpu.memref_slice %arg5[%dma_start3A_250, %add3A_249, %dma_start3A_251] : memref<4x4096x1024xf32, #tpu.memory_space<hbm>> -> memref<1x16x1024xf32, #tpu.memory_space<hbm>>
    %dma_start3A_253 = tpu.memref_squeeze %dma_start3A_252 : memref<1x16x1024xf32, #tpu.memory_space<hbm>> -> memref<16x1024xf32, #tpu.memory_space<hbm>>
    %dma_start3A_254 = arith.constant 0 : i32
    %dma_start3A_255 = tpu.memref_slice %arg5[%dma_start3A_250, %add3A_249, %dma_start3A_254] : memref<4x4096x1024xf32, #tpu.memory_space<hbm>> -> memref<1x16x1024xf32, #tpu.memory_space<hbm>>
    %dma_start3A_256 = tpu.memref_squeeze %dma_start3A_255 : memref<1x16x1024xf32, #tpu.memory_space<hbm>> -> memref<16x1024xf32, #tpu.memory_space<hbm>>
    tpu.enqueue_dma source(%arg9 : memref<16x1024xf32, #tpu.memory_space<vmem>>) target(%dma_start3A_256 : memref<16x1024xf32, #tpu.memory_space<hbm>>) target_semaphore(%arg21 : memref<!tpu.dma_semaphore, #tpu.memory_space<semaphore_mem>>)
    %dma_wait3A_257 = arith.constant 3 : i32
    %dma_wait3A_258 = arith.constant 0 : i32
    %dma_wait3A_259 = tpu.memref_slice %arg5[%dma_wait3A_257, %add3A_159, %dma_wait3A_258] : memref<4x4096x1024xf32, #tpu.memory_space<hbm>> -> memref<1x16x1024xf32, #tpu.memory_space<hbm>>
    %dma_wait3A_260 = tpu.memref_squeeze %dma_wait3A_259 : memref<1x16x1024xf32, #tpu.memory_space<hbm>> -> memref<16x1024xf32, #tpu.memory_space<hbm>>
    %dma_wait3A_261 = arith.constant 0 : i32
    %dma_wait3A_262 = tpu.memref_slice %arg5[%dma_wait3A_257, %add3A_159, %dma_wait3A_261] : memref<4x4096x1024xf32, #tpu.memory_space<hbm>> -> memref<1x16x1024xf32, #tpu.memory_space<hbm>>
    %dma_wait3A_263 = tpu.memref_squeeze %dma_wait3A_262 : memref<1x16x1024xf32, #tpu.memory_space<hbm>> -> memref<16x1024xf32, #tpu.memory_space<hbm>>
    tpu.wait_dma2 semaphore(%arg24 : memref<!tpu.dma_semaphore, #tpu.memory_space<semaphore_mem>>) src(%arg12 : memref<16x1024xf32, #tpu.memory_space<vmem>>) dst(%dma_wait3A_263 : memref<16x1024xf32, #tpu.memory_space<hbm>>)
    %add3A_264 = arith.constant 32 : i32
    %add3A_265 = arith.addi %mul3A_2, %add3A_264 : i32
    %dma_start3A_266 = arith.constant 0 : i32
    %dma_start3A_267 = arith.constant 0 : i32
    %dma_start3A_268 = tpu.memref_slice %arg2[%dma_start3A_266, %add3A_265, %dma_start3A_267] : memref<4x4096x1024xf32, #tpu.memory_space<hbm>> -> memref<1x16x1024xf32, #tpu.memory_space<hbm>>
    %dma_start3A_269 = tpu.memref_squeeze %dma_start3A_268 : memref<1x16x1024xf32, #tpu.memory_space<hbm>> -> memref<16x1024xf32, #tpu.memory_space<hbm>>
    %dma_start3A_270 = arith.constant 0 : i32
    %dma_start3A_271 = tpu.memref_slice %arg2[%dma_start3A_266, %add3A_265, %dma_start3A_270] : memref<4x4096x1024xf32, #tpu.memory_space<hbm>> -> memref<1x16x1024xf32, #tpu.memory_space<hbm>>
    %dma_start3A_272 = tpu.memref_squeeze %dma_start3A_271 : memref<1x16x1024xf32, #tpu.memory_space<hbm>> -> memref<16x1024xf32, #tpu.memory_space<hbm>>
    tpu.enqueue_dma source(%dma_start3A_272 : memref<16x1024xf32, #tpu.memory_space<hbm>>) target(%arg12 : memref<16x1024xf32, #tpu.memory_space<vmem>>) target_semaphore(%arg19 : memref<!tpu.dma_semaphore, #tpu.memory_space<semaphore_mem>>)
    %dma_wait3A_273 = arith.constant 2 : i32
    %dma_wait3A_274 = arith.constant 0 : i32
    %dma_wait3A_275 = tpu.memref_slice %arg2[%dma_wait3A_273, %add3A_195, %dma_wait3A_274] : memref<4x4096x1024xf32, #tpu.memory_space<hbm>> -> memref<1x16x1024xf32, #tpu.memory_space<hbm>>
    %dma_wait3A_276 = tpu.memref_squeeze %dma_wait3A_275 : memref<1x16x1024xf32, #tpu.memory_space<hbm>> -> memref<16x1024xf32, #tpu.memory_space<hbm>>
    %dma_wait3A_277 = arith.constant 0 : i32
    %dma_wait3A_278 = tpu.memref_slice %arg2[%dma_wait3A_273, %add3A_195, %dma_wait3A_277] : memref<4x4096x1024xf32, #tpu.memory_space<hbm>> -> memref<1x16x1024xf32, #tpu.memory_space<hbm>>
    %dma_wait3A_279 = tpu.memref_squeeze %dma_wait3A_278 : memref<1x16x1024xf32, #tpu.memory_space<hbm>> -> memref<16x1024xf32, #tpu.memory_space<hbm>>
    tpu.wait_dma2 semaphore(%arg17 : memref<!tpu.dma_semaphore, #tpu.memory_space<semaphore_mem>>) src(%dma_wait3A_279 : memref<16x1024xf32, #tpu.memory_space<hbm>>) dst(%arg10 : memref<16x1024xf32, #tpu.memory_space<vmem>>)
    %parallel_loop3A_280 = arith.constant 0 : i32
    %parallel_loop3A_281 = arith.constant 1024 : i32
    %parallel_loop3A_282 = arith.constant 1 : i32
    scf.for %parallel_loop3A_1280 = %parallel_loop3A_280 to %parallel_loop3A_281 step %parallel_loop3A_282  : i32 {
      %parallel_loop3A_1281 = arith.constant 6 : i32
      %parallel_loop3A_1282 = arith.shrsi %parallel_loop3A_1280, %parallel_loop3A_1281 : i32
      %parallel_loop3A_1283 = arith.constant 63 : i32
      %parallel_loop3A_1284 = arith.andi %parallel_loop3A_1280, %parallel_loop3A_1283 : i32
      %parallel_loop3A_1285 = arith.constant 4 : i32
      %parallel_loop3A_1286 = arith.shli %parallel_loop3A_1284, %parallel_loop3A_1285 : i32
      %parallel_loop3A_1287 = tpu.assume_multiple %parallel_loop3A_1286, 16 : i32
      %parallel_loop3A_1288 = arith.index_cast %parallel_loop3A_1282 : i32 to index
      %parallel_loop3A_1289 = arith.index_cast %parallel_loop3A_1287 : i32 to index
      %parallel_loop3A_1290 = tpu.vector_load %arg8[%parallel_loop3A_1288, %parallel_loop3A_1289] {strides = array<i32>} : memref<16x1024xf32, #tpu.memory_space<vmem>>, vector<1x16xf32>,
      %parallel_loop3A_1291 = vector.shape_cast %parallel_loop3A_1290 : vector<1x16xf32> to vector<16xf32>
      %parallel_loop3A_1292 = arith.index_cast %parallel_loop3A_1282 : i32 to index
      %parallel_loop3A_1293 = arith.index_cast %parallel_loop3A_1287 : i32 to index
      %parallel_loop3A_1294 = tpu.vector_load %arg10[%parallel_loop3A_1292, %parallel_loop3A_1293] {strides = array<i32>} : memref<16x1024xf32, #tpu.memory_space<vmem>>, vector<1x16xf32>,
      %parallel_loop3A_1295 = vector.shape_cast %parallel_loop3A_1294 : vector<1x16xf32> to vector<16xf32>
      %parallel_loop3A_1296 = vector.shape_cast %parallel_loop3A_1291 : vector<16xf32> to vector<1x16xf32>
      tpu.vector_store %arg10[%parallel_loop3A_1292, %parallel_loop3A_1293], %parallel_loop3A_1296 {add = true, strides = array<i32>} : memref<16x1024xf32, #tpu.memory_space<vmem>>, vector<1x16xf32>,
    } {sc.loop_unroll_factor = 8 : i64, sc.parallel_access}
    %add3A_283 = arith.constant 16 : i32
    %add3A_284 = arith.addi %mul3A_2, %add3A_283 : i32
    %dma_start3A_285 = arith.constant 2 : i32
    %dma_start3A_286 = arith.constant 0 : i32
    %dma_start3A_287 = tpu.memref_slice %arg5[%dma_start3A_285, %add3A_284, %dma_start3A_286] : memref<4x4096x1024xf32, #tpu.memory_space<hbm>> -> memref<1x16x1024xf32, #tpu.memory_space<hbm>>
    %dma_start3A_288 = tpu.memref_squeeze %dma_start3A_287 : memref<1x16x1024xf32, #tpu.memory_space<hbm>> -> memref<16x1024xf32, #tpu.memory_space<hbm>>
    %dma_start3A_289 = arith.constant 0 : i32
    %dma_start3A_290 = tpu.memref_slice %arg5[%dma_start3A_285, %add3A_284, %dma_start3A_289] : memref<4x4096x1024xf32, #tpu.memory_space<hbm>> -> memref<1x16x1024xf32, #tpu.memory_space<hbm>>
    %dma_start3A_291 = tpu.memref_squeeze %dma_start3A_290 : memref<1x16x1024xf32, #tpu.memory_space<hbm>> -> memref<16x1024xf32, #tpu.memory_space<hbm>>
    tpu.enqueue_dma source(%arg10 : memref<16x1024xf32, #tpu.memory_space<vmem>>) target(%dma_start3A_291 : memref<16x1024xf32, #tpu.memory_space<hbm>>) target_semaphore(%arg22 : memref<!tpu.dma_semaphore, #tpu.memory_space<semaphore_mem>>)
    %dma_wait3A_292 = arith.constant 0 : i32
    %dma_wait3A_293 = arith.constant 0 : i32
    %dma_wait3A_294 = tpu.memref_slice %arg5[%dma_wait3A_292, %add3A_214, %dma_wait3A_293] : memref<4x4096x1024xf32, #tpu.memory_space<hbm>> -> memref<1x16x1024xf32, #tpu.memory_space<hbm>>
    %dma_wait3A_295 = tpu.memref_squeeze %dma_wait3A_294 : memref<1x16x1024xf32, #tpu.memory_space<hbm>> -> memref<16x1024xf32, #tpu.memory_space<hbm>>
    %dma_wait3A_296 = arith.constant 0 : i32
    %dma_wait3A_297 = tpu.memref_slice %arg5[%dma_wait3A_292, %add3A_214, %dma_wait3A_296] : memref<4x4096x1024xf32, #tpu.memory_space<hbm>> -> memref<1x16x1024xf32, #tpu.memory_space<hbm>>
    %dma_wait3A_298 = tpu.memref_squeeze %dma_wait3A_297 : memref<1x16x1024xf32, #tpu.memory_space<hbm>> -> memref<16x1024xf32, #tpu.memory_space<hbm>>
    tpu.wait_dma2 semaphore(%arg25 : memref<!tpu.dma_semaphore, #tpu.memory_space<semaphore_mem>>) src(%arg13 : memref<16x1024xf32, #tpu.memory_space<vmem>>) dst(%dma_wait3A_298 : memref<16x1024xf32, #tpu.memory_space<hbm>>)
    %add3A_299 = arith.constant 32 : i32
    %add3A_300 = arith.addi %mul3A_2, %add3A_299 : i32
    %dma_start3A_301 = arith.constant 1 : i32
    %dma_start3A_302 = arith.constant 0 : i32
    %dma_start3A_303 = tpu.memref_slice %arg2[%dma_start3A_301, %add3A_300, %dma_start3A_302] : memref<4x4096x1024xf32, #tpu.memory_space<hbm>> -> memref<1x16x1024xf32, #tpu.memory_space<hbm>>
    %dma_start3A_304 = tpu.memref_squeeze %dma_start3A_303 : memref<1x16x1024xf32, #tpu.memory_space<hbm>> -> memref<16x1024xf32, #tpu.memory_space<hbm>>
    %dma_start3A_305 = arith.constant 0 : i32
    %dma_start3A_306 = tpu.memref_slice %arg2[%dma_start3A_301, %add3A_300, %dma_start3A_305] : memref<4x4096x1024xf32, #tpu.memory_space<hbm>> -> memref<1x16x1024xf32, #tpu.memory_space<hbm>>
    %dma_start3A_307 = tpu.memref_squeeze %dma_start3A_306 : memref<1x16x1024xf32, #tpu.memory_space<hbm>> -> memref<16x1024xf32, #tpu.memory_space<hbm>>
    tpu.enqueue_dma source(%dma_start3A_307 : memref<16x1024xf32, #tpu.memory_space<hbm>>) target(%arg13 : memref<16x1024xf32, #tpu.memory_space<vmem>>) target_semaphore(%arg20 : memref<!tpu.dma_semaphore, #tpu.memory_space<semaphore_mem>>)
    %dma_wait3A_308 = arith.constant 3 : i32
    %dma_wait3A_309 = arith.constant 0 : i32
    %dma_wait3A_310 = tpu.memref_slice %arg2[%dma_wait3A_308, %add3A_230, %dma_wait3A_309] : memref<4x4096x1024xf32, #tpu.memory_space<hbm>> -> memref<1x16x1024xf32, #tpu.memory_space<hbm>>
    %dma_wait3A_311 = tpu.memref_squeeze %dma_wait3A_310 : memref<1x16x1024xf32, #tpu.memory_space<hbm>> -> memref<16x1024xf32, #tpu.memory_space<hbm>>
    %dma_wait3A_312 = arith.constant 0 : i32
    %dma_wait3A_313 = tpu.memref_slice %arg2[%dma_wait3A_308, %add3A_230, %dma_wait3A_312] : memref<4x4096x1024xf32, #tpu.memory_space<hbm>> -> memref<1x16x1024xf32, #tpu.memory_space<hbm>>
    %dma_wait3A_314 = tpu.memref_squeeze %dma_wait3A_313 : memref<1x16x1024xf32, #tpu.memory_space<hbm>> -> memref<16x1024xf32, #tpu.memory_space<hbm>>
    tpu.wait_dma2 semaphore(%arg18 : memref<!tpu.dma_semaphore, #tpu.memory_space<semaphore_mem>>) src(%dma_wait3A_314 : memref<16x1024xf32, #tpu.memory_space<hbm>>) dst(%arg11 : memref<16x1024xf32, #tpu.memory_space<vmem>>)
    %parallel_loop3A_315 = arith.constant 0 : i32
    %parallel_loop3A_316 = arith.constant 1024 : i32
    %parallel_loop3A_317 = arith.constant 1 : i32
    scf.for %parallel_loop3A_1280 = %parallel_loop3A_315 to %parallel_loop3A_316 step %parallel_loop3A_317  : i32 {
      %parallel_loop3A_1281 = arith.constant 6 : i32
      %parallel_loop3A_1282 = arith.shrsi %parallel_loop3A_1280, %parallel_loop3A_1281 : i32
      %parallel_loop3A_1283 = arith.constant 63 : i32
      %parallel_loop3A_1284 = arith.andi %parallel_loop3A_1280, %parallel_loop3A_1283 : i32
      %parallel_loop3A_1285 = arith.constant 4 : i32
      %parallel_loop3A_1286 = arith.shli %parallel_loop3A_1284, %parallel_loop3A_1285 : i32
      %parallel_loop3A_1287 = tpu.assume_multiple %parallel_loop3A_1286, 16 : i32
      %parallel_loop3A_1288 = arith.index_cast %parallel_loop3A_1282 : i32 to index
      %parallel_loop3A_1289 = arith.index_cast %parallel_loop3A_1287 : i32 to index
      %parallel_loop3A_1290 = tpu.vector_load %arg8[%parallel_loop3A_1288, %parallel_loop3A_1289] {strides = array<i32>} : memref<16x1024xf32, #tpu.memory_space<vmem>>, vector<1x16xf32>,
      %parallel_loop3A_1291 = vector.shape_cast %parallel_loop3A_1290 : vector<1x16xf32> to vector<16xf32>
      %parallel_loop3A_1292 = arith.index_cast %parallel_loop3A_1282 : i32 to index
      %parallel_loop3A_1293 = arith.index_cast %parallel_loop3A_1287 : i32 to index
      %parallel_loop3A_1294 = tpu.vector_load %arg11[%parallel_loop3A_1292, %parallel_loop3A_1293] {strides = array<i32>} : memref<16x1024xf32, #tpu.memory_space<vmem>>, vector<1x16xf32>,
      %parallel_loop3A_1295 = vector.shape_cast %parallel_loop3A_1294 : vector<1x16xf32> to vector<16xf32>
      %parallel_loop3A_1296 = vector.shape_cast %parallel_loop3A_1291 : vector<16xf32> to vector<1x16xf32>
      tpu.vector_store %arg11[%parallel_loop3A_1292, %parallel_loop3A_1293], %parallel_loop3A_1296 {add = true, strides = array<i32>} : memref<16x1024xf32, #tpu.memory_space<vmem>>, vector<1x16xf32>,
    } {sc.loop_unroll_factor = 8 : i64, sc.parallel_access}
    %add3A_318 = arith.constant 16 : i32
    %add3A_319 = arith.addi %mul3A_2, %add3A_318 : i32
    %dma_start3A_320 = arith.constant 3 : i32
    %dma_start3A_321 = arith.constant 0 : i32
    %dma_start3A_322 = tpu.memref_slice %arg5[%dma_start3A_320, %add3A_319, %dma_start3A_321] : memref<4x4096x1024xf32, #tpu.memory_space<hbm>> -> memref<1x16x1024xf32, #tpu.memory_space<hbm>>
    %dma_start3A_323 = tpu.memref_squeeze %dma_start3A_322 : memref<1x16x1024xf32, #tpu.memory_space<hbm>> -> memref<16x1024xf32, #tpu.memory_space<hbm>>
    %dma_start3A_324 = arith.constant 0 : i32
    %dma_start3A_325 = tpu.memref_slice %arg5[%dma_start3A_320, %add3A_319, %dma_start3A_324] : memref<4x4096x1024xf32, #tpu.memory_space<hbm>> -> memref<1x16x1024xf32, #tpu.memory_space<hbm>>
    %dma_start3A_326 = tpu.memref_squeeze %dma_start3A_325 : memref<1x16x1024xf32, #tpu.memory_space<hbm>> -> memref<16x1024xf32, #tpu.memory_space<hbm>>
    tpu.enqueue_dma source(%arg11 : memref<16x1024xf32, #tpu.memory_space<vmem>>) target(%dma_start3A_326 : memref<16x1024xf32, #tpu.memory_space<hbm>>) target_semaphore(%arg23 : memref<!tpu.dma_semaphore, #tpu.memory_space<semaphore_mem>>)
    %dma_start3A_327 = arith.constant 0 : i32
    %dma_start3A_328 = arith.constant 48 : i32
    %dma_start3A_329 = tpu.memref_slice %arg6[%dma_start3A_328] : memref<128xi32, #tpu.memory_space<vmem>> -> memref<16xi32, #tpu.memory_space<vmem>>
    %dma_start3A_330 = arith.constant 0 : i32
    %dma_start3A_331 = arith.constant 0 : i32
    %dma_start3A_332 = tpu.memref_slice %arg4[%dma_start3A_327, %dma_start3A_330, %dma_start3A_331] : memref<1x8192x1024xf32, #tpu.memory_space<hbm>> -> memref<1x8192x1024xf32, #tpu.memory_space<hbm>>
    %dma_start3A_333 = tpu.memref_squeeze %dma_start3A_332 : memref<1x8192x1024xf32, #tpu.memory_space<hbm>> -> memref<8192x1024xf32, #tpu.memory_space<hbm>>
    %dma_start3A_334 = arith.constant 0 : i32
    %dma_start3A_335 = arith.constant 0 : i32
    %dma_start3A_336 = tpu.memref_slice %dma_start3A_333[%dma_start3A_334, %dma_start3A_335] : memref<8192x1024xf32, #tpu.memory_space<hbm>> -> memref<8192x1024xf32, #tpu.memory_space<hbm>>
    tpu.enqueue_indirect_dma source(%dma_start3A_336 : memref<8192x1024xf32, #tpu.memory_space<hbm>>) target(%arg8 : memref<16x1024xf32, #tpu.memory_space<vmem>>) offsets(%dma_start3A_329 : memref<16xi32, #tpu.memory_space<vmem>>) semaphore(%arg15 : memref<!tpu.dma_semaphore, #tpu.memory_space<semaphore_mem>>)
    %dma_wait3A_337 = arith.constant 0 : i32
    %dma_wait3A_338 = arith.constant 32 : i32
    %dma_wait3A_339 = tpu.memref_slice %arg6[%dma_wait3A_338] : memref<128xi32, #tpu.memory_space<vmem>> -> memref<16xi32, #tpu.memory_space<vmem>>
    %dma_wait3A_340 = arith.constant 0 : i32
    %dma_wait3A_341 = arith.constant 0 : i32
    %dma_wait3A_342 = tpu.memref_slice %arg4[%dma_wait3A_337, %dma_wait3A_340, %dma_wait3A_341] : memref<1x8192x1024xf32, #tpu.memory_space<hbm>> -> memref<1x8192x1024xf32, #tpu.memory_space<hbm>>
    %dma_wait3A_343 = tpu.memref_squeeze %dma_wait3A_342 : memref<1x8192x1024xf32, #tpu.memory_space<hbm>> -> memref<8192x1024xf32, #tpu.memory_space<hbm>>
    %dma_wait3A_344 = arith.constant 0 : i32
    %dma_wait3A_345 = arith.constant 0 : i32
    %dma_wait3A_346 = tpu.memref_slice %dma_wait3A_343[%dma_wait3A_344, %dma_wait3A_345] : memref<8192x1024xf32, #tpu.memory_space<hbm>> -> memref<8192x1024xf32, #tpu.memory_space<hbm>>
    tpu.wait_indirect_dma semaphore(%arg14 : memref<!tpu.dma_semaphore, #tpu.memory_space<semaphore_mem>>) src(%dma_wait3A_346 : memref<8192x1024xf32, #tpu.memory_space<hbm>>) dst(%arg7 : memref<16x1024xf32, #tpu.memory_space<vmem>>)
    %dma_wait3A_347 = arith.constant 1 : i32
    %dma_wait3A_348 = arith.constant 0 : i32
    %dma_wait3A_349 = tpu.memref_slice %arg5[%dma_wait3A_347, %add3A_249, %dma_wait3A_348] : memref<4x4096x1024xf32, #tpu.memory_space<hbm>> -> memref<1x16x1024xf32, #tpu.memory_space<hbm>>
    %dma_wait3A_350 = tpu.memref_squeeze %dma_wait3A_349 : memref<1x16x1024xf32, #tpu.memory_space<hbm>> -> memref<16x1024xf32, #tpu.memory_space<hbm>>
    %dma_wait3A_351 = arith.constant 0 : i32
    %dma_wait3A_352 = tpu.memref_slice %arg5[%dma_wait3A_347, %add3A_249, %dma_wait3A_351] : memref<4x4096x1024xf32, #tpu.memory_space<hbm>> -> memref<1x16x1024xf32, #tpu.memory_space<hbm>>
    %dma_wait3A_353 = tpu.memref_squeeze %dma_wait3A_352 : memref<1x16x1024xf32, #tpu.memory_space<hbm>> -> memref<16x1024xf32, #tpu.memory_space<hbm>>
    tpu.wait_dma2 semaphore(%arg21 : memref<!tpu.dma_semaphore, #tpu.memory_space<semaphore_mem>>) src(%arg9 : memref<16x1024xf32, #tpu.memory_space<vmem>>) dst(%dma_wait3A_353 : memref<16x1024xf32, #tpu.memory_space<hbm>>)
    %add3A_354 = arith.constant 32 : i32
    %add3A_355 = arith.addi %mul3A_2, %add3A_354 : i32
    %dma_start3A_356 = arith.constant 2 : i32
    %dma_start3A_357 = arith.constant 0 : i32
    %dma_start3A_358 = tpu.memref_slice %arg2[%dma_start3A_356, %add3A_355, %dma_start3A_357] : memref<4x4096x1024xf32, #tpu.memory_space<hbm>> -> memref<1x16x1024xf32, #tpu.memory_space<hbm>>
    %dma_start3A_359 = tpu.memref_squeeze %dma_start3A_358 : memref<1x16x1024xf32, #tpu.memory_space<hbm>> -> memref<16x1024xf32, #tpu.memory_space<hbm>>
    %dma_start3A_360 = arith.constant 0 : i32
    %dma_start3A_361 = tpu.memref_slice %arg2[%dma_start3A_356, %add3A_355, %dma_start3A_360] : memref<4x4096x1024xf32, #tpu.memory_space<hbm>> -> memref<1x16x1024xf32, #tpu.memory_space<hbm>>
    %dma_start3A_362 = tpu.memref_squeeze %dma_start3A_361 : memref<1x16x1024xf32, #tpu.memory_space<hbm>> -> memref<16x1024xf32, #tpu.memory_space<hbm>>
    tpu.enqueue_dma source(%dma_start3A_362 : memref<16x1024xf32, #tpu.memory_space<hbm>>) target(%arg9 : memref<16x1024xf32, #tpu.memory_space<vmem>>) target_semaphore(%arg16 : memref<!tpu.dma_semaphore, #tpu.memory_space<semaphore_mem>>)
    %dma_wait3A_363 = arith.constant 0 : i32
    %dma_wait3A_364 = arith.constant 0 : i32
    %dma_wait3A_365 = tpu.memref_slice %arg2[%dma_wait3A_363, %add3A_265, %dma_wait3A_364] : memref<4x4096x1024xf32, #tpu.memory_space<hbm>> -> memref<1x16x1024xf32, #tpu.memory_space<hbm>>
    %dma_wait3A_366 = tpu.memref_squeeze %dma_wait3A_365 : memref<1x16x1024xf32, #tpu.memory_space<hbm>> -> memref<16x1024xf32, #tpu.memory_space<hbm>>
    %dma_wait3A_367 = arith.constant 0 : i32
    %dma_wait3A_368 = tpu.memref_slice %arg2[%dma_wait3A_363, %add3A_265, %dma_wait3A_367] : memref<4x4096x1024xf32, #tpu.memory_space<hbm>> -> memref<1x16x1024xf32, #tpu.memory_space<hbm>>
    %dma_wait3A_369 = tpu.memref_squeeze %dma_wait3A_368 : memref<1x16x1024xf32, #tpu.memory_space<hbm>> -> memref<16x1024xf32, #tpu.memory_space<hbm>>
    tpu.wait_dma2 semaphore(%arg19 : memref<!tpu.dma_semaphore, #tpu.memory_space<semaphore_mem>>) src(%dma_wait3A_369 : memref<16x1024xf32, #tpu.memory_space<hbm>>) dst(%arg12 : memref<16x1024xf32, #tpu.memory_space<vmem>>)
    %parallel_loop3A_370 = arith.constant 0 : i32
    %parallel_loop3A_371 = arith.constant 1024 : i32
    %parallel_loop3A_372 = arith.constant 1 : i32
    scf.for %parallel_loop3A_1280 = %parallel_loop3A_370 to %parallel_loop3A_371 step %parallel_loop3A_372  : i32 {
      %parallel_loop3A_1281 = arith.constant 6 : i32
      %parallel_loop3A_1282 = arith.shrsi %parallel_loop3A_1280, %parallel_loop3A_1281 : i32
      %parallel_loop3A_1283 = arith.constant 63 : i32
      %parallel_loop3A_1284 = arith.andi %parallel_loop3A_1280, %parallel_loop3A_1283 : i32
      %parallel_loop3A_1285 = arith.constant 4 : i32
      %parallel_loop3A_1286 = arith.shli %parallel_loop3A_1284, %parallel_loop3A_1285 : i32
      %parallel_loop3A_1287 = tpu.assume_multiple %parallel_loop3A_1286, 16 : i32
      %parallel_loop3A_1288 = arith.index_cast %parallel_loop3A_1282 : i32 to index
      %parallel_loop3A_1289 = arith.index_cast %parallel_loop3A_1287 : i32 to index
      %parallel_loop3A_1290 = tpu.vector_load %arg7[%parallel_loop3A_1288, %parallel_loop3A_1289] {strides = array<i32>} : memref<16x1024xf32, #tpu.memory_space<vmem>>, vector<1x16xf32>,
      %parallel_loop3A_1291 = vector.shape_cast %parallel_loop3A_1290 : vector<1x16xf32> to vector<16xf32>
      %parallel_loop3A_1292 = arith.index_cast %parallel_loop3A_1282 : i32 to index
      %parallel_loop3A_1293 = arith.index_cast %parallel_loop3A_1287 : i32 to index
      %parallel_loop3A_1294 = tpu.vector_load %arg12[%parallel_loop3A_1292, %parallel_loop3A_1293] {strides = array<i32>} : memref<16x1024xf32, #tpu.memory_space<vmem>>, vector<1x16xf32>,
      %parallel_loop3A_1295 = vector.shape_cast %parallel_loop3A_1294 : vector<1x16xf32> to vector<16xf32>
      %parallel_loop3A_1296 = vector.shape_cast %parallel_loop3A_1291 : vector<16xf32> to vector<1x16xf32>
      tpu.vector_store %arg12[%parallel_loop3A_1292, %parallel_loop3A_1293], %parallel_loop3A_1296 {add = true, strides = array<i32>} : memref<16x1024xf32, #tpu.memory_space<vmem>>, vector<1x16xf32>,
    } {sc.loop_unroll_factor = 8 : i64, sc.parallel_access}
    %add3A_373 = arith.constant 32 : i32
    %add3A_374 = arith.addi %mul3A_2, %add3A_373 : i32
    %dma_start3A_375 = arith.constant 0 : i32
    %dma_start3A_376 = arith.constant 0 : i32
    %dma_start3A_377 = tpu.memref_slice %arg5[%dma_start3A_375, %add3A_374, %dma_start3A_376] : memref<4x4096x1024xf32, #tpu.memory_space<hbm>> -> memref<1x16x1024xf32, #tpu.memory_space<hbm>>
    %dma_start3A_378 = tpu.memref_squeeze %dma_start3A_377 : memref<1x16x1024xf32, #tpu.memory_space<hbm>> -> memref<16x1024xf32, #tpu.memory_space<hbm>>
    %dma_start3A_379 = arith.constant 0 : i32
    %dma_start3A_380 = tpu.memref_slice %arg5[%dma_start3A_375, %add3A_374, %dma_start3A_379] : memref<4x4096x1024xf32, #tpu.memory_space<hbm>> -> memref<1x16x1024xf32, #tpu.memory_space<hbm>>
    %dma_start3A_381 = tpu.memref_squeeze %dma_start3A_380 : memref<1x16x1024xf32, #tpu.memory_space<hbm>> -> memref<16x1024xf32, #tpu.memory_space<hbm>>
    tpu.enqueue_dma source(%arg12 : memref<16x1024xf32, #tpu.memory_space<vmem>>) target(%dma_start3A_381 : memref<16x1024xf32, #tpu.memory_space<hbm>>) target_semaphore(%arg24 : memref<!tpu.dma_semaphore, #tpu.memory_space<semaphore_mem>>)
    %dma_wait3A_382 = arith.constant 2 : i32
    %dma_wait3A_383 = arith.constant 0 : i32
    %dma_wait3A_384 = tpu.memref_slice %arg5[%dma_wait3A_382, %add3A_284, %dma_wait3A_383] : memref<4x4096x1024xf32, #tpu.memory_space<hbm>> -> memref<1x16x1024xf32, #tpu.memory_space<hbm>>
    %dma_wait3A_385 = tpu.memref_squeeze %dma_wait3A_384 : memref<1x16x1024xf32, #tpu.memory_space<hbm>> -> memref<16x1024xf32, #tpu.memory_space<hbm>>
    %dma_wait3A_386 = arith.constant 0 : i32
    %dma_wait3A_387 = tpu.memref_slice %arg5[%dma_wait3A_382, %add3A_284, %dma_wait3A_386] : memref<4x4096x1024xf32, #tpu.memory_space<hbm>> -> memref<1x16x1024xf32, #tpu.memory_space<hbm>>
    %dma_wait3A_388 = tpu.memref_squeeze %dma_wait3A_387 : memref<1x16x1024xf32, #tpu.memory_space<hbm>> -> memref<16x1024xf32, #tpu.memory_space<hbm>>
    tpu.wait_dma2 semaphore(%arg22 : memref<!tpu.dma_semaphore, #tpu.memory_space<semaphore_mem>>) src(%arg10 : memref<16x1024xf32, #tpu.memory_space<vmem>>) dst(%dma_wait3A_388 : memref<16x1024xf32, #tpu.memory_space<hbm>>)
    %add3A_389 = arith.constant 32 : i32
    %add3A_390 = arith.addi %mul3A_2, %add3A_389 : i32
    %dma_start3A_391 = arith.constant 3 : i32
    %dma_start3A_392 = arith.constant 0 : i32
    %dma_start3A_393 = tpu.memref_slice %arg2[%dma_start3A_391, %add3A_390, %dma_start3A_392] : memref<4x4096x1024xf32, #tpu.memory_space<hbm>> -> memref<1x16x1024xf32, #tpu.memory_space<hbm>>
    %dma_start3A_394 = tpu.memref_squeeze %dma_start3A_393 : memref<1x16x1024xf32, #tpu.memory_space<hbm>> -> memref<16x1024xf32, #tpu.memory_space<hbm>>
    %dma_start3A_395 = arith.constant 0 : i32
    %dma_start3A_396 = tpu.memref_slice %arg2[%dma_start3A_391, %add3A_390, %dma_start3A_395] : memref<4x4096x1024xf32, #tpu.memory_space<hbm>> -> memref<1x16x1024xf32, #tpu.memory_space<hbm>>
    %dma_start3A_397 = tpu.memref_squeeze %dma_start3A_396 : memref<1x16x1024xf32, #tpu.memory_space<hbm>> -> memref<16x1024xf32, #tpu.memory_space<hbm>>
    tpu.enqueue_dma source(%dma_start3A_397 : memref<16x1024xf32, #tpu.memory_space<hbm>>) target(%arg10 : memref<16x1024xf32, #tpu.memory_space<vmem>>) target_semaphore(%arg17 : memref<!tpu.dma_semaphore, #tpu.memory_space<semaphore_mem>>)
    %dma_wait3A_398 = arith.constant 1 : i32
    %dma_wait3A_399 = arith.constant 0 : i32
    %dma_wait3A_400 = tpu.memref_slice %arg2[%dma_wait3A_398, %add3A_300, %dma_wait3A_399] : memref<4x4096x1024xf32, #tpu.memory_space<hbm>> -> memref<1x16x1024xf32, #tpu.memory_space<hbm>>
    %dma_wait3A_401 = tpu.memref_squeeze %dma_wait3A_400 : memref<1x16x1024xf32, #tpu.memory_space<hbm>> -> memref<16x1024xf32, #tpu.memory_space<hbm>>
    %dma_wait3A_402 = arith.constant 0 : i32
    %dma_wait3A_403 = tpu.memref_slice %arg2[%dma_wait3A_398, %add3A_300, %dma_wait3A_402] : memref<4x4096x1024xf32, #tpu.memory_space<hbm>> -> memref<1x16x1024xf32, #tpu.memory_space<hbm>>
    %dma_wait3A_404 = tpu.memref_squeeze %dma_wait3A_403 : memref<1x16x1024xf32, #tpu.memory_space<hbm>> -> memref<16x1024xf32, #tpu.memory_space<hbm>>
    tpu.wait_dma2 semaphore(%arg20 : memref<!tpu.dma_semaphore, #tpu.memory_space<semaphore_mem>>) src(%dma_wait3A_404 : memref<16x1024xf32, #tpu.memory_space<hbm>>) dst(%arg13 : memref<16x1024xf32, #tpu.memory_space<vmem>>)
    %parallel_loop3A_405 = arith.constant 0 : i32
    %parallel_loop3A_406 = arith.constant 1024 : i32
    %parallel_loop3A_407 = arith.constant 1 : i32
    scf.for %parallel_loop3A_1280 = %parallel_loop3A_405 to %parallel_loop3A_406 step %parallel_loop3A_407  : i32 {
      %parallel_loop3A_1281 = arith.constant 6 : i32
      %parallel_loop3A_1282 = arith.shrsi %parallel_loop3A_1280, %parallel_loop3A_1281 : i32
      %parallel_loop3A_1283 = arith.constant 63 : i32
      %parallel_loop3A_1284 = arith.andi %parallel_loop3A_1280, %parallel_loop3A_1283 : i32
      %parallel_loop3A_1285 = arith.constant 4 : i32
      %parallel_loop3A_1286 = arith.shli %parallel_loop3A_1284, %parallel_loop3A_1285 : i32
      %parallel_loop3A_1287 = tpu.assume_multiple %parallel_loop3A_1286, 16 : i32
      %parallel_loop3A_1288 = arith.index_cast %parallel_loop3A_1282 : i32 to index
      %parallel_loop3A_1289 = arith.index_cast %parallel_loop3A_1287 : i32 to index
      %parallel_loop3A_1290 = tpu.vector_load %arg7[%parallel_loop3A_1288, %parallel_loop3A_1289] {strides = array<i32>} : memref<16x1024xf32, #tpu.memory_space<vmem>>, vector<1x16xf32>,
      %parallel_loop3A_1291 = vector.shape_cast %parallel_loop3A_1290 : vector<1x16xf32> to vector<16xf32>
      %parallel_loop3A_1292 = arith.index_cast %parallel_loop3A_1282 : i32 to index
      %parallel_loop3A_1293 = arith.index_cast %parallel_loop3A_1287 : i32 to index
      %parallel_loop3A_1294 = tpu.vector_load %arg13[%parallel_loop3A_1292, %parallel_loop3A_1293] {strides = array<i32>} : memref<16x1024xf32, #tpu.memory_space<vmem>>, vector<1x16xf32>,
      %parallel_loop3A_1295 = vector.shape_cast %parallel_loop3A_1294 : vector<1x16xf32> to vector<16xf32>
      %parallel_loop3A_1296 = vector.shape_cast %parallel_loop3A_1291 : vector<16xf32> to vector<1x16xf32>
      tpu.vector_store %arg13[%parallel_loop3A_1292, %parallel_loop3A_1293], %parallel_loop3A_1296 {add = true, strides = array<i32>} : memref<16x1024xf32, #tpu.memory_space<vmem>>, vector<1x16xf32>,
    } {sc.loop_unroll_factor = 8 : i64, sc.parallel_access}
    %add3A_408 = arith.constant 32 : i32
    %add3A_409 = arith.addi %mul3A_2, %add3A_408 : i32
    %dma_start3A_410 = arith.constant 1 : i32
    %dma_start3A_411 = arith.constant 0 : i32
    %dma_start3A_412 = tpu.memref_slice %arg5[%dma_start3A_410, %add3A_409, %dma_start3A_411] : memref<4x4096x1024xf32, #tpu.memory_space<hbm>> -> memref<1x16x1024xf32, #tpu.memory_space<hbm>>
    %dma_start3A_413 = tpu.memref_squeeze %dma_start3A_412 : memref<1x16x1024xf32, #tpu.memory_space<hbm>> -> memref<16x1024xf32, #tpu.memory_space<hbm>>
    %dma_start3A_414 = arith.constant 0 : i32
    %dma_start3A_415 = tpu.memref_slice %arg5[%dma_start3A_410, %add3A_409, %dma_start3A_414] : memref<4x4096x1024xf32, #tpu.memory_space<hbm>> -> memref<1x16x1024xf32, #tpu.memory_space<hbm>>
    %dma_start3A_416 = tpu.memref_squeeze %dma_start3A_415 : memref<1x16x1024xf32, #tpu.memory_space<hbm>> -> memref<16x1024xf32, #tpu.memory_space<hbm>>
    tpu.enqueue_dma source(%arg13 : memref<16x1024xf32, #tpu.memory_space<vmem>>) target(%dma_start3A_416 : memref<16x1024xf32, #tpu.memory_space<hbm>>) target_semaphore(%arg25 : memref<!tpu.dma_semaphore, #tpu.memory_space<semaphore_mem>>)
    %dma_wait3A_417 = arith.constant 3 : i32
    %dma_wait3A_418 = arith.constant 0 : i32
    %dma_wait3A_419 = tpu.memref_slice %arg5[%dma_wait3A_417, %add3A_319, %dma_wait3A_418] : memref<4x4096x1024xf32, #tpu.memory_space<hbm>> -> memref<1x16x1024xf32, #tpu.memory_space<hbm>>
    %dma_wait3A_420 = tpu.memref_squeeze %dma_wait3A_419 : memref<1x16x1024xf32, #tpu.memory_space<hbm>> -> memref<16x1024xf32, #tpu.memory_space<hbm>>
    %dma_wait3A_421 = arith.constant 0 : i32
    %dma_wait3A_422 = tpu.memref_slice %arg5[%dma_wait3A_417, %add3A_319, %dma_wait3A_421] : memref<4x4096x1024xf32, #tpu.memory_space<hbm>> -> memref<1x16x1024xf32, #tpu.memory_space<hbm>>
    %dma_wait3A_423 = tpu.memref_squeeze %dma_wait3A_422 : memref<1x16x1024xf32, #tpu.memory_space<hbm>> -> memref<16x1024xf32, #tpu.memory_space<hbm>>
    tpu.wait_dma2 semaphore(%arg23 : memref<!tpu.dma_semaphore, #tpu.memory_space<semaphore_mem>>) src(%arg11 : memref<16x1024xf32, #tpu.memory_space<vmem>>) dst(%dma_wait3A_423 : memref<16x1024xf32, #tpu.memory_space<hbm>>)
    %add3A_424 = arith.constant 48 : i32
    %add3A_425 = arith.addi %mul3A_2, %add3A_424 : i32
    %dma_start3A_426 = arith.constant 0 : i32
    %dma_start3A_427 = arith.constant 0 : i32
    %dma_start3A_428 = tpu.memref_slice %arg2[%dma_start3A_426, %add3A_425, %dma_start3A_427] : memref<4x4096x1024xf32, #tpu.memory_space<hbm>> -> memref<1x16x1024xf32, #tpu.memory_space<hbm>>
    %dma_start3A_429 = tpu.memref_squeeze %dma_start3A_428 : memref<1x16x1024xf32, #tpu.memory_space<hbm>> -> memref<16x1024xf32, #tpu.memory_space<hbm>>
    %dma_start3A_430 = arith.constant 0 : i32
    %dma_start3A_431 = tpu.memref_slice %arg2[%dma_start3A_426, %add3A_425, %dma_start3A_430] : memref<4x4096x1024xf32, #tpu.memory_space<hbm>> -> memref<1x16x1024xf32, #tpu.memory_space<hbm>>
    %dma_start3A_432 = tpu.memref_squeeze %dma_start3A_431 : memref<1x16x1024xf32, #tpu.memory_space<hbm>> -> memref<16x1024xf32, #tpu.memory_space<hbm>>
    tpu.enqueue_dma source(%dma_start3A_432 : memref<16x1024xf32, #tpu.memory_space<hbm>>) target(%arg11 : memref<16x1024xf32, #tpu.memory_space<vmem>>) target_semaphore(%arg18 : memref<!tpu.dma_semaphore, #tpu.memory_space<semaphore_mem>>)
    %dma_wait3A_433 = arith.constant 2 : i32
    %dma_wait3A_434 = arith.constant 0 : i32
    %dma_wait3A_435 = tpu.memref_slice %arg2[%dma_wait3A_433, %add3A_355, %dma_wait3A_434] : memref<4x4096x1024xf32, #tpu.memory_space<hbm>> -> memref<1x16x1024xf32, #tpu.memory_space<hbm>>
    %dma_wait3A_436 = tpu.memref_squeeze %dma_wait3A_435 : memref<1x16x1024xf32, #tpu.memory_space<hbm>> -> memref<16x1024xf32, #tpu.memory_space<hbm>>
    %dma_wait3A_437 = arith.constant 0 : i32
    %dma_wait3A_438 = tpu.memref_slice %arg2[%dma_wait3A_433, %add3A_355, %dma_wait3A_437] : memref<4x4096x1024xf32, #tpu.memory_space<hbm>> -> memref<1x16x1024xf32, #tpu.memory_space<hbm>>
    %dma_wait3A_439 = tpu.memref_squeeze %dma_wait3A_438 : memref<1x16x1024xf32, #tpu.memory_space<hbm>> -> memref<16x1024xf32, #tpu.memory_space<hbm>>
    tpu.wait_dma2 semaphore(%arg16 : memref<!tpu.dma_semaphore, #tpu.memory_space<semaphore_mem>>) src(%dma_wait3A_439 : memref<16x1024xf32, #tpu.memory_space<hbm>>) dst(%arg9 : memref<16x1024xf32, #tpu.memory_space<vmem>>)
    %parallel_loop3A_440 = arith.constant 0 : i32
    %parallel_loop3A_441 = arith.constant 1024 : i32
    %parallel_loop3A_442 = arith.constant 1 : i32
    scf.for %parallel_loop3A_1280 = %parallel_loop3A_440 to %parallel_loop3A_441 step %parallel_loop3A_442  : i32 {
      %parallel_loop3A_1281 = arith.constant 6 : i32
      %parallel_loop3A_1282 = arith.shrsi %parallel_loop3A_1280, %parallel_loop3A_1281 : i32
      %parallel_loop3A_1283 = arith.constant 63 : i32
      %parallel_loop3A_1284 = arith.andi %parallel_loop3A_1280, %parallel_loop3A_1283 : i32
      %parallel_loop3A_1285 = arith.constant 4 : i32
      %parallel_loop3A_1286 = arith.shli %parallel_loop3A_1284, %parallel_loop3A_1285 : i32
      %parallel_loop3A_1287 = tpu.assume_multiple %parallel_loop3A_1286, 16 : i32
      %parallel_loop3A_1288 = arith.index_cast %parallel_loop3A_1282 : i32 to index
      %parallel_loop3A_1289 = arith.index_cast %parallel_loop3A_1287 : i32 to index
      %parallel_loop3A_1290 = tpu.vector_load %arg7[%parallel_loop3A_1288, %parallel_loop3A_1289] {strides = array<i32>} : memref<16x1024xf32, #tpu.memory_space<vmem>>, vector<1x16xf32>,
      %parallel_loop3A_1291 = vector.shape_cast %parallel_loop3A_1290 : vector<1x16xf32> to vector<16xf32>
      %parallel_loop3A_1292 = arith.index_cast %parallel_loop3A_1282 : i32 to index
      %parallel_loop3A_1293 = arith.index_cast %parallel_loop3A_1287 : i32 to index
      %parallel_loop3A_1294 = tpu.vector_load %arg9[%parallel_loop3A_1292, %parallel_loop3A_1293] {strides = array<i32>} : memref<16x1024xf32, #tpu.memory_space<vmem>>, vector<1x16xf32>,
      %parallel_loop3A_1295 = vector.shape_cast %parallel_loop3A_1294 : vector<1x16xf32> to vector<16xf32>
      %parallel_loop3A_1296 = vector.shape_cast %parallel_loop3A_1291 : vector<16xf32> to vector<1x16xf32>
      tpu.vector_store %arg9[%parallel_loop3A_1292, %parallel_loop3A_1293], %parallel_loop3A_1296 {add = true, strides = array<i32>} : memref<16x1024xf32, #tpu.memory_space<vmem>>, vector<1x16xf32>,
    } {sc.loop_unroll_factor = 8 : i64, sc.parallel_access}
    %add3A_443 = arith.constant 32 : i32
    %add3A_444 = arith.addi %mul3A_2, %add3A_443 : i32
    %dma_start3A_445 = arith.constant 2 : i32
    %dma_start3A_446 = arith.constant 0 : i32
    %dma_start3A_447 = tpu.memref_slice %arg5[%dma_start3A_445, %add3A_444, %dma_start3A_446] : memref<4x4096x1024xf32, #tpu.memory_space<hbm>> -> memref<1x16x1024xf32, #tpu.memory_space<hbm>>
    %dma_start3A_448 = tpu.memref_squeeze %dma_start3A_447 : memref<1x16x1024xf32, #tpu.memory_space<hbm>> -> memref<16x1024xf32, #tpu.memory_space<hbm>>
    %dma_start3A_449 = arith.constant 0 : i32
    %dma_start3A_450 = tpu.memref_slice %arg5[%dma_start3A_445, %add3A_444, %dma_start3A_449] : memref<4x4096x1024xf32, #tpu.memory_space<hbm>> -> memref<1x16x1024xf32, #tpu.memory_space<hbm>>
    %dma_start3A_451 = tpu.memref_squeeze %dma_start3A_450 : memref<1x16x1024xf32, #tpu.memory_space<hbm>> -> memref<16x1024xf32, #tpu.memory_space<hbm>>
    tpu.enqueue_dma source(%arg9 : memref<16x1024xf32, #tpu.memory_space<vmem>>) target(%dma_start3A_451 : memref<16x1024xf32, #tpu.memory_space<hbm>>) target_semaphore(%arg21 : memref<!tpu.dma_semaphore, #tpu.memory_space<semaphore_mem>>)
    %dma_wait3A_452 = arith.constant 0 : i32
    %dma_wait3A_453 = arith.constant 0 : i32
    %dma_wait3A_454 = tpu.memref_slice %arg5[%dma_wait3A_452, %add3A_374, %dma_wait3A_453] : memref<4x4096x1024xf32, #tpu.memory_space<hbm>> -> memref<1x16x1024xf32, #tpu.memory_space<hbm>>
    %dma_wait3A_455 = tpu.memref_squeeze %dma_wait3A_454 : memref<1x16x1024xf32, #tpu.memory_space<hbm>> -> memref<16x1024xf32, #tpu.memory_space<hbm>>
    %dma_wait3A_456 = arith.constant 0 : i32
    %dma_wait3A_457 = tpu.memref_slice %arg5[%dma_wait3A_452, %add3A_374, %dma_wait3A_456] : memref<4x4096x1024xf32, #tpu.memory_space<hbm>> -> memref<1x16x1024xf32, #tpu.memory_space<hbm>>
    %dma_wait3A_458 = tpu.memref_squeeze %dma_wait3A_457 : memref<1x16x1024xf32, #tpu.memory_space<hbm>> -> memref<16x1024xf32, #tpu.memory_space<hbm>>
    tpu.wait_dma2 semaphore(%arg24 : memref<!tpu.dma_semaphore, #tpu.memory_space<semaphore_mem>>) src(%arg12 : memref<16x1024xf32, #tpu.memory_space<vmem>>) dst(%dma_wait3A_458 : memref<16x1024xf32, #tpu.memory_space<hbm>>)
    %add3A_459 = arith.constant 48 : i32
    %add3A_460 = arith.addi %mul3A_2, %add3A_459 : i32
    %dma_start3A_461 = arith.constant 1 : i32
    %dma_start3A_462 = arith.constant 0 : i32
    %dma_start3A_463 = tpu.memref_slice %arg2[%dma_start3A_461, %add3A_460, %dma_start3A_462] : memref<4x4096x1024xf32, #tpu.memory_space<hbm>> -> memref<1x16x1024xf32, #tpu.memory_space<hbm>>
    %dma_start3A_464 = tpu.memref_squeeze %dma_start3A_463 : memref<1x16x1024xf32, #tpu.memory_space<hbm>> -> memref<16x1024xf32, #tpu.memory_space<hbm>>
    %dma_start3A_465 = arith.constant 0 : i32
    %dma_start3A_466 = tpu.memref_slice %arg2[%dma_start3A_461, %add3A_460, %dma_start3A_465] : memref<4x4096x1024xf32, #tpu.memory_space<hbm>> -> memref<1x16x1024xf32, #tpu.memory_space<hbm>>
    %dma_start3A_467 = tpu.memref_squeeze %dma_start3A_466 : memref<1x16x1024xf32, #tpu.memory_space<hbm>> -> memref<16x1024xf32, #tpu.memory_space<hbm>>
    tpu.enqueue_dma source(%dma_start3A_467 : memref<16x1024xf32, #tpu.memory_space<hbm>>) target(%arg12 : memref<16x1024xf32, #tpu.memory_space<vmem>>) target_semaphore(%arg19 : memref<!tpu.dma_semaphore, #tpu.memory_space<semaphore_mem>>)
    %dma_wait3A_468 = arith.constant 3 : i32
    %dma_wait3A_469 = arith.constant 0 : i32
    %dma_wait3A_470 = tpu.memref_slice %arg2[%dma_wait3A_468, %add3A_390, %dma_wait3A_469] : memref<4x4096x1024xf32, #tpu.memory_space<hbm>> -> memref<1x16x1024xf32, #tpu.memory_space<hbm>>
    %dma_wait3A_471 = tpu.memref_squeeze %dma_wait3A_470 : memref<1x16x1024xf32, #tpu.memory_space<hbm>> -> memref<16x1024xf32, #tpu.memory_space<hbm>>
    %dma_wait3A_472 = arith.constant 0 : i32
    %dma_wait3A_473 = tpu.memref_slice %arg2[%dma_wait3A_468, %add3A_390, %dma_wait3A_472] : memref<4x4096x1024xf32, #tpu.memory_space<hbm>> -> memref<1x16x1024xf32, #tpu.memory_space<hbm>>
    %dma_wait3A_474 = tpu.memref_squeeze %dma_wait3A_473 : memref<1x16x1024xf32, #tpu.memory_space<hbm>> -> memref<16x1024xf32, #tpu.memory_space<hbm>>
    tpu.wait_dma2 semaphore(%arg17 : memref<!tpu.dma_semaphore, #tpu.memory_space<semaphore_mem>>) src(%dma_wait3A_474 : memref<16x1024xf32, #tpu.memory_space<hbm>>) dst(%arg10 : memref<16x1024xf32, #tpu.memory_space<vmem>>)
    %parallel_loop3A_475 = arith.constant 0 : i32
    %parallel_loop3A_476 = arith.constant 1024 : i32
    %parallel_loop3A_477 = arith.constant 1 : i32
    scf.for %parallel_loop3A_1280 = %parallel_loop3A_475 to %parallel_loop3A_476 step %parallel_loop3A_477  : i32 {
      %parallel_loop3A_1281 = arith.constant 6 : i32
      %parallel_loop3A_1282 = arith.shrsi %parallel_loop3A_1280, %parallel_loop3A_1281 : i32
      %parallel_loop3A_1283 = arith.constant 63 : i32
      %parallel_loop3A_1284 = arith.andi %parallel_loop3A_1280, %parallel_loop3A_1283 : i32
      %parallel_loop3A_1285 = arith.constant 4 : i32
      %parallel_loop3A_1286 = arith.shli %parallel_loop3A_1284, %parallel_loop3A_1285 : i32
      %parallel_loop3A_1287 = tpu.assume_multiple %parallel_loop3A_1286, 16 : i32
      %parallel_loop3A_1288 = arith.index_cast %parallel_loop3A_1282 : i32 to index
      %parallel_loop3A_1289 = arith.index_cast %parallel_loop3A_1287 : i32 to index
      %parallel_loop3A_1290 = tpu.vector_load %arg7[%parallel_loop3A_1288, %parallel_loop3A_1289] {strides = array<i32>} : memref<16x1024xf32, #tpu.memory_space<vmem>>, vector<1x16xf32>,
      %parallel_loop3A_1291 = vector.shape_cast %parallel_loop3A_1290 : vector<1x16xf32> to vector<16xf32>
      %parallel_loop3A_1292 = arith.index_cast %parallel_loop3A_1282 : i32 to index
      %parallel_loop3A_1293 = arith.index_cast %parallel_loop3A_1287 : i32 to index
      %parallel_loop3A_1294 = tpu.vector_load %arg10[%parallel_loop3A_1292, %parallel_loop3A_1293] {strides = array<i32>} : memref<16x1024xf32, #tpu.memory_space<vmem>>, vector<1x16xf32>,
      %parallel_loop3A_1295 = vector.shape_cast %parallel_loop3A_1294 : vector<1x16xf32> to vector<16xf32>
      %parallel_loop3A_1296 = vector.shape_cast %parallel_loop3A_1291 : vector<16xf32> to vector<1x16xf32>
      tpu.vector_store %arg10[%parallel_loop3A_1292, %parallel_loop3A_1293], %parallel_loop3A_1296 {add = true, strides = array<i32>} : memref<16x1024xf32, #tpu.memory_space<vmem>>, vector<1x16xf32>,
    } {sc.loop_unroll_factor = 8 : i64, sc.parallel_access}
    %add3A_478 = arith.constant 32 : i32
    %add3A_479 = arith.addi %mul3A_2, %add3A_478 : i32
    %dma_start3A_480 = arith.constant 3 : i32
    %dma_start3A_481 = arith.constant 0 : i32
    %dma_start3A_482 = tpu.memref_slice %arg5[%dma_start3A_480, %add3A_479, %dma_start3A_481] : memref<4x4096x1024xf32, #tpu.memory_space<hbm>> -> memref<1x16x1024xf32, #tpu.memory_space<hbm>>
    %dma_start3A_483 = tpu.memref_squeeze %dma_start3A_482 : memref<1x16x1024xf32, #tpu.memory_space<hbm>> -> memref<16x1024xf32, #tpu.memory_space<hbm>>
    %dma_start3A_484 = arith.constant 0 : i32
    %dma_start3A_485 = tpu.memref_slice %arg5[%dma_start3A_480, %add3A_479, %dma_start3A_484] : memref<4x4096x1024xf32, #tpu.memory_space<hbm>> -> memref<1x16x1024xf32, #tpu.memory_space<hbm>>
    %dma_start3A_486 = tpu.memref_squeeze %dma_start3A_485 : memref<1x16x1024xf32, #tpu.memory_space<hbm>> -> memref<16x1024xf32, #tpu.memory_space<hbm>>
    tpu.enqueue_dma source(%arg10 : memref<16x1024xf32, #tpu.memory_space<vmem>>) target(%dma_start3A_486 : memref<16x1024xf32, #tpu.memory_space<hbm>>) target_semaphore(%arg22 : memref<!tpu.dma_semaphore, #tpu.memory_space<semaphore_mem>>)
    %dma_start3A_487 = arith.constant 0 : i32
    %dma_start3A_488 = arith.constant 64 : i32
    %dma_start3A_489 = tpu.memref_slice %arg6[%dma_start3A_488] : memref<128xi32, #tpu.memory_space<vmem>> -> memref<16xi32, #tpu.memory_space<vmem>>
    %dma_start3A_490 = arith.constant 0 : i32
    %dma_start3A_491 = arith.constant 0 : i32
    %dma_start3A_492 = tpu.memref_slice %arg4[%dma_start3A_487, %dma_start3A_490, %dma_start3A_491] : memref<1x8192x1024xf32, #tpu.memory_space<hbm>> -> memref<1x8192x1024xf32, #tpu.memory_space<hbm>>
    %dma_start3A_493 = tpu.memref_squeeze %dma_start3A_492 : memref<1x8192x1024xf32, #tpu.memory_space<hbm>> -> memref<8192x1024xf32, #tpu.memory_space<hbm>>
    %dma_start3A_494 = arith.constant 0 : i32
    %dma_start3A_495 = arith.constant 0 : i32
    %dma_start3A_496 = tpu.memref_slice %dma_start3A_493[%dma_start3A_494, %dma_start3A_495] : memref<8192x1024xf32, #tpu.memory_space<hbm>> -> memref<8192x1024xf32, #tpu.memory_space<hbm>>
    tpu.enqueue_indirect_dma source(%dma_start3A_496 : memref<8192x1024xf32, #tpu.memory_space<hbm>>) target(%arg7 : memref<16x1024xf32, #tpu.memory_space<vmem>>) offsets(%dma_start3A_489 : memref<16xi32, #tpu.memory_space<vmem>>) semaphore(%arg14 : memref<!tpu.dma_semaphore, #tpu.memory_space<semaphore_mem>>)
    %dma_wait3A_497 = arith.constant 0 : i32
    %dma_wait3A_498 = arith.constant 48 : i32
    %dma_wait3A_499 = tpu.memref_slice %arg6[%dma_wait3A_498] : memref<128xi32, #tpu.memory_space<vmem>> -> memref<16xi32, #tpu.memory_space<vmem>>
    %dma_wait3A_500 = arith.constant 0 : i32
    %dma_wait3A_501 = arith.constant 0 : i32
    %dma_wait3A_502 = tpu.memref_slice %arg4[%dma_wait3A_497, %dma_wait3A_500, %dma_wait3A_501] : memref<1x8192x1024xf32, #tpu.memory_space<hbm>> -> memref<1x8192x1024xf32, #tpu.memory_space<hbm>>
    %dma_wait3A_503 = tpu.memref_squeeze %dma_wait3A_502 : memref<1x8192x1024xf32, #tpu.memory_space<hbm>> -> memref<8192x1024xf32, #tpu.memory_space<hbm>>
    %dma_wait3A_504 = arith.constant 0 : i32
    %dma_wait3A_505 = arith.constant 0 : i32
    %dma_wait3A_506 = tpu.memref_slice %dma_wait3A_503[%dma_wait3A_504, %dma_wait3A_505] : memref<8192x1024xf32, #tpu.memory_space<hbm>> -> memref<8192x1024xf32, #tpu.memory_space<hbm>>
    tpu.wait_indirect_dma semaphore(%arg15 : memref<!tpu.dma_semaphore, #tpu.memory_space<semaphore_mem>>) src(%dma_wait3A_506 : memref<8192x1024xf32, #tpu.memory_space<hbm>>) dst(%arg8 : memref<16x1024xf32, #tpu.memory_space<vmem>>)
    %dma_wait3A_507 = arith.constant 1 : i32
    %dma_wait3A_508 = arith.constant 0 : i32
    %dma_wait3A_509 = tpu.memref_slice %arg5[%dma_wait3A_507, %add3A_409, %dma_wait3A_508] : memref<4x4096x1024xf32, #tpu.memory_space<hbm>> -> memref<1x16x1024xf32, #tpu.memory_space<hbm>>
    %dma_wait3A_510 = tpu.memref_squeeze %dma_wait3A_509 : memref<1x16x1024xf32, #tpu.memory_space<hbm>> -> memref<16x1024xf32, #tpu.memory_space<hbm>>
    %dma_wait3A_511 = arith.constant 0 : i32
    %dma_wait3A_512 = tpu.memref_slice %arg5[%dma_wait3A_507, %add3A_409, %dma_wait3A_511] : memref<4x4096x1024xf32, #tpu.memory_space<hbm>> -> memref<1x16x1024xf32, #tpu.memory_space<hbm>>
    %dma_wait3A_513 = tpu.memref_squeeze %dma_wait3A_512 : memref<1x16x1024xf32, #tpu.memory_space<hbm>> -> memref<16x1024xf32, #tpu.memory_space<hbm>>
    tpu.wait_dma2 semaphore(%arg25 : memref<!tpu.dma_semaphore, #tpu.memory_space<semaphore_mem>>) src(%arg13 : memref<16x1024xf32, #tpu.memory_space<vmem>>) dst(%dma_wait3A_513 : memref<16x1024xf32, #tpu.memory_space<hbm>>)
    %add3A_514 = arith.constant 48 : i32
    %add3A_515 = arith.addi %mul3A_2, %add3A_514 : i32
    %dma_start3A_516 = arith.constant 2 : i32
    %dma_start3A_517 = arith.constant 0 : i32
    %dma_start3A_518 = tpu.memref_slice %arg2[%dma_start3A_516, %add3A_515, %dma_start3A_517] : memref<4x4096x1024xf32, #tpu.memory_space<hbm>> -> memref<1x16x1024xf32, #tpu.memory_space<hbm>>
    %dma_start3A_519 = tpu.memref_squeeze %dma_start3A_518 : memref<1x16x1024xf32, #tpu.memory_space<hbm>> -> memref<16x1024xf32, #tpu.memory_space<hbm>>
    %dma_start3A_520 = arith.constant 0 : i32
    %dma_start3A_521 = tpu.memref_slice %arg2[%dma_start3A_516, %add3A_515, %dma_start3A_520] : memref<4x4096x1024xf32, #tpu.memory_space<hbm>> -> memref<1x16x1024xf32, #tpu.memory_space<hbm>>
    %dma_start3A_522 = tpu.memref_squeeze %dma_start3A_521 : memref<1x16x1024xf32, #tpu.memory_space<hbm>> -> memref<16x1024xf32, #tpu.memory_space<hbm>>
    tpu.enqueue_dma source(%dma_start3A_522 : memref<16x1024xf32, #tpu.memory_space<hbm>>) target(%arg13 : memref<16x1024xf32, #tpu.memory_space<vmem>>) target_semaphore(%arg20 : memref<!tpu.dma_semaphore, #tpu.memory_space<semaphore_mem>>)
    %dma_wait3A_523 = arith.constant 0 : i32
    %dma_wait3A_524 = arith.constant 0 : i32
    %dma_wait3A_525 = tpu.memref_slice %arg2[%dma_wait3A_523, %add3A_425, %dma_wait3A_524] : memref<4x4096x1024xf32, #tpu.memory_space<hbm>> -> memref<1x16x1024xf32, #tpu.memory_space<hbm>>
    %dma_wait3A_526 = tpu.memref_squeeze %dma_wait3A_525 : memref<1x16x1024xf32, #tpu.memory_space<hbm>> -> memref<16x1024xf32, #tpu.memory_space<hbm>>
    %dma_wait3A_527 = arith.constant 0 : i32
    %dma_wait3A_528 = tpu.memref_slice %arg2[%dma_wait3A_523, %add3A_425, %dma_wait3A_527] : memref<4x4096x1024xf32, #tpu.memory_space<hbm>> -> memref<1x16x1024xf32, #tpu.memory_space<hbm>>
    %dma_wait3A_529 = tpu.memref_squeeze %dma_wait3A_528 : memref<1x16x1024xf32, #tpu.memory_space<hbm>> -> memref<16x1024xf32, #tpu.memory_space<hbm>>
    tpu.wait_dma2 semaphore(%arg18 : memref<!tpu.dma_semaphore, #tpu.memory_space<semaphore_mem>>) src(%dma_wait3A_529 : memref<16x1024xf32, #tpu.memory_space<hbm>>) dst(%arg11 : memref<16x1024xf32, #tpu.memory_space<vmem>>)
    %parallel_loop3A_530 = arith.constant 0 : i32
    %parallel_loop3A_531 = arith.constant 1024 : i32
    %parallel_loop3A_532 = arith.constant 1 : i32
    scf.for %parallel_loop3A_1280 = %parallel_loop3A_530 to %parallel_loop3A_531 step %parallel_loop3A_532  : i32 {
      %parallel_loop3A_1281 = arith.constant 6 : i32
      %parallel_loop3A_1282 = arith.shrsi %parallel_loop3A_1280, %parallel_loop3A_1281 : i32
      %parallel_loop3A_1283 = arith.constant 63 : i32
      %parallel_loop3A_1284 = arith.andi %parallel_loop3A_1280, %parallel_loop3A_1283 : i32
      %parallel_loop3A_1285 = arith.constant 4 : i32
      %parallel_loop3A_1286 = arith.shli %parallel_loop3A_1284, %parallel_loop3A_1285 : i32
      %parallel_loop3A_1287 = tpu.assume_multiple %parallel_loop3A_1286, 16 : i32
      %parallel_loop3A_1288 = arith.index_cast %parallel_loop3A_1282 : i32 to index
      %parallel_loop3A_1289 = arith.index_cast %parallel_loop3A_1287 : i32 to index
      %parallel_loop3A_1290 = tpu.vector_load %arg8[%parallel_loop3A_1288, %parallel_loop3A_1289] {strides = array<i32>} : memref<16x1024xf32, #tpu.memory_space<vmem>>, vector<1x16xf32>,
      %parallel_loop3A_1291 = vector.shape_cast %parallel_loop3A_1290 : vector<1x16xf32> to vector<16xf32>
      %parallel_loop3A_1292 = arith.index_cast %parallel_loop3A_1282 : i32 to index
      %parallel_loop3A_1293 = arith.index_cast %parallel_loop3A_1287 : i32 to index
      %parallel_loop3A_1294 = tpu.vector_load %arg11[%parallel_loop3A_1292, %parallel_loop3A_1293] {strides = array<i32>} : memref<16x1024xf32, #tpu.memory_space<vmem>>, vector<1x16xf32>,
      %parallel_loop3A_1295 = vector.shape_cast %parallel_loop3A_1294 : vector<1x16xf32> to vector<16xf32>
      %parallel_loop3A_1296 = vector.shape_cast %parallel_loop3A_1291 : vector<16xf32> to vector<1x16xf32>
      tpu.vector_store %arg11[%parallel_loop3A_1292, %parallel_loop3A_1293], %parallel_loop3A_1296 {add = true, strides = array<i32>} : memref<16x1024xf32, #tpu.memory_space<vmem>>, vector<1x16xf32>,
    } {sc.loop_unroll_factor = 8 : i64, sc.parallel_access}
    %add3A_533 = arith.constant 48 : i32
    %add3A_534 = arith.addi %mul3A_2, %add3A_533 : i32
    %dma_start3A_535 = arith.constant 0 : i32
    %dma_start3A_536 = arith.constant 0 : i32
    %dma_start3A_537 = tpu.memref_slice %arg5[%dma_start3A_535, %add3A_534, %dma_start3A_536] : memref<4x4096x1024xf32, #tpu.memory_space<hbm>> -> memref<1x16x1024xf32, #tpu.memory_space<hbm>>
    %dma_start3A_538 = tpu.memref_squeeze %dma_start3A_537 : memref<1x16x1024xf32, #tpu.memory_space<hbm>> -> memref<16x1024xf32, #tpu.memory_space<hbm>>
    %dma_start3A_539 = arith.constant 0 : i32
    %dma_start3A_540 = tpu.memref_slice %arg5[%dma_start3A_535, %add3A_534, %dma_start3A_539] : memref<4x4096x1024xf32, #tpu.memory_space<hbm>> -> memref<1x16x1024xf32, #tpu.memory_space<hbm>>
    %dma_start3A_541 = tpu.memref_squeeze %dma_start3A_540 : memref<1x16x1024xf32, #tpu.memory_space<hbm>> -> memref<16x1024xf32, #tpu.memory_space<hbm>>
    tpu.enqueue_dma source(%arg11 : memref<16x1024xf32, #tpu.memory_space<vmem>>) target(%dma_start3A_541 : memref<16x1024xf32, #tpu.memory_space<hbm>>) target_semaphore(%arg23 : memref<!tpu.dma_semaphore, #tpu.memory_space<semaphore_mem>>)
    %dma_wait3A_542 = arith.constant 2 : i32
    %dma_wait3A_543 = arith.constant 0 : i32
    %dma_wait3A_544 = tpu.memref_slice %arg5[%dma_wait3A_542, %add3A_444, %dma_wait3A_543] : memref<4x4096x1024xf32, #tpu.memory_space<hbm>> -> memref<1x16x1024xf32, #tpu.memory_space<hbm>>
    %dma_wait3A_545 = tpu.memref_squeeze %dma_wait3A_544 : memref<1x16x1024xf32, #tpu.memory_space<hbm>> -> memref<16x1024xf32, #tpu.memory_space<hbm>>
    %dma_wait3A_546 = arith.constant 0 : i32
    %dma_wait3A_547 = tpu.memref_slice %arg5[%dma_wait3A_542, %add3A_444, %dma_wait3A_546] : memref<4x4096x1024xf32, #tpu.memory_space<hbm>> -> memref<1x16x1024xf32, #tpu.memory_space<hbm>>
    %dma_wait3A_548 = tpu.memref_squeeze %dma_wait3A_547 : memref<1x16x1024xf32, #tpu.memory_space<hbm>> -> memref<16x1024xf32, #tpu.memory_space<hbm>>
    tpu.wait_dma2 semaphore(%arg21 : memref<!tpu.dma_semaphore, #tpu.memory_space<semaphore_mem>>) src(%arg9 : memref<16x1024xf32, #tpu.memory_space<vmem>>) dst(%dma_wait3A_548 : memref<16x1024xf32, #tpu.memory_space<hbm>>)
    %add3A_549 = arith.constant 48 : i32
    %add3A_550 = arith.addi %mul3A_2, %add3A_549 : i32
    %dma_start3A_551 = arith.constant 3 : i32
    %dma_start3A_552 = arith.constant 0 : i32
    %dma_start3A_553 = tpu.memref_slice %arg2[%dma_start3A_551, %add3A_550, %dma_start3A_552] : memref<4x4096x1024xf32, #tpu.memory_space<hbm>> -> memref<1x16x1024xf32, #tpu.memory_space<hbm>>
    %dma_start3A_554 = tpu.memref_squeeze %dma_start3A_553 : memref<1x16x1024xf32, #tpu.memory_space<hbm>> -> memref<16x1024xf32, #tpu.memory_space<hbm>>
    %dma_start3A_555 = arith.constant 0 : i32
    %dma_start3A_556 = tpu.memref_slice %arg2[%dma_start3A_551, %add3A_550, %dma_start3A_555] : memref<4x4096x1024xf32, #tpu.memory_space<hbm>> -> memref<1x16x1024xf32, #tpu.memory_space<hbm>>
    %dma_start3A_557 = tpu.memref_squeeze %dma_start3A_556 : memref<1x16x1024xf32, #tpu.memory_space<hbm>> -> memref<16x1024xf32, #tpu.memory_space<hbm>>
    tpu.enqueue_dma source(%dma_start3A_557 : memref<16x1024xf32, #tpu.memory_space<hbm>>) target(%arg9 : memref<16x1024xf32, #tpu.memory_space<vmem>>) target_semaphore(%arg16 : memref<!tpu.dma_semaphore, #tpu.memory_space<semaphore_mem>>)
    %dma_wait3A_558 = arith.constant 1 : i32
    %dma_wait3A_559 = arith.constant 0 : i32
    %dma_wait3A_560 = tpu.memref_slice %arg2[%dma_wait3A_558, %add3A_460, %dma_wait3A_559] : memref<4x4096x1024xf32, #tpu.memory_space<hbm>> -> memref<1x16x1024xf32, #tpu.memory_space<hbm>>
    %dma_wait3A_561 = tpu.memref_squeeze %dma_wait3A_560 : memref<1x16x1024xf32, #tpu.memory_space<hbm>> -> memref<16x1024xf32, #tpu.memory_space<hbm>>
    %dma_wait3A_562 = arith.constant 0 : i32
    %dma_wait3A_563 = tpu.memref_slice %arg2[%dma_wait3A_558, %add3A_460, %dma_wait3A_562] : memref<4x4096x1024xf32, #tpu.memory_space<hbm>> -> memref<1x16x1024xf32, #tpu.memory_space<hbm>>
    %dma_wait3A_564 = tpu.memref_squeeze %dma_wait3A_563 : memref<1x16x1024xf32, #tpu.memory_space<hbm>> -> memref<16x1024xf32, #tpu.memory_space<hbm>>
    tpu.wait_dma2 semaphore(%arg19 : memref<!tpu.dma_semaphore, #tpu.memory_space<semaphore_mem>>) src(%dma_wait3A_564 : memref<16x1024xf32, #tpu.memory_space<hbm>>) dst(%arg12 : memref<16x1024xf32, #tpu.memory_space<vmem>>)
    %parallel_loop3A_565 = arith.constant 0 : i32
    %parallel_loop3A_566 = arith.constant 1024 : i32
    %parallel_loop3A_567 = arith.constant 1 : i32
    scf.for %parallel_loop3A_1280 = %parallel_loop3A_565 to %parallel_loop3A_566 step %parallel_loop3A_567  : i32 {
      %parallel_loop3A_1281 = arith.constant 6 : i32
      %parallel_loop3A_1282 = arith.shrsi %parallel_loop3A_1280, %parallel_loop3A_1281 : i32
      %parallel_loop3A_1283 = arith.constant 63 : i32
      %parallel_loop3A_1284 = arith.andi %parallel_loop3A_1280, %parallel_loop3A_1283 : i32
      %parallel_loop3A_1285 = arith.constant 4 : i32
      %parallel_loop3A_1286 = arith.shli %parallel_loop3A_1284, %parallel_loop3A_1285 : i32
      %parallel_loop3A_1287 = tpu.assume_multiple %parallel_loop3A_1286, 16 : i32
      %parallel_loop3A_1288 = arith.index_cast %parallel_loop3A_1282 : i32 to index
      %parallel_loop3A_1289 = arith.index_cast %parallel_loop3A_1287 : i32 to index
      %parallel_loop3A_1290 = tpu.vector_load %arg8[%parallel_loop3A_1288, %parallel_loop3A_1289] {strides = array<i32>} : memref<16x1024xf32, #tpu.memory_space<vmem>>, vector<1x16xf32>,
      %parallel_loop3A_1291 = vector.shape_cast %parallel_loop3A_1290 : vector<1x16xf32> to vector<16xf32>
      %parallel_loop3A_1292 = arith.index_cast %parallel_loop3A_1282 : i32 to index
      %parallel_loop3A_1293 = arith.index_cast %parallel_loop3A_1287 : i32 to index
      %parallel_loop3A_1294 = tpu.vector_load %arg12[%parallel_loop3A_1292, %parallel_loop3A_1293] {strides = array<i32>} : memref<16x1024xf32, #tpu.memory_space<vmem>>, vector<1x16xf32>,
      %parallel_loop3A_1295 = vector.shape_cast %parallel_loop3A_1294 : vector<1x16xf32> to vector<16xf32>
      %parallel_loop3A_1296 = vector.shape_cast %parallel_loop3A_1291 : vector<16xf32> to vector<1x16xf32>
      tpu.vector_store %arg12[%parallel_loop3A_1292, %parallel_loop3A_1293], %parallel_loop3A_1296 {add = true, strides = array<i32>} : memref<16x1024xf32, #tpu.memory_space<vmem>>, vector<1x16xf32>,
    } {sc.loop_unroll_factor = 8 : i64, sc.parallel_access}
    %add3A_568 = arith.constant 48 : i32
    %add3A_569 = arith.addi %mul3A_2, %add3A_568 : i32
    %dma_start3A_570 = arith.constant 1 : i32
    %dma_start3A_571 = arith.constant 0 : i32
    %dma_start3A_572 = tpu.memref_slice %arg5[%dma_start3A_570, %add3A_569, %dma_start3A_571] : memref<4x4096x1024xf32, #tpu.memory_space<hbm>> -> memref<1x16x1024xf32, #tpu.memory_space<hbm>>
    %dma_start3A_573 = tpu.memref_squeeze %dma_start3A_572 : memref<1x16x1024xf32, #tpu.memory_space<hbm>> -> memref<16x1024xf32, #tpu.memory_space<hbm>>
    %dma_start3A_574 = arith.constant 0 : i32
    %dma_start3A_575 = tpu.memref_slice %arg5[%dma_start3A_570, %add3A_569, %dma_start3A_574] : memref<4x4096x1024xf32, #tpu.memory_space<hbm>> -> memref<1x16x1024xf32, #tpu.memory_space<hbm>>
    %dma_start3A_576 = tpu.memref_squeeze %dma_start3A_575 : memref<1x16x1024xf32, #tpu.memory_space<hbm>> -> memref<16x1024xf32, #tpu.memory_space<hbm>>
    tpu.enqueue_dma source(%arg12 : memref<16x1024xf32, #tpu.memory_space<vmem>>) target(%dma_start3A_576 : memref<16x1024xf32, #tpu.memory_space<hbm>>) target_semaphore(%arg24 : memref<!tpu.dma_semaphore, #tpu.memory_space<semaphore_mem>>)
    %dma_wait3A_577 = arith.constant 3 : i32
    %dma_wait3A_578 = arith.constant 0 : i32
    %dma_wait3A_579 = tpu.memref_slice %arg5[%dma_wait3A_577, %add3A_479, %dma_wait3A_578] : memref<4x4096x1024xf32, #tpu.memory_space<hbm>> -> memref<1x16x1024xf32, #tpu.memory_space<hbm>>
    %dma_wait3A_580 = tpu.memref_squeeze %dma_wait3A_579 : memref<1x16x1024xf32, #tpu.memory_space<hbm>> -> memref<16x1024xf32, #tpu.memory_space<hbm>>
    %dma_wait3A_581 = arith.constant 0 : i32
    %dma_wait3A_582 = tpu.memref_slice %arg5[%dma_wait3A_577, %add3A_479, %dma_wait3A_581] : memref<4x4096x1024xf32, #tpu.memory_space<hbm>> -> memref<1x16x1024xf32, #tpu.memory_space<hbm>>
    %dma_wait3A_583 = tpu.memref_squeeze %dma_wait3A_582 : memref<1x16x1024xf32, #tpu.memory_space<hbm>> -> memref<16x1024xf32, #tpu.memory_space<hbm>>
    tpu.wait_dma2 semaphore(%arg22 : memref<!tpu.dma_semaphore, #tpu.memory_space<semaphore_mem>>) src(%arg10 : memref<16x1024xf32, #tpu.memory_space<vmem>>) dst(%dma_wait3A_583 : memref<16x1024xf32, #tpu.memory_space<hbm>>)
    %add3A_584 = arith.constant 64 : i32
    %add3A_585 = arith.addi %mul3A_2, %add3A_584 : i32
    %dma_start3A_586 = arith.constant 0 : i32
    %dma_start3A_587 = arith.constant 0 : i32
    %dma_start3A_588 = tpu.memref_slice %arg2[%dma_start3A_586, %add3A_585, %dma_start3A_587] : memref<4x4096x1024xf32, #tpu.memory_space<hbm>> -> memref<1x16x1024xf32, #tpu.memory_space<hbm>>
    %dma_start3A_589 = tpu.memref_squeeze %dma_start3A_588 : memref<1x16x1024xf32, #tpu.memory_space<hbm>> -> memref<16x1024xf32, #tpu.memory_space<hbm>>
    %dma_start3A_590 = arith.constant 0 : i32
    %dma_start3A_591 = tpu.memref_slice %arg2[%dma_start3A_586, %add3A_585, %dma_start3A_590] : memref<4x4096x1024xf32, #tpu.memory_space<hbm>> -> memref<1x16x1024xf32, #tpu.memory_space<hbm>>
    %dma_start3A_592 = tpu.memref_squeeze %dma_start3A_591 : memref<1x16x1024xf32, #tpu.memory_space<hbm>> -> memref<16x1024xf32, #tpu.memory_space<hbm>>
    tpu.enqueue_dma source(%dma_start3A_592 : memref<16x1024xf32, #tpu.memory_space<hbm>>) target(%arg10 : memref<16x1024xf32, #tpu.memory_space<vmem>>) target_semaphore(%arg17 : memref<!tpu.dma_semaphore, #tpu.memory_space<semaphore_mem>>)
    %dma_wait3A_593 = arith.constant 2 : i32
    %dma_wait3A_594 = arith.constant 0 : i32
    %dma_wait3A_595 = tpu.memref_slice %arg2[%dma_wait3A_593, %add3A_515, %dma_wait3A_594] : memref<4x4096x1024xf32, #tpu.memory_space<hbm>> -> memref<1x16x1024xf32, #tpu.memory_space<hbm>>
    %dma_wait3A_596 = tpu.memref_squeeze %dma_wait3A_595 : memref<1x16x1024xf32, #tpu.memory_space<hbm>> -> memref<16x1024xf32, #tpu.memory_space<hbm>>
    %dma_wait3A_597 = arith.constant 0 : i32
    %dma_wait3A_598 = tpu.memref_slice %arg2[%dma_wait3A_593, %add3A_515, %dma_wait3A_597] : memref<4x4096x1024xf32, #tpu.memory_space<hbm>> -> memref<1x16x1024xf32, #tpu.memory_space<hbm>>
    %dma_wait3A_599 = tpu.memref_squeeze %dma_wait3A_598 : memref<1x16x1024xf32, #tpu.memory_space<hbm>> -> memref<16x1024xf32, #tpu.memory_space<hbm>>
    tpu.wait_dma2 semaphore(%arg20 : memref<!tpu.dma_semaphore, #tpu.memory_space<semaphore_mem>>) src(%dma_wait3A_599 : memref<16x1024xf32, #tpu.memory_space<hbm>>) dst(%arg13 : memref<16x1024xf32, #tpu.memory_space<vmem>>)
    %parallel_loop3A_600 = arith.constant 0 : i32
    %parallel_loop3A_601 = arith.constant 1024 : i32
    %parallel_loop3A_602 = arith.constant 1 : i32
    scf.for %parallel_loop3A_1280 = %parallel_loop3A_600 to %parallel_loop3A_601 step %parallel_loop3A_602  : i32 {
      %parallel_loop3A_1281 = arith.constant 6 : i32
      %parallel_loop3A_1282 = arith.shrsi %parallel_loop3A_1280, %parallel_loop3A_1281 : i32
      %parallel_loop3A_1283 = arith.constant 63 : i32
      %parallel_loop3A_1284 = arith.andi %parallel_loop3A_1280, %parallel_loop3A_1283 : i32
      %parallel_loop3A_1285 = arith.constant 4 : i32
      %parallel_loop3A_1286 = arith.shli %parallel_loop3A_1284, %parallel_loop3A_1285 : i32
      %parallel_loop3A_1287 = tpu.assume_multiple %parallel_loop3A_1286, 16 : i32
      %parallel_loop3A_1288 = arith.index_cast %parallel_loop3A_1282 : i32 to index
      %parallel_loop3A_1289 = arith.index_cast %parallel_loop3A_1287 : i32 to index
      %parallel_loop3A_1290 = tpu.vector_load %arg8[%parallel_loop3A_1288, %parallel_loop3A_1289] {strides = array<i32>} : memref<16x1024xf32, #tpu.memory_space<vmem>>, vector<1x16xf32>,
      %parallel_loop3A_1291 = vector.shape_cast %parallel_loop3A_1290 : vector<1x16xf32> to vector<16xf32>
      %parallel_loop3A_1292 = arith.index_cast %parallel_loop3A_1282 : i32 to index
      %parallel_loop3A_1293 = arith.index_cast %parallel_loop3A_1287 : i32 to index
      %parallel_loop3A_1294 = tpu.vector_load %arg13[%parallel_loop3A_1292, %parallel_loop3A_1293] {strides = array<i32>} : memref<16x1024xf32, #tpu.memory_space<vmem>>, vector<1x16xf32>,
      %parallel_loop3A_1295 = vector.shape_cast %parallel_loop3A_1294 : vector<1x16xf32> to vector<16xf32>
      %parallel_loop3A_1296 = vector.shape_cast %parallel_loop3A_1291 : vector<16xf32> to vector<1x16xf32>
      tpu.vector_store %arg13[%parallel_loop3A_1292, %parallel_loop3A_1293], %parallel_loop3A_1296 {add = true, strides = array<i32>} : memref<16x1024xf32, #tpu.memory_space<vmem>>, vector<1x16xf32>,
    } {sc.loop_unroll_factor = 8 : i64, sc.parallel_access}
    %add3A_603 = arith.constant 48 : i32
    %add3A_604 = arith.addi %mul3A_2, %add3A_603 : i32
    %dma_start3A_605 = arith.constant 2 : i32
    %dma_start3A_606 = arith.constant 0 : i32
    %dma_start3A_607 = tpu.memref_slice %arg5[%dma_start3A_605, %add3A_604, %dma_start3A_606] : memref<4x4096x1024xf32, #tpu.memory_space<hbm>> -> memref<1x16x1024xf32, #tpu.memory_space<hbm>>
    %dma_start3A_608 = tpu.memref_squeeze %dma_start3A_607 : memref<1x16x1024xf32, #tpu.memory_space<hbm>> -> memref<16x1024xf32, #tpu.memory_space<hbm>>
    %dma_start3A_609 = arith.constant 0 : i32
    %dma_start3A_610 = tpu.memref_slice %arg5[%dma_start3A_605, %add3A_604, %dma_start3A_609] : memref<4x4096x1024xf32, #tpu.memory_space<hbm>> -> memref<1x16x1024xf32, #tpu.memory_space<hbm>>
    %dma_start3A_611 = tpu.memref_squeeze %dma_start3A_610 : memref<1x16x1024xf32, #tpu.memory_space<hbm>> -> memref<16x1024xf32, #tpu.memory_space<hbm>>
    tpu.enqueue_dma source(%arg13 : memref<16x1024xf32, #tpu.memory_space<vmem>>) target(%dma_start3A_611 : memref<16x1024xf32, #tpu.memory_space<hbm>>) target_semaphore(%arg25 : memref<!tpu.dma_semaphore, #tpu.memory_space<semaphore_mem>>)
    %dma_wait3A_612 = arith.constant 0 : i32
    %dma_wait3A_613 = arith.constant 0 : i32
    %dma_wait3A_614 = tpu.memref_slice %arg5[%dma_wait3A_612, %add3A_534, %dma_wait3A_613] : memref<4x4096x1024xf32, #tpu.memory_space<hbm>> -> memref<1x16x1024xf32, #tpu.memory_space<hbm>>
    %dma_wait3A_615 = tpu.memref_squeeze %dma_wait3A_614 : memref<1x16x1024xf32, #tpu.memory_space<hbm>> -> memref<16x1024xf32, #tpu.memory_space<hbm>>
    %dma_wait3A_616 = arith.constant 0 : i32
    %dma_wait3A_617 = tpu.memref_slice %arg5[%dma_wait3A_612, %add3A_534, %dma_wait3A_616] : memref<4x4096x1024xf32, #tpu.memory_space<hbm>> -> memref<1x16x1024xf32, #tpu.memory_space<hbm>>
    %dma_wait3A_618 = tpu.memref_squeeze %dma_wait3A_617 : memref<1x16x1024xf32, #tpu.memory_space<hbm>> -> memref<16x1024xf32, #tpu.memory_space<hbm>>
    tpu.wait_dma2 semaphore(%arg23 : memref<!tpu.dma_semaphore, #tpu.memory_space<semaphore_mem>>) src(%arg11 : memref<16x1024xf32, #tpu.memory_space<vmem>>) dst(%dma_wait3A_618 : memref<16x1024xf32, #tpu.memory_space<hbm>>)
    %add3A_619 = arith.constant 64 : i32
    %add3A_620 = arith.addi %mul3A_2, %add3A_619 : i32
    %dma_start3A_621 = arith.constant 1 : i32
    %dma_start3A_622 = arith.constant 0 : i32
    %dma_start3A_623 = tpu.memref_slice %arg2[%dma_start3A_621, %add3A_620, %dma_start3A_622] : memref<4x4096x1024xf32, #tpu.memory_space<hbm>> -> memref<1x16x1024xf32, #tpu.memory_space<hbm>>
    %dma_start3A_624 = tpu.memref_squeeze %dma_start3A_623 : memref<1x16x1024xf32, #tpu.memory_space<hbm>> -> memref<16x1024xf32, #tpu.memory_space<hbm>>
    %dma_start3A_625 = arith.constant 0 : i32
    %dma_start3A_626 = tpu.memref_slice %arg2[%dma_start3A_621, %add3A_620, %dma_start3A_625] : memref<4x4096x1024xf32, #tpu.memory_space<hbm>> -> memref<1x16x1024xf32, #tpu.memory_space<hbm>>
    %dma_start3A_627 = tpu.memref_squeeze %dma_start3A_626 : memref<1x16x1024xf32, #tpu.memory_space<hbm>> -> memref<16x1024xf32, #tpu.memory_space<hbm>>
    tpu.enqueue_dma source(%dma_start3A_627 : memref<16x1024xf32, #tpu.memory_space<hbm>>) target(%arg11 : memref<16x1024xf32, #tpu.memory_space<vmem>>) target_semaphore(%arg18 : memref<!tpu.dma_semaphore, #tpu.memory_space<semaphore_mem>>)
    %dma_wait3A_628 = arith.constant 3 : i32
    %dma_wait3A_629 = arith.constant 0 : i32
    %dma_wait3A_630 = tpu.memref_slice %arg2[%dma_wait3A_628, %add3A_550, %dma_wait3A_629] : memref<4x4096x1024xf32, #tpu.memory_space<hbm>> -> memref<1x16x1024xf32, #tpu.memory_space<hbm>>
    %dma_wait3A_631 = tpu.memref_squeeze %dma_wait3A_630 : memref<1x16x1024xf32, #tpu.memory_space<hbm>> -> memref<16x1024xf32, #tpu.memory_space<hbm>>
    %dma_wait3A_632 = arith.constant 0 : i32
    %dma_wait3A_633 = tpu.memref_slice %arg2[%dma_wait3A_628, %add3A_550, %dma_wait3A_632] : memref<4x4096x1024xf32, #tpu.memory_space<hbm>> -> memref<1x16x1024xf32, #tpu.memory_space<hbm>>
    %dma_wait3A_634 = tpu.memref_squeeze %dma_wait3A_633 : memref<1x16x1024xf32, #tpu.memory_space<hbm>> -> memref<16x1024xf32, #tpu.memory_space<hbm>>
    tpu.wait_dma2 semaphore(%arg16 : memref<!tpu.dma_semaphore, #tpu.memory_space<semaphore_mem>>) src(%dma_wait3A_634 : memref<16x1024xf32, #tpu.memory_space<hbm>>) dst(%arg9 : memref<16x1024xf32, #tpu.memory_space<vmem>>)
    %parallel_loop3A_635 = arith.constant 0 : i32
    %parallel_loop3A_636 = arith.constant 1024 : i32
    %parallel_loop3A_637 = arith.constant 1 : i32
    scf.for %parallel_loop3A_1280 = %parallel_loop3A_635 to %parallel_loop3A_636 step %parallel_loop3A_637  : i32 {
      %parallel_loop3A_1281 = arith.constant 6 : i32
      %parallel_loop3A_1282 = arith.shrsi %parallel_loop3A_1280, %parallel_loop3A_1281 : i32
      %parallel_loop3A_1283 = arith.constant 63 : i32
      %parallel_loop3A_1284 = arith.andi %parallel_loop3A_1280, %parallel_loop3A_1283 : i32
      %parallel_loop3A_1285 = arith.constant 4 : i32
      %parallel_loop3A_1286 = arith.shli %parallel_loop3A_1284, %parallel_loop3A_1285 : i32
      %parallel_loop3A_1287 = tpu.assume_multiple %parallel_loop3A_1286, 16 : i32
      %parallel_loop3A_1288 = arith.index_cast %parallel_loop3A_1282 : i32 to index
      %parallel_loop3A_1289 = arith.index_cast %parallel_loop3A_1287 : i32 to index
      %parallel_loop3A_1290 = tpu.vector_load %arg8[%parallel_loop3A_1288, %parallel_loop3A_1289] {strides = array<i32>} : memref<16x1024xf32, #tpu.memory_space<vmem>>, vector<1x16xf32>,
      %parallel_loop3A_1291 = vector.shape_cast %parallel_loop3A_1290 : vector<1x16xf32> to vector<16xf32>
      %parallel_loop3A_1292 = arith.index_cast %parallel_loop3A_1282 : i32 to index
      %parallel_loop3A_1293 = arith.index_cast %parallel_loop3A_1287 : i32 to index
      %parallel_loop3A_1294 = tpu.vector_load %arg9[%parallel_loop3A_1292, %parallel_loop3A_1293] {strides = array<i32>} : memref<16x1024xf32, #tpu.memory_space<vmem>>, vector<1x16xf32>,
      %parallel_loop3A_1295 = vector.shape_cast %parallel_loop3A_1294 : vector<1x16xf32> to vector<16xf32>
      %parallel_loop3A_1296 = vector.shape_cast %parallel_loop3A_1291 : vector<16xf32> to vector<1x16xf32>
      tpu.vector_store %arg9[%parallel_loop3A_1292, %parallel_loop3A_1293], %parallel_loop3A_1296 {add = true, strides = array<i32>} : memref<16x1024xf32, #tpu.memory_space<vmem>>, vector<1x16xf32>,
    } {sc.loop_unroll_factor = 8 : i64, sc.parallel_access}
    %add3A_638 = arith.constant 48 : i32
    %add3A_639 = arith.addi %mul3A_2, %add3A_638 : i32
    %dma_start3A_640 = arith.constant 3 : i32
    %dma_start3A_641 = arith.constant 0 : i32
    %dma_start3A_642 = tpu.memref_slice %arg5[%dma_start3A_640, %add3A_639, %dma_start3A_641] : memref<4x4096x1024xf32, #tpu.memory_space<hbm>> -> memref<1x16x1024xf32, #tpu.memory_space<hbm>>
    %dma_start3A_643 = tpu.memref_squeeze %dma_start3A_642 : memref<1x16x1024xf32, #tpu.memory_space<hbm>> -> memref<16x1024xf32, #tpu.memory_space<hbm>>
    %dma_start3A_644 = arith.constant 0 : i32
    %dma_start3A_645 = tpu.memref_slice %arg5[%dma_start3A_640, %add3A_639, %dma_start3A_644] : memref<4x4096x1024xf32, #tpu.memory_space<hbm>> -> memref<1x16x1024xf32, #tpu.memory_space<hbm>>
    %dma_start3A_646 = tpu.memref_squeeze %dma_start3A_645 : memref<1x16x1024xf32, #tpu.memory_space<hbm>> -> memref<16x1024xf32, #tpu.memory_space<hbm>>
    tpu.enqueue_dma source(%arg9 : memref<16x1024xf32, #tpu.memory_space<vmem>>) target(%dma_start3A_646 : memref<16x1024xf32, #tpu.memory_space<hbm>>) target_semaphore(%arg21 : memref<!tpu.dma_semaphore, #tpu.memory_space<semaphore_mem>>)
    %dma_start3A_647 = arith.constant 0 : i32
    %dma_start3A_648 = arith.constant 80 : i32
    %dma_start3A_649 = tpu.memref_slice %arg6[%dma_start3A_648] : memref<128xi32, #tpu.memory_space<vmem>> -> memref<16xi32, #tpu.memory_space<vmem>>
    %dma_start3A_650 = arith.constant 0 : i32
    %dma_start3A_651 = arith.constant 0 : i32
    %dma_start3A_652 = tpu.memref_slice %arg4[%dma_start3A_647, %dma_start3A_650, %dma_start3A_651] : memref<1x8192x1024xf32, #tpu.memory_space<hbm>> -> memref<1x8192x1024xf32, #tpu.memory_space<hbm>>
    %dma_start3A_653 = tpu.memref_squeeze %dma_start3A_652 : memref<1x8192x1024xf32, #tpu.memory_space<hbm>> -> memref<8192x1024xf32, #tpu.memory_space<hbm>>
    %dma_start3A_654 = arith.constant 0 : i32
    %dma_start3A_655 = arith.constant 0 : i32
    %dma_start3A_656 = tpu.memref_slice %dma_start3A_653[%dma_start3A_654, %dma_start3A_655] : memref<8192x1024xf32, #tpu.memory_space<hbm>> -> memref<8192x1024xf32, #tpu.memory_space<hbm>>
    tpu.enqueue_indirect_dma source(%dma_start3A_656 : memref<8192x1024xf32, #tpu.memory_space<hbm>>) target(%arg8 : memref<16x1024xf32, #tpu.memory_space<vmem>>) offsets(%dma_start3A_649 : memref<16xi32, #tpu.memory_space<vmem>>) semaphore(%arg15 : memref<!tpu.dma_semaphore, #tpu.memory_space<semaphore_mem>>)
    %dma_wait3A_657 = arith.constant 0 : i32
    %dma_wait3A_658 = arith.constant 64 : i32
    %dma_wait3A_659 = tpu.memref_slice %arg6[%dma_wait3A_658] : memref<128xi32, #tpu.memory_space<vmem>> -> memref<16xi32, #tpu.memory_space<vmem>>
    %dma_wait3A_660 = arith.constant 0 : i32
    %dma_wait3A_661 = arith.constant 0 : i32
    %dma_wait3A_662 = tpu.memref_slice %arg4[%dma_wait3A_657, %dma_wait3A_660, %dma_wait3A_661] : memref<1x8192x1024xf32, #tpu.memory_space<hbm>> -> memref<1x8192x1024xf32, #tpu.memory_space<hbm>>
    %dma_wait3A_663 = tpu.memref_squeeze %dma_wait3A_662 : memref<1x8192x1024xf32, #tpu.memory_space<hbm>> -> memref<8192x1024xf32, #tpu.memory_space<hbm>>
    %dma_wait3A_664 = arith.constant 0 : i32
    %dma_wait3A_665 = arith.constant 0 : i32
    %dma_wait3A_666 = tpu.memref_slice %dma_wait3A_663[%dma_wait3A_664, %dma_wait3A_665] : memref<8192x1024xf32, #tpu.memory_space<hbm>> -> memref<8192x1024xf32, #tpu.memory_space<hbm>>
    tpu.wait_indirect_dma semaphore(%arg14 : memref<!tpu.dma_semaphore, #tpu.memory_space<semaphore_mem>>) src(%dma_wait3A_666 : memref<8192x1024xf32, #tpu.memory_space<hbm>>) dst(%arg7 : memref<16x1024xf32, #tpu.memory_space<vmem>>)
    %dma_wait3A_667 = arith.constant 1 : i32
    %dma_wait3A_668 = arith.constant 0 : i32
    %dma_wait3A_669 = tpu.memref_slice %arg5[%dma_wait3A_667, %add3A_569, %dma_wait3A_668] : memref<4x4096x1024xf32, #tpu.memory_space<hbm>> -> memref<1x16x1024xf32, #tpu.memory_space<hbm>>
    %dma_wait3A_670 = tpu.memref_squeeze %dma_wait3A_669 : memref<1x16x1024xf32, #tpu.memory_space<hbm>> -> memref<16x1024xf32, #tpu.memory_space<hbm>>
    %dma_wait3A_671 = arith.constant 0 : i32
    %dma_wait3A_672 = tpu.memref_slice %arg5[%dma_wait3A_667, %add3A_569, %dma_wait3A_671] : memref<4x4096x1024xf32, #tpu.memory_space<hbm>> -> memref<1x16x1024xf32, #tpu.memory_space<hbm>>
    %dma_wait3A_673 = tpu.memref_squeeze %dma_wait3A_672 : memref<1x16x1024xf32, #tpu.memory_space<hbm>> -> memref<16x1024xf32, #tpu.memory_space<hbm>>
    tpu.wait_dma2 semaphore(%arg24 : memref<!tpu.dma_semaphore, #tpu.memory_space<semaphore_mem>>) src(%arg12 : memref<16x1024xf32, #tpu.memory_space<vmem>>) dst(%dma_wait3A_673 : memref<16x1024xf32, #tpu.memory_space<hbm>>)
    %add3A_674 = arith.constant 64 : i32
    %add3A_675 = arith.addi %mul3A_2, %add3A_674 : i32
    %dma_start3A_676 = arith.constant 2 : i32
    %dma_start3A_677 = arith.constant 0 : i32
    %dma_start3A_678 = tpu.memref_slice %arg2[%dma_start3A_676, %add3A_675, %dma_start3A_677] : memref<4x4096x1024xf32, #tpu.memory_space<hbm>> -> memref<1x16x1024xf32, #tpu.memory_space<hbm>>
    %dma_start3A_679 = tpu.memref_squeeze %dma_start3A_678 : memref<1x16x1024xf32, #tpu.memory_space<hbm>> -> memref<16x1024xf32, #tpu.memory_space<hbm>>
    %dma_start3A_680 = arith.constant 0 : i32
    %dma_start3A_681 = tpu.memref_slice %arg2[%dma_start3A_676, %add3A_675, %dma_start3A_680] : memref<4x4096x1024xf32, #tpu.memory_space<hbm>> -> memref<1x16x1024xf32, #tpu.memory_space<hbm>>
    %dma_start3A_682 = tpu.memref_squeeze %dma_start3A_681 : memref<1x16x1024xf32, #tpu.memory_space<hbm>> -> memref<16x1024xf32, #tpu.memory_space<hbm>>
    tpu.enqueue_dma source(%dma_start3A_682 : memref<16x1024xf32, #tpu.memory_space<hbm>>) target(%arg12 : memref<16x1024xf32, #tpu.memory_space<vmem>>) target_semaphore(%arg19 : memref<!tpu.dma_semaphore, #tpu.memory_space<semaphore_mem>>)
    %dma_wait3A_683 = arith.constant 0 : i32
    %dma_wait3A_684 = arith.constant 0 : i32
    %dma_wait3A_685 = tpu.memref_slice %arg2[%dma_wait3A_683, %add3A_585, %dma_wait3A_684] : memref<4x4096x1024xf32, #tpu.memory_space<hbm>> -> memref<1x16x1024xf32, #tpu.memory_space<hbm>>
    %dma_wait3A_686 = tpu.memref_squeeze %dma_wait3A_685 : memref<1x16x1024xf32, #tpu.memory_space<hbm>> -> memref<16x1024xf32, #tpu.memory_space<hbm>>
    %dma_wait3A_687 = arith.constant 0 : i32
    %dma_wait3A_688 = tpu.memref_slice %arg2[%dma_wait3A_683, %add3A_585, %dma_wait3A_687] : memref<4x4096x1024xf32, #tpu.memory_space<hbm>> -> memref<1x16x1024xf32, #tpu.memory_space<hbm>>
    %dma_wait3A_689 = tpu.memref_squeeze %dma_wait3A_688 : memref<1x16x1024xf32, #tpu.memory_space<hbm>> -> memref<16x1024xf32, #tpu.memory_space<hbm>>
    tpu.wait_dma2 semaphore(%arg17 : memref<!tpu.dma_semaphore, #tpu.memory_space<semaphore_mem>>) src(%dma_wait3A_689 : memref<16x1024xf32, #tpu.memory_space<hbm>>) dst(%arg10 : memref<16x1024xf32, #tpu.memory_space<vmem>>)
    %parallel_loop3A_690 = arith.constant 0 : i32
    %parallel_loop3A_691 = arith.constant 1024 : i32
    %parallel_loop3A_692 = arith.constant 1 : i32
    scf.for %parallel_loop3A_1280 = %parallel_loop3A_690 to %parallel_loop3A_691 step %parallel_loop3A_692  : i32 {
      %parallel_loop3A_1281 = arith.constant 6 : i32
      %parallel_loop3A_1282 = arith.shrsi %parallel_loop3A_1280, %parallel_loop3A_1281 : i32
      %parallel_loop3A_1283 = arith.constant 63 : i32
      %parallel_loop3A_1284 = arith.andi %parallel_loop3A_1280, %parallel_loop3A_1283 : i32
      %parallel_loop3A_1285 = arith.constant 4 : i32
      %parallel_loop3A_1286 = arith.shli %parallel_loop3A_1284, %parallel_loop3A_1285 : i32
      %parallel_loop3A_1287 = tpu.assume_multiple %parallel_loop3A_1286, 16 : i32
      %parallel_loop3A_1288 = arith.index_cast %parallel_loop3A_1282 : i32 to index
      %parallel_loop3A_1289 = arith.index_cast %parallel_loop3A_1287 : i32 to index
      %parallel_loop3A_1290 = tpu.vector_load %arg7[%parallel_loop3A_1288, %parallel_loop3A_1289] {strides = array<i32>} : memref<16x1024xf32, #tpu.memory_space<vmem>>, vector<1x16xf32>,
      %parallel_loop3A_1291 = vector.shape_cast %parallel_loop3A_1290 : vector<1x16xf32> to vector<16xf32>
      %parallel_loop3A_1292 = arith.index_cast %parallel_loop3A_1282 : i32 to index
      %parallel_loop3A_1293 = arith.index_cast %parallel_loop3A_1287 : i32 to index
      %parallel_loop3A_1294 = tpu.vector_load %arg10[%parallel_loop3A_1292, %parallel_loop3A_1293] {strides = array<i32>} : memref<16x1024xf32, #tpu.memory_space<vmem>>, vector<1x16xf32>,
      %parallel_loop3A_1295 = vector.shape_cast %parallel_loop3A_1294 : vector<1x16xf32> to vector<16xf32>
      %parallel_loop3A_1296 = vector.shape_cast %parallel_loop3A_1291 : vector<16xf32> to vector<1x16xf32>
      tpu.vector_store %arg10[%parallel_loop3A_1292, %parallel_loop3A_1293], %parallel_loop3A_1296 {add = true, strides = array<i32>} : memref<16x1024xf32, #tpu.memory_space<vmem>>, vector<1x16xf32>,
    } {sc.loop_unroll_factor = 8 : i64, sc.parallel_access}
    %add3A_693 = arith.constant 64 : i32
    %add3A_694 = arith.addi %mul3A_2, %add3A_693 : i32
    %dma_start3A_695 = arith.constant 0 : i32
    %dma_start3A_696 = arith.constant 0 : i32
    %dma_start3A_697 = tpu.memref_slice %arg5[%dma_start3A_695, %add3A_694, %dma_start3A_696] : memref<4x4096x1024xf32, #tpu.memory_space<hbm>> -> memref<1x16x1024xf32, #tpu.memory_space<hbm>>
    %dma_start3A_698 = tpu.memref_squeeze %dma_start3A_697 : memref<1x16x1024xf32, #tpu.memory_space<hbm>> -> memref<16x1024xf32, #tpu.memory_space<hbm>>
    %dma_start3A_699 = arith.constant 0 : i32
    %dma_start3A_700 = tpu.memref_slice %arg5[%dma_start3A_695, %add3A_694, %dma_start3A_699] : memref<4x4096x1024xf32, #tpu.memory_space<hbm>> -> memref<1x16x1024xf32, #tpu.memory_space<hbm>>
    %dma_start3A_701 = tpu.memref_squeeze %dma_start3A_700 : memref<1x16x1024xf32, #tpu.memory_space<hbm>> -> memref<16x1024xf32, #tpu.memory_space<hbm>>
    tpu.enqueue_dma source(%arg10 : memref<16x1024xf32, #tpu.memory_space<vmem>>) target(%dma_start3A_701 : memref<16x1024xf32, #tpu.memory_space<hbm>>) target_semaphore(%arg22 : memref<!tpu.dma_semaphore, #tpu.memory_space<semaphore_mem>>)
    %dma_wait3A_702 = arith.constant 2 : i32
    %dma_wait3A_703 = arith.constant 0 : i32
    %dma_wait3A_704 = tpu.memref_slice %arg5[%dma_wait3A_702, %add3A_604, %dma_wait3A_703] : memref<4x4096x1024xf32, #tpu.memory_space<hbm>> -> memref<1x16x1024xf32, #tpu.memory_space<hbm>>
    %dma_wait3A_705 = tpu.memref_squeeze %dma_wait3A_704 : memref<1x16x1024xf32, #tpu.memory_space<hbm>> -> memref<16x1024xf32, #tpu.memory_space<hbm>>
    %dma_wait3A_706 = arith.constant 0 : i32
    %dma_wait3A_707 = tpu.memref_slice %arg5[%dma_wait3A_702, %add3A_604, %dma_wait3A_706] : memref<4x4096x1024xf32, #tpu.memory_space<hbm>> -> memref<1x16x1024xf32, #tpu.memory_space<hbm>>
    %dma_wait3A_708 = tpu.memref_squeeze %dma_wait3A_707 : memref<1x16x1024xf32, #tpu.memory_space<hbm>> -> memref<16x1024xf32, #tpu.memory_space<hbm>>
    tpu.wait_dma2 semaphore(%arg25 : memref<!tpu.dma_semaphore, #tpu.memory_space<semaphore_mem>>) src(%arg13 : memref<16x1024xf32, #tpu.memory_space<vmem>>) dst(%dma_wait3A_708 : memref<16x1024xf32, #tpu.memory_space<hbm>>)
    %add3A_709 = arith.constant 64 : i32
    %add3A_710 = arith.addi %mul3A_2, %add3A_709 : i32
    %dma_start3A_711 = arith.constant 3 : i32
    %dma_start3A_712 = arith.constant 0 : i32
    %dma_start3A_713 = tpu.memref_slice %arg2[%dma_start3A_711, %add3A_710, %dma_start3A_712] : memref<4x4096x1024xf32, #tpu.memory_space<hbm>> -> memref<1x16x1024xf32, #tpu.memory_space<hbm>>
    %dma_start3A_714 = tpu.memref_squeeze %dma_start3A_713 : memref<1x16x1024xf32, #tpu.memory_space<hbm>> -> memref<16x1024xf32, #tpu.memory_space<hbm>>
    %dma_start3A_715 = arith.constant 0 : i32
    %dma_start3A_716 = tpu.memref_slice %arg2[%dma_start3A_711, %add3A_710, %dma_start3A_715] : memref<4x4096x1024xf32, #tpu.memory_space<hbm>> -> memref<1x16x1024xf32, #tpu.memory_space<hbm>>
    %dma_start3A_717 = tpu.memref_squeeze %dma_start3A_716 : memref<1x16x1024xf32, #tpu.memory_space<hbm>> -> memref<16x1024xf32, #tpu.memory_space<hbm>>
    tpu.enqueue_dma source(%dma_start3A_717 : memref<16x1024xf32, #tpu.memory_space<hbm>>) target(%arg13 : memref<16x1024xf32, #tpu.memory_space<vmem>>) target_semaphore(%arg20 : memref<!tpu.dma_semaphore, #tpu.memory_space<semaphore_mem>>)
    %dma_wait3A_718 = arith.constant 1 : i32
    %dma_wait3A_719 = arith.constant 0 : i32
    %dma_wait3A_720 = tpu.memref_slice %arg2[%dma_wait3A_718, %add3A_620, %dma_wait3A_719] : memref<4x4096x1024xf32, #tpu.memory_space<hbm>> -> memref<1x16x1024xf32, #tpu.memory_space<hbm>>
    %dma_wait3A_721 = tpu.memref_squeeze %dma_wait3A_720 : memref<1x16x1024xf32, #tpu.memory_space<hbm>> -> memref<16x1024xf32, #tpu.memory_space<hbm>>
    %dma_wait3A_722 = arith.constant 0 : i32
    %dma_wait3A_723 = tpu.memref_slice %arg2[%dma_wait3A_718, %add3A_620, %dma_wait3A_722] : memref<4x4096x1024xf32, #tpu.memory_space<hbm>> -> memref<1x16x1024xf32, #tpu.memory_space<hbm>>
    %dma_wait3A_724 = tpu.memref_squeeze %dma_wait3A_723 : memref<1x16x1024xf32, #tpu.memory_space<hbm>> -> memref<16x1024xf32, #tpu.memory_space<hbm>>
    tpu.wait_dma2 semaphore(%arg18 : memref<!tpu.dma_semaphore, #tpu.memory_space<semaphore_mem>>) src(%dma_wait3A_724 : memref<16x1024xf32, #tpu.memory_space<hbm>>) dst(%arg11 : memref<16x1024xf32, #tpu.memory_space<vmem>>)
    %parallel_loop3A_725 = arith.constant 0 : i32
    %parallel_loop3A_726 = arith.constant 1024 : i32
    %parallel_loop3A_727 = arith.constant 1 : i32
    scf.for %parallel_loop3A_1280 = %parallel_loop3A_725 to %parallel_loop3A_726 step %parallel_loop3A_727  : i32 {
      %parallel_loop3A_1281 = arith.constant 6 : i32
      %parallel_loop3A_1282 = arith.shrsi %parallel_loop3A_1280, %parallel_loop3A_1281 : i32
      %parallel_loop3A_1283 = arith.constant 63 : i32
      %parallel_loop3A_1284 = arith.andi %parallel_loop3A_1280, %parallel_loop3A_1283 : i32
      %parallel_loop3A_1285 = arith.constant 4 : i32
      %parallel_loop3A_1286 = arith.shli %parallel_loop3A_1284, %parallel_loop3A_1285 : i32
      %parallel_loop3A_1287 = tpu.assume_multiple %parallel_loop3A_1286, 16 : i32
      %parallel_loop3A_1288 = arith.index_cast %parallel_loop3A_1282 : i32 to index
      %parallel_loop3A_1289 = arith.index_cast %parallel_loop3A_1287 : i32 to index
      %parallel_loop3A_1290 = tpu.vector_load %arg7[%parallel_loop3A_1288, %parallel_loop3A_1289] {strides = array<i32>} : memref<16x1024xf32, #tpu.memory_space<vmem>>, vector<1x16xf32>,
      %parallel_loop3A_1291 = vector.shape_cast %parallel_loop3A_1290 : vector<1x16xf32> to vector<16xf32>
      %parallel_loop3A_1292 = arith.index_cast %parallel_loop3A_1282 : i32 to index
      %parallel_loop3A_1293 = arith.index_cast %parallel_loop3A_1287 : i32 to index
      %parallel_loop3A_1294 = tpu.vector_load %arg11[%parallel_loop3A_1292, %parallel_loop3A_1293] {strides = array<i32>} : memref<16x1024xf32, #tpu.memory_space<vmem>>, vector<1x16xf32>,
      %parallel_loop3A_1295 = vector.shape_cast %parallel_loop3A_1294 : vector<1x16xf32> to vector<16xf32>
      %parallel_loop3A_1296 = vector.shape_cast %parallel_loop3A_1291 : vector<16xf32> to vector<1x16xf32>
      tpu.vector_store %arg11[%parallel_loop3A_1292, %parallel_loop3A_1293], %parallel_loop3A_1296 {add = true, strides = array<i32>} : memref<16x1024xf32, #tpu.memory_space<vmem>>, vector<1x16xf32>,
    } {sc.loop_unroll_factor = 8 : i64, sc.parallel_access}
    %add3A_728 = arith.constant 64 : i32
    %add3A_729 = arith.addi %mul3A_2, %add3A_728 : i32
    %dma_start3A_730 = arith.constant 1 : i32
    %dma_start3A_731 = arith.constant 0 : i32
    %dma_start3A_732 = tpu.memref_slice %arg5[%dma_start3A_730, %add3A_729, %dma_start3A_731] : memref<4x4096x1024xf32, #tpu.memory_space<hbm>> -> memref<1x16x1024xf32, #tpu.memory_space<hbm>>
    %dma_start3A_733 = tpu.memref_squeeze %dma_start3A_732 : memref<1x16x1024xf32, #tpu.memory_space<hbm>> -> memref<16x1024xf32, #tpu.memory_space<hbm>>
    %dma_start3A_734 = arith.constant 0 : i32
    %dma_start3A_735 = tpu.memref_slice %arg5[%dma_start3A_730, %add3A_729, %dma_start3A_734] : memref<4x4096x1024xf32, #tpu.memory_space<hbm>> -> memref<1x16x1024xf32, #tpu.memory_space<hbm>>
    %dma_start3A_736 = tpu.memref_squeeze %dma_start3A_735 : memref<1x16x1024xf32, #tpu.memory_space<hbm>> -> memref<16x1024xf32, #tpu.memory_space<hbm>>
    tpu.enqueue_dma source(%arg11 : memref<16x1024xf32, #tpu.memory_space<vmem>>) target(%dma_start3A_736 : memref<16x1024xf32, #tpu.memory_space<hbm>>) target_semaphore(%arg23 : memref<!tpu.dma_semaphore, #tpu.memory_space<semaphore_mem>>)
    %dma_wait3A_737 = arith.constant 3 : i32
    %dma_wait3A_738 = arith.constant 0 : i32
    %dma_wait3A_739 = tpu.memref_slice %arg5[%dma_wait3A_737, %add3A_639, %dma_wait3A_738] : memref<4x4096x1024xf32, #tpu.memory_space<hbm>> -> memref<1x16x1024xf32, #tpu.memory_space<hbm>>
    %dma_wait3A_740 = tpu.memref_squeeze %dma_wait3A_739 : memref<1x16x1024xf32, #tpu.memory_space<hbm>> -> memref<16x1024xf32, #tpu.memory_space<hbm>>
    %dma_wait3A_741 = arith.constant 0 : i32
    %dma_wait3A_742 = tpu.memref_slice %arg5[%dma_wait3A_737, %add3A_639, %dma_wait3A_741] : memref<4x4096x1024xf32, #tpu.memory_space<hbm>> -> memref<1x16x1024xf32, #tpu.memory_space<hbm>>
    %dma_wait3A_743 = tpu.memref_squeeze %dma_wait3A_742 : memref<1x16x1024xf32, #tpu.memory_space<hbm>> -> memref<16x1024xf32, #tpu.memory_space<hbm>>
    tpu.wait_dma2 semaphore(%arg21 : memref<!tpu.dma_semaphore, #tpu.memory_space<semaphore_mem>>) src(%arg9 : memref<16x1024xf32, #tpu.memory_space<vmem>>) dst(%dma_wait3A_743 : memref<16x1024xf32, #tpu.memory_space<hbm>>)
    %add3A_744 = arith.constant 80 : i32
    %add3A_745 = arith.addi %mul3A_2, %add3A_744 : i32
    %dma_start3A_746 = arith.constant 0 : i32
    %dma_start3A_747 = arith.constant 0 : i32
    %dma_start3A_748 = tpu.memref_slice %arg2[%dma_start3A_746, %add3A_745, %dma_start3A_747] : memref<4x4096x1024xf32, #tpu.memory_space<hbm>> -> memref<1x16x1024xf32, #tpu.memory_space<hbm>>
    %dma_start3A_749 = tpu.memref_squeeze %dma_start3A_748 : memref<1x16x1024xf32, #tpu.memory_space<hbm>> -> memref<16x1024xf32, #tpu.memory_space<hbm>>
    %dma_start3A_750 = arith.constant 0 : i32
    %dma_start3A_751 = tpu.memref_slice %arg2[%dma_start3A_746, %add3A_745, %dma_start3A_750] : memref<4x4096x1024xf32, #tpu.memory_space<hbm>> -> memref<1x16x1024xf32, #tpu.memory_space<hbm>>
    %dma_start3A_752 = tpu.memref_squeeze %dma_start3A_751 : memref<1x16x1024xf32, #tpu.memory_space<hbm>> -> memref<16x1024xf32, #tpu.memory_space<hbm>>
    tpu.enqueue_dma source(%dma_start3A_752 : memref<16x1024xf32, #tpu.memory_space<hbm>>) target(%arg9 : memref<16x1024xf32, #tpu.memory_space<vmem>>) target_semaphore(%arg16 : memref<!tpu.dma_semaphore, #tpu.memory_space<semaphore_mem>>)
    %dma_wait3A_753 = arith.constant 2 : i32
    %dma_wait3A_754 = arith.constant 0 : i32
    %dma_wait3A_755 = tpu.memref_slice %arg2[%dma_wait3A_753, %add3A_675, %dma_wait3A_754] : memref<4x4096x1024xf32, #tpu.memory_space<hbm>> -> memref<1x16x1024xf32, #tpu.memory_space<hbm>>
    %dma_wait3A_756 = tpu.memref_squeeze %dma_wait3A_755 : memref<1x16x1024xf32, #tpu.memory_space<hbm>> -> memref<16x1024xf32, #tpu.memory_space<hbm>>
    %dma_wait3A_757 = arith.constant 0 : i32
    %dma_wait3A_758 = tpu.memref_slice %arg2[%dma_wait3A_753, %add3A_675, %dma_wait3A_757] : memref<4x4096x1024xf32, #tpu.memory_space<hbm>> -> memref<1x16x1024xf32, #tpu.memory_space<hbm>>
    %dma_wait3A_759 = tpu.memref_squeeze %dma_wait3A_758 : memref<1x16x1024xf32, #tpu.memory_space<hbm>> -> memref<16x1024xf32, #tpu.memory_space<hbm>>
    tpu.wait_dma2 semaphore(%arg19 : memref<!tpu.dma_semaphore, #tpu.memory_space<semaphore_mem>>) src(%dma_wait3A_759 : memref<16x1024xf32, #tpu.memory_space<hbm>>) dst(%arg12 : memref<16x1024xf32, #tpu.memory_space<vmem>>)
    %parallel_loop3A_760 = arith.constant 0 : i32
    %parallel_loop3A_761 = arith.constant 1024 : i32
    %parallel_loop3A_762 = arith.constant 1 : i32
    scf.for %parallel_loop3A_1280 = %parallel_loop3A_760 to %parallel_loop3A_761 step %parallel_loop3A_762  : i32 {
      %parallel_loop3A_1281 = arith.constant 6 : i32
      %parallel_loop3A_1282 = arith.shrsi %parallel_loop3A_1280, %parallel_loop3A_1281 : i32
      %parallel_loop3A_1283 = arith.constant 63 : i32
      %parallel_loop3A_1284 = arith.andi %parallel_loop3A_1280, %parallel_loop3A_1283 : i32
      %parallel_loop3A_1285 = arith.constant 4 : i32
      %parallel_loop3A_1286 = arith.shli %parallel_loop3A_1284, %parallel_loop3A_1285 : i32
      %parallel_loop3A_1287 = tpu.assume_multiple %parallel_loop3A_1286, 16 : i32
      %parallel_loop3A_1288 = arith.index_cast %parallel_loop3A_1282 : i32 to index
      %parallel_loop3A_1289 = arith.index_cast %parallel_loop3A_1287 : i32 to index
      %parallel_loop3A_1290 = tpu.vector_load %arg7[%parallel_loop3A_1288, %parallel_loop3A_1289] {strides = array<i32>} : memref<16x1024xf32, #tpu.memory_space<vmem>>, vector<1x16xf32>,
      %parallel_loop3A_1291 = vector.shape_cast %parallel_loop3A_1290 : vector<1x16xf32> to vector<16xf32>
      %parallel_loop3A_1292 = arith.index_cast %parallel_loop3A_1282 : i32 to index
      %parallel_loop3A_1293 = arith.index_cast %parallel_loop3A_1287 : i32 to index
      %parallel_loop3A_1294 = tpu.vector_load %arg12[%parallel_loop3A_1292, %parallel_loop3A_1293] {strides = array<i32>} : memref<16x1024xf32, #tpu.memory_space<vmem>>, vector<1x16xf32>,
      %parallel_loop3A_1295 = vector.shape_cast %parallel_loop3A_1294 : vector<1x16xf32> to vector<16xf32>
      %parallel_loop3A_1296 = vector.shape_cast %parallel_loop3A_1291 : vector<16xf32> to vector<1x16xf32>
      tpu.vector_store %arg12[%parallel_loop3A_1292, %parallel_loop3A_1293], %parallel_loop3A_1296 {add = true, strides = array<i32>} : memref<16x1024xf32, #tpu.memory_space<vmem>>, vector<1x16xf32>,
    } {sc.loop_unroll_factor = 8 : i64, sc.parallel_access}
    %add3A_763 = arith.constant 64 : i32
    %add3A_764 = arith.addi %mul3A_2, %add3A_763 : i32
    %dma_start3A_765 = arith.constant 2 : i32
    %dma_start3A_766 = arith.constant 0 : i32
    %dma_start3A_767 = tpu.memref_slice %arg5[%dma_start3A_765, %add3A_764, %dma_start3A_766] : memref<4x4096x1024xf32, #tpu.memory_space<hbm>> -> memref<1x16x1024xf32, #tpu.memory_space<hbm>>
    %dma_start3A_768 = tpu.memref_squeeze %dma_start3A_767 : memref<1x16x1024xf32, #tpu.memory_space<hbm>> -> memref<16x1024xf32, #tpu.memory_space<hbm>>
    %dma_start3A_769 = arith.constant 0 : i32
    %dma_start3A_770 = tpu.memref_slice %arg5[%dma_start3A_765, %add3A_764, %dma_start3A_769] : memref<4x4096x1024xf32, #tpu.memory_space<hbm>> -> memref<1x16x1024xf32, #tpu.memory_space<hbm>>
    %dma_start3A_771 = tpu.memref_squeeze %dma_start3A_770 : memref<1x16x1024xf32, #tpu.memory_space<hbm>> -> memref<16x1024xf32, #tpu.memory_space<hbm>>
    tpu.enqueue_dma source(%arg12 : memref<16x1024xf32, #tpu.memory_space<vmem>>) target(%dma_start3A_771 : memref<16x1024xf32, #tpu.memory_space<hbm>>) target_semaphore(%arg24 : memref<!tpu.dma_semaphore, #tpu.memory_space<semaphore_mem>>)
    %dma_wait3A_772 = arith.constant 0 : i32
    %dma_wait3A_773 = arith.constant 0 : i32
    %dma_wait3A_774 = tpu.memref_slice %arg5[%dma_wait3A_772, %add3A_694, %dma_wait3A_773] : memref<4x4096x1024xf32, #tpu.memory_space<hbm>> -> memref<1x16x1024xf32, #tpu.memory_space<hbm>>
    %dma_wait3A_775 = tpu.memref_squeeze %dma_wait3A_774 : memref<1x16x1024xf32, #tpu.memory_space<hbm>> -> memref<16x1024xf32, #tpu.memory_space<hbm>>
    %dma_wait3A_776 = arith.constant 0 : i32
    %dma_wait3A_777 = tpu.memref_slice %arg5[%dma_wait3A_772, %add3A_694, %dma_wait3A_776] : memref<4x4096x1024xf32, #tpu.memory_space<hbm>> -> memref<1x16x1024xf32, #tpu.memory_space<hbm>>
    %dma_wait3A_778 = tpu.memref_squeeze %dma_wait3A_777 : memref<1x16x1024xf32, #tpu.memory_space<hbm>> -> memref<16x1024xf32, #tpu.memory_space<hbm>>
    tpu.wait_dma2 semaphore(%arg22 : memref<!tpu.dma_semaphore, #tpu.memory_space<semaphore_mem>>) src(%arg10 : memref<16x1024xf32, #tpu.memory_space<vmem>>) dst(%dma_wait3A_778 : memref<16x1024xf32, #tpu.memory_space<hbm>>)
    %add3A_779 = arith.constant 80 : i32
    %add3A_780 = arith.addi %mul3A_2, %add3A_779 : i32
    %dma_start3A_781 = arith.constant 1 : i32
    %dma_start3A_782 = arith.constant 0 : i32
    %dma_start3A_783 = tpu.memref_slice %arg2[%dma_start3A_781, %add3A_780, %dma_start3A_782] : memref<4x4096x1024xf32, #tpu.memory_space<hbm>> -> memref<1x16x1024xf32, #tpu.memory_space<hbm>>
    %dma_start3A_784 = tpu.memref_squeeze %dma_start3A_783 : memref<1x16x1024xf32, #tpu.memory_space<hbm>> -> memref<16x1024xf32, #tpu.memory_space<hbm>>
    %dma_start3A_785 = arith.constant 0 : i32
    %dma_start3A_786 = tpu.memref_slice %arg2[%dma_start3A_781, %add3A_780, %dma_start3A_785] : memref<4x4096x1024xf32, #tpu.memory_space<hbm>> -> memref<1x16x1024xf32, #tpu.memory_space<hbm>>
    %dma_start3A_787 = tpu.memref_squeeze %dma_start3A_786 : memref<1x16x1024xf32, #tpu.memory_space<hbm>> -> memref<16x1024xf32, #tpu.memory_space<hbm>>
    tpu.enqueue_dma source(%dma_start3A_787 : memref<16x1024xf32, #tpu.memory_space<hbm>>) target(%arg10 : memref<16x1024xf32, #tpu.memory_space<vmem>>) target_semaphore(%arg17 : memref<!tpu.dma_semaphore, #tpu.memory_space<semaphore_mem>>)
    %dma_wait3A_788 = arith.constant 3 : i32
    %dma_wait3A_789 = arith.constant 0 : i32
    %dma_wait3A_790 = tpu.memref_slice %arg2[%dma_wait3A_788, %add3A_710, %dma_wait3A_789] : memref<4x4096x1024xf32, #tpu.memory_space<hbm>> -> memref<1x16x1024xf32, #tpu.memory_space<hbm>>
    %dma_wait3A_791 = tpu.memref_squeeze %dma_wait3A_790 : memref<1x16x1024xf32, #tpu.memory_space<hbm>> -> memref<16x1024xf32, #tpu.memory_space<hbm>>
    %dma_wait3A_792 = arith.constant 0 : i32
    %dma_wait3A_793 = tpu.memref_slice %arg2[%dma_wait3A_788, %add3A_710, %dma_wait3A_792] : memref<4x4096x1024xf32, #tpu.memory_space<hbm>> -> memref<1x16x1024xf32, #tpu.memory_space<hbm>>
    %dma_wait3A_794 = tpu.memref_squeeze %dma_wait3A_793 : memref<1x16x1024xf32, #tpu.memory_space<hbm>> -> memref<16x1024xf32, #tpu.memory_space<hbm>>
    tpu.wait_dma2 semaphore(%arg20 : memref<!tpu.dma_semaphore, #tpu.memory_space<semaphore_mem>>) src(%dma_wait3A_794 : memref<16x1024xf32, #tpu.memory_space<hbm>>) dst(%arg13 : memref<16x1024xf32, #tpu.memory_space<vmem>>)
    %parallel_loop3A_795 = arith.constant 0 : i32
    %parallel_loop3A_796 = arith.constant 1024 : i32
    %parallel_loop3A_797 = arith.constant 1 : i32
    scf.for %parallel_loop3A_1280 = %parallel_loop3A_795 to %parallel_loop3A_796 step %parallel_loop3A_797  : i32 {
      %parallel_loop3A_1281 = arith.constant 6 : i32
      %parallel_loop3A_1282 = arith.shrsi %parallel_loop3A_1280, %parallel_loop3A_1281 : i32
      %parallel_loop3A_1283 = arith.constant 63 : i32
      %parallel_loop3A_1284 = arith.andi %parallel_loop3A_1280, %parallel_loop3A_1283 : i32
      %parallel_loop3A_1285 = arith.constant 4 : i32
      %parallel_loop3A_1286 = arith.shli %parallel_loop3A_1284, %parallel_loop3A_1285 : i32
      %parallel_loop3A_1287 = tpu.assume_multiple %parallel_loop3A_1286, 16 : i32
      %parallel_loop3A_1288 = arith.index_cast %parallel_loop3A_1282 : i32 to index
      %parallel_loop3A_1289 = arith.index_cast %parallel_loop3A_1287 : i32 to index
      %parallel_loop3A_1290 = tpu.vector_load %arg7[%parallel_loop3A_1288, %parallel_loop3A_1289] {strides = array<i32>} : memref<16x1024xf32, #tpu.memory_space<vmem>>, vector<1x16xf32>,
      %parallel_loop3A_1291 = vector.shape_cast %parallel_loop3A_1290 : vector<1x16xf32> to vector<16xf32>
      %parallel_loop3A_1292 = arith.index_cast %parallel_loop3A_1282 : i32 to index
      %parallel_loop3A_1293 = arith.index_cast %parallel_loop3A_1287 : i32 to index
      %parallel_loop3A_1294 = tpu.vector_load %arg13[%parallel_loop3A_1292, %parallel_loop3A_1293] {strides = array<i32>} : memref<16x1024xf32, #tpu.memory_space<vmem>>, vector<1x16xf32>,
      %parallel_loop3A_1295 = vector.shape_cast %parallel_loop3A_1294 : vector<1x16xf32> to vector<16xf32>
      %parallel_loop3A_1296 = vector.shape_cast %parallel_loop3A_1291 : vector<16xf32> to vector<1x16xf32>
      tpu.vector_store %arg13[%parallel_loop3A_1292, %parallel_loop3A_1293], %parallel_loop3A_1296 {add = true, strides = array<i32>} : memref<16x1024xf32, #tpu.memory_space<vmem>>, vector<1x16xf32>,
    } {sc.loop_unroll_factor = 8 : i64, sc.parallel_access}
    %add3A_798 = arith.constant 64 : i32
    %add3A_799 = arith.addi %mul3A_2, %add3A_798 : i32
    %dma_start3A_800 = arith.constant 3 : i32
    %dma_start3A_801 = arith.constant 0 : i32
    %dma_start3A_802 = tpu.memref_slice %arg5[%dma_start3A_800, %add3A_799, %dma_start3A_801] : memref<4x4096x1024xf32, #tpu.memory_space<hbm>> -> memref<1x16x1024xf32, #tpu.memory_space<hbm>>
    %dma_start3A_803 = tpu.memref_squeeze %dma_start3A_802 : memref<1x16x1024xf32, #tpu.memory_space<hbm>> -> memref<16x1024xf32, #tpu.memory_space<hbm>>
    %dma_start3A_804 = arith.constant 0 : i32
    %dma_start3A_805 = tpu.memref_slice %arg5[%dma_start3A_800, %add3A_799, %dma_start3A_804] : memref<4x4096x1024xf32, #tpu.memory_space<hbm>> -> memref<1x16x1024xf32, #tpu.memory_space<hbm>>
    %dma_start3A_806 = tpu.memref_squeeze %dma_start3A_805 : memref<1x16x1024xf32, #tpu.memory_space<hbm>> -> memref<16x1024xf32, #tpu.memory_space<hbm>>
    tpu.enqueue_dma source(%arg13 : memref<16x1024xf32, #tpu.memory_space<vmem>>) target(%dma_start3A_806 : memref<16x1024xf32, #tpu.memory_space<hbm>>) target_semaphore(%arg25 : memref<!tpu.dma_semaphore, #tpu.memory_space<semaphore_mem>>)
    %dma_start3A_807 = arith.constant 0 : i32
    %dma_start3A_808 = arith.constant 96 : i32
    %dma_start3A_809 = tpu.memref_slice %arg6[%dma_start3A_808] : memref<128xi32, #tpu.memory_space<vmem>> -> memref<16xi32, #tpu.memory_space<vmem>>
    %dma_start3A_810 = arith.constant 0 : i32
    %dma_start3A_811 = arith.constant 0 : i32
    %dma_start3A_812 = tpu.memref_slice %arg4[%dma_start3A_807, %dma_start3A_810, %dma_start3A_811] : memref<1x8192x1024xf32, #tpu.memory_space<hbm>> -> memref<1x8192x1024xf32, #tpu.memory_space<hbm>>
    %dma_start3A_813 = tpu.memref_squeeze %dma_start3A_812 : memref<1x8192x1024xf32, #tpu.memory_space<hbm>> -> memref<8192x1024xf32, #tpu.memory_space<hbm>>
    %dma_start3A_814 = arith.constant 0 : i32
    %dma_start3A_815 = arith.constant 0 : i32
    %dma_start3A_816 = tpu.memref_slice %dma_start3A_813[%dma_start3A_814, %dma_start3A_815] : memref<8192x1024xf32, #tpu.memory_space<hbm>> -> memref<8192x1024xf32, #tpu.memory_space<hbm>>
    tpu.enqueue_indirect_dma source(%dma_start3A_816 : memref<8192x1024xf32, #tpu.memory_space<hbm>>) target(%arg7 : memref<16x1024xf32, #tpu.memory_space<vmem>>) offsets(%dma_start3A_809 : memref<16xi32, #tpu.memory_space<vmem>>) semaphore(%arg14 : memref<!tpu.dma_semaphore, #tpu.memory_space<semaphore_mem>>)
    %dma_wait3A_817 = arith.constant 0 : i32
    %dma_wait3A_818 = arith.constant 80 : i32
    %dma_wait3A_819 = tpu.memref_slice %arg6[%dma_wait3A_818] : memref<128xi32, #tpu.memory_space<vmem>> -> memref<16xi32, #tpu.memory_space<vmem>>
    %dma_wait3A_820 = arith.constant 0 : i32
    %dma_wait3A_821 = arith.constant 0 : i32
    %dma_wait3A_822 = tpu.memref_slice %arg4[%dma_wait3A_817, %dma_wait3A_820, %dma_wait3A_821] : memref<1x8192x1024xf32, #tpu.memory_space<hbm>> -> memref<1x8192x1024xf32, #tpu.memory_space<hbm>>
    %dma_wait3A_823 = tpu.memref_squeeze %dma_wait3A_822 : memref<1x8192x1024xf32, #tpu.memory_space<hbm>> -> memref<8192x1024xf32, #tpu.memory_space<hbm>>
    %dma_wait3A_824 = arith.constant 0 : i32
    %dma_wait3A_825 = arith.constant 0 : i32
    %dma_wait3A_826 = tpu.memref_slice %dma_wait3A_823[%dma_wait3A_824, %dma_wait3A_825] : memref<8192x1024xf32, #tpu.memory_space<hbm>> -> memref<8192x1024xf32, #tpu.memory_space<hbm>>
    tpu.wait_indirect_dma semaphore(%arg15 : memref<!tpu.dma_semaphore, #tpu.memory_space<semaphore_mem>>) src(%dma_wait3A_826 : memref<8192x1024xf32, #tpu.memory_space<hbm>>) dst(%arg8 : memref<16x1024xf32, #tpu.memory_space<vmem>>)
    %dma_wait3A_827 = arith.constant 1 : i32
    %dma_wait3A_828 = arith.constant 0 : i32
    %dma_wait3A_829 = tpu.memref_slice %arg5[%dma_wait3A_827, %add3A_729, %dma_wait3A_828] : memref<4x4096x1024xf32, #tpu.memory_space<hbm>> -> memref<1x16x1024xf32, #tpu.memory_space<hbm>>
    %dma_wait3A_830 = tpu.memref_squeeze %dma_wait3A_829 : memref<1x16x1024xf32, #tpu.memory_space<hbm>> -> memref<16x1024xf32, #tpu.memory_space<hbm>>
    %dma_wait3A_831 = arith.constant 0 : i32
    %dma_wait3A_832 = tpu.memref_slice %arg5[%dma_wait3A_827, %add3A_729, %dma_wait3A_831] : memref<4x4096x1024xf32, #tpu.memory_space<hbm>> -> memref<1x16x1024xf32, #tpu.memory_space<hbm>>
    %dma_wait3A_833 = tpu.memref_squeeze %dma_wait3A_832 : memref<1x16x1024xf32, #tpu.memory_space<hbm>> -> memref<16x1024xf32, #tpu.memory_space<hbm>>
    tpu.wait_dma2 semaphore(%arg23 : memref<!tpu.dma_semaphore, #tpu.memory_space<semaphore_mem>>) src(%arg11 : memref<16x1024xf32, #tpu.memory_space<vmem>>) dst(%dma_wait3A_833 : memref<16x1024xf32, #tpu.memory_space<hbm>>)
    %add3A_834 = arith.constant 80 : i32
    %add3A_835 = arith.addi %mul3A_2, %add3A_834 : i32
    %dma_start3A_836 = arith.constant 2 : i32
    %dma_start3A_837 = arith.constant 0 : i32
    %dma_start3A_838 = tpu.memref_slice %arg2[%dma_start3A_836, %add3A_835, %dma_start3A_837] : memref<4x4096x1024xf32, #tpu.memory_space<hbm>> -> memref<1x16x1024xf32, #tpu.memory_space<hbm>>
    %dma_start3A_839 = tpu.memref_squeeze %dma_start3A_838 : memref<1x16x1024xf32, #tpu.memory_space<hbm>> -> memref<16x1024xf32, #tpu.memory_space<hbm>>
    %dma_start3A_840 = arith.constant 0 : i32
    %dma_start3A_841 = tpu.memref_slice %arg2[%dma_start3A_836, %add3A_835, %dma_start3A_840] : memref<4x4096x1024xf32, #tpu.memory_space<hbm>> -> memref<1x16x1024xf32, #tpu.memory_space<hbm>>
    %dma_start3A_842 = tpu.memref_squeeze %dma_start3A_841 : memref<1x16x1024xf32, #tpu.memory_space<hbm>> -> memref<16x1024xf32, #tpu.memory_space<hbm>>
    tpu.enqueue_dma source(%dma_start3A_842 : memref<16x1024xf32, #tpu.memory_space<hbm>>) target(%arg11 : memref<16x1024xf32, #tpu.memory_space<vmem>>) target_semaphore(%arg18 : memref<!tpu.dma_semaphore, #tpu.memory_space<semaphore_mem>>)
    %dma_wait3A_843 = arith.constant 0 : i32
    %dma_wait3A_844 = arith.constant 0 : i32
    %dma_wait3A_845 = tpu.memref_slice %arg2[%dma_wait3A_843, %add3A_745, %dma_wait3A_844] : memref<4x4096x1024xf32, #tpu.memory_space<hbm>> -> memref<1x16x1024xf32, #tpu.memory_space<hbm>>
    %dma_wait3A_846 = tpu.memref_squeeze %dma_wait3A_845 : memref<1x16x1024xf32, #tpu.memory_space<hbm>> -> memref<16x1024xf32, #tpu.memory_space<hbm>>
    %dma_wait3A_847 = arith.constant 0 : i32
    %dma_wait3A_848 = tpu.memref_slice %arg2[%dma_wait3A_843, %add3A_745, %dma_wait3A_847] : memref<4x4096x1024xf32, #tpu.memory_space<hbm>> -> memref<1x16x1024xf32, #tpu.memory_space<hbm>>
    %dma_wait3A_849 = tpu.memref_squeeze %dma_wait3A_848 : memref<1x16x1024xf32, #tpu.memory_space<hbm>> -> memref<16x1024xf32, #tpu.memory_space<hbm>>
    tpu.wait_dma2 semaphore(%arg16 : memref<!tpu.dma_semaphore, #tpu.memory_space<semaphore_mem>>) src(%dma_wait3A_849 : memref<16x1024xf32, #tpu.memory_space<hbm>>) dst(%arg9 : memref<16x1024xf32, #tpu.memory_space<vmem>>)
    %parallel_loop3A_850 = arith.constant 0 : i32
    %parallel_loop3A_851 = arith.constant 1024 : i32
    %parallel_loop3A_852 = arith.constant 1 : i32
    scf.for %parallel_loop3A_1280 = %parallel_loop3A_850 to %parallel_loop3A_851 step %parallel_loop3A_852  : i32 {
      %parallel_loop3A_1281 = arith.constant 6 : i32
      %parallel_loop3A_1282 = arith.shrsi %parallel_loop3A_1280, %parallel_loop3A_1281 : i32
      %parallel_loop3A_1283 = arith.constant 63 : i32
      %parallel_loop3A_1284 = arith.andi %parallel_loop3A_1280, %parallel_loop3A_1283 : i32
      %parallel_loop3A_1285 = arith.constant 4 : i32
      %parallel_loop3A_1286 = arith.shli %parallel_loop3A_1284, %parallel_loop3A_1285 : i32
      %parallel_loop3A_1287 = tpu.assume_multiple %parallel_loop3A_1286, 16 : i32
      %parallel_loop3A_1288 = arith.index_cast %parallel_loop3A_1282 : i32 to index
      %parallel_loop3A_1289 = arith.index_cast %parallel_loop3A_1287 : i32 to index
      %parallel_loop3A_1290 = tpu.vector_load %arg8[%parallel_loop3A_1288, %parallel_loop3A_1289] {strides = array<i32>} : memref<16x1024xf32, #tpu.memory_space<vmem>>, vector<1x16xf32>,
      %parallel_loop3A_1291 = vector.shape_cast %parallel_loop3A_1290 : vector<1x16xf32> to vector<16xf32>
      %parallel_loop3A_1292 = arith.index_cast %parallel_loop3A_1282 : i32 to index
      %parallel_loop3A_1293 = arith.index_cast %parallel_loop3A_1287 : i32 to index
      %parallel_loop3A_1294 = tpu.vector_load %arg9[%parallel_loop3A_1292, %parallel_loop3A_1293] {strides = array<i32>} : memref<16x1024xf32, #tpu.memory_space<vmem>>, vector<1x16xf32>,
      %parallel_loop3A_1295 = vector.shape_cast %parallel_loop3A_1294 : vector<1x16xf32> to vector<16xf32>
      %parallel_loop3A_1296 = vector.shape_cast %parallel_loop3A_1291 : vector<16xf32> to vector<1x16xf32>
      tpu.vector_store %arg9[%parallel_loop3A_1292, %parallel_loop3A_1293], %parallel_loop3A_1296 {add = true, strides = array<i32>} : memref<16x1024xf32, #tpu.memory_space<vmem>>, vector<1x16xf32>,
    } {sc.loop_unroll_factor = 8 : i64, sc.parallel_access}
    %add3A_853 = arith.constant 80 : i32
    %add3A_854 = arith.addi %mul3A_2, %add3A_853 : i32
    %dma_start3A_855 = arith.constant 0 : i32
    %dma_start3A_856 = arith.constant 0 : i32
    %dma_start3A_857 = tpu.memref_slice %arg5[%dma_start3A_855, %add3A_854, %dma_start3A_856] : memref<4x4096x1024xf32, #tpu.memory_space<hbm>> -> memref<1x16x1024xf32, #tpu.memory_space<hbm>>
    %dma_start3A_858 = tpu.memref_squeeze %dma_start3A_857 : memref<1x16x1024xf32, #tpu.memory_space<hbm>> -> memref<16x1024xf32, #tpu.memory_space<hbm>>
    %dma_start3A_859 = arith.constant 0 : i32
    %dma_start3A_860 = tpu.memref_slice %arg5[%dma_start3A_855, %add3A_854, %dma_start3A_859] : memref<4x4096x1024xf32, #tpu.memory_space<hbm>> -> memref<1x16x1024xf32, #tpu.memory_space<hbm>>
    %dma_start3A_861 = tpu.memref_squeeze %dma_start3A_860 : memref<1x16x1024xf32, #tpu.memory_space<hbm>> -> memref<16x1024xf32, #tpu.memory_space<hbm>>
    tpu.enqueue_dma source(%arg9 : memref<16x1024xf32, #tpu.memory_space<vmem>>) target(%dma_start3A_861 : memref<16x1024xf32, #tpu.memory_space<hbm>>) target_semaphore(%arg21 : memref<!tpu.dma_semaphore, #tpu.memory_space<semaphore_mem>>)
    %dma_wait3A_862 = arith.constant 2 : i32
    %dma_wait3A_863 = arith.constant 0 : i32
    %dma_wait3A_864 = tpu.memref_slice %arg5[%dma_wait3A_862, %add3A_764, %dma_wait3A_863] : memref<4x4096x1024xf32, #tpu.memory_space<hbm>> -> memref<1x16x1024xf32, #tpu.memory_space<hbm>>
    %dma_wait3A_865 = tpu.memref_squeeze %dma_wait3A_864 : memref<1x16x1024xf32, #tpu.memory_space<hbm>> -> memref<16x1024xf32, #tpu.memory_space<hbm>>
    %dma_wait3A_866 = arith.constant 0 : i32
    %dma_wait3A_867 = tpu.memref_slice %arg5[%dma_wait3A_862, %add3A_764, %dma_wait3A_866] : memref<4x4096x1024xf32, #tpu.memory_space<hbm>> -> memref<1x16x1024xf32, #tpu.memory_space<hbm>>
    %dma_wait3A_868 = tpu.memref_squeeze %dma_wait3A_867 : memref<1x16x1024xf32, #tpu.memory_space<hbm>> -> memref<16x1024xf32, #tpu.memory_space<hbm>>
    tpu.wait_dma2 semaphore(%arg24 : memref<!tpu.dma_semaphore, #tpu.memory_space<semaphore_mem>>) src(%arg12 : memref<16x1024xf32, #tpu.memory_space<vmem>>) dst(%dma_wait3A_868 : memref<16x1024xf32, #tpu.memory_space<hbm>>)
    %add3A_869 = arith.constant 80 : i32
    %add3A_870 = arith.addi %mul3A_2, %add3A_869 : i32
    %dma_start3A_871 = arith.constant 3 : i32
    %dma_start3A_872 = arith.constant 0 : i32
    %dma_start3A_873 = tpu.memref_slice %arg2[%dma_start3A_871, %add3A_870, %dma_start3A_872] : memref<4x4096x1024xf32, #tpu.memory_space<hbm>> -> memref<1x16x1024xf32, #tpu.memory_space<hbm>>
    %dma_start3A_874 = tpu.memref_squeeze %dma_start3A_873 : memref<1x16x1024xf32, #tpu.memory_space<hbm>> -> memref<16x1024xf32, #tpu.memory_space<hbm>>
    %dma_start3A_875 = arith.constant 0 : i32
    %dma_start3A_876 = tpu.memref_slice %arg2[%dma_start3A_871, %add3A_870, %dma_start3A_875] : memref<4x4096x1024xf32, #tpu.memory_space<hbm>> -> memref<1x16x1024xf32, #tpu.memory_space<hbm>>
    %dma_start3A_877 = tpu.memref_squeeze %dma_start3A_876 : memref<1x16x1024xf32, #tpu.memory_space<hbm>> -> memref<16x1024xf32, #tpu.memory_space<hbm>>
    tpu.enqueue_dma source(%dma_start3A_877 : memref<16x1024xf32, #tpu.memory_space<hbm>>) target(%arg12 : memref<16x1024xf32, #tpu.memory_space<vmem>>) target_semaphore(%arg19 : memref<!tpu.dma_semaphore, #tpu.memory_space<semaphore_mem>>)
    %dma_wait3A_878 = arith.constant 1 : i32
    %dma_wait3A_879 = arith.constant 0 : i32
    %dma_wait3A_880 = tpu.memref_slice %arg2[%dma_wait3A_878, %add3A_780, %dma_wait3A_879] : memref<4x4096x1024xf32, #tpu.memory_space<hbm>> -> memref<1x16x1024xf32, #tpu.memory_space<hbm>>
    %dma_wait3A_881 = tpu.memref_squeeze %dma_wait3A_880 : memref<1x16x1024xf32, #tpu.memory_space<hbm>> -> memref<16x1024xf32, #tpu.memory_space<hbm>>
    %dma_wait3A_882 = arith.constant 0 : i32
    %dma_wait3A_883 = tpu.memref_slice %arg2[%dma_wait3A_878, %add3A_780, %dma_wait3A_882] : memref<4x4096x1024xf32, #tpu.memory_space<hbm>> -> memref<1x16x1024xf32, #tpu.memory_space<hbm>>
    %dma_wait3A_884 = tpu.memref_squeeze %dma_wait3A_883 : memref<1x16x1024xf32, #tpu.memory_space<hbm>> -> memref<16x1024xf32, #tpu.memory_space<hbm>>
    tpu.wait_dma2 semaphore(%arg17 : memref<!tpu.dma_semaphore, #tpu.memory_space<semaphore_mem>>) src(%dma_wait3A_884 : memref<16x1024xf32, #tpu.memory_space<hbm>>) dst(%arg10 : memref<16x1024xf32, #tpu.memory_space<vmem>>)
    %parallel_loop3A_885 = arith.constant 0 : i32
    %parallel_loop3A_886 = arith.constant 1024 : i32
    %parallel_loop3A_887 = arith.constant 1 : i32
    scf.for %parallel_loop3A_1280 = %parallel_loop3A_885 to %parallel_loop3A_886 step %parallel_loop3A_887  : i32 {
      %parallel_loop3A_1281 = arith.constant 6 : i32
      %parallel_loop3A_1282 = arith.shrsi %parallel_loop3A_1280, %parallel_loop3A_1281 : i32
      %parallel_loop3A_1283 = arith.constant 63 : i32
      %parallel_loop3A_1284 = arith.andi %parallel_loop3A_1280, %parallel_loop3A_1283 : i32
      %parallel_loop3A_1285 = arith.constant 4 : i32
      %parallel_loop3A_1286 = arith.shli %parallel_loop3A_1284, %parallel_loop3A_1285 : i32
      %parallel_loop3A_1287 = tpu.assume_multiple %parallel_loop3A_1286, 16 : i32
      %parallel_loop3A_1288 = arith.index_cast %parallel_loop3A_1282 : i32 to index
      %parallel_loop3A_1289 = arith.index_cast %parallel_loop3A_1287 : i32 to index
      %parallel_loop3A_1290 = tpu.vector_load %arg8[%parallel_loop3A_1288, %parallel_loop3A_1289] {strides = array<i32>} : memref<16x1024xf32, #tpu.memory_space<vmem>>, vector<1x16xf32>,
      %parallel_loop3A_1291 = vector.shape_cast %parallel_loop3A_1290 : vector<1x16xf32> to vector<16xf32>
      %parallel_loop3A_1292 = arith.index_cast %parallel_loop3A_1282 : i32 to index
      %parallel_loop3A_1293 = arith.index_cast %parallel_loop3A_1287 : i32 to index
      %parallel_loop3A_1294 = tpu.vector_load %arg10[%parallel_loop3A_1292, %parallel_loop3A_1293] {strides = array<i32>} : memref<16x1024xf32, #tpu.memory_space<vmem>>, vector<1x16xf32>,
      %parallel_loop3A_1295 = vector.shape_cast %parallel_loop3A_1294 : vector<1x16xf32> to vector<16xf32>
      %parallel_loop3A_1296 = vector.shape_cast %parallel_loop3A_1291 : vector<16xf32> to vector<1x16xf32>
      tpu.vector_store %arg10[%parallel_loop3A_1292, %parallel_loop3A_1293], %parallel_loop3A_1296 {add = true, strides = array<i32>} : memref<16x1024xf32, #tpu.memory_space<vmem>>, vector<1x16xf32>,
    } {sc.loop_unroll_factor = 8 : i64, sc.parallel_access}
    %add3A_888 = arith.constant 80 : i32
    %add3A_889 = arith.addi %mul3A_2, %add3A_888 : i32
    %dma_start3A_890 = arith.constant 1 : i32
    %dma_start3A_891 = arith.constant 0 : i32
    %dma_start3A_892 = tpu.memref_slice %arg5[%dma_start3A_890, %add3A_889, %dma_start3A_891] : memref<4x4096x1024xf32, #tpu.memory_space<hbm>> -> memref<1x16x1024xf32, #tpu.memory_space<hbm>>
    %dma_start3A_893 = tpu.memref_squeeze %dma_start3A_892 : memref<1x16x1024xf32, #tpu.memory_space<hbm>> -> memref<16x1024xf32, #tpu.memory_space<hbm>>
    %dma_start3A_894 = arith.constant 0 : i32
    %dma_start3A_895 = tpu.memref_slice %arg5[%dma_start3A_890, %add3A_889, %dma_start3A_894] : memref<4x4096x1024xf32, #tpu.memory_space<hbm>> -> memref<1x16x1024xf32, #tpu.memory_space<hbm>>
    %dma_start3A_896 = tpu.memref_squeeze %dma_start3A_895 : memref<1x16x1024xf32, #tpu.memory_space<hbm>> -> memref<16x1024xf32, #tpu.memory_space<hbm>>
    tpu.enqueue_dma source(%arg10 : memref<16x1024xf32, #tpu.memory_space<vmem>>) target(%dma_start3A_896 : memref<16x1024xf32, #tpu.memory_space<hbm>>) target_semaphore(%arg22 : memref<!tpu.dma_semaphore, #tpu.memory_space<semaphore_mem>>)
    %dma_wait3A_897 = arith.constant 3 : i32
    %dma_wait3A_898 = arith.constant 0 : i32
    %dma_wait3A_899 = tpu.memref_slice %arg5[%dma_wait3A_897, %add3A_799, %dma_wait3A_898] : memref<4x4096x1024xf32, #tpu.memory_space<hbm>> -> memref<1x16x1024xf32, #tpu.memory_space<hbm>>
    %dma_wait3A_900 = tpu.memref_squeeze %dma_wait3A_899 : memref<1x16x1024xf32, #tpu.memory_space<hbm>> -> memref<16x1024xf32, #tpu.memory_space<hbm>>
    %dma_wait3A_901 = arith.constant 0 : i32
    %dma_wait3A_902 = tpu.memref_slice %arg5[%dma_wait3A_897, %add3A_799, %dma_wait3A_901] : memref<4x4096x1024xf32, #tpu.memory_space<hbm>> -> memref<1x16x1024xf32, #tpu.memory_space<hbm>>
    %dma_wait3A_903 = tpu.memref_squeeze %dma_wait3A_902 : memref<1x16x1024xf32, #tpu.memory_space<hbm>> -> memref<16x1024xf32, #tpu.memory_space<hbm>>
    tpu.wait_dma2 semaphore(%arg25 : memref<!tpu.dma_semaphore, #tpu.memory_space<semaphore_mem>>) src(%arg13 : memref<16x1024xf32, #tpu.memory_space<vmem>>) dst(%dma_wait3A_903 : memref<16x1024xf32, #tpu.memory_space<hbm>>)
    %add3A_904 = arith.constant 96 : i32
    %add3A_905 = arith.addi %mul3A_2, %add3A_904 : i32
    %dma_start3A_906 = arith.constant 0 : i32
    %dma_start3A_907 = arith.constant 0 : i32
    %dma_start3A_908 = tpu.memref_slice %arg2[%dma_start3A_906, %add3A_905, %dma_start3A_907] : memref<4x4096x1024xf32, #tpu.memory_space<hbm>> -> memref<1x16x1024xf32, #tpu.memory_space<hbm>>
    %dma_start3A_909 = tpu.memref_squeeze %dma_start3A_908 : memref<1x16x1024xf32, #tpu.memory_space<hbm>> -> memref<16x1024xf32, #tpu.memory_space<hbm>>
    %dma_start3A_910 = arith.constant 0 : i32
    %dma_start3A_911 = tpu.memref_slice %arg2[%dma_start3A_906, %add3A_905, %dma_start3A_910] : memref<4x4096x1024xf32, #tpu.memory_space<hbm>> -> memref<1x16x1024xf32, #tpu.memory_space<hbm>>
    %dma_start3A_912 = tpu.memref_squeeze %dma_start3A_911 : memref<1x16x1024xf32, #tpu.memory_space<hbm>> -> memref<16x1024xf32, #tpu.memory_space<hbm>>
    tpu.enqueue_dma source(%dma_start3A_912 : memref<16x1024xf32, #tpu.memory_space<hbm>>) target(%arg13 : memref<16x1024xf32, #tpu.memory_space<vmem>>) target_semaphore(%arg20 : memref<!tpu.dma_semaphore, #tpu.memory_space<semaphore_mem>>)
    %dma_wait3A_913 = arith.constant 2 : i32
    %dma_wait3A_914 = arith.constant 0 : i32
    %dma_wait3A_915 = tpu.memref_slice %arg2[%dma_wait3A_913, %add3A_835, %dma_wait3A_914] : memref<4x4096x1024xf32, #tpu.memory_space<hbm>> -> memref<1x16x1024xf32, #tpu.memory_space<hbm>>
    %dma_wait3A_916 = tpu.memref_squeeze %dma_wait3A_915 : memref<1x16x1024xf32, #tpu.memory_space<hbm>> -> memref<16x1024xf32, #tpu.memory_space<hbm>>
    %dma_wait3A_917 = arith.constant 0 : i32
    %dma_wait3A_918 = tpu.memref_slice %arg2[%dma_wait3A_913, %add3A_835, %dma_wait3A_917] : memref<4x4096x1024xf32, #tpu.memory_space<hbm>> -> memref<1x16x1024xf32, #tpu.memory_space<hbm>>
    %dma_wait3A_919 = tpu.memref_squeeze %dma_wait3A_918 : memref<1x16x1024xf32, #tpu.memory_space<hbm>> -> memref<16x1024xf32, #tpu.memory_space<hbm>>
    tpu.wait_dma2 semaphore(%arg18 : memref<!tpu.dma_semaphore, #tpu.memory_space<semaphore_mem>>) src(%dma_wait3A_919 : memref<16x1024xf32, #tpu.memory_space<hbm>>) dst(%arg11 : memref<16x1024xf32, #tpu.memory_space<vmem>>)
    %parallel_loop3A_920 = arith.constant 0 : i32
    %parallel_loop3A_921 = arith.constant 1024 : i32
    %parallel_loop3A_922 = arith.constant 1 : i32
    scf.for %parallel_loop3A_1280 = %parallel_loop3A_920 to %parallel_loop3A_921 step %parallel_loop3A_922  : i32 {
      %parallel_loop3A_1281 = arith.constant 6 : i32
      %parallel_loop3A_1282 = arith.shrsi %parallel_loop3A_1280, %parallel_loop3A_1281 : i32
      %parallel_loop3A_1283 = arith.constant 63 : i32
      %parallel_loop3A_1284 = arith.andi %parallel_loop3A_1280, %parallel_loop3A_1283 : i32
      %parallel_loop3A_1285 = arith.constant 4 : i32
      %parallel_loop3A_1286 = arith.shli %parallel_loop3A_1284, %parallel_loop3A_1285 : i32
      %parallel_loop3A_1287 = tpu.assume_multiple %parallel_loop3A_1286, 16 : i32
      %parallel_loop3A_1288 = arith.index_cast %parallel_loop3A_1282 : i32 to index
      %parallel_loop3A_1289 = arith.index_cast %parallel_loop3A_1287 : i32 to index
      %parallel_loop3A_1290 = tpu.vector_load %arg8[%parallel_loop3A_1288, %parallel_loop3A_1289] {strides = array<i32>} : memref<16x1024xf32, #tpu.memory_space<vmem>>, vector<1x16xf32>,
      %parallel_loop3A_1291 = vector.shape_cast %parallel_loop3A_1290 : vector<1x16xf32> to vector<16xf32>
      %parallel_loop3A_1292 = arith.index_cast %parallel_loop3A_1282 : i32 to index
      %parallel_loop3A_1293 = arith.index_cast %parallel_loop3A_1287 : i32 to index
      %parallel_loop3A_1294 = tpu.vector_load %arg11[%parallel_loop3A_1292, %parallel_loop3A_1293] {strides = array<i32>} : memref<16x1024xf32, #tpu.memory_space<vmem>>, vector<1x16xf32>,
      %parallel_loop3A_1295 = vector.shape_cast %parallel_loop3A_1294 : vector<1x16xf32> to vector<16xf32>
      %parallel_loop3A_1296 = vector.shape_cast %parallel_loop3A_1291 : vector<16xf32> to vector<1x16xf32>
      tpu.vector_store %arg11[%parallel_loop3A_1292, %parallel_loop3A_1293], %parallel_loop3A_1296 {add = true, strides = array<i32>} : memref<16x1024xf32, #tpu.memory_space<vmem>>, vector<1x16xf32>,
    } {sc.loop_unroll_factor = 8 : i64, sc.parallel_access}
    %add3A_923 = arith.constant 80 : i32
    %add3A_924 = arith.addi %mul3A_2, %add3A_923 : i32
    %dma_start3A_925 = arith.constant 2 : i32
    %dma_start3A_926 = arith.constant 0 : i32
    %dma_start3A_927 = tpu.memref_slice %arg5[%dma_start3A_925, %add3A_924, %dma_start3A_926] : memref<4x4096x1024xf32, #tpu.memory_space<hbm>> -> memref<1x16x1024xf32, #tpu.memory_space<hbm>>
    %dma_start3A_928 = tpu.memref_squeeze %dma_start3A_927 : memref<1x16x1024xf32, #tpu.memory_space<hbm>> -> memref<16x1024xf32, #tpu.memory_space<hbm>>
    %dma_start3A_929 = arith.constant 0 : i32
    %dma_start3A_930 = tpu.memref_slice %arg5[%dma_start3A_925, %add3A_924, %dma_start3A_929] : memref<4x4096x1024xf32, #tpu.memory_space<hbm>> -> memref<1x16x1024xf32, #tpu.memory_space<hbm>>
    %dma_start3A_931 = tpu.memref_squeeze %dma_start3A_930 : memref<1x16x1024xf32, #tpu.memory_space<hbm>> -> memref<16x1024xf32, #tpu.memory_space<hbm>>
    tpu.enqueue_dma source(%arg11 : memref<16x1024xf32, #tpu.memory_space<vmem>>) target(%dma_start3A_931 : memref<16x1024xf32, #tpu.memory_space<hbm>>) target_semaphore(%arg23 : memref<!tpu.dma_semaphore, #tpu.memory_space<semaphore_mem>>)
    %dma_wait3A_932 = arith.constant 0 : i32
    %dma_wait3A_933 = arith.constant 0 : i32
    %dma_wait3A_934 = tpu.memref_slice %arg5[%dma_wait3A_932, %add3A_854, %dma_wait3A_933] : memref<4x4096x1024xf32, #tpu.memory_space<hbm>> -> memref<1x16x1024xf32, #tpu.memory_space<hbm>>
    %dma_wait3A_935 = tpu.memref_squeeze %dma_wait3A_934 : memref<1x16x1024xf32, #tpu.memory_space<hbm>> -> memref<16x1024xf32, #tpu.memory_space<hbm>>
    %dma_wait3A_936 = arith.constant 0 : i32
    %dma_wait3A_937 = tpu.memref_slice %arg5[%dma_wait3A_932, %add3A_854, %dma_wait3A_936] : memref<4x4096x1024xf32, #tpu.memory_space<hbm>> -> memref<1x16x1024xf32, #tpu.memory_space<hbm>>
    %dma_wait3A_938 = tpu.memref_squeeze %dma_wait3A_937 : memref<1x16x1024xf32, #tpu.memory_space<hbm>> -> memref<16x1024xf32, #tpu.memory_space<hbm>>
    tpu.wait_dma2 semaphore(%arg21 : memref<!tpu.dma_semaphore, #tpu.memory_space<semaphore_mem>>) src(%arg9 : memref<16x1024xf32, #tpu.memory_space<vmem>>) dst(%dma_wait3A_938 : memref<16x1024xf32, #tpu.memory_space<hbm>>)
    %add3A_939 = arith.constant 96 : i32
    %add3A_940 = arith.addi %mul3A_2, %add3A_939 : i32
    %dma_start3A_941 = arith.constant 1 : i32
    %dma_start3A_942 = arith.constant 0 : i32
    %dma_start3A_943 = tpu.memref_slice %arg2[%dma_start3A_941, %add3A_940, %dma_start3A_942] : memref<4x4096x1024xf32, #tpu.memory_space<hbm>> -> memref<1x16x1024xf32, #tpu.memory_space<hbm>>
    %dma_start3A_944 = tpu.memref_squeeze %dma_start3A_943 : memref<1x16x1024xf32, #tpu.memory_space<hbm>> -> memref<16x1024xf32, #tpu.memory_space<hbm>>
    %dma_start3A_945 = arith.constant 0 : i32
    %dma_start3A_946 = tpu.memref_slice %arg2[%dma_start3A_941, %add3A_940, %dma_start3A_945] : memref<4x4096x1024xf32, #tpu.memory_space<hbm>> -> memref<1x16x1024xf32, #tpu.memory_space<hbm>>
    %dma_start3A_947 = tpu.memref_squeeze %dma_start3A_946 : memref<1x16x1024xf32, #tpu.memory_space<hbm>> -> memref<16x1024xf32, #tpu.memory_space<hbm>>
    tpu.enqueue_dma source(%dma_start3A_947 : memref<16x1024xf32, #tpu.memory_space<hbm>>) target(%arg9 : memref<16x1024xf32, #tpu.memory_space<vmem>>) target_semaphore(%arg16 : memref<!tpu.dma_semaphore, #tpu.memory_space<semaphore_mem>>)
    %dma_wait3A_948 = arith.constant 3 : i32
    %dma_wait3A_949 = arith.constant 0 : i32
    %dma_wait3A_950 = tpu.memref_slice %arg2[%dma_wait3A_948, %add3A_870, %dma_wait3A_949] : memref<4x4096x1024xf32, #tpu.memory_space<hbm>> -> memref<1x16x1024xf32, #tpu.memory_space<hbm>>
    %dma_wait3A_951 = tpu.memref_squeeze %dma_wait3A_950 : memref<1x16x1024xf32, #tpu.memory_space<hbm>> -> memref<16x1024xf32, #tpu.memory_space<hbm>>
    %dma_wait3A_952 = arith.constant 0 : i32
    %dma_wait3A_953 = tpu.memref_slice %arg2[%dma_wait3A_948, %add3A_870, %dma_wait3A_952] : memref<4x4096x1024xf32, #tpu.memory_space<hbm>> -> memref<1x16x1024xf32, #tpu.memory_space<hbm>>
    %dma_wait3A_954 = tpu.memref_squeeze %dma_wait3A_953 : memref<1x16x1024xf32, #tpu.memory_space<hbm>> -> memref<16x1024xf32, #tpu.memory_space<hbm>>
    tpu.wait_dma2 semaphore(%arg19 : memref<!tpu.dma_semaphore, #tpu.memory_space<semaphore_mem>>) src(%dma_wait3A_954 : memref<16x1024xf32, #tpu.memory_space<hbm>>) dst(%arg12 : memref<16x1024xf32, #tpu.memory_space<vmem>>)
    %parallel_loop3A_955 = arith.constant 0 : i32
    %parallel_loop3A_956 = arith.constant 1024 : i32
    %parallel_loop3A_957 = arith.constant 1 : i32
    scf.for %parallel_loop3A_1280 = %parallel_loop3A_955 to %parallel_loop3A_956 step %parallel_loop3A_957  : i32 {
      %parallel_loop3A_1281 = arith.constant 6 : i32
      %parallel_loop3A_1282 = arith.shrsi %parallel_loop3A_1280, %parallel_loop3A_1281 : i32
      %parallel_loop3A_1283 = arith.constant 63 : i32
      %parallel_loop3A_1284 = arith.andi %parallel_loop3A_1280, %parallel_loop3A_1283 : i32
      %parallel_loop3A_1285 = arith.constant 4 : i32
      %parallel_loop3A_1286 = arith.shli %parallel_loop3A_1284, %parallel_loop3A_1285 : i32
      %parallel_loop3A_1287 = tpu.assume_multiple %parallel_loop3A_1286, 16 : i32
      %parallel_loop3A_1288 = arith.index_cast %parallel_loop3A_1282 : i32 to index
      %parallel_loop3A_1289 = arith.index_cast %parallel_loop3A_1287 : i32 to index
      %parallel_loop3A_1290 = tpu.vector_load %arg8[%parallel_loop3A_1288, %parallel_loop3A_1289] {strides = array<i32>} : memref<16x1024xf32, #tpu.memory_space<vmem>>, vector<1x16xf32>,
      %parallel_loop3A_1291 = vector.shape_cast %parallel_loop3A_1290 : vector<1x16xf32> to vector<16xf32>
      %parallel_loop3A_1292 = arith.index_cast %parallel_loop3A_1282 : i32 to index
      %parallel_loop3A_1293 = arith.index_cast %parallel_loop3A_1287 : i32 to index
      %parallel_loop3A_1294 = tpu.vector_load %arg12[%parallel_loop3A_1292, %parallel_loop3A_1293] {strides = array<i32>} : memref<16x1024xf32, #tpu.memory_space<vmem>>, vector<1x16xf32>,
      %parallel_loop3A_1295 = vector.shape_cast %parallel_loop3A_1294 : vector<1x16xf32> to vector<16xf32>
      %parallel_loop3A_1296 = vector.shape_cast %parallel_loop3A_1291 : vector<16xf32> to vector<1x16xf32>
      tpu.vector_store %arg12[%parallel_loop3A_1292, %parallel_loop3A_1293], %parallel_loop3A_1296 {add = true, strides = array<i32>} : memref<16x1024xf32, #tpu.memory_space<vmem>>, vector<1x16xf32>,
    } {sc.loop_unroll_factor = 8 : i64, sc.parallel_access}
    %add3A_958 = arith.constant 80 : i32
    %add3A_959 = arith.addi %mul3A_2, %add3A_958 : i32
    %dma_start3A_960 = arith.constant 3 : i32
    %dma_start3A_961 = arith.constant 0 : i32
    %dma_start3A_962 = tpu.memref_slice %arg5[%dma_start3A_960, %add3A_959, %dma_start3A_961] : memref<4x4096x1024xf32, #tpu.memory_space<hbm>> -> memref<1x16x1024xf32, #tpu.memory_space<hbm>>
    %dma_start3A_963 = tpu.memref_squeeze %dma_start3A_962 : memref<1x16x1024xf32, #tpu.memory_space<hbm>> -> memref<16x1024xf32, #tpu.memory_space<hbm>>
    %dma_start3A_964 = arith.constant 0 : i32
    %dma_start3A_965 = tpu.memref_slice %arg5[%dma_start3A_960, %add3A_959, %dma_start3A_964] : memref<4x4096x1024xf32, #tpu.memory_space<hbm>> -> memref<1x16x1024xf32, #tpu.memory_space<hbm>>
    %dma_start3A_966 = tpu.memref_squeeze %dma_start3A_965 : memref<1x16x1024xf32, #tpu.memory_space<hbm>> -> memref<16x1024xf32, #tpu.memory_space<hbm>>
    tpu.enqueue_dma source(%arg12 : memref<16x1024xf32, #tpu.memory_space<vmem>>) target(%dma_start3A_966 : memref<16x1024xf32, #tpu.memory_space<hbm>>) target_semaphore(%arg24 : memref<!tpu.dma_semaphore, #tpu.memory_space<semaphore_mem>>)
    %dma_start3A_967 = arith.constant 0 : i32
    %dma_start3A_968 = arith.constant 112 : i32
    %dma_start3A_969 = tpu.memref_slice %arg6[%dma_start3A_968] : memref<128xi32, #tpu.memory_space<vmem>> -> memref<16xi32, #tpu.memory_space<vmem>>
    %dma_start3A_970 = arith.constant 0 : i32
    %dma_start3A_971 = arith.constant 0 : i32
    %dma_start3A_972 = tpu.memref_slice %arg4[%dma_start3A_967, %dma_start3A_970, %dma_start3A_971] : memref<1x8192x1024xf32, #tpu.memory_space<hbm>> -> memref<1x8192x1024xf32, #tpu.memory_space<hbm>>
    %dma_start3A_973 = tpu.memref_squeeze %dma_start3A_972 : memref<1x8192x1024xf32, #tpu.memory_space<hbm>> -> memref<8192x1024xf32, #tpu.memory_space<hbm>>
    %dma_start3A_974 = arith.constant 0 : i32
    %dma_start3A_975 = arith.constant 0 : i32
    %dma_start3A_976 = tpu.memref_slice %dma_start3A_973[%dma_start3A_974, %dma_start3A_975] : memref<8192x1024xf32, #tpu.memory_space<hbm>> -> memref<8192x1024xf32, #tpu.memory_space<hbm>>
    tpu.enqueue_indirect_dma source(%dma_start3A_976 : memref<8192x1024xf32, #tpu.memory_space<hbm>>) target(%arg8 : memref<16x1024xf32, #tpu.memory_space<vmem>>) offsets(%dma_start3A_969 : memref<16xi32, #tpu.memory_space<vmem>>) semaphore(%arg15 : memref<!tpu.dma_semaphore, #tpu.memory_space<semaphore_mem>>)
    %dma_wait3A_977 = arith.constant 0 : i32
    %dma_wait3A_978 = arith.constant 96 : i32
    %dma_wait3A_979 = tpu.memref_slice %arg6[%dma_wait3A_978] : memref<128xi32, #tpu.memory_space<vmem>> -> memref<16xi32, #tpu.memory_space<vmem>>
    %dma_wait3A_980 = arith.constant 0 : i32
    %dma_wait3A_981 = arith.constant 0 : i32
    %dma_wait3A_982 = tpu.memref_slice %arg4[%dma_wait3A_977, %dma_wait3A_980, %dma_wait3A_981] : memref<1x8192x1024xf32, #tpu.memory_space<hbm>> -> memref<1x8192x1024xf32, #tpu.memory_space<hbm>>
    %dma_wait3A_983 = tpu.memref_squeeze %dma_wait3A_982 : memref<1x8192x1024xf32, #tpu.memory_space<hbm>> -> memref<8192x1024xf32, #tpu.memory_space<hbm>>
    %dma_wait3A_984 = arith.constant 0 : i32
    %dma_wait3A_985 = arith.constant 0 : i32
    %dma_wait3A_986 = tpu.memref_slice %dma_wait3A_983[%dma_wait3A_984, %dma_wait3A_985] : memref<8192x1024xf32, #tpu.memory_space<hbm>> -> memref<8192x1024xf32, #tpu.memory_space<hbm>>
    tpu.wait_indirect_dma semaphore(%arg14 : memref<!tpu.dma_semaphore, #tpu.memory_space<semaphore_mem>>) src(%dma_wait3A_986 : memref<8192x1024xf32, #tpu.memory_space<hbm>>) dst(%arg7 : memref<16x1024xf32, #tpu.memory_space<vmem>>)
    %dma_wait3A_987 = arith.constant 1 : i32
    %dma_wait3A_988 = arith.constant 0 : i32
    %dma_wait3A_989 = tpu.memref_slice %arg5[%dma_wait3A_987, %add3A_889, %dma_wait3A_988] : memref<4x4096x1024xf32, #tpu.memory_space<hbm>> -> memref<1x16x1024xf32, #tpu.memory_space<hbm>>
    %dma_wait3A_990 = tpu.memref_squeeze %dma_wait3A_989 : memref<1x16x1024xf32, #tpu.memory_space<hbm>> -> memref<16x1024xf32, #tpu.memory_space<hbm>>
    %dma_wait3A_991 = arith.constant 0 : i32
    %dma_wait3A_992 = tpu.memref_slice %arg5[%dma_wait3A_987, %add3A_889, %dma_wait3A_991] : memref<4x4096x1024xf32, #tpu.memory_space<hbm>> -> memref<1x16x1024xf32, #tpu.memory_space<hbm>>
    %dma_wait3A_993 = tpu.memref_squeeze %dma_wait3A_992 : memref<1x16x1024xf32, #tpu.memory_space<hbm>> -> memref<16x1024xf32, #tpu.memory_space<hbm>>
    tpu.wait_dma2 semaphore(%arg22 : memref<!tpu.dma_semaphore, #tpu.memory_space<semaphore_mem>>) src(%arg10 : memref<16x1024xf32, #tpu.memory_space<vmem>>) dst(%dma_wait3A_993 : memref<16x1024xf32, #tpu.memory_space<hbm>>)
    %add3A_994 = arith.constant 96 : i32
    %add3A_995 = arith.addi %mul3A_2, %add3A_994 : i32
    %dma_start3A_996 = arith.constant 2 : i32
    %dma_start3A_997 = arith.constant 0 : i32
    %dma_start3A_998 = tpu.memref_slice %arg2[%dma_start3A_996, %add3A_995, %dma_start3A_997] : memref<4x4096x1024xf32, #tpu.memory_space<hbm>> -> memref<1x16x1024xf32, #tpu.memory_space<hbm>>
    %dma_start3A_999 = tpu.memref_squeeze %dma_start3A_998 : memref<1x16x1024xf32, #tpu.memory_space<hbm>> -> memref<16x1024xf32, #tpu.memory_space<hbm>>
    %dma_start3A_1000 = arith.constant 0 : i32
    %dma_start3A_1001 = tpu.memref_slice %arg2[%dma_start3A_996, %add3A_995, %dma_start3A_1000] : memref<4x4096x1024xf32, #tpu.memory_space<hbm>> -> memref<1x16x1024xf32, #tpu.memory_space<hbm>>
    %dma_start3A_1002 = tpu.memref_squeeze %dma_start3A_1001 : memref<1x16x1024xf32, #tpu.memory_space<hbm>> -> memref<16x1024xf32, #tpu.memory_space<hbm>>
    tpu.enqueue_dma source(%dma_start3A_1002 : memref<16x1024xf32, #tpu.memory_space<hbm>>) target(%arg10 : memref<16x1024xf32, #tpu.memory_space<vmem>>) target_semaphore(%arg17 : memref<!tpu.dma_semaphore, #tpu.memory_space<semaphore_mem>>)
    %dma_wait3A_1003 = arith.constant 0 : i32
    %dma_wait3A_1004 = arith.constant 0 : i32
    %dma_wait3A_1005 = tpu.memref_slice %arg2[%dma_wait3A_1003, %add3A_905, %dma_wait3A_1004] : memref<4x4096x1024xf32, #tpu.memory_space<hbm>> -> memref<1x16x1024xf32, #tpu.memory_space<hbm>>
    %dma_wait3A_1006 = tpu.memref_squeeze %dma_wait3A_1005 : memref<1x16x1024xf32, #tpu.memory_space<hbm>> -> memref<16x1024xf32, #tpu.memory_space<hbm>>
    %dma_wait3A_1007 = arith.constant 0 : i32
    %dma_wait3A_1008 = tpu.memref_slice %arg2[%dma_wait3A_1003, %add3A_905, %dma_wait3A_1007] : memref<4x4096x1024xf32, #tpu.memory_space<hbm>> -> memref<1x16x1024xf32, #tpu.memory_space<hbm>>
    %dma_wait3A_1009 = tpu.memref_squeeze %dma_wait3A_1008 : memref<1x16x1024xf32, #tpu.memory_space<hbm>> -> memref<16x1024xf32, #tpu.memory_space<hbm>>
    tpu.wait_dma2 semaphore(%arg20 : memref<!tpu.dma_semaphore, #tpu.memory_space<semaphore_mem>>) src(%dma_wait3A_1009 : memref<16x1024xf32, #tpu.memory_space<hbm>>) dst(%arg13 : memref<16x1024xf32, #tpu.memory_space<vmem>>)
    %parallel_loop3A_1010 = arith.constant 0 : i32
    %parallel_loop3A_1011 = arith.constant 1024 : i32
    %parallel_loop3A_1012 = arith.constant 1 : i32
    scf.for %parallel_loop3A_1280 = %parallel_loop3A_1010 to %parallel_loop3A_1011 step %parallel_loop3A_1012  : i32 {
      %parallel_loop3A_1281 = arith.constant 6 : i32
      %parallel_loop3A_1282 = arith.shrsi %parallel_loop3A_1280, %parallel_loop3A_1281 : i32
      %parallel_loop3A_1283 = arith.constant 63 : i32
      %parallel_loop3A_1284 = arith.andi %parallel_loop3A_1280, %parallel_loop3A_1283 : i32
      %parallel_loop3A_1285 = arith.constant 4 : i32
      %parallel_loop3A_1286 = arith.shli %parallel_loop3A_1284, %parallel_loop3A_1285 : i32
      %parallel_loop3A_1287 = tpu.assume_multiple %parallel_loop3A_1286, 16 : i32
      %parallel_loop3A_1288 = arith.index_cast %parallel_loop3A_1282 : i32 to index
      %parallel_loop3A_1289 = arith.index_cast %parallel_loop3A_1287 : i32 to index
      %parallel_loop3A_1290 = tpu.vector_load %arg7[%parallel_loop3A_1288, %parallel_loop3A_1289] {strides = array<i32>} : memref<16x1024xf32, #tpu.memory_space<vmem>>, vector<1x16xf32>,
      %parallel_loop3A_1291 = vector.shape_cast %parallel_loop3A_1290 : vector<1x16xf32> to vector<16xf32>
      %parallel_loop3A_1292 = arith.index_cast %parallel_loop3A_1282 : i32 to index
      %parallel_loop3A_1293 = arith.index_cast %parallel_loop3A_1287 : i32 to index
      %parallel_loop3A_1294 = tpu.vector_load %arg13[%parallel_loop3A_1292, %parallel_loop3A_1293] {strides = array<i32>} : memref<16x1024xf32, #tpu.memory_space<vmem>>, vector<1x16xf32>,
      %parallel_loop3A_1295 = vector.shape_cast %parallel_loop3A_1294 : vector<1x16xf32> to vector<16xf32>
      %parallel_loop3A_1296 = vector.shape_cast %parallel_loop3A_1291 : vector<16xf32> to vector<1x16xf32>
      tpu.vector_store %arg13[%parallel_loop3A_1292, %parallel_loop3A_1293], %parallel_loop3A_1296 {add = true, strides = array<i32>} : memref<16x1024xf32, #tpu.memory_space<vmem>>, vector<1x16xf32>,
    } {sc.loop_unroll_factor = 8 : i64, sc.parallel_access}
    %add3A_1013 = arith.constant 96 : i32
    %add3A_1014 = arith.addi %mul3A_2, %add3A_1013 : i32
    %dma_start3A_1015 = arith.constant 0 : i32
    %dma_start3A_1016 = arith.constant 0 : i32
    %dma_start3A_1017 = tpu.memref_slice %arg5[%dma_start3A_1015, %add3A_1014, %dma_start3A_1016] : memref<4x4096x1024xf32, #tpu.memory_space<hbm>> -> memref<1x16x1024xf32, #tpu.memory_space<hbm>>
    %dma_start3A_1018 = tpu.memref_squeeze %dma_start3A_1017 : memref<1x16x1024xf32, #tpu.memory_space<hbm>> -> memref<16x1024xf32, #tpu.memory_space<hbm>>
    %dma_start3A_1019 = arith.constant 0 : i32
    %dma_start3A_1020 = tpu.memref_slice %arg5[%dma_start3A_1015, %add3A_1014, %dma_start3A_1019] : memref<4x4096x1024xf32, #tpu.memory_space<hbm>> -> memref<1x16x1024xf32, #tpu.memory_space<hbm>>
    %dma_start3A_1021 = tpu.memref_squeeze %dma_start3A_1020 : memref<1x16x1024xf32, #tpu.memory_space<hbm>> -> memref<16x1024xf32, #tpu.memory_space<hbm>>
    tpu.enqueue_dma source(%arg13 : memref<16x1024xf32, #tpu.memory_space<vmem>>) target(%dma_start3A_1021 : memref<16x1024xf32, #tpu.memory_space<hbm>>) target_semaphore(%arg25 : memref<!tpu.dma_semaphore, #tpu.memory_space<semaphore_mem>>)
    %dma_wait3A_1022 = arith.constant 2 : i32
    %dma_wait3A_1023 = arith.constant 0 : i32
    %dma_wait3A_1024 = tpu.memref_slice %arg5[%dma_wait3A_1022, %add3A_924, %dma_wait3A_1023] : memref<4x4096x1024xf32, #tpu.memory_space<hbm>> -> memref<1x16x1024xf32, #tpu.memory_space<hbm>>
    %dma_wait3A_1025 = tpu.memref_squeeze %dma_wait3A_1024 : memref<1x16x1024xf32, #tpu.memory_space<hbm>> -> memref<16x1024xf32, #tpu.memory_space<hbm>>
    %dma_wait3A_1026 = arith.constant 0 : i32
    %dma_wait3A_1027 = tpu.memref_slice %arg5[%dma_wait3A_1022, %add3A_924, %dma_wait3A_1026] : memref<4x4096x1024xf32, #tpu.memory_space<hbm>> -> memref<1x16x1024xf32, #tpu.memory_space<hbm>>
    %dma_wait3A_1028 = tpu.memref_squeeze %dma_wait3A_1027 : memref<1x16x1024xf32, #tpu.memory_space<hbm>> -> memref<16x1024xf32, #tpu.memory_space<hbm>>
    tpu.wait_dma2 semaphore(%arg23 : memref<!tpu.dma_semaphore, #tpu.memory_space<semaphore_mem>>) src(%arg11 : memref<16x1024xf32, #tpu.memory_space<vmem>>) dst(%dma_wait3A_1028 : memref<16x1024xf32, #tpu.memory_space<hbm>>)
    %add3A_1029 = arith.constant 96 : i32
    %add3A_1030 = arith.addi %mul3A_2, %add3A_1029 : i32
    %dma_start3A_1031 = arith.constant 3 : i32
    %dma_start3A_1032 = arith.constant 0 : i32
    %dma_start3A_1033 = tpu.memref_slice %arg2[%dma_start3A_1031, %add3A_1030, %dma_start3A_1032] : memref<4x4096x1024xf32, #tpu.memory_space<hbm>> -> memref<1x16x1024xf32, #tpu.memory_space<hbm>>
    %dma_start3A_1034 = tpu.memref_squeeze %dma_start3A_1033 : memref<1x16x1024xf32, #tpu.memory_space<hbm>> -> memref<16x1024xf32, #tpu.memory_space<hbm>>
    %dma_start3A_1035 = arith.constant 0 : i32
    %dma_start3A_1036 = tpu.memref_slice %arg2[%dma_start3A_1031, %add3A_1030, %dma_start3A_1035] : memref<4x4096x1024xf32, #tpu.memory_space<hbm>> -> memref<1x16x1024xf32, #tpu.memory_space<hbm>>
    %dma_start3A_1037 = tpu.memref_squeeze %dma_start3A_1036 : memref<1x16x1024xf32, #tpu.memory_space<hbm>> -> memref<16x1024xf32, #tpu.memory_space<hbm>>
    tpu.enqueue_dma source(%dma_start3A_1037 : memref<16x1024xf32, #tpu.memory_space<hbm>>) target(%arg11 : memref<16x1024xf32, #tpu.memory_space<vmem>>) target_semaphore(%arg18 : memref<!tpu.dma_semaphore, #tpu.memory_space<semaphore_mem>>)
    %dma_wait3A_1038 = arith.constant 1 : i32
    %dma_wait3A_1039 = arith.constant 0 : i32
    %dma_wait3A_1040 = tpu.memref_slice %arg2[%dma_wait3A_1038, %add3A_940, %dma_wait3A_1039] : memref<4x4096x1024xf32, #tpu.memory_space<hbm>> -> memref<1x16x1024xf32, #tpu.memory_space<hbm>>
    %dma_wait3A_1041 = tpu.memref_squeeze %dma_wait3A_1040 : memref<1x16x1024xf32, #tpu.memory_space<hbm>> -> memref<16x1024xf32, #tpu.memory_space<hbm>>
    %dma_wait3A_1042 = arith.constant 0 : i32
    %dma_wait3A_1043 = tpu.memref_slice %arg2[%dma_wait3A_1038, %add3A_940, %dma_wait3A_1042] : memref<4x4096x1024xf32, #tpu.memory_space<hbm>> -> memref<1x16x1024xf32, #tpu.memory_space<hbm>>
    %dma_wait3A_1044 = tpu.memref_squeeze %dma_wait3A_1043 : memref<1x16x1024xf32, #tpu.memory_space<hbm>> -> memref<16x1024xf32, #tpu.memory_space<hbm>>
    tpu.wait_dma2 semaphore(%arg16 : memref<!tpu.dma_semaphore, #tpu.memory_space<semaphore_mem>>) src(%dma_wait3A_1044 : memref<16x1024xf32, #tpu.memory_space<hbm>>) dst(%arg9 : memref<16x1024xf32, #tpu.memory_space<vmem>>)
    %parallel_loop3A_1045 = arith.constant 0 : i32
    %parallel_loop3A_1046 = arith.constant 1024 : i32
    %parallel_loop3A_1047 = arith.constant 1 : i32
    scf.for %parallel_loop3A_1280 = %parallel_loop3A_1045 to %parallel_loop3A_1046 step %parallel_loop3A_1047  : i32 {
      %parallel_loop3A_1281 = arith.constant 6 : i32
      %parallel_loop3A_1282 = arith.shrsi %parallel_loop3A_1280, %parallel_loop3A_1281 : i32
      %parallel_loop3A_1283 = arith.constant 63 : i32
      %parallel_loop3A_1284 = arith.andi %parallel_loop3A_1280, %parallel_loop3A_1283 : i32
      %parallel_loop3A_1285 = arith.constant 4 : i32
      %parallel_loop3A_1286 = arith.shli %parallel_loop3A_1284, %parallel_loop3A_1285 : i32
      %parallel_loop3A_1287 = tpu.assume_multiple %parallel_loop3A_1286, 16 : i32
      %parallel_loop3A_1288 = arith.index_cast %parallel_loop3A_1282 : i32 to index
      %parallel_loop3A_1289 = arith.index_cast %parallel_loop3A_1287 : i32 to index
      %parallel_loop3A_1290 = tpu.vector_load %arg7[%parallel_loop3A_1288, %parallel_loop3A_1289] {strides = array<i32>} : memref<16x1024xf32, #tpu.memory_space<vmem>>, vector<1x16xf32>,
      %parallel_loop3A_1291 = vector.shape_cast %parallel_loop3A_1290 : vector<1x16xf32> to vector<16xf32>
      %parallel_loop3A_1292 = arith.index_cast %parallel_loop3A_1282 : i32 to index
      %parallel_loop3A_1293 = arith.index_cast %parallel_loop3A_1287 : i32 to index
      %parallel_loop3A_1294 = tpu.vector_load %arg9[%parallel_loop3A_1292, %parallel_loop3A_1293] {strides = array<i32>} : memref<16x1024xf32, #tpu.memory_space<vmem>>, vector<1x16xf32>,
      %parallel_loop3A_1295 = vector.shape_cast %parallel_loop3A_1294 : vector<1x16xf32> to vector<16xf32>
      %parallel_loop3A_1296 = vector.shape_cast %parallel_loop3A_1291 : vector<16xf32> to vector<1x16xf32>
      tpu.vector_store %arg9[%parallel_loop3A_1292, %parallel_loop3A_1293], %parallel_loop3A_1296 {add = true, strides = array<i32>} : memref<16x1024xf32, #tpu.memory_space<vmem>>, vector<1x16xf32>,
    } {sc.loop_unroll_factor = 8 : i64, sc.parallel_access}
    %add3A_1048 = arith.constant 96 : i32
    %add3A_1049 = arith.addi %mul3A_2, %add3A_1048 : i32
    %dma_start3A_1050 = arith.constant 1 : i32
    %dma_start3A_1051 = arith.constant 0 : i32
    %dma_start3A_1052 = tpu.memref_slice %arg5[%dma_start3A_1050, %add3A_1049, %dma_start3A_1051] : memref<4x4096x1024xf32, #tpu.memory_space<hbm>> -> memref<1x16x1024xf32, #tpu.memory_space<hbm>>
    %dma_start3A_1053 = tpu.memref_squeeze %dma_start3A_1052 : memref<1x16x1024xf32, #tpu.memory_space<hbm>> -> memref<16x1024xf32, #tpu.memory_space<hbm>>
    %dma_start3A_1054 = arith.constant 0 : i32
    %dma_start3A_1055 = tpu.memref_slice %arg5[%dma_start3A_1050, %add3A_1049, %dma_start3A_1054] : memref<4x4096x1024xf32, #tpu.memory_space<hbm>> -> memref<1x16x1024xf32, #tpu.memory_space<hbm>>
    %dma_start3A_1056 = tpu.memref_squeeze %dma_start3A_1055 : memref<1x16x1024xf32, #tpu.memory_space<hbm>> -> memref<16x1024xf32, #tpu.memory_space<hbm>>
    tpu.enqueue_dma source(%arg9 : memref<16x1024xf32, #tpu.memory_space<vmem>>) target(%dma_start3A_1056 : memref<16x1024xf32, #tpu.memory_space<hbm>>) target_semaphore(%arg21 : memref<!tpu.dma_semaphore, #tpu.memory_space<semaphore_mem>>)
    %dma_wait3A_1057 = arith.constant 3 : i32
    %dma_wait3A_1058 = arith.constant 0 : i32
    %dma_wait3A_1059 = tpu.memref_slice %arg5[%dma_wait3A_1057, %add3A_959, %dma_wait3A_1058] : memref<4x4096x1024xf32, #tpu.memory_space<hbm>> -> memref<1x16x1024xf32, #tpu.memory_space<hbm>>
    %dma_wait3A_1060 = tpu.memref_squeeze %dma_wait3A_1059 : memref<1x16x1024xf32, #tpu.memory_space<hbm>> -> memref<16x1024xf32, #tpu.memory_space<hbm>>
    %dma_wait3A_1061 = arith.constant 0 : i32
    %dma_wait3A_1062 = tpu.memref_slice %arg5[%dma_wait3A_1057, %add3A_959, %dma_wait3A_1061] : memref<4x4096x1024xf32, #tpu.memory_space<hbm>> -> memref<1x16x1024xf32, #tpu.memory_space<hbm>>
    %dma_wait3A_1063 = tpu.memref_squeeze %dma_wait3A_1062 : memref<1x16x1024xf32, #tpu.memory_space<hbm>> -> memref<16x1024xf32, #tpu.memory_space<hbm>>
    tpu.wait_dma2 semaphore(%arg24 : memref<!tpu.dma_semaphore, #tpu.memory_space<semaphore_mem>>) src(%arg12 : memref<16x1024xf32, #tpu.memory_space<vmem>>) dst(%dma_wait3A_1063 : memref<16x1024xf32, #tpu.memory_space<hbm>>)
    %add3A_1064 = arith.constant 112 : i32
    %add3A_1065 = arith.addi %mul3A_2, %add3A_1064 : i32
    %dma_start3A_1066 = arith.constant 0 : i32
    %dma_start3A_1067 = arith.constant 0 : i32
    %dma_start3A_1068 = tpu.memref_slice %arg2[%dma_start3A_1066, %add3A_1065, %dma_start3A_1067] : memref<4x4096x1024xf32, #tpu.memory_space<hbm>> -> memref<1x16x1024xf32, #tpu.memory_space<hbm>>
    %dma_start3A_1069 = tpu.memref_squeeze %dma_start3A_1068 : memref<1x16x1024xf32, #tpu.memory_space<hbm>> -> memref<16x1024xf32, #tpu.memory_space<hbm>>
    %dma_start3A_1070 = arith.constant 0 : i32
    %dma_start3A_1071 = tpu.memref_slice %arg2[%dma_start3A_1066, %add3A_1065, %dma_start3A_1070] : memref<4x4096x1024xf32, #tpu.memory_space<hbm>> -> memref<1x16x1024xf32, #tpu.memory_space<hbm>>
    %dma_start3A_1072 = tpu.memref_squeeze %dma_start3A_1071 : memref<1x16x1024xf32, #tpu.memory_space<hbm>> -> memref<16x1024xf32, #tpu.memory_space<hbm>>
    tpu.enqueue_dma source(%dma_start3A_1072 : memref<16x1024xf32, #tpu.memory_space<hbm>>) target(%arg12 : memref<16x1024xf32, #tpu.memory_space<vmem>>) target_semaphore(%arg19 : memref<!tpu.dma_semaphore, #tpu.memory_space<semaphore_mem>>)
    %dma_wait3A_1073 = arith.constant 2 : i32
    %dma_wait3A_1074 = arith.constant 0 : i32
    %dma_wait3A_1075 = tpu.memref_slice %arg2[%dma_wait3A_1073, %add3A_995, %dma_wait3A_1074] : memref<4x4096x1024xf32, #tpu.memory_space<hbm>> -> memref<1x16x1024xf32, #tpu.memory_space<hbm>>
    %dma_wait3A_1076 = tpu.memref_squeeze %dma_wait3A_1075 : memref<1x16x1024xf32, #tpu.memory_space<hbm>> -> memref<16x1024xf32, #tpu.memory_space<hbm>>
    %dma_wait3A_1077 = arith.constant 0 : i32
    %dma_wait3A_1078 = tpu.memref_slice %arg2[%dma_wait3A_1073, %add3A_995, %dma_wait3A_1077] : memref<4x4096x1024xf32, #tpu.memory_space<hbm>> -> memref<1x16x1024xf32, #tpu.memory_space<hbm>>
    %dma_wait3A_1079 = tpu.memref_squeeze %dma_wait3A_1078 : memref<1x16x1024xf32, #tpu.memory_space<hbm>> -> memref<16x1024xf32, #tpu.memory_space<hbm>>
    tpu.wait_dma2 semaphore(%arg17 : memref<!tpu.dma_semaphore, #tpu.memory_space<semaphore_mem>>) src(%dma_wait3A_1079 : memref<16x1024xf32, #tpu.memory_space<hbm>>) dst(%arg10 : memref<16x1024xf32, #tpu.memory_space<vmem>>)
    %parallel_loop3A_1080 = arith.constant 0 : i32
    %parallel_loop3A_1081 = arith.constant 1024 : i32
    %parallel_loop3A_1082 = arith.constant 1 : i32
    scf.for %parallel_loop3A_1280 = %parallel_loop3A_1080 to %parallel_loop3A_1081 step %parallel_loop3A_1082  : i32 {
      %parallel_loop3A_1281 = arith.constant 6 : i32
      %parallel_loop3A_1282 = arith.shrsi %parallel_loop3A_1280, %parallel_loop3A_1281 : i32
      %parallel_loop3A_1283 = arith.constant 63 : i32
      %parallel_loop3A_1284 = arith.andi %parallel_loop3A_1280, %parallel_loop3A_1283 : i32
      %parallel_loop3A_1285 = arith.constant 4 : i32
      %parallel_loop3A_1286 = arith.shli %parallel_loop3A_1284, %parallel_loop3A_1285 : i32
      %parallel_loop3A_1287 = tpu.assume_multiple %parallel_loop3A_1286, 16 : i32
      %parallel_loop3A_1288 = arith.index_cast %parallel_loop3A_1282 : i32 to index
      %parallel_loop3A_1289 = arith.index_cast %parallel_loop3A_1287 : i32 to index
      %parallel_loop3A_1290 = tpu.vector_load %arg7[%parallel_loop3A_1288, %parallel_loop3A_1289] {strides = array<i32>} : memref<16x1024xf32, #tpu.memory_space<vmem>>, vector<1x16xf32>,
      %parallel_loop3A_1291 = vector.shape_cast %parallel_loop3A_1290 : vector<1x16xf32> to vector<16xf32>
      %parallel_loop3A_1292 = arith.index_cast %parallel_loop3A_1282 : i32 to index
      %parallel_loop3A_1293 = arith.index_cast %parallel_loop3A_1287 : i32 to index
      %parallel_loop3A_1294 = tpu.vector_load %arg10[%parallel_loop3A_1292, %parallel_loop3A_1293] {strides = array<i32>} : memref<16x1024xf32, #tpu.memory_space<vmem>>, vector<1x16xf32>,
      %parallel_loop3A_1295 = vector.shape_cast %parallel_loop3A_1294 : vector<1x16xf32> to vector<16xf32>
      %parallel_loop3A_1296 = vector.shape_cast %parallel_loop3A_1291 : vector<16xf32> to vector<1x16xf32>
      tpu.vector_store %arg10[%parallel_loop3A_1292, %parallel_loop3A_1293], %parallel_loop3A_1296 {add = true, strides = array<i32>} : memref<16x1024xf32, #tpu.memory_space<vmem>>, vector<1x16xf32>,
    } {sc.loop_unroll_factor = 8 : i64, sc.parallel_access}
    %add3A_1083 = arith.constant 96 : i32
    %add3A_1084 = arith.addi %mul3A_2, %add3A_1083 : i32
    %dma_start3A_1085 = arith.constant 2 : i32
    %dma_start3A_1086 = arith.constant 0 : i32
    %dma_start3A_1087 = tpu.memref_slice %arg5[%dma_start3A_1085, %add3A_1084, %dma_start3A_1086] : memref<4x4096x1024xf32, #tpu.memory_space<hbm>> -> memref<1x16x1024xf32, #tpu.memory_space<hbm>>
    %dma_start3A_1088 = tpu.memref_squeeze %dma_start3A_1087 : memref<1x16x1024xf32, #tpu.memory_space<hbm>> -> memref<16x1024xf32, #tpu.memory_space<hbm>>
    %dma_start3A_1089 = arith.constant 0 : i32
    %dma_start3A_1090 = tpu.memref_slice %arg5[%dma_start3A_1085, %add3A_1084, %dma_start3A_1089] : memref<4x4096x1024xf32, #tpu.memory_space<hbm>> -> memref<1x16x1024xf32, #tpu.memory_space<hbm>>
    %dma_start3A_1091 = tpu.memref_squeeze %dma_start3A_1090 : memref<1x16x1024xf32, #tpu.memory_space<hbm>> -> memref<16x1024xf32, #tpu.memory_space<hbm>>
    tpu.enqueue_dma source(%arg10 : memref<16x1024xf32, #tpu.memory_space<vmem>>) target(%dma_start3A_1091 : memref<16x1024xf32, #tpu.memory_space<hbm>>) target_semaphore(%arg22 : memref<!tpu.dma_semaphore, #tpu.memory_space<semaphore_mem>>)
    %dma_wait3A_1092 = arith.constant 0 : i32
    %dma_wait3A_1093 = arith.constant 0 : i32
    %dma_wait3A_1094 = tpu.memref_slice %arg5[%dma_wait3A_1092, %add3A_1014, %dma_wait3A_1093] : memref<4x4096x1024xf32, #tpu.memory_space<hbm>> -> memref<1x16x1024xf32, #tpu.memory_space<hbm>>
    %dma_wait3A_1095 = tpu.memref_squeeze %dma_wait3A_1094 : memref<1x16x1024xf32, #tpu.memory_space<hbm>> -> memref<16x1024xf32, #tpu.memory_space<hbm>>
    %dma_wait3A_1096 = arith.constant 0 : i32
    %dma_wait3A_1097 = tpu.memref_slice %arg5[%dma_wait3A_1092, %add3A_1014, %dma_wait3A_1096] : memref<4x4096x1024xf32, #tpu.memory_space<hbm>> -> memref<1x16x1024xf32, #tpu.memory_space<hbm>>
    %dma_wait3A_1098 = tpu.memref_squeeze %dma_wait3A_1097 : memref<1x16x1024xf32, #tpu.memory_space<hbm>> -> memref<16x1024xf32, #tpu.memory_space<hbm>>
    tpu.wait_dma2 semaphore(%arg25 : memref<!tpu.dma_semaphore, #tpu.memory_space<semaphore_mem>>) src(%arg13 : memref<16x1024xf32, #tpu.memory_space<vmem>>) dst(%dma_wait3A_1098 : memref<16x1024xf32, #tpu.memory_space<hbm>>)
    %add3A_1099 = arith.constant 112 : i32
    %add3A_1100 = arith.addi %mul3A_2, %add3A_1099 : i32
    %dma_start3A_1101 = arith.constant 1 : i32
    %dma_start3A_1102 = arith.constant 0 : i32
    %dma_start3A_1103 = tpu.memref_slice %arg2[%dma_start3A_1101, %add3A_1100, %dma_start3A_1102] : memref<4x4096x1024xf32, #tpu.memory_space<hbm>> -> memref<1x16x1024xf32, #tpu.memory_space<hbm>>
    %dma_start3A_1104 = tpu.memref_squeeze %dma_start3A_1103 : memref<1x16x1024xf32, #tpu.memory_space<hbm>> -> memref<16x1024xf32, #tpu.memory_space<hbm>>
    %dma_start3A_1105 = arith.constant 0 : i32
    %dma_start3A_1106 = tpu.memref_slice %arg2[%dma_start3A_1101, %add3A_1100, %dma_start3A_1105] : memref<4x4096x1024xf32, #tpu.memory_space<hbm>> -> memref<1x16x1024xf32, #tpu.memory_space<hbm>>
    %dma_start3A_1107 = tpu.memref_squeeze %dma_start3A_1106 : memref<1x16x1024xf32, #tpu.memory_space<hbm>> -> memref<16x1024xf32, #tpu.memory_space<hbm>>
    tpu.enqueue_dma source(%dma_start3A_1107 : memref<16x1024xf32, #tpu.memory_space<hbm>>) target(%arg13 : memref<16x1024xf32, #tpu.memory_space<vmem>>) target_semaphore(%arg20 : memref<!tpu.dma_semaphore, #tpu.memory_space<semaphore_mem>>)
    %dma_wait3A_1108 = arith.constant 3 : i32
    %dma_wait3A_1109 = arith.constant 0 : i32
    %dma_wait3A_1110 = tpu.memref_slice %arg2[%dma_wait3A_1108, %add3A_1030, %dma_wait3A_1109] : memref<4x4096x1024xf32, #tpu.memory_space<hbm>> -> memref<1x16x1024xf32, #tpu.memory_space<hbm>>
    %dma_wait3A_1111 = tpu.memref_squeeze %dma_wait3A_1110 : memref<1x16x1024xf32, #tpu.memory_space<hbm>> -> memref<16x1024xf32, #tpu.memory_space<hbm>>
    %dma_wait3A_1112 = arith.constant 0 : i32
    %dma_wait3A_1113 = tpu.memref_slice %arg2[%dma_wait3A_1108, %add3A_1030, %dma_wait3A_1112] : memref<4x4096x1024xf32, #tpu.memory_space<hbm>> -> memref<1x16x1024xf32, #tpu.memory_space<hbm>>
    %dma_wait3A_1114 = tpu.memref_squeeze %dma_wait3A_1113 : memref<1x16x1024xf32, #tpu.memory_space<hbm>> -> memref<16x1024xf32, #tpu.memory_space<hbm>>
    tpu.wait_dma2 semaphore(%arg18 : memref<!tpu.dma_semaphore, #tpu.memory_space<semaphore_mem>>) src(%dma_wait3A_1114 : memref<16x1024xf32, #tpu.memory_space<hbm>>) dst(%arg11 : memref<16x1024xf32, #tpu.memory_space<vmem>>)
    %parallel_loop3A_1115 = arith.constant 0 : i32
    %parallel_loop3A_1116 = arith.constant 1024 : i32
    %parallel_loop3A_1117 = arith.constant 1 : i32
    scf.for %parallel_loop3A_1280 = %parallel_loop3A_1115 to %parallel_loop3A_1116 step %parallel_loop3A_1117  : i32 {
      %parallel_loop3A_1281 = arith.constant 6 : i32
      %parallel_loop3A_1282 = arith.shrsi %parallel_loop3A_1280, %parallel_loop3A_1281 : i32
      %parallel_loop3A_1283 = arith.constant 63 : i32
      %parallel_loop3A_1284 = arith.andi %parallel_loop3A_1280, %parallel_loop3A_1283 : i32
      %parallel_loop3A_1285 = arith.constant 4 : i32
      %parallel_loop3A_1286 = arith.shli %parallel_loop3A_1284, %parallel_loop3A_1285 : i32
      %parallel_loop3A_1287 = tpu.assume_multiple %parallel_loop3A_1286, 16 : i32
      %parallel_loop3A_1288 = arith.index_cast %parallel_loop3A_1282 : i32 to index
      %parallel_loop3A_1289 = arith.index_cast %parallel_loop3A_1287 : i32 to index
      %parallel_loop3A_1290 = tpu.vector_load %arg7[%parallel_loop3A_1288, %parallel_loop3A_1289] {strides = array<i32>} : memref<16x1024xf32, #tpu.memory_space<vmem>>, vector<1x16xf32>,
      %parallel_loop3A_1291 = vector.shape_cast %parallel_loop3A_1290 : vector<1x16xf32> to vector<16xf32>
      %parallel_loop3A_1292 = arith.index_cast %parallel_loop3A_1282 : i32 to index
      %parallel_loop3A_1293 = arith.index_cast %parallel_loop3A_1287 : i32 to index
      %parallel_loop3A_1294 = tpu.vector_load %arg11[%parallel_loop3A_1292, %parallel_loop3A_1293] {strides = array<i32>} : memref<16x1024xf32, #tpu.memory_space<vmem>>, vector<1x16xf32>,
      %parallel_loop3A_1295 = vector.shape_cast %parallel_loop3A_1294 : vector<1x16xf32> to vector<16xf32>
      %parallel_loop3A_1296 = vector.shape_cast %parallel_loop3A_1291 : vector<16xf32> to vector<1x16xf32>
      tpu.vector_store %arg11[%parallel_loop3A_1292, %parallel_loop3A_1293], %parallel_loop3A_1296 {add = true, strides = array<i32>} : memref<16x1024xf32, #tpu.memory_space<vmem>>, vector<1x16xf32>,
    } {sc.loop_unroll_factor = 8 : i64, sc.parallel_access}
    %add3A_1118 = arith.constant 96 : i32
    %add3A_1119 = arith.addi %mul3A_2, %add3A_1118 : i32
    %dma_start3A_1120 = arith.constant 3 : i32
    %dma_start3A_1121 = arith.constant 0 : i32
    %dma_start3A_1122 = tpu.memref_slice %arg5[%dma_start3A_1120, %add3A_1119, %dma_start3A_1121] : memref<4x4096x1024xf32, #tpu.memory_space<hbm>> -> memref<1x16x1024xf32, #tpu.memory_space<hbm>>
    %dma_start3A_1123 = tpu.memref_squeeze %dma_start3A_1122 : memref<1x16x1024xf32, #tpu.memory_space<hbm>> -> memref<16x1024xf32, #tpu.memory_space<hbm>>
    %dma_start3A_1124 = arith.constant 0 : i32
    %dma_start3A_1125 = tpu.memref_slice %arg5[%dma_start3A_1120, %add3A_1119, %dma_start3A_1124] : memref<4x4096x1024xf32, #tpu.memory_space<hbm>> -> memref<1x16x1024xf32, #tpu.memory_space<hbm>>
    %dma_start3A_1126 = tpu.memref_squeeze %dma_start3A_1125 : memref<1x16x1024xf32, #tpu.memory_space<hbm>> -> memref<16x1024xf32, #tpu.memory_space<hbm>>
    tpu.enqueue_dma source(%arg11 : memref<16x1024xf32, #tpu.memory_space<vmem>>) target(%dma_start3A_1126 : memref<16x1024xf32, #tpu.memory_space<hbm>>) target_semaphore(%arg23 : memref<!tpu.dma_semaphore, #tpu.memory_space<semaphore_mem>>)
    %dma_wait3A_1127 = arith.constant 0 : i32
    %dma_wait3A_1128 = arith.constant 112 : i32
    %dma_wait3A_1129 = tpu.memref_slice %arg6[%dma_wait3A_1128] : memref<128xi32, #tpu.memory_space<vmem>> -> memref<16xi32, #tpu.memory_space<vmem>>
    %dma_wait3A_1130 = arith.constant 0 : i32
    %dma_wait3A_1131 = arith.constant 0 : i32
    %dma_wait3A_1132 = tpu.memref_slice %arg4[%dma_wait3A_1127, %dma_wait3A_1130, %dma_wait3A_1131] : memref<1x8192x1024xf32, #tpu.memory_space<hbm>> -> memref<1x8192x1024xf32, #tpu.memory_space<hbm>>
    %dma_wait3A_1133 = tpu.memref_squeeze %dma_wait3A_1132 : memref<1x8192x1024xf32, #tpu.memory_space<hbm>> -> memref<8192x1024xf32, #tpu.memory_space<hbm>>
    %dma_wait3A_1134 = arith.constant 0 : i32
    %dma_wait3A_1135 = arith.constant 0 : i32
    %dma_wait3A_1136 = tpu.memref_slice %dma_wait3A_1133[%dma_wait3A_1134, %dma_wait3A_1135] : memref<8192x1024xf32, #tpu.memory_space<hbm>> -> memref<8192x1024xf32, #tpu.memory_space<hbm>>
    tpu.wait_indirect_dma semaphore(%arg15 : memref<!tpu.dma_semaphore, #tpu.memory_space<semaphore_mem>>) src(%dma_wait3A_1136 : memref<8192x1024xf32, #tpu.memory_space<hbm>>) dst(%arg8 : memref<16x1024xf32, #tpu.memory_space<vmem>>)
    %dma_wait3A_1137 = arith.constant 1 : i32
    %dma_wait3A_1138 = arith.constant 0 : i32
    %dma_wait3A_1139 = tpu.memref_slice %arg5[%dma_wait3A_1137, %add3A_1049, %dma_wait3A_1138] : memref<4x4096x1024xf32, #tpu.memory_space<hbm>> -> memref<1x16x1024xf32, #tpu.memory_space<hbm>>
    %dma_wait3A_1140 = tpu.memref_squeeze %dma_wait3A_1139 : memref<1x16x1024xf32, #tpu.memory_space<hbm>> -> memref<16x1024xf32, #tpu.memory_space<hbm>>
    %dma_wait3A_1141 = arith.constant 0 : i32
    %dma_wait3A_1142 = tpu.memref_slice %arg5[%dma_wait3A_1137, %add3A_1049, %dma_wait3A_1141] : memref<4x4096x1024xf32, #tpu.memory_space<hbm>> -> memref<1x16x1024xf32, #tpu.memory_space<hbm>>
    %dma_wait3A_1143 = tpu.memref_squeeze %dma_wait3A_1142 : memref<1x16x1024xf32, #tpu.memory_space<hbm>> -> memref<16x1024xf32, #tpu.memory_space<hbm>>
    tpu.wait_dma2 semaphore(%arg21 : memref<!tpu.dma_semaphore, #tpu.memory_space<semaphore_mem>>) src(%arg9 : memref<16x1024xf32, #tpu.memory_space<vmem>>) dst(%dma_wait3A_1143 : memref<16x1024xf32, #tpu.memory_space<hbm>>)
    %add3A_1144 = arith.constant 112 : i32
    %add3A_1145 = arith.addi %mul3A_2, %add3A_1144 : i32
    %dma_start3A_1146 = arith.constant 2 : i32
    %dma_start3A_1147 = arith.constant 0 : i32
    %dma_start3A_1148 = tpu.memref_slice %arg2[%dma_start3A_1146, %add3A_1145, %dma_start3A_1147] : memref<4x4096x1024xf32, #tpu.memory_space<hbm>> -> memref<1x16x1024xf32, #tpu.memory_space<hbm>>
    %dma_start3A_1149 = tpu.memref_squeeze %dma_start3A_1148 : memref<1x16x1024xf32, #tpu.memory_space<hbm>> -> memref<16x1024xf32, #tpu.memory_space<hbm>>
    %dma_start3A_1150 = arith.constant 0 : i32
    %dma_start3A_1151 = tpu.memref_slice %arg2[%dma_start3A_1146, %add3A_1145, %dma_start3A_1150] : memref<4x4096x1024xf32, #tpu.memory_space<hbm>> -> memref<1x16x1024xf32, #tpu.memory_space<hbm>>
    %dma_start3A_1152 = tpu.memref_squeeze %dma_start3A_1151 : memref<1x16x1024xf32, #tpu.memory_space<hbm>> -> memref<16x1024xf32, #tpu.memory_space<hbm>>
    tpu.enqueue_dma source(%dma_start3A_1152 : memref<16x1024xf32, #tpu.memory_space<hbm>>) target(%arg9 : memref<16x1024xf32, #tpu.memory_space<vmem>>) target_semaphore(%arg16 : memref<!tpu.dma_semaphore, #tpu.memory_space<semaphore_mem>>)
    %dma_wait3A_1153 = arith.constant 0 : i32
    %dma_wait3A_1154 = arith.constant 0 : i32
    %dma_wait3A_1155 = tpu.memref_slice %arg2[%dma_wait3A_1153, %add3A_1065, %dma_wait3A_1154] : memref<4x4096x1024xf32, #tpu.memory_space<hbm>> -> memref<1x16x1024xf32, #tpu.memory_space<hbm>>
    %dma_wait3A_1156 = tpu.memref_squeeze %dma_wait3A_1155 : memref<1x16x1024xf32, #tpu.memory_space<hbm>> -> memref<16x1024xf32, #tpu.memory_space<hbm>>
    %dma_wait3A_1157 = arith.constant 0 : i32
    %dma_wait3A_1158 = tpu.memref_slice %arg2[%dma_wait3A_1153, %add3A_1065, %dma_wait3A_1157] : memref<4x4096x1024xf32, #tpu.memory_space<hbm>> -> memref<1x16x1024xf32, #tpu.memory_space<hbm>>
    %dma_wait3A_1159 = tpu.memref_squeeze %dma_wait3A_1158 : memref<1x16x1024xf32, #tpu.memory_space<hbm>> -> memref<16x1024xf32, #tpu.memory_space<hbm>>
    tpu.wait_dma2 semaphore(%arg19 : memref<!tpu.dma_semaphore, #tpu.memory_space<semaphore_mem>>) src(%dma_wait3A_1159 : memref<16x1024xf32, #tpu.memory_space<hbm>>) dst(%arg12 : memref<16x1024xf32, #tpu.memory_space<vmem>>)
    %parallel_loop3A_1160 = arith.constant 0 : i32
    %parallel_loop3A_1161 = arith.constant 1024 : i32
    %parallel_loop3A_1162 = arith.constant 1 : i32
    scf.for %parallel_loop3A_1280 = %parallel_loop3A_1160 to %parallel_loop3A_1161 step %parallel_loop3A_1162  : i32 {
      %parallel_loop3A_1281 = arith.constant 6 : i32
      %parallel_loop3A_1282 = arith.shrsi %parallel_loop3A_1280, %parallel_loop3A_1281 : i32
      %parallel_loop3A_1283 = arith.constant 63 : i32
      %parallel_loop3A_1284 = arith.andi %parallel_loop3A_1280, %parallel_loop3A_1283 : i32
      %parallel_loop3A_1285 = arith.constant 4 : i32
      %parallel_loop3A_1286 = arith.shli %parallel_loop3A_1284, %parallel_loop3A_1285 : i32
      %parallel_loop3A_1287 = tpu.assume_multiple %parallel_loop3A_1286, 16 : i32
      %parallel_loop3A_1288 = arith.index_cast %parallel_loop3A_1282 : i32 to index
      %parallel_loop3A_1289 = arith.index_cast %parallel_loop3A_1287 : i32 to index
      %parallel_loop3A_1290 = tpu.vector_load %arg8[%parallel_loop3A_1288, %parallel_loop3A_1289] {strides = array<i32>} : memref<16x1024xf32, #tpu.memory_space<vmem>>, vector<1x16xf32>,
      %parallel_loop3A_1291 = vector.shape_cast %parallel_loop3A_1290 : vector<1x16xf32> to vector<16xf32>
      %parallel_loop3A_1292 = arith.index_cast %parallel_loop3A_1282 : i32 to index
      %parallel_loop3A_1293 = arith.index_cast %parallel_loop3A_1287 : i32 to index
      %parallel_loop3A_1294 = tpu.vector_load %arg12[%parallel_loop3A_1292, %parallel_loop3A_1293] {strides = array<i32>} : memref<16x1024xf32, #tpu.memory_space<vmem>>, vector<1x16xf32>,
      %parallel_loop3A_1295 = vector.shape_cast %parallel_loop3A_1294 : vector<1x16xf32> to vector<16xf32>
      %parallel_loop3A_1296 = vector.shape_cast %parallel_loop3A_1291 : vector<16xf32> to vector<1x16xf32>
      tpu.vector_store %arg12[%parallel_loop3A_1292, %parallel_loop3A_1293], %parallel_loop3A_1296 {add = true, strides = array<i32>} : memref<16x1024xf32, #tpu.memory_space<vmem>>, vector<1x16xf32>,
    } {sc.loop_unroll_factor = 8 : i64, sc.parallel_access}
    %add3A_1163 = arith.constant 112 : i32
    %add3A_1164 = arith.addi %mul3A_2, %add3A_1163 : i32
    %dma_start3A_1165 = arith.constant 0 : i32
    %dma_start3A_1166 = arith.constant 0 : i32
    %dma_start3A_1167 = tpu.memref_slice %arg5[%dma_start3A_1165, %add3A_1164, %dma_start3A_1166] : memref<4x4096x1024xf32, #tpu.memory_space<hbm>> -> memref<1x16x1024xf32, #tpu.memory_space<hbm>>
    %dma_start3A_1168 = tpu.memref_squeeze %dma_start3A_1167 : memref<1x16x1024xf32, #tpu.memory_space<hbm>> -> memref<16x1024xf32, #tpu.memory_space<hbm>>
    %dma_start3A_1169 = arith.constant 0 : i32
    %dma_start3A_1170 = tpu.memref_slice %arg5[%dma_start3A_1165, %add3A_1164, %dma_start3A_1169] : memref<4x4096x1024xf32, #tpu.memory_space<hbm>> -> memref<1x16x1024xf32, #tpu.memory_space<hbm>>
    %dma_start3A_1171 = tpu.memref_squeeze %dma_start3A_1170 : memref<1x16x1024xf32, #tpu.memory_space<hbm>> -> memref<16x1024xf32, #tpu.memory_space<hbm>>
    tpu.enqueue_dma source(%arg12 : memref<16x1024xf32, #tpu.memory_space<vmem>>) target(%dma_start3A_1171 : memref<16x1024xf32, #tpu.memory_space<hbm>>) target_semaphore(%arg24 : memref<!tpu.dma_semaphore, #tpu.memory_space<semaphore_mem>>)
    %dma_wait3A_1172 = arith.constant 2 : i32
    %dma_wait3A_1173 = arith.constant 0 : i32
    %dma_wait3A_1174 = tpu.memref_slice %arg5[%dma_wait3A_1172, %add3A_1084, %dma_wait3A_1173] : memref<4x4096x1024xf32, #tpu.memory_space<hbm>> -> memref<1x16x1024xf32, #tpu.memory_space<hbm>>
    %dma_wait3A_1175 = tpu.memref_squeeze %dma_wait3A_1174 : memref<1x16x1024xf32, #tpu.memory_space<hbm>> -> memref<16x1024xf32, #tpu.memory_space<hbm>>
    %dma_wait3A_1176 = arith.constant 0 : i32
    %dma_wait3A_1177 = tpu.memref_slice %arg5[%dma_wait3A_1172, %add3A_1084, %dma_wait3A_1176] : memref<4x4096x1024xf32, #tpu.memory_space<hbm>> -> memref<1x16x1024xf32, #tpu.memory_space<hbm>>
    %dma_wait3A_1178 = tpu.memref_squeeze %dma_wait3A_1177 : memref<1x16x1024xf32, #tpu.memory_space<hbm>> -> memref<16x1024xf32, #tpu.memory_space<hbm>>
    tpu.wait_dma2 semaphore(%arg22 : memref<!tpu.dma_semaphore, #tpu.memory_space<semaphore_mem>>) src(%arg10 : memref<16x1024xf32, #tpu.memory_space<vmem>>) dst(%dma_wait3A_1178 : memref<16x1024xf32, #tpu.memory_space<hbm>>)
    %add3A_1179 = arith.constant 112 : i32
    %add3A_1180 = arith.addi %mul3A_2, %add3A_1179 : i32
    %dma_start3A_1181 = arith.constant 3 : i32
    %dma_start3A_1182 = arith.constant 0 : i32
    %dma_start3A_1183 = tpu.memref_slice %arg2[%dma_start3A_1181, %add3A_1180, %dma_start3A_1182] : memref<4x4096x1024xf32, #tpu.memory_space<hbm>> -> memref<1x16x1024xf32, #tpu.memory_space<hbm>>
    %dma_start3A_1184 = tpu.memref_squeeze %dma_start3A_1183 : memref<1x16x1024xf32, #tpu.memory_space<hbm>> -> memref<16x1024xf32, #tpu.memory_space<hbm>>
    %dma_start3A_1185 = arith.constant 0 : i32
    %dma_start3A_1186 = tpu.memref_slice %arg2[%dma_start3A_1181, %add3A_1180, %dma_start3A_1185] : memref<4x4096x1024xf32, #tpu.memory_space<hbm>> -> memref<1x16x1024xf32, #tpu.memory_space<hbm>>
    %dma_start3A_1187 = tpu.memref_squeeze %dma_start3A_1186 : memref<1x16x1024xf32, #tpu.memory_space<hbm>> -> memref<16x1024xf32, #tpu.memory_space<hbm>>
    tpu.enqueue_dma source(%dma_start3A_1187 : memref<16x1024xf32, #tpu.memory_space<hbm>>) target(%arg10 : memref<16x1024xf32, #tpu.memory_space<vmem>>) target_semaphore(%arg17 : memref<!tpu.dma_semaphore, #tpu.memory_space<semaphore_mem>>)
    %dma_wait3A_1188 = arith.constant 1 : i32
    %dma_wait3A_1189 = arith.constant 0 : i32
    %dma_wait3A_1190 = tpu.memref_slice %arg2[%dma_wait3A_1188, %add3A_1100, %dma_wait3A_1189] : memref<4x4096x1024xf32, #tpu.memory_space<hbm>> -> memref<1x16x1024xf32, #tpu.memory_space<hbm>>
    %dma_wait3A_1191 = tpu.memref_squeeze %dma_wait3A_1190 : memref<1x16x1024xf32, #tpu.memory_space<hbm>> -> memref<16x1024xf32, #tpu.memory_space<hbm>>
    %dma_wait3A_1192 = arith.constant 0 : i32
    %dma_wait3A_1193 = tpu.memref_slice %arg2[%dma_wait3A_1188, %add3A_1100, %dma_wait3A_1192] : memref<4x4096x1024xf32, #tpu.memory_space<hbm>> -> memref<1x16x1024xf32, #tpu.memory_space<hbm>>
    %dma_wait3A_1194 = tpu.memref_squeeze %dma_wait3A_1193 : memref<1x16x1024xf32, #tpu.memory_space<hbm>> -> memref<16x1024xf32, #tpu.memory_space<hbm>>
    tpu.wait_dma2 semaphore(%arg20 : memref<!tpu.dma_semaphore, #tpu.memory_space<semaphore_mem>>) src(%dma_wait3A_1194 : memref<16x1024xf32, #tpu.memory_space<hbm>>) dst(%arg13 : memref<16x1024xf32, #tpu.memory_space<vmem>>)
    %parallel_loop3A_1195 = arith.constant 0 : i32
    %parallel_loop3A_1196 = arith.constant 1024 : i32
    %parallel_loop3A_1197 = arith.constant 1 : i32
    scf.for %parallel_loop3A_1280 = %parallel_loop3A_1195 to %parallel_loop3A_1196 step %parallel_loop3A_1197  : i32 {
      %parallel_loop3A_1281 = arith.constant 6 : i32
      %parallel_loop3A_1282 = arith.shrsi %parallel_loop3A_1280, %parallel_loop3A_1281 : i32
      %parallel_loop3A_1283 = arith.constant 63 : i32
      %parallel_loop3A_1284 = arith.andi %parallel_loop3A_1280, %parallel_loop3A_1283 : i32
      %parallel_loop3A_1285 = arith.constant 4 : i32
      %parallel_loop3A_1286 = arith.shli %parallel_loop3A_1284, %parallel_loop3A_1285 : i32
      %parallel_loop3A_1287 = tpu.assume_multiple %parallel_loop3A_1286, 16 : i32
      %parallel_loop3A_1288 = arith.index_cast %parallel_loop3A_1282 : i32 to index
      %parallel_loop3A_1289 = arith.index_cast %parallel_loop3A_1287 : i32 to index
      %parallel_loop3A_1290 = tpu.vector_load %arg8[%parallel_loop3A_1288, %parallel_loop3A_1289] {strides = array<i32>} : memref<16x1024xf32, #tpu.memory_space<vmem>>, vector<1x16xf32>,
      %parallel_loop3A_1291 = vector.shape_cast %parallel_loop3A_1290 : vector<1x16xf32> to vector<16xf32>
      %parallel_loop3A_1292 = arith.index_cast %parallel_loop3A_1282 : i32 to index
      %parallel_loop3A_1293 = arith.index_cast %parallel_loop3A_1287 : i32 to index
      %parallel_loop3A_1294 = tpu.vector_load %arg13[%parallel_loop3A_1292, %parallel_loop3A_1293] {strides = array<i32>} : memref<16x1024xf32, #tpu.memory_space<vmem>>, vector<1x16xf32>,
      %parallel_loop3A_1295 = vector.shape_cast %parallel_loop3A_1294 : vector<1x16xf32> to vector<16xf32>
      %parallel_loop3A_1296 = vector.shape_cast %parallel_loop3A_1291 : vector<16xf32> to vector<1x16xf32>
      tpu.vector_store %arg13[%parallel_loop3A_1292, %parallel_loop3A_1293], %parallel_loop3A_1296 {add = true, strides = array<i32>} : memref<16x1024xf32, #tpu.memory_space<vmem>>, vector<1x16xf32>,
    } {sc.loop_unroll_factor = 8 : i64, sc.parallel_access}
    %add3A_1198 = arith.constant 112 : i32
    %add3A_1199 = arith.addi %mul3A_2, %add3A_1198 : i32
    %dma_start3A_1200 = arith.constant 1 : i32
    %dma_start3A_1201 = arith.constant 0 : i32
    %dma_start3A_1202 = tpu.memref_slice %arg5[%dma_start3A_1200, %add3A_1199, %dma_start3A_1201] : memref<4x4096x1024xf32, #tpu.memory_space<hbm>> -> memref<1x16x1024xf32, #tpu.memory_space<hbm>>
    %dma_start3A_1203 = tpu.memref_squeeze %dma_start3A_1202 : memref<1x16x1024xf32, #tpu.memory_space<hbm>> -> memref<16x1024xf32, #tpu.memory_space<hbm>>
    %dma_start3A_1204 = arith.constant 0 : i32
    %dma_start3A_1205 = tpu.memref_slice %arg5[%dma_start3A_1200, %add3A_1199, %dma_start3A_1204] : memref<4x4096x1024xf32, #tpu.memory_space<hbm>> -> memref<1x16x1024xf32, #tpu.memory_space<hbm>>
    %dma_start3A_1206 = tpu.memref_squeeze %dma_start3A_1205 : memref<1x16x1024xf32, #tpu.memory_space<hbm>> -> memref<16x1024xf32, #tpu.memory_space<hbm>>
    tpu.enqueue_dma source(%arg13 : memref<16x1024xf32, #tpu.memory_space<vmem>>) target(%dma_start3A_1206 : memref<16x1024xf32, #tpu.memory_space<hbm>>) target_semaphore(%arg25 : memref<!tpu.dma_semaphore, #tpu.memory_space<semaphore_mem>>)
    %dma_wait3A_1207 = arith.constant 2 : i32
    %dma_wait3A_1208 = arith.constant 0 : i32
    %dma_wait3A_1209 = tpu.memref_slice %arg2[%dma_wait3A_1207, %add3A_1145, %dma_wait3A_1208] : memref<4x4096x1024xf32, #tpu.memory_space<hbm>> -> memref<1x16x1024xf32, #tpu.memory_space<hbm>>
    %dma_wait3A_1210 = tpu.memref_squeeze %dma_wait3A_1209 : memref<1x16x1024xf32, #tpu.memory_space<hbm>> -> memref<16x1024xf32, #tpu.memory_space<hbm>>
    %dma_wait3A_1211 = arith.constant 0 : i32
    %dma_wait3A_1212 = tpu.memref_slice %arg2[%dma_wait3A_1207, %add3A_1145, %dma_wait3A_1211] : memref<4x4096x1024xf32, #tpu.memory_space<hbm>> -> memref<1x16x1024xf32, #tpu.memory_space<hbm>>
    %dma_wait3A_1213 = tpu.memref_squeeze %dma_wait3A_1212 : memref<1x16x1024xf32, #tpu.memory_space<hbm>> -> memref<16x1024xf32, #tpu.memory_space<hbm>>
    tpu.wait_dma2 semaphore(%arg16 : memref<!tpu.dma_semaphore, #tpu.memory_space<semaphore_mem>>) src(%dma_wait3A_1213 : memref<16x1024xf32, #tpu.memory_space<hbm>>) dst(%arg9 : memref<16x1024xf32, #tpu.memory_space<vmem>>)
    %parallel_loop3A_1214 = arith.constant 0 : i32
    %parallel_loop3A_1215 = arith.constant 1024 : i32
    %parallel_loop3A_1216 = arith.constant 1 : i32
    scf.for %parallel_loop3A_1280 = %parallel_loop3A_1214 to %parallel_loop3A_1215 step %parallel_loop3A_1216  : i32 {
      %parallel_loop3A_1281 = arith.constant 6 : i32
      %parallel_loop3A_1282 = arith.shrsi %parallel_loop3A_1280, %parallel_loop3A_1281 : i32
      %parallel_loop3A_1283 = arith.constant 63 : i32
      %parallel_loop3A_1284 = arith.andi %parallel_loop3A_1280, %parallel_loop3A_1283 : i32
      %parallel_loop3A_1285 = arith.constant 4 : i32
      %parallel_loop3A_1286 = arith.shli %parallel_loop3A_1284, %parallel_loop3A_1285 : i32
      %parallel_loop3A_1287 = tpu.assume_multiple %parallel_loop3A_1286, 16 : i32
      %parallel_loop3A_1288 = arith.index_cast %parallel_loop3A_1282 : i32 to index
      %parallel_loop3A_1289 = arith.index_cast %parallel_loop3A_1287 : i32 to index
      %parallel_loop3A_1290 = tpu.vector_load %arg8[%parallel_loop3A_1288, %parallel_loop3A_1289] {strides = array<i32>} : memref<16x1024xf32, #tpu.memory_space<vmem>>, vector<1x16xf32>,
      %parallel_loop3A_1291 = vector.shape_cast %parallel_loop3A_1290 : vector<1x16xf32> to vector<16xf32>
      %parallel_loop3A_1292 = arith.index_cast %parallel_loop3A_1282 : i32 to index
      %parallel_loop3A_1293 = arith.index_cast %parallel_loop3A_1287 : i32 to index
      %parallel_loop3A_1294 = tpu.vector_load %arg9[%parallel_loop3A_1292, %parallel_loop3A_1293] {strides = array<i32>} : memref<16x1024xf32, #tpu.memory_space<vmem>>, vector<1x16xf32>,
      %parallel_loop3A_1295 = vector.shape_cast %parallel_loop3A_1294 : vector<1x16xf32> to vector<16xf32>
      %parallel_loop3A_1296 = vector.shape_cast %parallel_loop3A_1291 : vector<16xf32> to vector<1x16xf32>
      tpu.vector_store %arg9[%parallel_loop3A_1292, %parallel_loop3A_1293], %parallel_loop3A_1296 {add = true, strides = array<i32>} : memref<16x1024xf32, #tpu.memory_space<vmem>>, vector<1x16xf32>,
    } {sc.loop_unroll_factor = 8 : i64, sc.parallel_access}
    %add3A_1217 = arith.constant 112 : i32
    %add3A_1218 = arith.addi %mul3A_2, %add3A_1217 : i32
    %dma_start3A_1219 = arith.constant 2 : i32
    %dma_start3A_1220 = arith.constant 0 : i32
    %dma_start3A_1221 = tpu.memref_slice %arg5[%dma_start3A_1219, %add3A_1218, %dma_start3A_1220] : memref<4x4096x1024xf32, #tpu.memory_space<hbm>> -> memref<1x16x1024xf32, #tpu.memory_space<hbm>>
    %dma_start3A_1222 = tpu.memref_squeeze %dma_start3A_1221 : memref<1x16x1024xf32, #tpu.memory_space<hbm>> -> memref<16x1024xf32, #tpu.memory_space<hbm>>
    %dma_start3A_1223 = arith.constant 0 : i32
    %dma_start3A_1224 = tpu.memref_slice %arg5[%dma_start3A_1219, %add3A_1218, %dma_start3A_1223] : memref<4x4096x1024xf32, #tpu.memory_space<hbm>> -> memref<1x16x1024xf32, #tpu.memory_space<hbm>>
    %dma_start3A_1225 = tpu.memref_squeeze %dma_start3A_1224 : memref<1x16x1024xf32, #tpu.memory_space<hbm>> -> memref<16x1024xf32, #tpu.memory_space<hbm>>
    tpu.enqueue_dma source(%arg9 : memref<16x1024xf32, #tpu.memory_space<vmem>>) target(%dma_start3A_1225 : memref<16x1024xf32, #tpu.memory_space<hbm>>) target_semaphore(%arg21 : memref<!tpu.dma_semaphore, #tpu.memory_space<semaphore_mem>>)
    %dma_wait3A_1226 = arith.constant 3 : i32
    %dma_wait3A_1227 = arith.constant 0 : i32
    %dma_wait3A_1228 = tpu.memref_slice %arg2[%dma_wait3A_1226, %add3A_1180, %dma_wait3A_1227] : memref<4x4096x1024xf32, #tpu.memory_space<hbm>> -> memref<1x16x1024xf32, #tpu.memory_space<hbm>>
    %dma_wait3A_1229 = tpu.memref_squeeze %dma_wait3A_1228 : memref<1x16x1024xf32, #tpu.memory_space<hbm>> -> memref<16x1024xf32, #tpu.memory_space<hbm>>
    %dma_wait3A_1230 = arith.constant 0 : i32
    %dma_wait3A_1231 = tpu.memref_slice %arg2[%dma_wait3A_1226, %add3A_1180, %dma_wait3A_1230] : memref<4x4096x1024xf32, #tpu.memory_space<hbm>> -> memref<1x16x1024xf32, #tpu.memory_space<hbm>>
    %dma_wait3A_1232 = tpu.memref_squeeze %dma_wait3A_1231 : memref<1x16x1024xf32, #tpu.memory_space<hbm>> -> memref<16x1024xf32, #tpu.memory_space<hbm>>
    tpu.wait_dma2 semaphore(%arg17 : memref<!tpu.dma_semaphore, #tpu.memory_space<semaphore_mem>>) src(%dma_wait3A_1232 : memref<16x1024xf32, #tpu.memory_space<hbm>>) dst(%arg10 : memref<16x1024xf32, #tpu.memory_space<vmem>>)
    %parallel_loop3A_1233 = arith.constant 0 : i32
    %parallel_loop3A_1234 = arith.constant 1024 : i32
    %parallel_loop3A_1235 = arith.constant 1 : i32
    scf.for %parallel_loop3A_1280 = %parallel_loop3A_1233 to %parallel_loop3A_1234 step %parallel_loop3A_1235  : i32 {
      %parallel_loop3A_1281 = arith.constant 6 : i32
      %parallel_loop3A_1282 = arith.shrsi %parallel_loop3A_1280, %parallel_loop3A_1281 : i32
      %parallel_loop3A_1283 = arith.constant 63 : i32
      %parallel_loop3A_1284 = arith.andi %parallel_loop3A_1280, %parallel_loop3A_1283 : i32
      %parallel_loop3A_1285 = arith.constant 4 : i32
      %parallel_loop3A_1286 = arith.shli %parallel_loop3A_1284, %parallel_loop3A_1285 : i32
      %parallel_loop3A_1287 = tpu.assume_multiple %parallel_loop3A_1286, 16 : i32
      %parallel_loop3A_1288 = arith.index_cast %parallel_loop3A_1282 : i32 to index
      %parallel_loop3A_1289 = arith.index_cast %parallel_loop3A_1287 : i32 to index
      %parallel_loop3A_1290 = tpu.vector_load %arg8[%parallel_loop3A_1288, %parallel_loop3A_1289] {strides = array<i32>} : memref<16x1024xf32, #tpu.memory_space<vmem>>, vector<1x16xf32>,
      %parallel_loop3A_1291 = vector.shape_cast %parallel_loop3A_1290 : vector<1x16xf32> to vector<16xf32>
      %parallel_loop3A_1292 = arith.index_cast %parallel_loop3A_1282 : i32 to index
      %parallel_loop3A_1293 = arith.index_cast %parallel_loop3A_1287 : i32 to index
      %parallel_loop3A_1294 = tpu.vector_load %arg10[%parallel_loop3A_1292, %parallel_loop3A_1293] {strides = array<i32>} : memref<16x1024xf32, #tpu.memory_space<vmem>>, vector<1x16xf32>,
      %parallel_loop3A_1295 = vector.shape_cast %parallel_loop3A_1294 : vector<1x16xf32> to vector<16xf32>
      %parallel_loop3A_1296 = vector.shape_cast %parallel_loop3A_1291 : vector<16xf32> to vector<1x16xf32>
      tpu.vector_store %arg10[%parallel_loop3A_1292, %parallel_loop3A_1293], %parallel_loop3A_1296 {add = true, strides = array<i32>} : memref<16x1024xf32, #tpu.memory_space<vmem>>, vector<1x16xf32>,
    } {sc.loop_unroll_factor = 8 : i64, sc.parallel_access}
    %add3A_1236 = arith.constant 112 : i32
    %add3A_1237 = arith.addi %mul3A_2, %add3A_1236 : i32
    %dma_start3A_1238 = arith.constant 3 : i32
    %dma_start3A_1239 = arith.constant 0 : i32
    %dma_start3A_1240 = tpu.memref_slice %arg5[%dma_start3A_1238, %add3A_1237, %dma_start3A_1239] : memref<4x4096x1024xf32, #tpu.memory_space<hbm>> -> memref<1x16x1024xf32, #tpu.memory_space<hbm>>
    %dma_start3A_1241 = tpu.memref_squeeze %dma_start3A_1240 : memref<1x16x1024xf32, #tpu.memory_space<hbm>> -> memref<16x1024xf32, #tpu.memory_space<hbm>>
    %dma_start3A_1242 = arith.constant 0 : i32
    %dma_start3A_1243 = tpu.memref_slice %arg5[%dma_start3A_1238, %add3A_1237, %dma_start3A_1242] : memref<4x4096x1024xf32, #tpu.memory_space<hbm>> -> memref<1x16x1024xf32, #tpu.memory_space<hbm>>
    %dma_start3A_1244 = tpu.memref_squeeze %dma_start3A_1243 : memref<1x16x1024xf32, #tpu.memory_space<hbm>> -> memref<16x1024xf32, #tpu.memory_space<hbm>>
    tpu.enqueue_dma source(%arg10 : memref<16x1024xf32, #tpu.memory_space<vmem>>) target(%dma_start3A_1244 : memref<16x1024xf32, #tpu.memory_space<hbm>>) target_semaphore(%arg22 : memref<!tpu.dma_semaphore, #tpu.memory_space<semaphore_mem>>)
    %dma_wait3A_1245 = arith.constant 3 : i32
    %dma_wait3A_1246 = arith.constant 0 : i32
    %dma_wait3A_1247 = tpu.memref_slice %arg5[%dma_wait3A_1245, %add3A_1119, %dma_wait3A_1246] : memref<4x4096x1024xf32, #tpu.memory_space<hbm>> -> memref<1x16x1024xf32, #tpu.memory_space<hbm>>
    %dma_wait3A_1248 = tpu.memref_squeeze %dma_wait3A_1247 : memref<1x16x1024xf32, #tpu.memory_space<hbm>> -> memref<16x1024xf32, #tpu.memory_space<hbm>>
    %dma_wait3A_1249 = arith.constant 0 : i32
    %dma_wait3A_1250 = tpu.memref_slice %arg5[%dma_wait3A_1245, %add3A_1119, %dma_wait3A_1249] : memref<4x4096x1024xf32, #tpu.memory_space<hbm>> -> memref<1x16x1024xf32, #tpu.memory_space<hbm>>
    %dma_wait3A_1251 = tpu.memref_squeeze %dma_wait3A_1250 : memref<1x16x1024xf32, #tpu.memory_space<hbm>> -> memref<16x1024xf32, #tpu.memory_space<hbm>>
    tpu.wait_dma2 semaphore(%arg23 : memref<!tpu.dma_semaphore, #tpu.memory_space<semaphore_mem>>) src(%arg11 : memref<16x1024xf32, #tpu.memory_space<vmem>>) dst(%dma_wait3A_1251 : memref<16x1024xf32, #tpu.memory_space<hbm>>)
    %dma_wait3A_1252 = arith.constant 0 : i32
    %dma_wait3A_1253 = arith.constant 0 : i32
    %dma_wait3A_1254 = tpu.memref_slice %arg5[%dma_wait3A_1252, %add3A_1164, %dma_wait3A_1253] : memref<4x4096x1024xf32, #tpu.memory_space<hbm>> -> memref<1x16x1024xf32, #tpu.memory_space<hbm>>
    %dma_wait3A_1255 = tpu.memref_squeeze %dma_wait3A_1254 : memref<1x16x1024xf32, #tpu.memory_space<hbm>> -> memref<16x1024xf32, #tpu.memory_space<hbm>>
    %dma_wait3A_1256 = arith.constant 0 : i32
    %dma_wait3A_1257 = tpu.memref_slice %arg5[%dma_wait3A_1252, %add3A_1164, %dma_wait3A_1256] : memref<4x4096x1024xf32, #tpu.memory_space<hbm>> -> memref<1x16x1024xf32, #tpu.memory_space<hbm>>
    %dma_wait3A_1258 = tpu.memref_squeeze %dma_wait3A_1257 : memref<1x16x1024xf32, #tpu.memory_space<hbm>> -> memref<16x1024xf32, #tpu.memory_space<hbm>>
    tpu.wait_dma2 semaphore(%arg24 : memref<!tpu.dma_semaphore, #tpu.memory_space<semaphore_mem>>) src(%arg12 : memref<16x1024xf32, #tpu.memory_space<vmem>>) dst(%dma_wait3A_1258 : memref<16x1024xf32, #tpu.memory_space<hbm>>)
    %dma_wait3A_1259 = arith.constant 1 : i32
    %dma_wait3A_1260 = arith.constant 0 : i32
    %dma_wait3A_1261 = tpu.memref_slice %arg5[%dma_wait3A_1259, %add3A_1199, %dma_wait3A_1260] : memref<4x4096x1024xf32, #tpu.memory_space<hbm>> -> memref<1x16x1024xf32, #tpu.memory_space<hbm>>
    %dma_wait3A_1262 = tpu.memref_squeeze %dma_wait3A_1261 : memref<1x16x1024xf32, #tpu.memory_space<hbm>> -> memref<16x1024xf32, #tpu.memory_space<hbm>>
    %dma_wait3A_1263 = arith.constant 0 : i32
    %dma_wait3A_1264 = tpu.memref_slice %arg5[%dma_wait3A_1259, %add3A_1199, %dma_wait3A_1263] : memref<4x4096x1024xf32, #tpu.memory_space<hbm>> -> memref<1x16x1024xf32, #tpu.memory_space<hbm>>
    %dma_wait3A_1265 = tpu.memref_squeeze %dma_wait3A_1264 : memref<1x16x1024xf32, #tpu.memory_space<hbm>> -> memref<16x1024xf32, #tpu.memory_space<hbm>>
    tpu.wait_dma2 semaphore(%arg25 : memref<!tpu.dma_semaphore, #tpu.memory_space<semaphore_mem>>) src(%arg13 : memref<16x1024xf32, #tpu.memory_space<vmem>>) dst(%dma_wait3A_1265 : memref<16x1024xf32, #tpu.memory_space<hbm>>)
    %dma_wait3A_1266 = arith.constant 2 : i32
    %dma_wait3A_1267 = arith.constant 0 : i32
    %dma_wait3A_1268 = tpu.memref_slice %arg5[%dma_wait3A_1266, %add3A_1218, %dma_wait3A_1267] : memref<4x4096x1024xf32, #tpu.memory_space<hbm>> -> memref<1x16x1024xf32, #tpu.memory_space<hbm>>
    %dma_wait3A_1269 = tpu.memref_squeeze %dma_wait3A_1268 : memref<1x16x1024xf32, #tpu.memory_space<hbm>> -> memref<16x1024xf32, #tpu.memory_space<hbm>>
    %dma_wait3A_1270 = arith.constant 0 : i32
    %dma_wait3A_1271 = tpu.memref_slice %arg5[%dma_wait3A_1266, %add3A_1218, %dma_wait3A_1270] : memref<4x4096x1024xf32, #tpu.memory_space<hbm>> -> memref<1x16x1024xf32, #tpu.memory_space<hbm>>
    %dma_wait3A_1272 = tpu.memref_squeeze %dma_wait3A_1271 : memref<1x16x1024xf32, #tpu.memory_space<hbm>> -> memref<16x1024xf32, #tpu.memory_space<hbm>>
    tpu.wait_dma2 semaphore(%arg21 : memref<!tpu.dma_semaphore, #tpu.memory_space<semaphore_mem>>) src(%arg9 : memref<16x1024xf32, #tpu.memory_space<vmem>>) dst(%dma_wait3A_1272 : memref<16x1024xf32, #tpu.memory_space<hbm>>)
    %dma_wait3A_1273 = arith.constant 3 : i32
    %dma_wait3A_1274 = arith.constant 0 : i32
    %dma_wait3A_1275 = tpu.memref_slice %arg5[%dma_wait3A_1273, %add3A_1237, %dma_wait3A_1274] : memref<4x4096x1024xf32, #tpu.memory_space<hbm>> -> memref<1x16x1024xf32, #tpu.memory_space<hbm>>
    %dma_wait3A_1276 = tpu.memref_squeeze %dma_wait3A_1275 : memref<1x16x1024xf32, #tpu.memory_space<hbm>> -> memref<16x1024xf32, #tpu.memory_space<hbm>>
    %dma_wait3A_1277 = arith.constant 0 : i32
    %dma_wait3A_1278 = tpu.memref_slice %arg5[%dma_wait3A_1273, %add3A_1237, %dma_wait3A_1277] : memref<4x4096x1024xf32, #tpu.memory_space<hbm>> -> memref<1x16x1024xf32, #tpu.memory_space<hbm>>
    %dma_wait3A_1279 = tpu.memref_squeeze %dma_wait3A_1278 : memref<1x16x1024xf32, #tpu.memory_space<hbm>> -> memref<16x1024xf32, #tpu.memory_space<hbm>>
    tpu.wait_dma2 semaphore(%arg22 : memref<!tpu.dma_semaphore, #tpu.memory_space<semaphore_mem>>) src(%arg10 : memref<16x1024xf32, #tpu.memory_space<vmem>>) dst(%dma_wait3A_1279 : memref<16x1024xf32, #tpu.memory_space<hbm>>)
    return
  }
}

</mosaic_0001>

<sc_bundles>
// kernel: kernel.3.cloned.1.call-start
scs
__scs_entry_jumppad:
0x0: {  	(pc) =	sbr.rel $0x88, $3  }
0x1: {  	(tag) =	ssettag $0x0;
	lr =	simm.s32 $0x1  }
0x2: {  	[smem:$0x3F9E] =	sst lr;
	_ =	strace $0xD0000000  }
0x3: {  	_ = 	snop  }
0x4: {  	_ = 	snop  }
0x5: {  	_ = 	snop  }
0x6: {  	_ = 	snop  }
0x7: {  	_ = 	snop  }
__scs_overlays_trampoline_lowered:
0x8: {  	[smem:$0x3FAD] =	sst s0  }
0x9: {  	[smem:$0x3FAE] =	sst s1  }
0xa: {  	[smem:$0x3FAF] =	sst s2  }
0xb: {  	[smem:$0x3FB0] =	sst s3  }
0xc: {  	[smem:$0x3FB1] =	sst s4  }
0xd: {  	[smem:$0x3FB2] =	sst s5  }
0xe: {  	[smem:$0x3FB3] =	sst s6  }
0xf: {  	[smem:$0x3FB4] =	sst s7  }
0x10: {  	[smem:$0x3FB5] =	sst s8  }
0x11: {  	[smem:$0x3FB6] =	sst s9;
	s0 =	simm.s32 @!p0 $0x0  }
0x12: {  	s1 =	sld [smem:$0x3F9C];
	s0 =	simm.s32 @p0 $0x1  }
0x13: {  	[smem:$0x3FB7] =	sst s0;
	s0 =	simm.s32 @!p1 $0x0  }
0x14: {  	s2 =	sld [smem:$0x3F9B];
	s0 =	simm.s32 @p1 $0x1  }
0x15: {  	[smem:$0x3FB8] =	sst s0;
	s0 =	simm.s32 @!p2 $0x0  }
0x16: {  	s3 =	sld [smem:$0x3FDB];
	s0 =	simm.s32 @p2 $0x1  }
0x17: {  	s4 =	simm.s32 $0x1BF5;
	[smem:$0x3FBA] =	sst s0  }
0x18: {  	s0 =	sld [smem:$0x3F9D];
	_ =	swait.ge [sflag:s4], $0x0  }
0x19: {  	s7 =	sld [smem:$0x3F9E]  }
0x1a: {  	s8 =	sadd.s32 $0xFFFFE003, lr  }
0x1b: {  	s9 =	sadd.s32 $0xFFFFFEF7, lr;
	s5 =	simm.s32 $0xFFFFFFFF;
	p2 =	slt.u32 s8, $0xFFFFF086  }
0x1c: {  	p1 =	slt.u32 s9, $0xF7A;
	s5 =	simm.s32 @!p2 $0x0  }
0x1d: {  	s5 =	simm.s32 @p1 $0x1;
	p0 =	seq.s32 s7, s2  }
0x1e: {  	s7 =	smul.u32 @!p0 $0xF7A, s2;
	p2 =	seq.s32 @!p0 s5, $0x0  }
0x1f: {  	s9 =	smul.u32 $0xF7A, s1;
	s8 =	simm.s32 @!p0 $0x1BF5;
	p2 =	por !p2, p0  }
0x20: {  	[sflag:s8] =	ssyncset.s32 @!p0 $0xFFFFF086;
	s6 =	sadd.s32 @!p0 s3, s7;
	s7 =	simm.s32 @!p0 $0x108  }
0x21: {  	s3 =	sadd.s32 s3, s9;
	s6 =	sadd.s32 @!p0 $0x88, s6;
	s7 =	simm.s32 @p2 $0x1082  }
0x22: {  	[simem:s7], [sflag:s8] =	dma.local @!p0 [hbm:s6], $0xF7A  }
0x23: {  	s9 =	sor.u32 $0xD0000000, s2;
	s6 =	simm.s32 $0x108;
	_ =	swait.ge @!p0 [sflag:s8], $0x0  }
0x24: {  	s3 =	sadd.s32 $0x88, s3;
	s6 =	simm.s32 @!p1 $0x1082;
	[sflag:s4] =	ssyncset.s32 $0xFFFFF086  }
0x25: {  	[simem:s6], [sflag:s4] =	dma.local [hbm:s3], $0xF7A  }
0x26: {  	[smem:$0x3F9E] =	sst s1;
	(tag) =	ssettag s2;
	_ =	strace s9  }
0x27: {  	s1 =	sld [smem:$0x3FAE]  }
0x28: {  	s2 =	sld [smem:$0x3FAF]  }
0x29: {  	s4 =	sld [smem:$0x3FB1]  }
0x2a: {  	p0 =	seq.s32 s5, $0x0;
	s5 =	sld [smem:$0x3FB2]  }
0x2b: {  	s6 =	sld [smem:$0x3FB3]  }
0x2c: {  	s7 =	sld [smem:$0x3FB4]  }
0x2d: {  	s3 =	simm.s32 $0x108;
	s8 =	sld [smem:$0x3FB5]  }
0x2e: {  	s3 =	simm.s32 @!p0 $0x1082;
	s9 =	sld [smem:$0x3FB6]  }
0x2f: {  	lr =	sadd.s32 s0, s3;
	s0 =	sld [smem:$0x3FAD]  }
0x30: {  	s3 =	sld [smem:$0x3FB0]  }
0x31: {  	[smem:$0x3FB9] =	sst s10  }
0x32: {  	s10 =	sld [smem:$0x3FB7];
	_ =	sdelay $0x3  }
0x33: {  	p0 =	seq.s32 s10, $0x1;
	s10 =	sld [smem:$0x3FB9];
	_ =	sdelay $0x3  }
0x34: {  	[smem:$0x3FB9] =	sst s10  }
0x35: {  	s10 =	sld [smem:$0x3FB8];
	_ =	sdelay $0x3  }
0x36: {  	p1 =	seq.s32 s10, $0x1;
	s10 =	sld [smem:$0x3FB9];
	_ =	sdelay $0x3  }
0x37: {  	[smem:$0x3FB9] =	sst s10  }
0x38: {  	s10 =	sld [smem:$0x3FBA]  }
0x39: {  	_ = 	snop;
	(pc) =	sbr.ind lr, $3  }
0x3a: {  	_ = 	snop  }
0x3b: {  	_ = 	snop  }
0x3c: {  	p2 =	seq.s32 s10, $0x1;
	s10 =	sld [smem:$0x3FB9]  }
0x3d: {  	_ =	shalt  }
0x3e: {  	_ =	shalt  }
0x3f: {  	_ =	shalt  }
0x40: {  	_ =	shalt  }
0x41: {  	_ =	shalt  }
0x42: {  	_ =	shalt  }
0x43: {  	_ =	shalt  }
0x44: {  	_ =	shalt  }
0x45: {  	_ =	shalt  }
0x46: {  	_ =	shalt  }
0x47: {  	_ =	shalt  }
0x48: {  	_ =	shalt  }
0x49: {  	_ =	shalt  }
0x4a: {  	_ =	shalt  }
0x4b: {  	_ =	shalt  }
0x4c: {  	_ =	shalt  }
0x4d: {  	_ =	shalt  }
0x4e: {  	_ =	shalt  }
0x4f: {  	_ =	shalt  }
0x50: {  	_ =	shalt  }
0x51: {  	_ =	shalt  }
0x52: {  	_ =	shalt  }
0x53: {  	_ =	shalt  }
0x54: {  	_ =	shalt  }
0x55: {  	_ =	shalt  }
0x56: {  	_ =	shalt  }
0x57: {  	_ =	shalt  }
0x58: {  	_ =	shalt  }
0x59: {  	_ =	shalt  }
0x5a: {  	_ =	shalt  }
0x5b: {  	_ =	shalt  }
0x5c: {  	_ =	shalt  }
0x5d: {  	_ =	shalt  }
0x5e: {  	_ =	shalt  }
0x5f: {  	_ =	shalt  }
0x60: {  	_ =	shalt  }
0x61: {  	_ =	shalt  }
0x62: {  	_ =	shalt  }
0x63: {  	_ =	shalt  }
0x64: {  	_ =	shalt  }
0x65: {  	_ =	shalt  }
0x66: {  	_ =	shalt  }
0x67: {  	_ =	shalt  }
0x68: {  	_ =	shalt  }
0x69: {  	_ =	shalt  }
0x6a: {  	_ =	shalt  }
0x6b: {  	_ =	shalt  }
0x6c: {  	_ =	shalt  }
0x6d: {  	_ =	shalt  }
0x6e: {  	_ =	shalt  }
0x6f: {  	_ =	shalt  }
0x70: {  	_ =	shalt  }
0x71: {  	_ =	shalt  }
0x72: {  	_ =	shalt  }
0x73: {  	_ =	shalt  }
0x74: {  	_ =	shalt  }
0x75: {  	_ =	shalt  }
0x76: {  	_ =	shalt  }
0x77: {  	_ =	shalt  }
0x78: {  	_ =	shalt  }
0x79: {  	_ =	shalt  }
0x7a: {  	_ =	shalt  }
0x7b: {  	_ =	shalt  }
0x7c: {  	_ =	shalt  }
0x7d: {  	_ =	shalt  }
0x7e: {  	_ =	shalt  }
0x7f: {  	_ =	shalt  }
0x80: {  	_ =	shalt  }
0x81: {  	_ =	shalt  }
0x82: {  	_ =	shalt  }
0x83: {  	_ =	shalt  }
0x84: {  	_ =	shalt  }
0x85: {  	_ =	shalt  }
0x86: {  	_ =	shalt  }
0x87: {  	_ =	shalt  }
.Lfunc_end0:
.L_simem_size_0:
called_computation_lowered:
.L_overlay_start_0:
0x88: {  	s2 =	sld [smem:$0x3FD9]  }
0x89: {  	s3 =	sld [smem:$0x3FFE];
	_ =	sdelay $0x1  }
0x8a: {  	s1 =	srdreg.scid  }
0x8b: {  	s0 =	sand.u32 $0x1, s1  }
0x8c: {  	s18 =	sshll.u32 s0, $0xA;
	s2 =	sadd.s32 s3, s2  }
0x8d: {  	s2 =	sadd.s32 s2, s18  }
0x8e: {  	[smem:$0x3FC5] =	sst s2  }
0x8f: {  	_ = 	snop  }
0x90: {  	s2 =	sld [smem:$0x3FC9]  }
0x91: {  	s19 =	sld [smem:$0x3FC8]  }
0x92: {  	s4 =	sld [smem:$0x3FC7]  }
0x93: {  	s5 =	sld [smem:$0x3FD0];
	(tm) =	ssettm $0x1  }
0x94: {  	s6 =	sld [smem:$0x3FFB];
	_ =	sdelay $0x3  }
0x95: {  	_ =	strace s6  }
0x96: {  	s6 =	sld [smem:$0x3FFC];
	_ =	sdelay $0x3  }
0x97: {  	_ =	strace s6  }
0x98: {  	s6 =	sld [smem:$0x3FFD];
	_ =	sdelay $0x3  }
0x99: {  	_ =	strace s6  }
0x9a: {  	_ =	strace $0x8FFFFFFF  }
0x9b: {  	s20 =	sld [smem:$0x3FDB];
	_ =	sdelay $0x1  }
0x9c: {  	s7 =	simm.s32 $_scs_section_size  }
0x9d: {  	s8 =	simm.s32 $_size__tile_overlayer_lowered;
	s9 =	simm.s32 $_tile_overlayer_lowered  }
0x9e: {  	s23 =	simm.s32 $0x1BFF;
	s22 =	sshll.u32 s9, $0x1;
	s6 =	sadd.s32 s7, s20  }
0x9f: {  	s10 =	simm.s32 $0x0;
	s21 =	sshll.u32 s8, $0x1;
	s8 =	sadd.s32 s22, s6  }
0xa0: {  	[timem:s10], [sflag:s23] =	dma.local [hbm:s8], s21  }
0xa1: {  	_ =	swait.ge [sflag:s23], s21  }
0xa2: {  	s7 =	ssub.s32 $0x0, s21;
	[sflag:s23] =	ssyncset.done $0x0  }
0xa3: {  	[sflag:s23] =	ssyncadd.s32 s7;
	_ =	sdelay $0x1  }
0xa4: {  	s24 =	simm.s32 $0x1B8B  }
0xa5: {  	_ =	swait.ge [sflag:s24], $0x1  }
0xa6: {  	[sflag:s24] =	ssyncset.done $0x0  }
0xa7: {  	s25 =	simm.s32 $0x1B8E;
	[sflag:s24] =	ssyncadd.s32 $0xFFFFFFFF  }
0xa8: {  	s26 =	simm.s32 $execute0_lowered;
	[smem:$0x3FD2] =	sst s25  }
0xa9: {  	s7 =	sshll.u32 s26, $0x1;
	_ =	strace $0x80000046;
	[dreg:$0x1] =	wrdreg $0xFFFFFFFF  }
0xaa: {  	s28 =	simm.s32 $_size_execute0_lowered;
	s6 =	sadd.s32 s6, s7;
	[dreg:$0x0] =	wrdreg $0x0  }
0xab: {  	s7 =	sshll.u32 s28, $0x1;
	[dreg:$0x2] =	wrdreg s6  }
0xac: {  	[dreg:$0x3] =	wrdreg s7  }
0xad: {  	[dreg:$0x4] =	wrdreg $0xC0  }
0xae: {  	_ =	task [dreg:s10], $0x5FFFF  }
0xaf: {  	[dreg:$0x1] =	wrdreg $0xFFFFFFFF  }
0xb0: {  	[dreg:$0x0] =	wrdreg $0x60  }
0xb1: {  	[dreg:$0x2] =	wrdreg s2  }
0xb2: {  	[dreg:$0x3] =	wrdreg s19  }
0xb3: {  	[dreg:$0x4] =	wrdreg s4  }
0xb4: {  	[dreg:$0x5] =	wrdreg s5  }
0xb5: {  	[dreg:$0x6] =	wrdreg $0x9  }
0xb6: {  	_ =	task.clear_ibuf [dreg:s10], $0x7FFFF;
	_ =	strace $0x90000046  }
0xb7: {  	s29 =	simm.s32 $0x9;
	_ =	strace $0x80000048  }
0xb8: {  	_ =	swait.ge [sflag:s29], $0x1  }
0xb9: {  	[sflag:s29] =	ssyncadd.s32 $0xFFFFFFFF  }
0xba: {  	_ =	strace $0x90000048  }
0xbb: {  	_ =	sfence  }
0xbc: {  	s30 =	sld [smem:$0x0];
	_ =	sdelay $0x2  }
0xbd: {  	s31 =	sshll.u32 s1, $0xD;
	s1 =	sshrl.u32 s1, $0x2  }
0xbe: {  	s3 =	sand.u32 $0x4000, s31;
	s1 =	sadd.s32 s1, s30  }
0xbf: {  	s0 =	sor.u32 s3, s0;
	s1 =	sshll.u32 s1, $0x11  }
0xc0: {  	s0 =	sor.u32 s1, s0  }
0xc1: {  	s0 =	sadd.s32 $0x8F2B, s0  }
0xc2: {  	[sflag:s0] =	ssyncadd.remote.s32 $0x1  }
0xc3: {  	_ =	sfence.sel $0xFFFF  }
0xc4: {  	[dreg:$0x0] =	wrdreg $0xFFFFFFFF;
	(pc) =	sbr.abs _section_cstart, $3  }
0xc5: {  	[dreg:$0x1] =	wrdreg $0xFFFFFFFF  }
0xc6: {  	_ =	task.clear_ibuf [dreg:s10], $0x2FFFF;
	_ =	strace $0x9FFFFFFF  }
0xc7: {  	(tm) =	ssettm $0x7FFFFFFF  }
tec
execute0_lowered:
.L_overlay_start_1:
0x0: {  	(tag) =	ssettag $0x1  }
0x1: {  	s3 =	rddreg [dreg:$0x0];
	s0 =	srdreg.scid  }
0x2: {  	s5 =	rddreg [dreg:$0x1];
	s6 =	stileid.u32;
	s0 =	sand.u32 $0x1, s0  }
0x3: {  	s6 =	sshll.u32 s6, $0x8;
	s4 =	ssub.s32 $0x2, s0;
	s0 =	sshll.u32 s0, $0x7  }
0x4: {  	s2 =	rddreg [dreg:$0x3];
	s0 =	sor.u32 s0, s6  }
0x5: {  	s1 =	simm.s32 $0x0;
	s6 =	sshrl.u32 s0, $0x3;
	s0 =	sshll.u32 s0, $0x7  }
0x6: {  	[smem:$0x7FF] =	sst s1;
	s5 =	sadd.s32 s5, s6;
	s17 =	sor.u32 $0x80000, s0  }
0x7: {  	s18 =	sor.u32 $0x100000, s0;
	[dreg:$0x5] =	wrdreg s5;
	s19 =	sadd.s32 s3, s17  }
0x8: {  	s21 =	sor.u32 $0x180000, s0;
	s20 =	sadd.s32 s3, s18;
	[dreg:$0x6] =	wrdreg s19  }
0x9: {  	s8 =	sadd.s32 s3, s21;
	[dreg:$0x7] =	wrdreg s20  }
0xa: {  	s22 =	sor.u32 $0x800, s0;
	s5 =	sadd.s32 s2, s17;
	[dreg:$0x8] =	wrdreg s8  }
0xb: {  	s7 =	sshrl.u32 s4, $0x1;
	s23 =	sadd.s32 s3, s22;
	[dreg:$0x9] =	wrdreg s5  }
0xc: {  	s24 =	sor.u32 $0x80800, s0;
	s6 =	sadd.s32 s2, s18;
	[dreg:$0xa] =	wrdreg s23  }
0xd: {  	s4 =	ssub.s32 s4, s7;
	s25 =	sadd.s32 s3, s24;
	[dreg:$0xb] =	wrdreg s6  }
0xe: {  	s26 =	sor.u32 $0x100800, s0;
	s7 =	sadd.s32 s2, s21;
	[dreg:$0xc] =	wrdreg s25  }
0xf: {  	s29 =	sor.u32 $0x180800, s0;
	s28 =	sadd.s32 s3, s26;
	[dreg:$0xd] =	wrdreg s7  }
0x10: {  	s10 =	sor.u32 $0x1000, s0;
	s9 =	sadd.s32 s3, s29;
	[dreg:$0xe] =	wrdreg s28  }
0x11: {  	s12 =	sor.u32 $0x81000, s0;
	s11 =	sadd.s32 s3, s10;
	[dreg:$0x10] =	wrdreg s9  }
0x12: {  	s13 =	sadd.s32 s3, s12;
	[dreg:$0x12] =	wrdreg s11  }
0x13: {  	s14 =	sor.u32 $0x101000, s0;
	s15 =	sadd.s32 s2, s12;
	[dreg:$0x14] =	wrdreg s13  }
0x14: {  	s16 =	sadd.s32 s3, s14;
	[dreg:$0x17] =	wrdreg s15  }
0x15: {  	s5 =	sadd.s32 s2, s22;
	[dreg:$0x18] =	wrdreg s16  }
0x16: {  	s6 =	sadd.s32 s2, s24;
	[dreg:$0xf] =	wrdreg s5  }
0x17: {  	s17 =	sor.u32 $0x181000, s0;
	s7 =	sadd.s32 s2, s26;
	[dreg:$0x11] =	wrdreg s6  }
0x18: {  	s18 =	sor.u32 $0x1800, s0;
	s19 =	sadd.s32 s3, s17;
	[dreg:$0x13] =	wrdreg s7  }
0x19: {  	s20 =	sadd.s32 s3, s18;
	[dreg:$0x1a] =	wrdreg s19  }
0x1a: {  	s12 =	sor.u32 $0x102000, s0;
	s21 =	sadd.s32 s2, s18;
	[dreg:$0x1c] =	wrdreg s20  }
0x1b: {  	s15 =	sadd.s32 s2, s12;
	[dreg:$0x1d] =	wrdreg s21  }
0x1c: {  	s5 =	sadd.s32 s2, s29;
	[smem:$0x7E0] =	sst s15  }
0x1d: {  	s22 =	sor.u32 $0x81800, s0;
	s6 =	sadd.s32 s2, s10;
	[dreg:$0x15] =	wrdreg s5  }
0x1e: {  	s23 =	sor.u32 $0x101800, s0;
	s24 =	sadd.s32 s3, s22;
	[dreg:$0x16] =	wrdreg s6  }
0x1f: {  	s25 =	sadd.s32 s3, s23;
	[dreg:$0x1e] =	wrdreg s24  }
0x20: {  	s28 =	sor.u32 $0x181800, s0;
	s26 =	sadd.s32 s2, s23;
	[smem:$0x7D7] =	sst s25  }
0x21: {  	s11 =	sor.u32 $0x82000, s0;
	s8 =	sadd.s32 s3, s28;
	[smem:$0x7D8] =	sst s26  }
0x22: {  	s16 =	sor.u32 $0x182000, s0;
	s13 =	sadd.s32 s3, s11;
	[smem:$0x7D9] =	sst s8  }
0x23: {  	s18 =	sadd.s32 s3, s16;
	[smem:$0x7DD] =	sst s13  }
0x24: {  	s29 =	sor.u32 $0x2000, s0;
	s5 =	sadd.s32 s2, s14;
	[smem:$0x7E1] =	sst s18  }
0x25: {  	s9 =	sadd.s32 s3, s29;
	[dreg:$0x19] =	wrdreg s5  }
0x26: {  	s10 =	sadd.s32 s2, s29;
	[smem:$0x7DB] =	sst s9  }
0x27: {  	s21 =	sor.u32 $0x82800, s0;
	s14 =	sadd.s32 s3, s12;
	[smem:$0x7DC] =	sst s10  }
0x28: {  	s15 =	sor.u32 $0x3800, s0;
	s23 =	sadd.s32 s3, s21;
	[smem:$0x7DF] =	sst s14  }
0x29: {  	s18 =	sadd.s32 s2, s15;
	[smem:$0x7E5] =	sst s23  }
0x2a: {  	s26 =	sor.u32 $0x182800, s0;
	s5 =	sadd.s32 s2, s17;
	[smem:$0x7F4] =	sst s18  }
0x2b: {  	s30 =	simm.s32 $0x7080;
	s29 =	sadd.s32 s3, s26;
	[dreg:$0x1b] =	wrdreg s5  }
0x2c: {  	s17 =	sor.u32 $0x2800, s0;
	s5 =	sadd.s32 s2, s22;
	[smem:$0x7E9] =	sst s29  }
0x2d: {  	s31 =	simm.s32 $0x7880;
	s19 =	sadd.s32 s3, s17;
	[dreg:$0x1f] =	wrdreg s5  }
0x2e: {  	s10 =	sor.u32 $0x103000, s0;
	s20 =	sadd.s32 s2, s17;
	[smem:$0x7E3] =	sst s19  }
0x2f: {  	s6 =	simm.s32 $0x4;
	s12 =	sadd.s32 s3, s10;
	[smem:$0x7E4] =	sst s20  }
0x30: {  	s9 =	sor.u32 $0x83000, s0;
	s13 =	sadd.s32 s2, s10;
	[smem:$0x7EF] =	sst s12  }
0x31: {  	s14 =	sor.u32 $0x183000, s0;
	s17 =	sadd.s32 s3, s15;
	[smem:$0x7F0] =	sst s13  }
0x32: {  	s22 =	sor.u32 $0x102800, s0;
	s5 =	sadd.s32 s2, s28;
	[smem:$0x7F3] =	sst s17  }
0x33: {  	s23 =	sor.u32 $0x183800, s0;
	s24 =	sadd.s32 s3, s22;
	[smem:$0x7DA] =	sst s5  }
0x34: {  	s18 =	simm.s32 $0xB;
	s25 =	sadd.s32 s2, s22;
	[smem:$0x7E7] =	sst s24  }
0x35: {  	s29 =	smax.u32 s4, $0x1;
	s19 =	sadd.s32 s3, s0;
	[smem:$0x7E8] =	sst s25  }
0x36: {  	s28 =	sor.u32 $0x3000, s0;
	s5 =	sadd.s32 s2, s11;
	[smem:$0x7F5] =	sst s19  }
0x37: {  	s4 =	simm.s32 $0x3;
	s7 =	sadd.s32 s3, s28;
	[smem:$0x7DE] =	sst s5  }
0x38: {  	s15 =	simm.s32 $0x9;
	s8 =	sadd.s32 s2, s28;
	[smem:$0x7EB] =	sst s7  }
0x39: {  	s20 =	sor.u32 $0x83800, s0;
	s11 =	sadd.s32 s3, s9;
	[smem:$0x7EC] =	sst s8  }
0x3a: {  	s22 =	sor.u32 $0x103800, s0;
	s24 =	sadd.s32 s3, s20;
	[smem:$0x7ED] =	sst s11  }
0x3b: {  	s12 =	simm.s32 $0x8;
	s25 =	sadd.s32 s3, s22;
	[smem:$0x7F7] =	sst s24  }
0x3c: {  	s13 =	simm.s32 $0x6;
	s28 =	sadd.s32 s2, s22;
	[smem:$0x7F8] =	sst s25  }
0x3d: {  	s17 =	simm.s32 $0xA;
	s5 =	sadd.s32 s2, s16;
	[smem:$0x7FB] =	sst s28  }
0x3e: {  	s22 =	simm.s32 $0xC080;
	s16 =	sadd.s32 s3, s14;
	[smem:$0x7E2] =	sst s5  }
0x3f: {  	s19 =	simm.s32 $0xC;
	s3 =	sadd.s32 s3, s23;
	[smem:$0x7F1] =	sst s16  }
0x40: {  	s5 =	sadd.s32 s2, s21;
	s21 =	sadd.s32 s2, s0;
	s0 =	rddreg [dreg:$0x2]  }
0x41: {  	s7 =	simm.s32 $0x18080;
	s8 =	simm.s32 $0x5;
	[smem:$0x7F9] =	sst s3  }
0x42: {  	s3 =	simm.s32 $0x10080;
	s16 =	simm.s32 $0x7;
	[smem:$0x7E6] =	sst s5  }
0x43: {  	s5 =	sadd.s32 s2, s26;
	[smem:$0x7F6] =	sst s21;
	s26 =	sadd.s32 s2, s20  }
0x44: {  	s10 =	sadd.s32 $0x200, s0;
	s11 =	sadd.s32 $0x300, s0;
	[smem:$0x7EA] =	sst s5  }
0x45: {  	s21 =	simm.s32 $0x8080;
	s5 =	sadd.s32 s2, s9;
	[smem:$0x7FA] =	sst s26  }
0x46: {  	s20 =	simm.s32 $0x0;
	[smem:$0x7EE] =	sst s5;
	s5 =	sadd.s32 s2, s14  }
0x47: {  	v2 =	vlaneseq.u32;
	s9 =	sadd.s32 $0x100, s0;
	s2 =	sadd.s32 s2, s23;
	[smem:$0x7F2] =	sst s5  }
0x48: {  	vm0 =	vmmov $0xffff;
	v1 =	vshrl.u32 v2, $0x3;
	s14 =	simm.s32 $0x2;
	[smem:$0x7FC] =	sst s2;
	s2 =	simm.s32 $0x1  }
0x49: {  	v0 =	vand.u32 $0x7, v2;
	v2 =	vor.u32 $0x8, v2;
	v1 =	vmul.u32 $0x8, v1;
	s5 =	simm.s32 $0x14080;
	_ =	strace $0x80000047;
	[smem:$0x7FD] =	sst s29  }
.LBB2_1:
0x4a: {  	s23 =	rddreg [dreg:$0x5];
	s24 =	simm.s32 $0xD  }
0x4b: {  	[tilespmem:s1], [sflag:$0xD] =	stream.linear.gather [hbm4b:s23+s1], $0x80, $0x38;
	[tilespmem:$0x1C080] =	vst v63  }
0x4c: {  	_ =	swait.ge [sflag:s24], $0x80  }
0x4d: {  	[sflag:s24] =	ssyncset.done $0x0  }
0x4e: {  	[sflag:s24] =	ssyncadd.s32 $0xFFFFFF80  }
0x4f: {  	v3 =	vld [tilespmem:$0x0];
	_ =	sdelay $0x4  }
0x50: {  	v4 =	vshll.u32 v3, $0x3  }
0x51: {  	v3 =	vand.u32 $0x7, v3;
	v4 =	vand.u32 $0xFFFFFFC0, v4  }
0x52: {  	v3 =	vor.u32 v3, v4  }
0x53: {  	v4 =	vperm.xlane v3, v0;
	_ =	sdelay $0x1  }
0x54: {  	v4 =	vadd.s32 v1, v4;
	_ =	sdelay $0x3  }
0x55: {  	s25 =	simm.s32 $0x80  }
0x56: {  	[tilespmem:s25], [sflag:$0x1] =	stream.indirect_vreg.gather [hbm4b:s0+s1], $0x80, v4, vm0, $0xb8;
	[tilespmem:$0x1C080] =	vst v63  }
0x57: {  	s26 =	simm.s32 $0x880;
	v3 =	vperm.xlane v3, v2  }
0x58: {  	[tilespmem:s26], [sflag:$0x1] =	stream.indirect_vreg.gather [hbm4b:s9+s1], $0x80, v4, vm0, $0xb8;
	[tilespmem:$0x1C080] =	vst v63  }
0x59: {  	s28 =	simm.s32 $0x1080;
	v3 =	vadd.s32 v1, v3  }
0x5a: {  	[tilespmem:s28], [sflag:$0x1] =	stream.indirect_vreg.gather [hbm4b:s10+s1], $0x80, v4, vm0, $0xb8;
	[tilespmem:$0x1C080] =	vst v63  }
0x5b: {  	s29 =	simm.s32 $0x1880  }
0x5c: {  	[tilespmem:s29], [sflag:$0x1] =	stream.indirect_vreg.gather [hbm4b:s11+s1], $0x80, v4, vm0, $0xb8;
	[tilespmem:$0x1C080] =	vst v63  }
0x5d: {  	s24 =	simm.s32 $0x2080  }
0x5e: {  	[tilespmem:s24], [sflag:$0x1] =	stream.indirect_vreg.gather [hbm4b:s0+s1], $0x80, v3, vm0, $0xb8;
	[tilespmem:$0x1C080] =	vst v63  }
0x5f: {  	s25 =	simm.s32 $0x2880  }
0x60: {  	[tilespmem:s25], [sflag:$0x1] =	stream.indirect_vreg.gather [hbm4b:s9+s1], $0x80, v3, vm0, $0xb8;
	[tilespmem:$0x1C080] =	vst v63  }
0x61: {  	s26 =	simm.s32 $0x3080  }
0x62: {  	[tilespmem:s26], [sflag:$0x1] =	stream.indirect_vreg.gather [hbm4b:s10+s1], $0x80, v3, vm0, $0xb8;
	[tilespmem:$0x1C080] =	vst v63  }
0x63: {  	s28 =	simm.s32 $0x3880;
	s29 =	sld [smem:$0x7F5]  }
0x64: {  	[tilespmem:s28], [sflag:$0x1] =	stream.indirect_vreg.gather [hbm4b:s11+s1], $0x80, v3, vm0, $0xb8;
	[tilespmem:$0x1C080] =	vst v63  }
0x65: {  	_ = 	snop  }
0x66: {  	[tilespmem:s21], [sflag:$0x3] =	stream.linear.gather [hbm4b:s29+s1], $0x4000, $0x38;
	[tilespmem:$0x1C080] =	vst v63  }
0x67: {  	s24 =	rddreg [dreg:$0x6]  }
0x68: {  	[tilespmem:s22], [sflag:$0x4] =	stream.linear.gather [hbm4b:s24+s1], $0x4000, $0x38;
	[tilespmem:$0x1C080] =	vst v63  }
0x69: {  	v3 =	vld [tilespmem:$0x10];
	_ =	sdelay $0x4  }
0x6a: {  	v4 =	vshll.u32 v3, $0x3  }
0x6b: {  	v3 =	vand.u32 $0x7, v3;
	v4 =	vand.u32 $0xFFFFFFC0, v4  }
0x6c: {  	v3 =	vor.u32 v3, v4  }
0x6d: {  	v4 =	vperm.xlane v3, v0;
	_ =	sdelay $0x1  }
0x6e: {  	v4 =	vadd.s32 v1, v4;
	_ =	sdelay $0x3  }
0x6f: {  	s25 =	simm.s32 $0x4080  }
0x70: {  	[tilespmem:s25], [sflag:$0x2] =	stream.indirect_vreg.gather [hbm4b:s0+s1], $0x80, v4, vm0, $0xb8;
	[tilespmem:$0x1C080] =	vst v63  }
0x71: {  	s26 =	simm.s32 $0x4880;
	v3 =	vperm.xlane v3, v2  }
0x72: {  	[tilespmem:s26], [sflag:$0x2] =	stream.indirect_vreg.gather [hbm4b:s9+s1], $0x80, v4, vm0, $0xb8;
	[tilespmem:$0x1C080] =	vst v63  }
0x73: {  	s28 =	simm.s32 $0x5080;
	v3 =	vadd.s32 v1, v3  }
0x74: {  	[tilespmem:s28], [sflag:$0x2] =	stream.indirect_vreg.gather [hbm4b:s10+s1], $0x80, v4, vm0, $0xb8;
	[tilespmem:$0x1C080] =	vst v63  }
0x75: {  	s29 =	simm.s32 $0x5880  }
0x76: {  	[tilespmem:s29], [sflag:$0x2] =	stream.indirect_vreg.gather [hbm4b:s11+s1], $0x80, v4, vm0, $0xb8;
	[tilespmem:$0x1C080] =	vst v63  }
0x77: {  	s24 =	simm.s32 $0x6080  }
0x78: {  	[tilespmem:s24], [sflag:$0x2] =	stream.indirect_vreg.gather [hbm4b:s0+s1], $0x80, v3, vm0, $0xb8;
	[tilespmem:$0x1C080] =	vst v63  }
0x79: {  	s25 =	simm.s32 $0x6880  }
0x7a: {  	[tilespmem:s25], [sflag:$0x2] =	stream.indirect_vreg.gather [hbm4b:s9+s1], $0x80, v3, vm0, $0xb8;
	[tilespmem:$0x1C080] =	vst v63  }
0x7b: {  	_ = 	snop  }
0x7c: {  	[tilespmem:s30], [sflag:$0x2] =	stream.indirect_vreg.gather [hbm4b:s10+s1], $0x80, v3, vm0, $0xb8;
	[tilespmem:$0x1C080] =	vst v63  }
0x7d: {  	_ = 	snop  }
0x7e: {  	[tilespmem:s31], [sflag:$0x2] =	stream.indirect_vreg.gather [hbm4b:s11+s1], $0x80, v3, vm0, $0xb8;
	[tilespmem:$0x1C080] =	vst v63  }
0x7f: {  	_ =	swait.ge [sflag:s2], $0x4000  }
0x80: {  	s28 =	simm.s32 $0x0;
	[sflag:s2] =	ssyncset.done $0x0  }
0x81: {  	s23 =	sand.u32 $0x2000, s28;
	s26 =	rddreg [dreg:$0x7];
	[sflag:s2] =	ssyncadd.s32 $0xFFFFC000  }
0x82: {  	[tilespmem:s3], [sflag:$0x5] =	stream.linear.gather [hbm4b:s26+s1], $0x4000, $0x38;
	[tilespmem:$0x1C080] =	vst v63  }
0x83: {  	s24 =	sand.u32 $0x1C00, s1;
	s25 =	simm.s32 $0x0;
	_ =	swait.ge [sflag:s4], $0x4000  }
0x84: {  	s23 =	sor.u32 s24, s23;
	s29 =	sand.u32 $0x380, s25;
	[sflag:s4] =	ssyncset.done $0x0  }
0x85: {  	s23 =	sor.u32 s29, s23;
	[sflag:s4] =	ssyncadd.s32 $0xFFFFC000  }
0x86: {  	v3 =	vld [tilespmem:s23+$0xF0]  }
0x87: {  	v8 =	vld [tilespmem:s23+$0x80]  }
0x88: {  	v9 =	vld [tilespmem:s23+$0x90]  }
0x89: {  	v7 =	vld [tilespmem:s23+$0xA0]  }
0x8a: {  	v6 =	vld [tilespmem:s23+$0xB0]  }
0x8b: {  	v5 =	vld [tilespmem:s23+$0xC0]  }
0x8c: {  	v4 =	vld [tilespmem:s23+$0xE0]  }
0x8d: {  	[tilespmem:s23+$0x80F0] =	vst.add.f32.msk $0xffff, v3  }
0x8e: {  	v3 =	vld [tilespmem:s23+$0xD0]  }
0x8f: {  	[tilespmem:s23+$0x8080] =	vst.add.f32.msk $0xffff, v8  }
0x90: {  	s24 =	simm.s32 $0x0;
	s25 =	simm.s32 $0x0;
	[tilespmem:s23+$0x8090] =	vst.add.f32.msk $0xffff, v9  }
.LBB2_2:
0x91: {  	s24 =	sadd.s32 $0x8, s24;
	[tilespmem:s23+$0x80A0] =	vst.add.f32.msk $0xffff, v7  }
0x92: {  	s25 =	sadd.s32 $0x400, s25;
	s26 =	sshll.u32 s24, $0x4;
	p0 =	slt.u32 s24, $0x3F8;
	[tilespmem:s23+$0x80B0] =	vst.add.f32.msk $0xffff, v6  }
0x93: {  	s28 =	sand.u32 $0x1C00, s25;
	s29 =	sshll.u32 s24, $0x1;
	s26 =	sand.u32 $0x2000, s26;
	[tilespmem:s23+$0x80C0] =	vst.add.f32.msk $0xffff, v5  }
0x94: {  	s26 =	sor.u32 s28, s26;
	s28 =	sand.u32 $0x380, s29;
	[tilespmem:s23+$0x80D0] =	vst.add.f32.msk $0xffff, v3  }
0x95: {  	[tilespmem:s23+$0x80E0] =	vst.add.f32.msk $0xffff, v4;
	s23 =	sor.u32 s28, s26  }
0x96: {  	v3 =	vld [tilespmem:s23+$0xF0]  }
0x97: {  	v8 =	vld [tilespmem:s23+$0x80]  }
0x98: {  	v9 =	vld [tilespmem:s23+$0x90]  }
0x99: {  	v7 =	vld [tilespmem:s23+$0xA0]  }
0x9a: {  	v6 =	vld [tilespmem:s23+$0xB0]  }
0x9b: {  	[tilespmem:s23+$0x80F0] =	vst.add.f32.msk $0xffff, v3  }
.Ltmp0:
0x9c: {  	v5 =	vld [tilespmem:s23+$0xC0];
	(pc) =	sbr.rel @p0 .LBB2_2-.Ltmp0, $4  }
0x9d: {  	v3 =	vld [tilespmem:s23+$0xD0]  }
0x9e: {  	v4 =	vld [tilespmem:s23+$0xE0]  }
0x9f: {  	[tilespmem:s23+$0x8080] =	vst.add.f32.msk $0xffff, v8  }
0xa0: {  	[tilespmem:s23+$0x8090] =	vst.add.f32.msk $0xffff, v9  }
0xa1: {  	[tilespmem:s23+$0x80A0] =	vst.add.f32.msk $0xffff, v7  }
0xa2: {  	[tilespmem:s23+$0x80B0] =	vst.add.f32.msk $0xffff, v6  }
0xa3: {  	[tilespmem:s23+$0x80C0] =	vst.add.f32.msk $0xffff, v5  }
0xa4: {  	[tilespmem:s23+$0x80D0] =	vst.add.f32.msk $0xffff, v3  }
0xa5: {  	[tilespmem:s23+$0x80E0] =	vst.add.f32.msk $0xffff, v4  }
0xa6: {  	s24 =	sld [smem:$0x7F6];
	_ =	sdelay $0x1  }
0xa7: {  	s23 =	simm.s32 $0x0  }
0xa8: {  	[hbm4b:s24+s23] =	stream.linear.scatter [tilespmem:s21], [sflag:$0x8], $0x4000, $0x38;
	[tilespmem:$0x1C080] =	vst v63  }
0xa9: {  	s28 =	simm.s32 $0x0;
	s26 =	rddreg [dreg:$0x8];
	s25 =	sand.u32 $0x1C00, s23  }
0xaa: {  	[tilespmem:s5], [sflag:$0x6] =	stream.linear.gather [hbm4b:s26+s23], $0x4000, $0x38;
	[tilespmem:$0x1C080] =	vst v63  }
0xab: {  	s24 =	sand.u32 $0x2000, s28;
	s26 =	simm.s32 $0x0;
	_ =	swait.ge [sflag:s6], $0x4000  }
0xac: {  	s24 =	sor.u32 s25, s24;
	s29 =	sand.u32 $0x380, s26;
	[sflag:s6] =	ssyncset.done $0x0  }
0xad: {  	s24 =	sor.u32 s29, s24;
	[sflag:s6] =	ssyncadd.s32 $0xFFFFC000  }
0xae: {  	v3 =	vld [tilespmem:s24+$0xF0]  }
0xaf: {  	v8 =	vld [tilespmem:s24+$0x80]  }
0xb0: {  	v9 =	vld [tilespmem:s24+$0x90]  }
0xb1: {  	v7 =	vld [tilespmem:s24+$0xA0]  }
0xb2: {  	v6 =	vld [tilespmem:s24+$0xB0]  }
0xb3: {  	v5 =	vld [tilespmem:s24+$0xC0]  }
0xb4: {  	v4 =	vld [tilespmem:s24+$0xE0]  }
0xb5: {  	[tilespmem:s24+$0xC0F0] =	vst.add.f32.msk $0xffff, v3  }
0xb6: {  	v3 =	vld [tilespmem:s24+$0xD0]  }
0xb7: {  	[tilespmem:s24+$0xC080] =	vst.add.f32.msk $0xffff, v8  }
0xb8: {  	s25 =	simm.s32 $0x0;
	[tilespmem:s24+$0xC090] =	vst.add.f32.msk $0xffff, v9  }
.LBB2_4:
0xb9: {  	s25 =	sadd.s32 $0x8, s25;
	[tilespmem:s24+$0xC0A0] =	vst.add.f32.msk $0xffff, v7  }
0xba: {  	s23 =	sadd.s32 $0x400, s23;
	s26 =	sshll.u32 s25, $0x4;
	p0 =	slt.u32 s25, $0x3F8;
	[tilespmem:s24+$0xC0B0] =	vst.add.f32.msk $0xffff, v6  }
0xbb: {  	s28 =	sand.u32 $0x1C00, s23;
	s29 =	sshll.u32 s25, $0x1;
	s26 =	sand.u32 $0x2000, s26;
	[tilespmem:s24+$0xC0C0] =	vst.add.f32.msk $0xffff, v5  }
0xbc: {  	s26 =	sor.u32 s28, s26;
	s28 =	sand.u32 $0x380, s29;
	[tilespmem:s24+$0xC0D0] =	vst.add.f32.msk $0xffff, v3  }
0xbd: {  	[tilespmem:s24+$0xC0E0] =	vst.add.f32.msk $0xffff, v4;
	s24 =	sor.u32 s28, s26  }
0xbe: {  	v3 =	vld [tilespmem:s24+$0xF0]  }
0xbf: {  	v8 =	vld [tilespmem:s24+$0x80]  }
0xc0: {  	v9 =	vld [tilespmem:s24+$0x90]  }
0xc1: {  	v7 =	vld [tilespmem:s24+$0xA0]  }
0xc2: {  	v6 =	vld [tilespmem:s24+$0xB0]  }
0xc3: {  	[tilespmem:s24+$0xC0F0] =	vst.add.f32.msk $0xffff, v3  }
.Ltmp1:
0xc4: {  	v5 =	vld [tilespmem:s24+$0xC0];
	(pc) =	sbr.rel @p0 .LBB2_4-.Ltmp1, $4  }
0xc5: {  	v3 =	vld [tilespmem:s24+$0xD0]  }
0xc6: {  	v4 =	vld [tilespmem:s24+$0xE0]  }
0xc7: {  	[tilespmem:s24+$0xC080] =	vst.add.f32.msk $0xffff, v8  }
0xc8: {  	[tilespmem:s24+$0xC090] =	vst.add.f32.msk $0xffff, v9  }
0xc9: {  	[tilespmem:s24+$0xC0A0] =	vst.add.f32.msk $0xffff, v7  }
0xca: {  	[tilespmem:s24+$0xC0B0] =	vst.add.f32.msk $0xffff, v6  }
0xcb: {  	[tilespmem:s24+$0xC0C0] =	vst.add.f32.msk $0xffff, v5  }
0xcc: {  	[tilespmem:s24+$0xC0D0] =	vst.add.f32.msk $0xffff, v3  }
0xcd: {  	[tilespmem:s24+$0xC0E0] =	vst.add.f32.msk $0xffff, v4  }
0xce: {  	s23 =	simm.s32 $0x0;
	s24 =	rddreg [dreg:$0x9]  }
0xcf: {  	[hbm4b:s24+s23] =	stream.linear.scatter [tilespmem:s22], [sflag:$0x9], $0x4000, $0x38;
	[tilespmem:$0x1C080] =	vst v63  }
0xd0: {  	s28 =	simm.s32 $0x0;
	s25 =	sand.u32 $0x1C00, s23;
	s26 =	rddreg [dreg:$0xa]  }
0xd1: {  	[tilespmem:s7], [sflag:$0x7] =	stream.linear.gather [hbm4b:s26+s23], $0x4000, $0x38;
	[tilespmem:$0x1C080] =	vst v63  }
0xd2: {  	s24 =	sand.u32 $0x2000, s28;
	s26 =	simm.s32 $0x0;
	_ =	swait.ge [sflag:s8], $0x4000  }
0xd3: {  	s24 =	sor.u32 s25, s24;
	s29 =	sand.u32 $0x380, s26;
	[sflag:s8] =	ssyncset.done $0x0  }
0xd4: {  	s24 =	sor.u32 s29, s24;
	[sflag:s8] =	ssyncadd.s32 $0xFFFFC000  }
0xd5: {  	v3 =	vld [tilespmem:s24+$0xF0]  }
0xd6: {  	v8 =	vld [tilespmem:s24+$0x80]  }
0xd7: {  	v9 =	vld [tilespmem:s24+$0x90]  }
0xd8: {  	v7 =	vld [tilespmem:s24+$0xA0]  }
0xd9: {  	v6 =	vld [tilespmem:s24+$0xB0]  }
0xda: {  	v5 =	vld [tilespmem:s24+$0xC0]  }
0xdb: {  	v4 =	vld [tilespmem:s24+$0xE0]  }
0xdc: {  	[tilespmem:s24+$0x100F0] =	vst.add.f32.msk $0xffff, v3  }
0xdd: {  	v3 =	vld [tilespmem:s24+$0xD0]  }
0xde: {  	[tilespmem:s24+$0x10080] =	vst.add.f32.msk $0xffff, v8  }
0xdf: {  	s25 =	simm.s32 $0x0;
	[tilespmem:s24+$0x10090] =	vst.add.f32.msk $0xffff, v9  }
.LBB2_6:
0xe0: {  	s25 =	sadd.s32 $0x8, s25;
	[tilespmem:s24+$0x100A0] =	vst.add.f32.msk $0xffff, v7  }
0xe1: {  	s23 =	sadd.s32 $0x400, s23;
	s26 =	sshll.u32 s25, $0x4;
	p0 =	slt.u32 s25, $0x3F8;
	[tilespmem:s24+$0x100B0] =	vst.add.f32.msk $0xffff, v6  }
0xe2: {  	s28 =	sand.u32 $0x1C00, s23;
	s29 =	sshll.u32 s25, $0x1;
	s26 =	sand.u32 $0x2000, s26;
	[tilespmem:s24+$0x100C0] =	vst.add.f32.msk $0xffff, v5  }
0xe3: {  	s26 =	sor.u32 s28, s26;
	s28 =	sand.u32 $0x380, s29;
	[tilespmem:s24+$0x100D0] =	vst.add.f32.msk $0xffff, v3  }
0xe4: {  	[tilespmem:s24+$0x100E0] =	vst.add.f32.msk $0xffff, v4;
	s24 =	sor.u32 s28, s26  }
0xe5: {  	v3 =	vld [tilespmem:s24+$0xF0]  }
0xe6: {  	v8 =	vld [tilespmem:s24+$0x80]  }
0xe7: {  	v9 =	vld [tilespmem:s24+$0x90]  }
0xe8: {  	v7 =	vld [tilespmem:s24+$0xA0]  }
0xe9: {  	v6 =	vld [tilespmem:s24+$0xB0]  }
0xea: {  	[tilespmem:s24+$0x100F0] =	vst.add.f32.msk $0xffff, v3  }
.Ltmp2:
0xeb: {  	v5 =	vld [tilespmem:s24+$0xC0];
	(pc) =	sbr.rel @p0 .LBB2_6-.Ltmp2, $4  }
0xec: {  	v3 =	vld [tilespmem:s24+$0xD0]  }
0xed: {  	v4 =	vld [tilespmem:s24+$0xE0]  }
0xee: {  	[tilespmem:s24+$0x10080] =	vst.add.f32.msk $0xffff, v8  }
0xef: {  	[tilespmem:s24+$0x10090] =	vst.add.f32.msk $0xffff, v9  }
0xf0: {  	[tilespmem:s24+$0x100A0] =	vst.add.f32.msk $0xffff, v7  }
0xf1: {  	[tilespmem:s24+$0x100B0] =	vst.add.f32.msk $0xffff, v6  }
0xf2: {  	[tilespmem:s24+$0x100C0] =	vst.add.f32.msk $0xffff, v5  }
0xf3: {  	[tilespmem:s24+$0x100D0] =	vst.add.f32.msk $0xffff, v3  }
0xf4: {  	[tilespmem:s24+$0x100E0] =	vst.add.f32.msk $0xffff, v4  }
0xf5: {  	s23 =	simm.s32 $0x0;
	s24 =	rddreg [dreg:$0xb]  }
0xf6: {  	[hbm4b:s24+s23] =	stream.linear.scatter [tilespmem:s3], [sflag:$0xA], $0x4000, $0x38;
	[tilespmem:$0x1C080] =	vst v63  }
0xf7: {  	_ =	swait.ge [sflag:s12], $0x4000  }
0xf8: {  	s28 =	simm.s32 $0x0;
	[sflag:s12] =	ssyncset.done $0x0  }
0xf9: {  	s25 =	sand.u32 $0x1C00, s23;
	s26 =	rddreg [dreg:$0xc];
	[sflag:s12] =	ssyncadd.s32 $0xFFFFC000  }
0xfa: {  	[tilespmem:s21], [sflag:$0x3] =	stream.linear.gather [hbm4b:s26+s23], $0x4000, $0x38;
	[tilespmem:$0x1C080] =	vst v63  }
0xfb: {  	s24 =	sand.u32 $0x2000, s28;
	s26 =	simm.s32 $0x0;
	_ =	swait.ge [sflag:s13], $0x4000  }
0xfc: {  	s24 =	sor.u32 s25, s24;
	s29 =	sand.u32 $0x380, s26;
	[sflag:s13] =	ssyncset.done $0x0  }
0xfd: {  	s24 =	sor.u32 s29, s24;
	[sflag:s13] =	ssyncadd.s32 $0xFFFFC000  }
0xfe: {  	v3 =	vld [tilespmem:s24+$0xF0]  }
0xff: {  	v8 =	vld [tilespmem:s24+$0x80]  }
0x100: {  	v9 =	vld [tilespmem:s24+$0x90]  }
0x101: {  	v7 =	vld [tilespmem:s24+$0xA0]  }
0x102: {  	v6 =	vld [tilespmem:s24+$0xB0]  }
0x103: {  	v5 =	vld [tilespmem:s24+$0xC0]  }
0x104: {  	v4 =	vld [tilespmem:s24+$0xE0]  }
0x105: {  	[tilespmem:s24+$0x140F0] =	vst.add.f32.msk $0xffff, v3  }
0x106: {  	v3 =	vld [tilespmem:s24+$0xD0]  }
0x107: {  	[tilespmem:s24+$0x14080] =	vst.add.f32.msk $0xffff, v8  }
0x108: {  	s25 =	simm.s32 $0x0;
	[tilespmem:s24+$0x14090] =	vst.add.f32.msk $0xffff, v9  }
.LBB2_8:
0x109: {  	s25 =	sadd.s32 $0x8, s25;
	[tilespmem:s24+$0x140A0] =	vst.add.f32.msk $0xffff, v7  }
0x10a: {  	s23 =	sadd.s32 $0x400, s23;
	s26 =	sshll.u32 s25, $0x4;
	p0 =	slt.u32 s25, $0x3F8;
	[tilespmem:s24+$0x140B0] =	vst.add.f32.msk $0xffff, v6  }
0x10b: {  	s28 =	sand.u32 $0x1C00, s23;
	s29 =	sshll.u32 s25, $0x1;
	s26 =	sand.u32 $0x2000, s26;
	[tilespmem:s24+$0x140C0] =	vst.add.f32.msk $0xffff, v5  }
0x10c: {  	s26 =	sor.u32 s28, s26;
	s28 =	sand.u32 $0x380, s29;
	[tilespmem:s24+$0x140D0] =	vst.add.f32.msk $0xffff, v3  }
0x10d: {  	[tilespmem:s24+$0x140E0] =	vst.add.f32.msk $0xffff, v4;
	s24 =	sor.u32 s28, s26  }
0x10e: {  	v3 =	vld [tilespmem:s24+$0xF0]  }
0x10f: {  	v8 =	vld [tilespmem:s24+$0x80]  }
0x110: {  	v9 =	vld [tilespmem:s24+$0x90]  }
0x111: {  	v7 =	vld [tilespmem:s24+$0xA0]  }
0x112: {  	v6 =	vld [tilespmem:s24+$0xB0]  }
0x113: {  	[tilespmem:s24+$0x140F0] =	vst.add.f32.msk $0xffff, v3  }
.Ltmp3:
0x114: {  	v5 =	vld [tilespmem:s24+$0xC0];
	(pc) =	sbr.rel @p0 .LBB2_8-.Ltmp3, $4  }
0x115: {  	v3 =	vld [tilespmem:s24+$0xD0]  }
0x116: {  	v4 =	vld [tilespmem:s24+$0xE0]  }
0x117: {  	[tilespmem:s24+$0x14080] =	vst.add.f32.msk $0xffff, v8  }
0x118: {  	[tilespmem:s24+$0x14090] =	vst.add.f32.msk $0xffff, v9  }
0x119: {  	[tilespmem:s24+$0x140A0] =	vst.add.f32.msk $0xffff, v7  }
0x11a: {  	[tilespmem:s24+$0x140B0] =	vst.add.f32.msk $0xffff, v6  }
0x11b: {  	[tilespmem:s24+$0x140C0] =	vst.add.f32.msk $0xffff, v5  }
0x11c: {  	[tilespmem:s24+$0x140D0] =	vst.add.f32.msk $0xffff, v3  }
0x11d: {  	[tilespmem:s24+$0x140E0] =	vst.add.f32.msk $0xffff, v4  }
0x11e: {  	s23 =	simm.s32 $0x0;
	s24 =	rddreg [dreg:$0xd]  }
0x11f: {  	[hbm4b:s24+s23] =	stream.linear.scatter [tilespmem:s5], [sflag:$0xB], $0x4000, $0x38;
	[tilespmem:$0x1C080] =	vst v63  }
0x120: {  	v3 =	vld [tilespmem:$0x20];
	_ =	sdelay $0x4  }
0x121: {  	v4 =	vshll.u32 v3, $0x3  }
0x122: {  	v3 =	vand.u32 $0x7, v3;
	v4 =	vand.u32 $0xFFFFFFC0, v4  }
0x123: {  	v3 =	vor.u32 v3, v4  }
0x124: {  	v4 =	vperm.xlane v3, v0;
	_ =	sdelay $0x1  }
0x125: {  	v4 =	vadd.s32 v1, v4;
	_ =	sdelay $0x3  }
0x126: {  	s26 =	simm.s32 $0x80  }
0x127: {  	[tilespmem:s26], [sflag:$0x1] =	stream.indirect_vreg.gather [hbm4b:s0+s23], $0x80, v4, vm0, $0xb8;
	[tilespmem:$0x1C080] =	vst v63  }
0x128: {  	s28 =	simm.s32 $0x880;
	v3 =	vperm.xlane v3, v2  }
0x129: {  	[tilespmem:s28], [sflag:$0x1] =	stream.indirect_vreg.gather [hbm4b:s9+s23], $0x80, v4, vm0, $0xb8;
	[tilespmem:$0x1C080] =	vst v63  }
0x12a: {  	s29 =	simm.s32 $0x1080;
	v3 =	vadd.s32 v1, v3  }
0x12b: {  	[tilespmem:s29], [sflag:$0x1] =	stream.indirect_vreg.gather [hbm4b:s10+s23], $0x80, v4, vm0, $0xb8;
	[tilespmem:$0x1C080] =	vst v63  }
0x12c: {  	s25 =	simm.s32 $0x1880  }
0x12d: {  	[tilespmem:s25], [sflag:$0x1] =	stream.indirect_vreg.gather [hbm4b:s11+s23], $0x80, v4, vm0, $0xb8;
	[tilespmem:$0x1C080] =	vst v63  }
0x12e: {  	s26 =	simm.s32 $0x2080  }
0x12f: {  	[tilespmem:s26], [sflag:$0x1] =	stream.indirect_vreg.gather [hbm4b:s0+s23], $0x80, v3, vm0, $0xb8;
	[tilespmem:$0x1C080] =	vst v63  }
0x130: {  	s28 =	simm.s32 $0x2880  }
0x131: {  	[tilespmem:s28], [sflag:$0x1] =	stream.indirect_vreg.gather [hbm4b:s9+s23], $0x80, v3, vm0, $0xb8;
	[tilespmem:$0x1C080] =	vst v63  }
0x132: {  	s29 =	simm.s32 $0x3080  }
0x133: {  	[tilespmem:s29], [sflag:$0x1] =	stream.indirect_vreg.gather [hbm4b:s10+s23], $0x80, v3, vm0, $0xb8;
	[tilespmem:$0x1C080] =	vst v63  }
0x134: {  	s25 =	simm.s32 $0x3880  }
0x135: {  	[tilespmem:s25], [sflag:$0x1] =	stream.indirect_vreg.gather [hbm4b:s11+s23], $0x80, v3, vm0, $0xb8;
	[tilespmem:$0x1C080] =	vst v63  }
0x136: {  	_ =	swait.ge [sflag:s14], $0x4000  }
0x137: {  	[sflag:s14] =	ssyncset.done $0x0  }
0x138: {  	[sflag:s14] =	ssyncadd.s32 $0xFFFFC000  }
0x139: {  	_ =	swait.ge [sflag:s15], $0x4000  }
0x13a: {  	s28 =	simm.s32 $0x0;
	[sflag:s15] =	ssyncset.done $0x0  }
0x13b: {  	s24 =	sand.u32 $0x2000, s28;
	s26 =	rddreg [dreg:$0xe];
	[sflag:s15] =	ssyncadd.s32 $0xFFFFC000  }
0x13c: {  	[tilespmem:s22], [sflag:$0x4] =	stream.linear.gather [hbm4b:s26+s23], $0x4000, $0x38;
	[tilespmem:$0x1C080] =	vst v63  }
0x13d: {  	s25 =	sand.u32 $0x1C00, s23;
	s26 =	simm.s32 $0x0;
	_ =	swait.ge [sflag:s16], $0x4000  }
0x13e: {  	s24 =	sor.u32 s25, s24;
	s29 =	sand.u32 $0x380, s26;
	[sflag:s16] =	ssyncset.done $0x0  }
0x13f: {  	s24 =	sor.u32 s29, s24;
	[sflag:s16] =	ssyncadd.s32 $0xFFFFC000  }
0x140: {  	v3 =	vld [tilespmem:s24+$0x40F0]  }
0x141: {  	v8 =	vld [tilespmem:s24+$0x4080]  }
0x142: {  	v9 =	vld [tilespmem:s24+$0x4090]  }
0x143: {  	v7 =	vld [tilespmem:s24+$0x40A0]  }
0x144: {  	v6 =	vld [tilespmem:s24+$0x40B0]  }
0x145: {  	v5 =	vld [tilespmem:s24+$0x40C0]  }
0x146: {  	v4 =	vld [tilespmem:s24+$0x40E0]  }
0x147: {  	[tilespmem:s24+$0x180F0] =	vst.add.f32.msk $0xffff, v3  }
0x148: {  	v3 =	vld [tilespmem:s24+$0x40D0]  }
0x149: {  	[tilespmem:s24+$0x18080] =	vst.add.f32.msk $0xffff, v8  }
0x14a: {  	s25 =	simm.s32 $0x0;
	[tilespmem:s24+$0x18090] =	vst.add.f32.msk $0xffff, v9  }
.LBB2_10:
0x14b: {  	s25 =	sadd.s32 $0x8, s25;
	[tilespmem:s24+$0x180A0] =	vst.add.f32.msk $0xffff, v7  }
0x14c: {  	s23 =	sadd.s32 $0x400, s23;
	s26 =	sshll.u32 s25, $0x4;
	p0 =	slt.u32 s25, $0x3F8;
	[tilespmem:s24+$0x180B0] =	vst.add.f32.msk $0xffff, v6  }
0x14d: {  	s28 =	sand.u32 $0x1C00, s23;
	s29 =	sshll.u32 s25, $0x1;
	s26 =	sand.u32 $0x2000, s26;
	[tilespmem:s24+$0x180C0] =	vst.add.f32.msk $0xffff, v5  }
0x14e: {  	s26 =	sor.u32 s28, s26;
	s28 =	sand.u32 $0x380, s29;
	[tilespmem:s24+$0x180D0] =	vst.add.f32.msk $0xffff, v3  }
0x14f: {  	[tilespmem:s24+$0x180E0] =	vst.add.f32.msk $0xffff, v4;
	s24 =	sor.u32 s28, s26  }
0x150: {  	v3 =	vld [tilespmem:s24+$0x40F0]  }
0x151: {  	v8 =	vld [tilespmem:s24+$0x4080]  }
0x152: {  	v9 =	vld [tilespmem:s24+$0x4090]  }
0x153: {  	v7 =	vld [tilespmem:s24+$0x40A0]  }
0x154: {  	v6 =	vld [tilespmem:s24+$0x40B0]  }
0x155: {  	[tilespmem:s24+$0x180F0] =	vst.add.f32.msk $0xffff, v3  }
.Ltmp4:
0x156: {  	v5 =	vld [tilespmem:s24+$0x40C0];
	(pc) =	sbr.rel @p0 .LBB2_10-.Ltmp4, $4  }
0x157: {  	v3 =	vld [tilespmem:s24+$0x40D0]  }
0x158: {  	v4 =	vld [tilespmem:s24+$0x40E0]  }
0x159: {  	[tilespmem:s24+$0x18080] =	vst.add.f32.msk $0xffff, v8  }
0x15a: {  	[tilespmem:s24+$0x18090] =	vst.add.f32.msk $0xffff, v9  }
0x15b: {  	[tilespmem:s24+$0x180A0] =	vst.add.f32.msk $0xffff, v7  }
0x15c: {  	[tilespmem:s24+$0x180B0] =	vst.add.f32.msk $0xffff, v6  }
0x15d: {  	[tilespmem:s24+$0x180C0] =	vst.add.f32.msk $0xffff, v5  }
0x15e: {  	[tilespmem:s24+$0x180D0] =	vst.add.f32.msk $0xffff, v3  }
0x15f: {  	[tilespmem:s24+$0x180E0] =	vst.add.f32.msk $0xffff, v4  }
0x160: {  	s23 =	simm.s32 $0x0;
	s24 =	rddreg [dreg:$0xf]  }
0x161: {  	[hbm4b:s24+s23] =	stream.linear.scatter [tilespmem:s7], [sflag:$0xC], $0x4000, $0x38;
	[tilespmem:$0x1C080] =	vst v63  }
0x162: {  	_ =	swait.ge [sflag:s17], $0x4000  }
0x163: {  	s28 =	simm.s32 $0x0;
	[sflag:s17] =	ssyncset.done $0x0  }
0x164: {  	s25 =	sand.u32 $0x1C00, s23;
	s26 =	rddreg [dreg:$0x10];
	[sflag:s17] =	ssyncadd.s32 $0xFFFFC000  }
0x165: {  	[tilespmem:s3], [sflag:$0x5] =	stream.linear.gather [hbm4b:s26+s23], $0x4000, $0x38;
	[tilespmem:$0x1C080] =	vst v63  }
0x166: {  	s24 =	sand.u32 $0x2000, s28;
	s26 =	simm.s32 $0x0;
	_ =	swait.ge [sflag:s4], $0x4000  }
0x167: {  	s24 =	sor.u32 s25, s24;
	s29 =	sand.u32 $0x380, s26;
	[sflag:s4] =	ssyncset.done $0x0  }
0x168: {  	s24 =	sor.u32 s29, s24;
	[sflag:s4] =	ssyncadd.s32 $0xFFFFC000  }
0x169: {  	v3 =	vld [tilespmem:s24+$0x40F0]  }
0x16a: {  	v8 =	vld [tilespmem:s24+$0x4080]  }
0x16b: {  	v9 =	vld [tilespmem:s24+$0x4090]  }
0x16c: {  	v7 =	vld [tilespmem:s24+$0x40A0]  }
0x16d: {  	v6 =	vld [tilespmem:s24+$0x40B0]  }
0x16e: {  	v5 =	vld [tilespmem:s24+$0x40C0]  }
0x16f: {  	v4 =	vld [tilespmem:s24+$0x40E0]  }
0x170: {  	[tilespmem:s24+$0x80F0] =	vst.add.f32.msk $0xffff, v3  }
0x171: {  	v3 =	vld [tilespmem:s24+$0x40D0]  }
0x172: {  	[tilespmem:s24+$0x8080] =	vst.add.f32.msk $0xffff, v8  }
0x173: {  	s25 =	simm.s32 $0x0;
	[tilespmem:s24+$0x8090] =	vst.add.f32.msk $0xffff, v9  }
.LBB2_12:
0x174: {  	s25 =	sadd.s32 $0x8, s25;
	[tilespmem:s24+$0x80A0] =	vst.add.f32.msk $0xffff, v7  }
0x175: {  	s23 =	sadd.s32 $0x400, s23;
	s26 =	sshll.u32 s25, $0x4;
	p0 =	slt.u32 s25, $0x3F8;
	[tilespmem:s24+$0x80B0] =	vst.add.f32.msk $0xffff, v6  }
0x176: {  	s28 =	sand.u32 $0x1C00, s23;
	s29 =	sshll.u32 s25, $0x1;
	s26 =	sand.u32 $0x2000, s26;
	[tilespmem:s24+$0x80C0] =	vst.add.f32.msk $0xffff, v5  }
0x177: {  	s26 =	sor.u32 s28, s26;
	s28 =	sand.u32 $0x380, s29;
	[tilespmem:s24+$0x80D0] =	vst.add.f32.msk $0xffff, v3  }
0x178: {  	[tilespmem:s24+$0x80E0] =	vst.add.f32.msk $0xffff, v4;
	s24 =	sor.u32 s28, s26  }
0x179: {  	v3 =	vld [tilespmem:s24+$0x40F0]  }
0x17a: {  	v8 =	vld [tilespmem:s24+$0x4080]  }
0x17b: {  	v9 =	vld [tilespmem:s24+$0x4090]  }
0x17c: {  	v7 =	vld [tilespmem:s24+$0x40A0]  }
0x17d: {  	v6 =	vld [tilespmem:s24+$0x40B0]  }
0x17e: {  	[tilespmem:s24+$0x80F0] =	vst.add.f32.msk $0xffff, v3  }
.Ltmp5:
0x17f: {  	v5 =	vld [tilespmem:s24+$0x40C0];
	(pc) =	sbr.rel @p0 .LBB2_12-.Ltmp5, $4  }
0x180: {  	v3 =	vld [tilespmem:s24+$0x40D0]  }
0x181: {  	v4 =	vld [tilespmem:s24+$0x40E0]  }
0x182: {  	[tilespmem:s24+$0x8080] =	vst.add.f32.msk $0xffff, v8  }
0x183: {  	[tilespmem:s24+$0x8090] =	vst.add.f32.msk $0xffff, v9  }
0x184: {  	[tilespmem:s24+$0x80A0] =	vst.add.f32.msk $0xffff, v7  }
0x185: {  	[tilespmem:s24+$0x80B0] =	vst.add.f32.msk $0xffff, v6  }
0x186: {  	[tilespmem:s24+$0x80C0] =	vst.add.f32.msk $0xffff, v5  }
0x187: {  	[tilespmem:s24+$0x80D0] =	vst.add.f32.msk $0xffff, v3  }
0x188: {  	[tilespmem:s24+$0x80E0] =	vst.add.f32.msk $0xffff, v4  }
0x189: {  	s23 =	simm.s32 $0x0;
	s24 =	rddreg [dreg:$0x11]  }
0x18a: {  	[hbm4b:s24+s23] =	stream.linear.scatter [tilespmem:s21], [sflag:$0x8], $0x4000, $0x38;
	[tilespmem:$0x1C080] =	vst v63  }
0x18b: {  	_ =	swait.ge [sflag:s18], $0x4000  }
0x18c: {  	s28 =	simm.s32 $0x0;
	[sflag:s18] =	ssyncset.done $0x0  }
0x18d: {  	s25 =	sand.u32 $0x1C00, s23;
	s26 =	rddreg [dreg:$0x12];
	[sflag:s18] =	ssyncadd.s32 $0xFFFFC000  }
0x18e: {  	[tilespmem:s5], [sflag:$0x6] =	stream.linear.gather [hbm4b:s26+s23], $0x4000, $0x38;
	[tilespmem:$0x1C080] =	vst v63  }
0x18f: {  	s24 =	sand.u32 $0x2000, s28;
	s26 =	simm.s32 $0x0;
	_ =	swait.ge [sflag:s6], $0x4000  }
0x190: {  	s24 =	sor.u32 s25, s24;
	s29 =	sand.u32 $0x380, s26;
	[sflag:s6] =	ssyncset.done $0x0  }
0x191: {  	s24 =	sor.u32 s29, s24;
	[sflag:s6] =	ssyncadd.s32 $0xFFFFC000  }
0x192: {  	v3 =	vld [tilespmem:s24+$0x40F0]  }
0x193: {  	v8 =	vld [tilespmem:s24+$0x4080]  }
0x194: {  	v9 =	vld [tilespmem:s24+$0x4090]  }
0x195: {  	v7 =	vld [tilespmem:s24+$0x40A0]  }
0x196: {  	v6 =	vld [tilespmem:s24+$0x40B0]  }
0x197: {  	v5 =	vld [tilespmem:s24+$0x40C0]  }
0x198: {  	v4 =	vld [tilespmem:s24+$0x40E0]  }
0x199: {  	[tilespmem:s24+$0xC0F0] =	vst.add.f32.msk $0xffff, v3  }
0x19a: {  	v3 =	vld [tilespmem:s24+$0x40D0]  }
0x19b: {  	[tilespmem:s24+$0xC080] =	vst.add.f32.msk $0xffff, v8  }
0x19c: {  	s25 =	simm.s32 $0x0;
	[tilespmem:s24+$0xC090] =	vst.add.f32.msk $0xffff, v9  }
.LBB2_14:
0x19d: {  	s25 =	sadd.s32 $0x8, s25;
	[tilespmem:s24+$0xC0A0] =	vst.add.f32.msk $0xffff, v7  }
0x19e: {  	s23 =	sadd.s32 $0x400, s23;
	s26 =	sshll.u32 s25, $0x4;
	p0 =	slt.u32 s25, $0x3F8;
	[tilespmem:s24+$0xC0B0] =	vst.add.f32.msk $0xffff, v6  }
0x19f: {  	s28 =	sand.u32 $0x1C00, s23;
	s29 =	sshll.u32 s25, $0x1;
	s26 =	sand.u32 $0x2000, s26;
	[tilespmem:s24+$0xC0C0] =	vst.add.f32.msk $0xffff, v5  }
0x1a0: {  	s26 =	sor.u32 s28, s26;
	s28 =	sand.u32 $0x380, s29;
	[tilespmem:s24+$0xC0D0] =	vst.add.f32.msk $0xffff, v3  }
0x1a1: {  	[tilespmem:s24+$0xC0E0] =	vst.add.f32.msk $0xffff, v4;
	s24 =	sor.u32 s28, s26  }
0x1a2: {  	v3 =	vld [tilespmem:s24+$0x40F0]  }
0x1a3: {  	v8 =	vld [tilespmem:s24+$0x4080]  }
0x1a4: {  	v9 =	vld [tilespmem:s24+$0x4090]  }
0x1a5: {  	v7 =	vld [tilespmem:s24+$0x40A0]  }
0x1a6: {  	v6 =	vld [tilespmem:s24+$0x40B0]  }
0x1a7: {  	[tilespmem:s24+$0xC0F0] =	vst.add.f32.msk $0xffff, v3  }
.Ltmp6:
0x1a8: {  	v5 =	vld [tilespmem:s24+$0x40C0];
	(pc) =	sbr.rel @p0 .LBB2_14-.Ltmp6, $4  }
0x1a9: {  	v3 =	vld [tilespmem:s24+$0x40D0]  }
0x1aa: {  	v4 =	vld [tilespmem:s24+$0x40E0]  }
0x1ab: {  	[tilespmem:s24+$0xC080] =	vst.add.f32.msk $0xffff, v8  }
0x1ac: {  	[tilespmem:s24+$0xC090] =	vst.add.f32.msk $0xffff, v9  }
0x1ad: {  	[tilespmem:s24+$0xC0A0] =	vst.add.f32.msk $0xffff, v7  }
0x1ae: {  	[tilespmem:s24+$0xC0B0] =	vst.add.f32.msk $0xffff, v6  }
0x1af: {  	[tilespmem:s24+$0xC0C0] =	vst.add.f32.msk $0xffff, v5  }
0x1b0: {  	[tilespmem:s24+$0xC0D0] =	vst.add.f32.msk $0xffff, v3  }
0x1b1: {  	[tilespmem:s24+$0xC0E0] =	vst.add.f32.msk $0xffff, v4  }
0x1b2: {  	s23 =	simm.s32 $0x0;
	s24 =	rddreg [dreg:$0x13]  }
0x1b3: {  	[hbm4b:s24+s23] =	stream.linear.scatter [tilespmem:s22], [sflag:$0x9], $0x4000, $0x38;
	[tilespmem:$0x1C080] =	vst v63  }
0x1b4: {  	_ =	swait.ge [sflag:s19], $0x4000  }
0x1b5: {  	s28 =	simm.s32 $0x0;
	[sflag:s19] =	ssyncset.done $0x0  }
0x1b6: {  	s25 =	sand.u32 $0x1C00, s23;
	s26 =	rddreg [dreg:$0x14];
	[sflag:s19] =	ssyncadd.s32 $0xFFFFC000  }
0x1b7: {  	[tilespmem:s7], [sflag:$0x7] =	stream.linear.gather [hbm4b:s26+s23], $0x4000, $0x38;
	[tilespmem:$0x1C080] =	vst v63  }
0x1b8: {  	s24 =	sand.u32 $0x2000, s28;
	s26 =	simm.s32 $0x0;
	_ =	swait.ge [sflag:s8], $0x4000  }
0x1b9: {  	s24 =	sor.u32 s25, s24;
	s29 =	sand.u32 $0x380, s26;
	[sflag:s8] =	ssyncset.done $0x0  }
0x1ba: {  	s24 =	sor.u32 s29, s24;
	[sflag:s8] =	ssyncadd.s32 $0xFFFFC000  }
0x1bb: {  	v3 =	vld [tilespmem:s24+$0x40F0]  }
0x1bc: {  	v8 =	vld [tilespmem:s24+$0x4080]  }
0x1bd: {  	v9 =	vld [tilespmem:s24+$0x4090]  }
0x1be: {  	v7 =	vld [tilespmem:s24+$0x40A0]  }
0x1bf: {  	v6 =	vld [tilespmem:s24+$0x40B0]  }
0x1c0: {  	v5 =	vld [tilespmem:s24+$0x40C0]  }
0x1c1: {  	v4 =	vld [tilespmem:s24+$0x40E0]  }
0x1c2: {  	[tilespmem:s24+$0x100F0] =	vst.add.f32.msk $0xffff, v3  }
0x1c3: {  	v3 =	vld [tilespmem:s24+$0x40D0]  }
0x1c4: {  	[tilespmem:s24+$0x10080] =	vst.add.f32.msk $0xffff, v8  }
0x1c5: {  	s25 =	simm.s32 $0x0;
	[tilespmem:s24+$0x10090] =	vst.add.f32.msk $0xffff, v9  }
.LBB2_16:
0x1c6: {  	s25 =	sadd.s32 $0x8, s25;
	[tilespmem:s24+$0x100A0] =	vst.add.f32.msk $0xffff, v7  }
0x1c7: {  	s23 =	sadd.s32 $0x400, s23;
	s26 =	sshll.u32 s25, $0x4;
	p0 =	slt.u32 s25, $0x3F8;
	[tilespmem:s24+$0x100B0] =	vst.add.f32.msk $0xffff, v6  }
0x1c8: {  	s28 =	sand.u32 $0x1C00, s23;
	s29 =	sshll.u32 s25, $0x1;
	s26 =	sand.u32 $0x2000, s26;
	[tilespmem:s24+$0x100C0] =	vst.add.f32.msk $0xffff, v5  }
0x1c9: {  	s26 =	sor.u32 s28, s26;
	s28 =	sand.u32 $0x380, s29;
	[tilespmem:s24+$0x100D0] =	vst.add.f32.msk $0xffff, v3  }
0x1ca: {  	[tilespmem:s24+$0x100E0] =	vst.add.f32.msk $0xffff, v4;
	s24 =	sor.u32 s28, s26  }
0x1cb: {  	v3 =	vld [tilespmem:s24+$0x40F0]  }
0x1cc: {  	v8 =	vld [tilespmem:s24+$0x4080]  }
0x1cd: {  	v9 =	vld [tilespmem:s24+$0x4090]  }
0x1ce: {  	v7 =	vld [tilespmem:s24+$0x40A0]  }
0x1cf: {  	v6 =	vld [tilespmem:s24+$0x40B0]  }
0x1d0: {  	[tilespmem:s24+$0x100F0] =	vst.add.f32.msk $0xffff, v3  }
.Ltmp7:
0x1d1: {  	v5 =	vld [tilespmem:s24+$0x40C0];
	(pc) =	sbr.rel @p0 .LBB2_16-.Ltmp7, $4  }
0x1d2: {  	v3 =	vld [tilespmem:s24+$0x40D0]  }
0x1d3: {  	v4 =	vld [tilespmem:s24+$0x40E0]  }
0x1d4: {  	[tilespmem:s24+$0x10080] =	vst.add.f32.msk $0xffff, v8  }
0x1d5: {  	[tilespmem:s24+$0x10090] =	vst.add.f32.msk $0xffff, v9  }
0x1d6: {  	[tilespmem:s24+$0x100A0] =	vst.add.f32.msk $0xffff, v7  }
0x1d7: {  	[tilespmem:s24+$0x100B0] =	vst.add.f32.msk $0xffff, v6  }
0x1d8: {  	[tilespmem:s24+$0x100C0] =	vst.add.f32.msk $0xffff, v5  }
0x1d9: {  	[tilespmem:s24+$0x100D0] =	vst.add.f32.msk $0xffff, v3  }
0x1da: {  	[tilespmem:s24+$0x100E0] =	vst.add.f32.msk $0xffff, v4  }
0x1db: {  	s23 =	simm.s32 $0x0;
	s24 =	rddreg [dreg:$0x15]  }
0x1dc: {  	[hbm4b:s24+s23] =	stream.linear.scatter [tilespmem:s3], [sflag:$0xA], $0x4000, $0x38;
	[tilespmem:$0x1C080] =	vst v63  }
0x1dd: {  	v3 =	vld [tilespmem:$0x30];
	_ =	sdelay $0x4  }
0x1de: {  	v4 =	vshll.u32 v3, $0x3  }
0x1df: {  	v3 =	vand.u32 $0x7, v3;
	v4 =	vand.u32 $0xFFFFFFC0, v4  }
0x1e0: {  	v3 =	vor.u32 v3, v4  }
0x1e1: {  	v4 =	vperm.xlane v3, v0;
	_ =	sdelay $0x1  }
0x1e2: {  	v4 =	vadd.s32 v1, v4;
	_ =	sdelay $0x3  }
0x1e3: {  	s29 =	simm.s32 $0x4080  }
0x1e4: {  	[tilespmem:s29], [sflag:$0x2] =	stream.indirect_vreg.gather [hbm4b:s0+s23], $0x80, v4, vm0, $0xb8;
	[tilespmem:$0x1C080] =	vst v63  }
0x1e5: {  	s25 =	simm.s32 $0x4880;
	v3 =	vperm.xlane v3, v2  }
0x1e6: {  	[tilespmem:s25], [sflag:$0x2] =	stream.indirect_vreg.gather [hbm4b:s9+s23], $0x80, v4, vm0, $0xb8;
	[tilespmem:$0x1C080] =	vst v63  }
0x1e7: {  	s26 =	simm.s32 $0x5080;
	v3 =	vadd.s32 v1, v3  }
0x1e8: {  	[tilespmem:s26], [sflag:$0x2] =	stream.indirect_vreg.gather [hbm4b:s10+s23], $0x80, v4, vm0, $0xb8;
	[tilespmem:$0x1C080] =	vst v63  }
0x1e9: {  	s28 =	simm.s32 $0x5880  }
0x1ea: {  	[tilespmem:s28], [sflag:$0x2] =	stream.indirect_vreg.gather [hbm4b:s11+s23], $0x80, v4, vm0, $0xb8;
	[tilespmem:$0x1C080] =	vst v63  }
0x1eb: {  	s29 =	simm.s32 $0x6080  }
0x1ec: {  	[tilespmem:s29], [sflag:$0x2] =	stream.indirect_vreg.gather [hbm4b:s0+s23], $0x80, v3, vm0, $0xb8;
	[tilespmem:$0x1C080] =	vst v63  }
0x1ed: {  	s25 =	simm.s32 $0x6880  }
0x1ee: {  	[tilespmem:s25], [sflag:$0x2] =	stream.indirect_vreg.gather [hbm4b:s9+s23], $0x80, v3, vm0, $0xb8;
	[tilespmem:$0x1C080] =	vst v63  }
0x1ef: {  	_ = 	snop  }
0x1f0: {  	[tilespmem:s30], [sflag:$0x2] =	stream.indirect_vreg.gather [hbm4b:s10+s23], $0x80, v3, vm0, $0xb8;
	[tilespmem:$0x1C080] =	vst v63  }
0x1f1: {  	_ = 	snop  }
0x1f2: {  	[tilespmem:s31], [sflag:$0x2] =	stream.indirect_vreg.gather [hbm4b:s11+s23], $0x80, v3, vm0, $0xb8;
	[tilespmem:$0x1C080] =	vst v63  }
0x1f3: {  	_ =	swait.ge [sflag:s2], $0x4000  }
0x1f4: {  	[sflag:s2] =	ssyncset.done $0x0  }
0x1f5: {  	[sflag:s2] =	ssyncadd.s32 $0xFFFFC000  }
0x1f6: {  	_ =	swait.ge [sflag:s12], $0x4000  }
0x1f7: {  	s28 =	simm.s32 $0x0;
	[sflag:s12] =	ssyncset.done $0x0  }
0x1f8: {  	s24 =	sand.u32 $0x2000, s28;
	s26 =	rddreg [dreg:$0x18];
	[sflag:s12] =	ssyncadd.s32 $0xFFFFC000  }
0x1f9: {  	[tilespmem:s21], [sflag:$0x3] =	stream.linear.gather [hbm4b:s26+s23], $0x4000, $0x38;
	[tilespmem:$0x1C080] =	vst v63  }
0x1fa: {  	s25 =	sand.u32 $0x1C00, s23;
	s26 =	simm.s32 $0x0;
	_ =	swait.ge [sflag:s13], $0x4000  }
0x1fb: {  	s24 =	sor.u32 s25, s24;
	s29 =	sand.u32 $0x380, s26;
	[sflag:s13] =	ssyncset.done $0x0  }
0x1fc: {  	s24 =	sor.u32 s29, s24;
	[sflag:s13] =	ssyncadd.s32 $0xFFFFC000  }
0x1fd: {  	v3 =	vld [tilespmem:s24+$0xF0]  }
0x1fe: {  	v8 =	vld [tilespmem:s24+$0x80]  }
0x1ff: {  	v9 =	vld [tilespmem:s24+$0x90]  }
0x200: {  	v7 =	vld [tilespmem:s24+$0xA0]  }
0x201: {  	v6 =	vld [tilespmem:s24+$0xB0]  }
0x202: {  	v5 =	vld [tilespmem:s24+$0xC0]  }
0x203: {  	v4 =	vld [tilespmem:s24+$0xE0]  }
0x204: {  	[tilespmem:s24+$0x140F0] =	vst.add.f32.msk $0xffff, v3  }
0x205: {  	v3 =	vld [tilespmem:s24+$0xD0]  }
0x206: {  	[tilespmem:s24+$0x14080] =	vst.add.f32.msk $0xffff, v8  }
0x207: {  	s25 =	simm.s32 $0x0;
	[tilespmem:s24+$0x14090] =	vst.add.f32.msk $0xffff, v9  }
.LBB2_18:
0x208: {  	s25 =	sadd.s32 $0x8, s25;
	[tilespmem:s24+$0x140A0] =	vst.add.f32.msk $0xffff, v7  }
0x209: {  	s23 =	sadd.s32 $0x400, s23;
	s26 =	sshll.u32 s25, $0x4;
	p0 =	slt.u32 s25, $0x3F8;
	[tilespmem:s24+$0x140B0] =	vst.add.f32.msk $0xffff, v6  }
0x20a: {  	s28 =	sand.u32 $0x1C00, s23;
	s29 =	sshll.u32 s25, $0x1;
	s26 =	sand.u32 $0x2000, s26;
	[tilespmem:s24+$0x140C0] =	vst.add.f32.msk $0xffff, v5  }
0x20b: {  	s26 =	sor.u32 s28, s26;
	s28 =	sand.u32 $0x380, s29;
	[tilespmem:s24+$0x140D0] =	vst.add.f32.msk $0xffff, v3  }
0x20c: {  	[tilespmem:s24+$0x140E0] =	vst.add.f32.msk $0xffff, v4;
	s24 =	sor.u32 s28, s26  }
0x20d: {  	v3 =	vld [tilespmem:s24+$0xF0]  }
0x20e: {  	v8 =	vld [tilespmem:s24+$0x80]  }
0x20f: {  	v9 =	vld [tilespmem:s24+$0x90]  }
0x210: {  	v7 =	vld [tilespmem:s24+$0xA0]  }
0x211: {  	v6 =	vld [tilespmem:s24+$0xB0]  }
0x212: {  	[tilespmem:s24+$0x140F0] =	vst.add.f32.msk $0xffff, v3  }
.Ltmp8:
0x213: {  	v5 =	vld [tilespmem:s24+$0xC0];
	(pc) =	sbr.rel @p0 .LBB2_18-.Ltmp8, $4  }
0x214: {  	v3 =	vld [tilespmem:s24+$0xD0]  }
0x215: {  	v4 =	vld [tilespmem:s24+$0xE0]  }
0x216: {  	[tilespmem:s24+$0x14080] =	vst.add.f32.msk $0xffff, v8  }
0x217: {  	[tilespmem:s24+$0x14090] =	vst.add.f32.msk $0xffff, v9  }
0x218: {  	[tilespmem:s24+$0x140A0] =	vst.add.f32.msk $0xffff, v7  }
0x219: {  	[tilespmem:s24+$0x140B0] =	vst.add.f32.msk $0xffff, v6  }
0x21a: {  	[tilespmem:s24+$0x140C0] =	vst.add.f32.msk $0xffff, v5  }
0x21b: {  	[tilespmem:s24+$0x140D0] =	vst.add.f32.msk $0xffff, v3  }
0x21c: {  	[tilespmem:s24+$0x140E0] =	vst.add.f32.msk $0xffff, v4  }
0x21d: {  	s23 =	simm.s32 $0x0;
	s24 =	rddreg [dreg:$0x16]  }
0x21e: {  	[hbm4b:s24+s23] =	stream.linear.scatter [tilespmem:s5], [sflag:$0xB], $0x4000, $0x38;
	[tilespmem:$0x1C080] =	vst v63  }
0x21f: {  	_ =	swait.ge [sflag:s15], $0x4000  }
0x220: {  	s28 =	simm.s32 $0x0;
	[sflag:s15] =	ssyncset.done $0x0  }
0x221: {  	s25 =	sand.u32 $0x1C00, s23;
	s26 =	rddreg [dreg:$0x1a];
	[sflag:s15] =	ssyncadd.s32 $0xFFFFC000  }
0x222: {  	[tilespmem:s22], [sflag:$0x4] =	stream.linear.gather [hbm4b:s26+s23], $0x4000, $0x38;
	[tilespmem:$0x1C080] =	vst v63  }
0x223: {  	s24 =	sand.u32 $0x2000, s28;
	s26 =	simm.s32 $0x0;
	_ =	swait.ge [sflag:s16], $0x4000  }
0x224: {  	s24 =	sor.u32 s25, s24;
	s29 =	sand.u32 $0x380, s26;
	[sflag:s16] =	ssyncset.done $0x0  }
0x225: {  	s24 =	sor.u32 s29, s24;
	[sflag:s16] =	ssyncadd.s32 $0xFFFFC000  }
0x226: {  	v3 =	vld [tilespmem:s24+$0xF0]  }
0x227: {  	v8 =	vld [tilespmem:s24+$0x80]  }
0x228: {  	v9 =	vld [tilespmem:s24+$0x90]  }
0x229: {  	v7 =	vld [tilespmem:s24+$0xA0]  }
0x22a: {  	v6 =	vld [tilespmem:s24+$0xB0]  }
0x22b: {  	v5 =	vld [tilespmem:s24+$0xC0]  }
0x22c: {  	v4 =	vld [tilespmem:s24+$0xE0]  }
0x22d: {  	[tilespmem:s24+$0x180F0] =	vst.add.f32.msk $0xffff, v3  }
0x22e: {  	v3 =	vld [tilespmem:s24+$0xD0]  }
0x22f: {  	[tilespmem:s24+$0x18080] =	vst.add.f32.msk $0xffff, v8  }
0x230: {  	s25 =	simm.s32 $0x0;
	[tilespmem:s24+$0x18090] =	vst.add.f32.msk $0xffff, v9  }
.LBB2_20:
0x231: {  	s25 =	sadd.s32 $0x8, s25;
	[tilespmem:s24+$0x180A0] =	vst.add.f32.msk $0xffff, v7  }
0x232: {  	s23 =	sadd.s32 $0x400, s23;
	s26 =	sshll.u32 s25, $0x4;
	p0 =	slt.u32 s25, $0x3F8;
	[tilespmem:s24+$0x180B0] =	vst.add.f32.msk $0xffff, v6  }
0x233: {  	s28 =	sand.u32 $0x1C00, s23;
	s29 =	sshll.u32 s25, $0x1;
	s26 =	sand.u32 $0x2000, s26;
	[tilespmem:s24+$0x180C0] =	vst.add.f32.msk $0xffff, v5  }
0x234: {  	s26 =	sor.u32 s28, s26;
	s28 =	sand.u32 $0x380, s29;
	[tilespmem:s24+$0x180D0] =	vst.add.f32.msk $0xffff, v3  }
0x235: {  	[tilespmem:s24+$0x180E0] =	vst.add.f32.msk $0xffff, v4;
	s24 =	sor.u32 s28, s26  }
0x236: {  	v3 =	vld [tilespmem:s24+$0xF0]  }
0x237: {  	v8 =	vld [tilespmem:s24+$0x80]  }
0x238: {  	v9 =	vld [tilespmem:s24+$0x90]  }
0x239: {  	v7 =	vld [tilespmem:s24+$0xA0]  }
0x23a: {  	v6 =	vld [tilespmem:s24+$0xB0]  }
0x23b: {  	[tilespmem:s24+$0x180F0] =	vst.add.f32.msk $0xffff, v3  }
.Ltmp9:
0x23c: {  	v5 =	vld [tilespmem:s24+$0xC0];
	(pc) =	sbr.rel @p0 .LBB2_20-.Ltmp9, $4  }
0x23d: {  	v3 =	vld [tilespmem:s24+$0xD0]  }
0x23e: {  	v4 =	vld [tilespmem:s24+$0xE0]  }
0x23f: {  	[tilespmem:s24+$0x18080] =	vst.add.f32.msk $0xffff, v8  }
0x240: {  	[tilespmem:s24+$0x18090] =	vst.add.f32.msk $0xffff, v9  }
0x241: {  	[tilespmem:s24+$0x180A0] =	vst.add.f32.msk $0xffff, v7  }
0x242: {  	[tilespmem:s24+$0x180B0] =	vst.add.f32.msk $0xffff, v6  }
0x243: {  	[tilespmem:s24+$0x180C0] =	vst.add.f32.msk $0xffff, v5  }
0x244: {  	[tilespmem:s24+$0x180D0] =	vst.add.f32.msk $0xffff, v3  }
0x245: {  	[tilespmem:s24+$0x180E0] =	vst.add.f32.msk $0xffff, v4  }
0x246: {  	s23 =	simm.s32 $0x0;
	s24 =	rddreg [dreg:$0x17]  }
0x247: {  	[hbm4b:s24+s23] =	stream.linear.scatter [tilespmem:s7], [sflag:$0xC], $0x4000, $0x38;
	[tilespmem:$0x1C080] =	vst v63  }
0x248: {  	_ =	swait.ge [sflag:s17], $0x4000  }
0x249: {  	s28 =	simm.s32 $0x0;
	[sflag:s17] =	ssyncset.done $0x0  }
0x24a: {  	s25 =	sand.u32 $0x1C00, s23;
	s26 =	rddreg [dreg:$0x1c];
	[sflag:s17] =	ssyncadd.s32 $0xFFFFC000  }
0x24b: {  	[tilespmem:s3], [sflag:$0x5] =	stream.linear.gather [hbm4b:s26+s23], $0x4000, $0x38;
	[tilespmem:$0x1C080] =	vst v63  }
0x24c: {  	s24 =	sand.u32 $0x2000, s28;
	s26 =	simm.s32 $0x0;
	_ =	swait.ge [sflag:s4], $0x4000  }
0x24d: {  	s24 =	sor.u32 s25, s24;
	s29 =	sand.u32 $0x380, s26;
	[sflag:s4] =	ssyncset.done $0x0  }
0x24e: {  	s24 =	sor.u32 s29, s24;
	[sflag:s4] =	ssyncadd.s32 $0xFFFFC000  }
0x24f: {  	v3 =	vld [tilespmem:s24+$0xF0]  }
0x250: {  	v8 =	vld [tilespmem:s24+$0x80]  }
0x251: {  	v9 =	vld [tilespmem:s24+$0x90]  }
0x252: {  	v7 =	vld [tilespmem:s24+$0xA0]  }
0x253: {  	v6 =	vld [tilespmem:s24+$0xB0]  }
0x254: {  	v5 =	vld [tilespmem:s24+$0xC0]  }
0x255: {  	v4 =	vld [tilespmem:s24+$0xE0]  }
0x256: {  	[tilespmem:s24+$0x80F0] =	vst.add.f32.msk $0xffff, v3  }
0x257: {  	v3 =	vld [tilespmem:s24+$0xD0]  }
0x258: {  	[tilespmem:s24+$0x8080] =	vst.add.f32.msk $0xffff, v8  }
0x259: {  	s25 =	simm.s32 $0x0;
	[tilespmem:s24+$0x8090] =	vst.add.f32.msk $0xffff, v9  }
.LBB2_22:
0x25a: {  	s25 =	sadd.s32 $0x8, s25;
	[tilespmem:s24+$0x80A0] =	vst.add.f32.msk $0xffff, v7  }
0x25b: {  	s23 =	sadd.s32 $0x400, s23;
	s26 =	sshll.u32 s25, $0x4;
	p0 =	slt.u32 s25, $0x3F8;
	[tilespmem:s24+$0x80B0] =	vst.add.f32.msk $0xffff, v6  }
0x25c: {  	s28 =	sand.u32 $0x1C00, s23;
	s29 =	sshll.u32 s25, $0x1;
	s26 =	sand.u32 $0x2000, s26;
	[tilespmem:s24+$0x80C0] =	vst.add.f32.msk $0xffff, v5  }
0x25d: {  	s26 =	sor.u32 s28, s26;
	s28 =	sand.u32 $0x380, s29;
	[tilespmem:s24+$0x80D0] =	vst.add.f32.msk $0xffff, v3  }
0x25e: {  	[tilespmem:s24+$0x80E0] =	vst.add.f32.msk $0xffff, v4;
	s24 =	sor.u32 s28, s26  }
0x25f: {  	v3 =	vld [tilespmem:s24+$0xF0]  }
0x260: {  	v8 =	vld [tilespmem:s24+$0x80]  }
0x261: {  	v9 =	vld [tilespmem:s24+$0x90]  }
0x262: {  	v7 =	vld [tilespmem:s24+$0xA0]  }
0x263: {  	v6 =	vld [tilespmem:s24+$0xB0]  }
0x264: {  	[tilespmem:s24+$0x80F0] =	vst.add.f32.msk $0xffff, v3  }
.Ltmp10:
0x265: {  	v5 =	vld [tilespmem:s24+$0xC0];
	(pc) =	sbr.rel @p0 .LBB2_22-.Ltmp10, $4  }
0x266: {  	v3 =	vld [tilespmem:s24+$0xD0]  }
0x267: {  	v4 =	vld [tilespmem:s24+$0xE0]  }
0x268: {  	[tilespmem:s24+$0x8080] =	vst.add.f32.msk $0xffff, v8  }
0x269: {  	[tilespmem:s24+$0x8090] =	vst.add.f32.msk $0xffff, v9  }
0x26a: {  	[tilespmem:s24+$0x80A0] =	vst.add.f32.msk $0xffff, v7  }
0x26b: {  	[tilespmem:s24+$0x80B0] =	vst.add.f32.msk $0xffff, v6  }
0x26c: {  	[tilespmem:s24+$0x80C0] =	vst.add.f32.msk $0xffff, v5  }
0x26d: {  	[tilespmem:s24+$0x80D0] =	vst.add.f32.msk $0xffff, v3  }
0x26e: {  	[tilespmem:s24+$0x80E0] =	vst.add.f32.msk $0xffff, v4  }
0x26f: {  	s23 =	simm.s32 $0x0;
	s24 =	rddreg [dreg:$0x19]  }
0x270: {  	[hbm4b:s24+s23] =	stream.linear.scatter [tilespmem:s21], [sflag:$0x8], $0x4000, $0x38;
	[tilespmem:$0x1C080] =	vst v63  }
0x271: {  	_ =	swait.ge [sflag:s18], $0x4000  }
0x272: {  	s28 =	simm.s32 $0x0;
	[sflag:s18] =	ssyncset.done $0x0  }
0x273: {  	s25 =	sand.u32 $0x1C00, s23;
	s26 =	rddreg [dreg:$0x1e];
	[sflag:s18] =	ssyncadd.s32 $0xFFFFC000  }
0x274: {  	[tilespmem:s5], [sflag:$0x6] =	stream.linear.gather [hbm4b:s26+s23], $0x4000, $0x38;
	[tilespmem:$0x1C080] =	vst v63  }
0x275: {  	s24 =	sand.u32 $0x2000, s28;
	s26 =	simm.s32 $0x0;
	_ =	swait.ge [sflag:s6], $0x4000  }
0x276: {  	s24 =	sor.u32 s25, s24;
	s29 =	sand.u32 $0x380, s26;
	[sflag:s6] =	ssyncset.done $0x0  }
0x277: {  	s24 =	sor.u32 s29, s24;
	[sflag:s6] =	ssyncadd.s32 $0xFFFFC000  }
0x278: {  	v3 =	vld [tilespmem:s24+$0xF0]  }
0x279: {  	v8 =	vld [tilespmem:s24+$0x80]  }
0x27a: {  	v9 =	vld [tilespmem:s24+$0x90]  }
0x27b: {  	v7 =	vld [tilespmem:s24+$0xA0]  }
0x27c: {  	v6 =	vld [tilespmem:s24+$0xB0]  }
0x27d: {  	v5 =	vld [tilespmem:s24+$0xC0]  }
0x27e: {  	v4 =	vld [tilespmem:s24+$0xE0]  }
0x27f: {  	[tilespmem:s24+$0xC0F0] =	vst.add.f32.msk $0xffff, v3  }
0x280: {  	v3 =	vld [tilespmem:s24+$0xD0]  }
0x281: {  	[tilespmem:s24+$0xC080] =	vst.add.f32.msk $0xffff, v8  }
0x282: {  	s25 =	simm.s32 $0x0;
	[tilespmem:s24+$0xC090] =	vst.add.f32.msk $0xffff, v9  }
.LBB2_24:
0x283: {  	s25 =	sadd.s32 $0x8, s25;
	[tilespmem:s24+$0xC0A0] =	vst.add.f32.msk $0xffff, v7  }
0x284: {  	s23 =	sadd.s32 $0x400, s23;
	s26 =	sshll.u32 s25, $0x4;
	p0 =	slt.u32 s25, $0x3F8;
	[tilespmem:s24+$0xC0B0] =	vst.add.f32.msk $0xffff, v6  }
0x285: {  	s28 =	sand.u32 $0x1C00, s23;
	s29 =	sshll.u32 s25, $0x1;
	s26 =	sand.u32 $0x2000, s26;
	[tilespmem:s24+$0xC0C0] =	vst.add.f32.msk $0xffff, v5  }
0x286: {  	s26 =	sor.u32 s28, s26;
	s28 =	sand.u32 $0x380, s29;
	[tilespmem:s24+$0xC0D0] =	vst.add.f32.msk $0xffff, v3  }
0x287: {  	[tilespmem:s24+$0xC0E0] =	vst.add.f32.msk $0xffff, v4;
	s24 =	sor.u32 s28, s26  }
0x288: {  	v3 =	vld [tilespmem:s24+$0xF0]  }
0x289: {  	v8 =	vld [tilespmem:s24+$0x80]  }
0x28a: {  	v9 =	vld [tilespmem:s24+$0x90]  }
0x28b: {  	v7 =	vld [tilespmem:s24+$0xA0]  }
0x28c: {  	v6 =	vld [tilespmem:s24+$0xB0]  }
0x28d: {  	[tilespmem:s24+$0xC0F0] =	vst.add.f32.msk $0xffff, v3  }
.Ltmp11:
0x28e: {  	v5 =	vld [tilespmem:s24+$0xC0];
	(pc) =	sbr.rel @p0 .LBB2_24-.Ltmp11, $4  }
0x28f: {  	v3 =	vld [tilespmem:s24+$0xD0]  }
0x290: {  	v4 =	vld [tilespmem:s24+$0xE0]  }
0x291: {  	[tilespmem:s24+$0xC080] =	vst.add.f32.msk $0xffff, v8  }
0x292: {  	[tilespmem:s24+$0xC090] =	vst.add.f32.msk $0xffff, v9  }
0x293: {  	[tilespmem:s24+$0xC0A0] =	vst.add.f32.msk $0xffff, v7  }
0x294: {  	[tilespmem:s24+$0xC0B0] =	vst.add.f32.msk $0xffff, v6  }
0x295: {  	[tilespmem:s24+$0xC0C0] =	vst.add.f32.msk $0xffff, v5  }
0x296: {  	[tilespmem:s24+$0xC0D0] =	vst.add.f32.msk $0xffff, v3  }
0x297: {  	[tilespmem:s24+$0xC0E0] =	vst.add.f32.msk $0xffff, v4  }
0x298: {  	s23 =	simm.s32 $0x0;
	s24 =	rddreg [dreg:$0x1b]  }
0x299: {  	[hbm4b:s24+s23] =	stream.linear.scatter [tilespmem:s22], [sflag:$0x9], $0x4000, $0x38;
	[tilespmem:$0x1C080] =	vst v63  }
0x29a: {  	v3 =	vld [tilespmem:$0x40];
	_ =	sdelay $0x4  }
0x29b: {  	v4 =	vshll.u32 v3, $0x3  }
0x29c: {  	v3 =	vand.u32 $0x7, v3;
	v4 =	vand.u32 $0xFFFFFFC0, v4  }
0x29d: {  	v3 =	vor.u32 v3, v4  }
0x29e: {  	v4 =	vperm.xlane v3, v0;
	_ =	sdelay $0x1  }
0x29f: {  	v4 =	vadd.s32 v1, v4;
	_ =	sdelay $0x3  }
0x2a0: {  	s26 =	simm.s32 $0x80  }
0x2a1: {  	[tilespmem:s26], [sflag:$0x1] =	stream.indirect_vreg.gather [hbm4b:s0+s23], $0x80, v4, vm0, $0xb8;
	[tilespmem:$0x1C080] =	vst v63  }
0x2a2: {  	s28 =	simm.s32 $0x880;
	v3 =	vperm.xlane v3, v2  }
0x2a3: {  	[tilespmem:s28], [sflag:$0x1] =	stream.indirect_vreg.gather [hbm4b:s9+s23], $0x80, v4, vm0, $0xb8;
	[tilespmem:$0x1C080] =	vst v63  }
0x2a4: {  	s29 =	simm.s32 $0x1080;
	v3 =	vadd.s32 v1, v3  }
0x2a5: {  	[tilespmem:s29], [sflag:$0x1] =	stream.indirect_vreg.gather [hbm4b:s10+s23], $0x80, v4, vm0, $0xb8;
	[tilespmem:$0x1C080] =	vst v63  }
0x2a6: {  	s25 =	simm.s32 $0x1880  }
0x2a7: {  	[tilespmem:s25], [sflag:$0x1] =	stream.indirect_vreg.gather [hbm4b:s11+s23], $0x80, v4, vm0, $0xb8;
	[tilespmem:$0x1C080] =	vst v63  }
0x2a8: {  	s26 =	simm.s32 $0x2080  }
0x2a9: {  	[tilespmem:s26], [sflag:$0x1] =	stream.indirect_vreg.gather [hbm4b:s0+s23], $0x80, v3, vm0, $0xb8;
	[tilespmem:$0x1C080] =	vst v63  }
0x2aa: {  	s28 =	simm.s32 $0x2880  }
0x2ab: {  	[tilespmem:s28], [sflag:$0x1] =	stream.indirect_vreg.gather [hbm4b:s9+s23], $0x80, v3, vm0, $0xb8;
	[tilespmem:$0x1C080] =	vst v63  }
0x2ac: {  	s29 =	simm.s32 $0x3080  }
0x2ad: {  	[tilespmem:s29], [sflag:$0x1] =	stream.indirect_vreg.gather [hbm4b:s10+s23], $0x80, v3, vm0, $0xb8;
	[tilespmem:$0x1C080] =	vst v63  }
0x2ae: {  	s25 =	simm.s32 $0x3880  }
0x2af: {  	[tilespmem:s25], [sflag:$0x1] =	stream.indirect_vreg.gather [hbm4b:s11+s23], $0x80, v3, vm0, $0xb8;
	[tilespmem:$0x1C080] =	vst v63  }
0x2b0: {  	_ =	swait.ge [sflag:s14], $0x4000  }
0x2b1: {  	[sflag:s14] =	ssyncset.done $0x0  }
0x2b2: {  	[sflag:s14] =	ssyncadd.s32 $0xFFFFC000  }
0x2b3: {  	_ =	swait.ge [sflag:s19], $0x4000  }
0x2b4: {  	s26 =	sld [smem:$0x7D7]  }
0x2b5: {  	s28 =	simm.s32 $0x0;
	[sflag:s19] =	ssyncset.done $0x0  }
0x2b6: {  	s24 =	sand.u32 $0x2000, s28;
	[sflag:s19] =	ssyncadd.s32 $0xFFFFC000  }
0x2b7: {  	[tilespmem:s7], [sflag:$0x7] =	stream.linear.gather [hbm4b:s26+s23], $0x4000, $0x38;
	[tilespmem:$0x1C080] =	vst v63  }
0x2b8: {  	s25 =	sand.u32 $0x1C00, s23;
	s26 =	simm.s32 $0x0;
	_ =	swait.ge [sflag:s8], $0x4000  }
0x2b9: {  	s24 =	sor.u32 s25, s24;
	s29 =	sand.u32 $0x380, s26;
	[sflag:s8] =	ssyncset.done $0x0  }
0x2ba: {  	s24 =	sor.u32 s29, s24;
	[sflag:s8] =	ssyncadd.s32 $0xFFFFC000  }
0x2bb: {  	v3 =	vld [tilespmem:s24+$0x40F0]  }
0x2bc: {  	v8 =	vld [tilespmem:s24+$0x4080]  }
0x2bd: {  	v9 =	vld [tilespmem:s24+$0x4090]  }
0x2be: {  	v7 =	vld [tilespmem:s24+$0x40A0]  }
0x2bf: {  	v6 =	vld [tilespmem:s24+$0x40B0]  }
0x2c0: {  	v5 =	vld [tilespmem:s24+$0x40C0]  }
0x2c1: {  	v4 =	vld [tilespmem:s24+$0x40E0]  }
0x2c2: {  	[tilespmem:s24+$0x100F0] =	vst.add.f32.msk $0xffff, v3  }
0x2c3: {  	v3 =	vld [tilespmem:s24+$0x40D0]  }
0x2c4: {  	[tilespmem:s24+$0x10080] =	vst.add.f32.msk $0xffff, v8  }
0x2c5: {  	s25 =	simm.s32 $0x0;
	[tilespmem:s24+$0x10090] =	vst.add.f32.msk $0xffff, v9  }
.LBB2_26:
0x2c6: {  	s25 =	sadd.s32 $0x8, s25;
	[tilespmem:s24+$0x100A0] =	vst.add.f32.msk $0xffff, v7  }
0x2c7: {  	s23 =	sadd.s32 $0x400, s23;
	s26 =	sshll.u32 s25, $0x4;
	p0 =	slt.u32 s25, $0x3F8;
	[tilespmem:s24+$0x100B0] =	vst.add.f32.msk $0xffff, v6  }
0x2c8: {  	s28 =	sand.u32 $0x1C00, s23;
	s29 =	sshll.u32 s25, $0x1;
	s26 =	sand.u32 $0x2000, s26;
	[tilespmem:s24+$0x100C0] =	vst.add.f32.msk $0xffff, v5  }
0x2c9: {  	s26 =	sor.u32 s28, s26;
	s28 =	sand.u32 $0x380, s29;
	[tilespmem:s24+$0x100D0] =	vst.add.f32.msk $0xffff, v3  }
0x2ca: {  	[tilespmem:s24+$0x100E0] =	vst.add.f32.msk $0xffff, v4;
	s24 =	sor.u32 s28, s26  }
0x2cb: {  	v3 =	vld [tilespmem:s24+$0x40F0]  }
0x2cc: {  	v8 =	vld [tilespmem:s24+$0x4080]  }
0x2cd: {  	v9 =	vld [tilespmem:s24+$0x4090]  }
0x2ce: {  	v7 =	vld [tilespmem:s24+$0x40A0]  }
0x2cf: {  	v6 =	vld [tilespmem:s24+$0x40B0]  }
0x2d0: {  	[tilespmem:s24+$0x100F0] =	vst.add.f32.msk $0xffff, v3  }
.Ltmp12:
0x2d1: {  	v5 =	vld [tilespmem:s24+$0x40C0];
	(pc) =	sbr.rel @p0 .LBB2_26-.Ltmp12, $4  }
0x2d2: {  	v3 =	vld [tilespmem:s24+$0x40D0]  }
0x2d3: {  	v4 =	vld [tilespmem:s24+$0x40E0]  }
0x2d4: {  	[tilespmem:s24+$0x10080] =	vst.add.f32.msk $0xffff, v8  }
0x2d5: {  	[tilespmem:s24+$0x10090] =	vst.add.f32.msk $0xffff, v9  }
0x2d6: {  	[tilespmem:s24+$0x100A0] =	vst.add.f32.msk $0xffff, v7  }
0x2d7: {  	[tilespmem:s24+$0x100B0] =	vst.add.f32.msk $0xffff, v6  }
0x2d8: {  	[tilespmem:s24+$0x100C0] =	vst.add.f32.msk $0xffff, v5  }
0x2d9: {  	[tilespmem:s24+$0x100D0] =	vst.add.f32.msk $0xffff, v3  }
0x2da: {  	[tilespmem:s24+$0x100E0] =	vst.add.f32.msk $0xffff, v4  }
0x2db: {  	s23 =	simm.s32 $0x0;
	s24 =	rddreg [dreg:$0x1d]  }
0x2dc: {  	[hbm4b:s24+s23] =	stream.linear.scatter [tilespmem:s3], [sflag:$0xA], $0x4000, $0x38;
	[tilespmem:$0x1C080] =	vst v63  }
0x2dd: {  	_ =	swait.ge [sflag:s12], $0x4000  }
0x2de: {  	s26 =	sld [smem:$0x7D9]  }
0x2df: {  	[sflag:s12] =	ssyncset.done $0x0  }
0x2e0: {  	s28 =	simm.s32 $0x0;
	s25 =	sand.u32 $0x1C00, s23;
	[sflag:s12] =	ssyncadd.s32 $0xFFFFC000  }
0x2e1: {  	[tilespmem:s21], [sflag:$0x3] =	stream.linear.gather [hbm4b:s26+s23], $0x4000, $0x38;
	[tilespmem:$0x1C080] =	vst v63  }
0x2e2: {  	s24 =	sand.u32 $0x2000, s28;
	s26 =	simm.s32 $0x0;
	_ =	swait.ge [sflag:s13], $0x4000  }
0x2e3: {  	s24 =	sor.u32 s25, s24;
	s29 =	sand.u32 $0x380, s26;
	[sflag:s13] =	ssyncset.done $0x0  }
0x2e4: {  	s24 =	sor.u32 s29, s24;
	[sflag:s13] =	ssyncadd.s32 $0xFFFFC000  }
0x2e5: {  	v3 =	vld [tilespmem:s24+$0x40F0]  }
0x2e6: {  	v8 =	vld [tilespmem:s24+$0x4080]  }
0x2e7: {  	v9 =	vld [tilespmem:s24+$0x4090]  }
0x2e8: {  	v7 =	vld [tilespmem:s24+$0x40A0]  }
0x2e9: {  	v6 =	vld [tilespmem:s24+$0x40B0]  }
0x2ea: {  	v5 =	vld [tilespmem:s24+$0x40C0]  }
0x2eb: {  	v4 =	vld [tilespmem:s24+$0x40E0]  }
0x2ec: {  	[tilespmem:s24+$0x140F0] =	vst.add.f32.msk $0xffff, v3  }
0x2ed: {  	v3 =	vld [tilespmem:s24+$0x40D0]  }
0x2ee: {  	[tilespmem:s24+$0x14080] =	vst.add.f32.msk $0xffff, v8  }
0x2ef: {  	s25 =	simm.s32 $0x0;
	[tilespmem:s24+$0x14090] =	vst.add.f32.msk $0xffff, v9  }
.LBB2_28:
0x2f0: {  	s25 =	sadd.s32 $0x8, s25;
	[tilespmem:s24+$0x140A0] =	vst.add.f32.msk $0xffff, v7  }
0x2f1: {  	s23 =	sadd.s32 $0x400, s23;
	s26 =	sshll.u32 s25, $0x4;
	p0 =	slt.u32 s25, $0x3F8;
	[tilespmem:s24+$0x140B0] =	vst.add.f32.msk $0xffff, v6  }
0x2f2: {  	s28 =	sand.u32 $0x1C00, s23;
	s29 =	sshll.u32 s25, $0x1;
	s26 =	sand.u32 $0x2000, s26;
	[tilespmem:s24+$0x140C0] =	vst.add.f32.msk $0xffff, v5  }
0x2f3: {  	s26 =	sor.u32 s28, s26;
	s28 =	sand.u32 $0x380, s29;
	[tilespmem:s24+$0x140D0] =	vst.add.f32.msk $0xffff, v3  }
0x2f4: {  	[tilespmem:s24+$0x140E0] =	vst.add.f32.msk $0xffff, v4;
	s24 =	sor.u32 s28, s26  }
0x2f5: {  	v3 =	vld [tilespmem:s24+$0x40F0]  }
0x2f6: {  	v8 =	vld [tilespmem:s24+$0x4080]  }
0x2f7: {  	v9 =	vld [tilespmem:s24+$0x4090]  }
0x2f8: {  	v7 =	vld [tilespmem:s24+$0x40A0]  }
0x2f9: {  	v6 =	vld [tilespmem:s24+$0x40B0]  }
0x2fa: {  	[tilespmem:s24+$0x140F0] =	vst.add.f32.msk $0xffff, v3  }
.Ltmp13:
0x2fb: {  	v5 =	vld [tilespmem:s24+$0x40C0];
	(pc) =	sbr.rel @p0 .LBB2_28-.Ltmp13, $4  }
0x2fc: {  	v3 =	vld [tilespmem:s24+$0x40D0]  }
0x2fd: {  	v4 =	vld [tilespmem:s24+$0x40E0]  }
0x2fe: {  	[tilespmem:s24+$0x14080] =	vst.add.f32.msk $0xffff, v8  }
0x2ff: {  	[tilespmem:s24+$0x14090] =	vst.add.f32.msk $0xffff, v9  }
0x300: {  	[tilespmem:s24+$0x140A0] =	vst.add.f32.msk $0xffff, v7  }
0x301: {  	[tilespmem:s24+$0x140B0] =	vst.add.f32.msk $0xffff, v6  }
0x302: {  	[tilespmem:s24+$0x140C0] =	vst.add.f32.msk $0xffff, v5  }
0x303: {  	[tilespmem:s24+$0x140D0] =	vst.add.f32.msk $0xffff, v3  }
0x304: {  	[tilespmem:s24+$0x140E0] =	vst.add.f32.msk $0xffff, v4  }
0x305: {  	s23 =	simm.s32 $0x0;
	s24 =	rddreg [dreg:$0x1f]  }
0x306: {  	[hbm4b:s24+s23] =	stream.linear.scatter [tilespmem:s5], [sflag:$0xB], $0x4000, $0x38;
	[tilespmem:$0x1C080] =	vst v63  }
0x307: {  	_ =	swait.ge [sflag:s15], $0x4000  }
0x308: {  	s26 =	sld [smem:$0x7DB]  }
0x309: {  	[sflag:s15] =	ssyncset.done $0x0  }
0x30a: {  	s28 =	simm.s32 $0x0;
	s25 =	sand.u32 $0x1C00, s23;
	[sflag:s15] =	ssyncadd.s32 $0xFFFFC000  }
0x30b: {  	[tilespmem:s22], [sflag:$0x4] =	stream.linear.gather [hbm4b:s26+s23], $0x4000, $0x38;
	[tilespmem:$0x1C080] =	vst v63  }
0x30c: {  	s24 =	sand.u32 $0x2000, s28;
	s26 =	simm.s32 $0x0;
	_ =	swait.ge [sflag:s16], $0x4000  }
0x30d: {  	s24 =	sor.u32 s25, s24;
	s29 =	sand.u32 $0x380, s26;
	[sflag:s16] =	ssyncset.done $0x0  }
0x30e: {  	s24 =	sor.u32 s29, s24;
	[sflag:s16] =	ssyncadd.s32 $0xFFFFC000  }
0x30f: {  	v3 =	vld [tilespmem:s24+$0x40F0]  }
0x310: {  	v8 =	vld [tilespmem:s24+$0x4080]  }
0x311: {  	v9 =	vld [tilespmem:s24+$0x4090]  }
0x312: {  	v7 =	vld [tilespmem:s24+$0x40A0]  }
0x313: {  	v6 =	vld [tilespmem:s24+$0x40B0]  }
0x314: {  	v5 =	vld [tilespmem:s24+$0x40C0]  }
0x315: {  	v4 =	vld [tilespmem:s24+$0x40E0]  }
0x316: {  	[tilespmem:s24+$0x180F0] =	vst.add.f32.msk $0xffff, v3  }
0x317: {  	v3 =	vld [tilespmem:s24+$0x40D0]  }
0x318: {  	[tilespmem:s24+$0x18080] =	vst.add.f32.msk $0xffff, v8  }
0x319: {  	s25 =	simm.s32 $0x0;
	[tilespmem:s24+$0x18090] =	vst.add.f32.msk $0xffff, v9  }
.LBB2_30:
0x31a: {  	s25 =	sadd.s32 $0x8, s25;
	[tilespmem:s24+$0x180A0] =	vst.add.f32.msk $0xffff, v7  }
0x31b: {  	s23 =	sadd.s32 $0x400, s23;
	s26 =	sshll.u32 s25, $0x4;
	p0 =	slt.u32 s25, $0x3F8;
	[tilespmem:s24+$0x180B0] =	vst.add.f32.msk $0xffff, v6  }
0x31c: {  	s28 =	sand.u32 $0x1C00, s23;
	s29 =	sshll.u32 s25, $0x1;
	s26 =	sand.u32 $0x2000, s26;
	[tilespmem:s24+$0x180C0] =	vst.add.f32.msk $0xffff, v5  }
0x31d: {  	s26 =	sor.u32 s28, s26;
	s28 =	sand.u32 $0x380, s29;
	[tilespmem:s24+$0x180D0] =	vst.add.f32.msk $0xffff, v3  }
0x31e: {  	[tilespmem:s24+$0x180E0] =	vst.add.f32.msk $0xffff, v4;
	s24 =	sor.u32 s28, s26  }
0x31f: {  	v3 =	vld [tilespmem:s24+$0x40F0]  }
0x320: {  	v8 =	vld [tilespmem:s24+$0x4080]  }
0x321: {  	v9 =	vld [tilespmem:s24+$0x4090]  }
0x322: {  	v7 =	vld [tilespmem:s24+$0x40A0]  }
0x323: {  	v6 =	vld [tilespmem:s24+$0x40B0]  }
0x324: {  	[tilespmem:s24+$0x180F0] =	vst.add.f32.msk $0xffff, v3  }
.Ltmp14:
0x325: {  	v5 =	vld [tilespmem:s24+$0x40C0];
	(pc) =	sbr.rel @p0 .LBB2_30-.Ltmp14, $4  }
0x326: {  	v3 =	vld [tilespmem:s24+$0x40D0]  }
0x327: {  	v4 =	vld [tilespmem:s24+$0x40E0]  }
0x328: {  	[tilespmem:s24+$0x18080] =	vst.add.f32.msk $0xffff, v8  }
0x329: {  	[tilespmem:s24+$0x18090] =	vst.add.f32.msk $0xffff, v9  }
0x32a: {  	[tilespmem:s24+$0x180A0] =	vst.add.f32.msk $0xffff, v7  }
0x32b: {  	[tilespmem:s24+$0x180B0] =	vst.add.f32.msk $0xffff, v6  }
0x32c: {  	[tilespmem:s24+$0x180C0] =	vst.add.f32.msk $0xffff, v5  }
0x32d: {  	[tilespmem:s24+$0x180D0] =	vst.add.f32.msk $0xffff, v3  }
0x32e: {  	[tilespmem:s24+$0x180E0] =	vst.add.f32.msk $0xffff, v4  }
0x32f: {  	s24 =	sld [smem:$0x7D8];
	_ =	sdelay $0x1  }
0x330: {  	s23 =	simm.s32 $0x0  }
0x331: {  	[hbm4b:s24+s23] =	stream.linear.scatter [tilespmem:s7], [sflag:$0xC], $0x4000, $0x38;
	[tilespmem:$0x1C080] =	vst v63  }
0x332: {  	_ =	swait.ge [sflag:s17], $0x4000  }
0x333: {  	s26 =	sld [smem:$0x7DD]  }
0x334: {  	[sflag:s17] =	ssyncset.done $0x0  }
0x335: {  	s28 =	simm.s32 $0x0;
	s25 =	sand.u32 $0x1C00, s23;
	[sflag:s17] =	ssyncadd.s32 $0xFFFFC000  }
0x336: {  	[tilespmem:s3], [sflag:$0x5] =	stream.linear.gather [hbm4b:s26+s23], $0x4000, $0x38;
	[tilespmem:$0x1C080] =	vst v63  }
0x337: {  	s24 =	sand.u32 $0x2000, s28;
	s26 =	simm.s32 $0x0;
	_ =	swait.ge [sflag:s4], $0x4000  }
0x338: {  	s24 =	sor.u32 s25, s24;
	s29 =	sand.u32 $0x380, s26;
	[sflag:s4] =	ssyncset.done $0x0  }
0x339: {  	s24 =	sor.u32 s29, s24;
	[sflag:s4] =	ssyncadd.s32 $0xFFFFC000  }
0x33a: {  	v3 =	vld [tilespmem:s24+$0x40F0]  }
0x33b: {  	v8 =	vld [tilespmem:s24+$0x4080]  }
0x33c: {  	v9 =	vld [tilespmem:s24+$0x4090]  }
0x33d: {  	v7 =	vld [tilespmem:s24+$0x40A0]  }
0x33e: {  	v6 =	vld [tilespmem:s24+$0x40B0]  }
0x33f: {  	v5 =	vld [tilespmem:s24+$0x40C0]  }
0x340: {  	v4 =	vld [tilespmem:s24+$0x40E0]  }
0x341: {  	[tilespmem:s24+$0x80F0] =	vst.add.f32.msk $0xffff, v3  }
0x342: {  	v3 =	vld [tilespmem:s24+$0x40D0]  }
0x343: {  	[tilespmem:s24+$0x8080] =	vst.add.f32.msk $0xffff, v8  }
0x344: {  	s25 =	simm.s32 $0x0;
	[tilespmem:s24+$0x8090] =	vst.add.f32.msk $0xffff, v9  }
.LBB2_32:
0x345: {  	s25 =	sadd.s32 $0x8, s25;
	[tilespmem:s24+$0x80A0] =	vst.add.f32.msk $0xffff, v7  }
0x346: {  	s23 =	sadd.s32 $0x400, s23;
	s26 =	sshll.u32 s25, $0x4;
	p0 =	slt.u32 s25, $0x3F8;
	[tilespmem:s24+$0x80B0] =	vst.add.f32.msk $0xffff, v6  }
0x347: {  	s28 =	sand.u32 $0x1C00, s23;
	s29 =	sshll.u32 s25, $0x1;
	s26 =	sand.u32 $0x2000, s26;
	[tilespmem:s24+$0x80C0] =	vst.add.f32.msk $0xffff, v5  }
0x348: {  	s26 =	sor.u32 s28, s26;
	s28 =	sand.u32 $0x380, s29;
	[tilespmem:s24+$0x80D0] =	vst.add.f32.msk $0xffff, v3  }
0x349: {  	[tilespmem:s24+$0x80E0] =	vst.add.f32.msk $0xffff, v4;
	s24 =	sor.u32 s28, s26  }
0x34a: {  	v3 =	vld [tilespmem:s24+$0x40F0]  }
0x34b: {  	v8 =	vld [tilespmem:s24+$0x4080]  }
0x34c: {  	v9 =	vld [tilespmem:s24+$0x4090]  }
0x34d: {  	v7 =	vld [tilespmem:s24+$0x40A0]  }
0x34e: {  	v6 =	vld [tilespmem:s24+$0x40B0]  }
0x34f: {  	[tilespmem:s24+$0x80F0] =	vst.add.f32.msk $0xffff, v3  }
.Ltmp15:
0x350: {  	v5 =	vld [tilespmem:s24+$0x40C0];
	(pc) =	sbr.rel @p0 .LBB2_32-.Ltmp15, $4  }
0x351: {  	v3 =	vld [tilespmem:s24+$0x40D0]  }
0x352: {  	v4 =	vld [tilespmem:s24+$0x40E0]  }
0x353: {  	[tilespmem:s24+$0x8080] =	vst.add.f32.msk $0xffff, v8  }
0x354: {  	[tilespmem:s24+$0x8090] =	vst.add.f32.msk $0xffff, v9  }
0x355: {  	[tilespmem:s24+$0x80A0] =	vst.add.f32.msk $0xffff, v7  }
0x356: {  	[tilespmem:s24+$0x80B0] =	vst.add.f32.msk $0xffff, v6  }
0x357: {  	[tilespmem:s24+$0x80C0] =	vst.add.f32.msk $0xffff, v5  }
0x358: {  	[tilespmem:s24+$0x80D0] =	vst.add.f32.msk $0xffff, v3  }
0x359: {  	[tilespmem:s24+$0x80E0] =	vst.add.f32.msk $0xffff, v4  }
0x35a: {  	s24 =	sld [smem:$0x7DA];
	_ =	sdelay $0x1  }
0x35b: {  	s23 =	simm.s32 $0x0  }
0x35c: {  	[hbm4b:s24+s23] =	stream.linear.scatter [tilespmem:s21], [sflag:$0x8], $0x4000, $0x38;
	[tilespmem:$0x1C080] =	vst v63  }
0x35d: {  	v3 =	vld [tilespmem:$0x50];
	_ =	sdelay $0x4  }
0x35e: {  	v4 =	vshll.u32 v3, $0x3  }
0x35f: {  	v3 =	vand.u32 $0x7, v3;
	v4 =	vand.u32 $0xFFFFFFC0, v4  }
0x360: {  	v3 =	vor.u32 v3, v4  }
0x361: {  	v4 =	vperm.xlane v3, v0;
	_ =	sdelay $0x1  }
0x362: {  	v4 =	vadd.s32 v1, v4;
	_ =	sdelay $0x3  }
0x363: {  	s29 =	simm.s32 $0x4080  }
0x364: {  	[tilespmem:s29], [sflag:$0x2] =	stream.indirect_vreg.gather [hbm4b:s0+s23], $0x80, v4, vm0, $0xb8;
	[tilespmem:$0x1C080] =	vst v63  }
0x365: {  	s25 =	simm.s32 $0x4880;
	v3 =	vperm.xlane v3, v2  }
0x366: {  	[tilespmem:s25], [sflag:$0x2] =	stream.indirect_vreg.gather [hbm4b:s9+s23], $0x80, v4, vm0, $0xb8;
	[tilespmem:$0x1C080] =	vst v63  }
0x367: {  	s26 =	simm.s32 $0x5080;
	v3 =	vadd.s32 v1, v3  }
0x368: {  	[tilespmem:s26], [sflag:$0x2] =	stream.indirect_vreg.gather [hbm4b:s10+s23], $0x80, v4, vm0, $0xb8;
	[tilespmem:$0x1C080] =	vst v63  }
0x369: {  	s28 =	simm.s32 $0x5880  }
0x36a: {  	[tilespmem:s28], [sflag:$0x2] =	stream.indirect_vreg.gather [hbm4b:s11+s23], $0x80, v4, vm0, $0xb8;
	[tilespmem:$0x1C080] =	vst v63  }
0x36b: {  	s29 =	simm.s32 $0x6080  }
0x36c: {  	[tilespmem:s29], [sflag:$0x2] =	stream.indirect_vreg.gather [hbm4b:s0+s23], $0x80, v3, vm0, $0xb8;
	[tilespmem:$0x1C080] =	vst v63  }
0x36d: {  	s25 =	simm.s32 $0x6880  }
0x36e: {  	[tilespmem:s25], [sflag:$0x2] =	stream.indirect_vreg.gather [hbm4b:s9+s23], $0x80, v3, vm0, $0xb8;
	[tilespmem:$0x1C080] =	vst v63  }
0x36f: {  	_ = 	snop  }
0x370: {  	[tilespmem:s30], [sflag:$0x2] =	stream.indirect_vreg.gather [hbm4b:s10+s23], $0x80, v3, vm0, $0xb8;
	[tilespmem:$0x1C080] =	vst v63  }
0x371: {  	_ = 	snop  }
0x372: {  	[tilespmem:s31], [sflag:$0x2] =	stream.indirect_vreg.gather [hbm4b:s11+s23], $0x80, v3, vm0, $0xb8;
	[tilespmem:$0x1C080] =	vst v63  }
0x373: {  	_ =	swait.ge [sflag:s2], $0x4000  }
0x374: {  	[sflag:s2] =	ssyncset.done $0x0  }
0x375: {  	[sflag:s2] =	ssyncadd.s32 $0xFFFFC000  }
0x376: {  	_ =	swait.ge [sflag:s18], $0x4000  }
0x377: {  	s26 =	sld [smem:$0x7DF]  }
0x378: {  	s28 =	simm.s32 $0x0;
	[sflag:s18] =	ssyncset.done $0x0  }
0x379: {  	s24 =	sand.u32 $0x2000, s28;
	[sflag:s18] =	ssyncadd.s32 $0xFFFFC000  }
0x37a: {  	[tilespmem:s5], [sflag:$0x6] =	stream.linear.gather [hbm4b:s26+s23], $0x4000, $0x38;
	[tilespmem:$0x1C080] =	vst v63  }
0x37b: {  	s25 =	sand.u32 $0x1C00, s23;
	s26 =	simm.s32 $0x0;
	_ =	swait.ge [sflag:s6], $0x4000  }
0x37c: {  	s24 =	sor.u32 s25, s24;
	s29 =	sand.u32 $0x380, s26;
	[sflag:s6] =	ssyncset.done $0x0  }
0x37d: {  	s24 =	sor.u32 s29, s24;
	[sflag:s6] =	ssyncadd.s32 $0xFFFFC000  }
0x37e: {  	v3 =	vld [tilespmem:s24+$0xF0]  }
0x37f: {  	v8 =	vld [tilespmem:s24+$0x80]  }
0x380: {  	v9 =	vld [tilespmem:s24+$0x90]  }
0x381: {  	v7 =	vld [tilespmem:s24+$0xA0]  }
0x382: {  	v6 =	vld [tilespmem:s24+$0xB0]  }
0x383: {  	v5 =	vld [tilespmem:s24+$0xC0]  }
0x384: {  	v4 =	vld [tilespmem:s24+$0xE0]  }
0x385: {  	[tilespmem:s24+$0xC0F0] =	vst.add.f32.msk $0xffff, v3  }
0x386: {  	v3 =	vld [tilespmem:s24+$0xD0]  }
0x387: {  	[tilespmem:s24+$0xC080] =	vst.add.f32.msk $0xffff, v8  }
0x388: {  	s25 =	simm.s32 $0x0;
	[tilespmem:s24+$0xC090] =	vst.add.f32.msk $0xffff, v9  }
.LBB2_34:
0x389: {  	s25 =	sadd.s32 $0x8, s25;
	[tilespmem:s24+$0xC0A0] =	vst.add.f32.msk $0xffff, v7  }
0x38a: {  	s23 =	sadd.s32 $0x400, s23;
	s26 =	sshll.u32 s25, $0x4;
	p0 =	slt.u32 s25, $0x3F8;
	[tilespmem:s24+$0xC0B0] =	vst.add.f32.msk $0xffff, v6  }
0x38b: {  	s28 =	sand.u32 $0x1C00, s23;
	s29 =	sshll.u32 s25, $0x1;
	s26 =	sand.u32 $0x2000, s26;
	[tilespmem:s24+$0xC0C0] =	vst.add.f32.msk $0xffff, v5  }
0x38c: {  	s26 =	sor.u32 s28, s26;
	s28 =	sand.u32 $0x380, s29;
	[tilespmem:s24+$0xC0D0] =	vst.add.f32.msk $0xffff, v3  }
0x38d: {  	[tilespmem:s24+$0xC0E0] =	vst.add.f32.msk $0xffff, v4;
	s24 =	sor.u32 s28, s26  }
0x38e: {  	v3 =	vld [tilespmem:s24+$0xF0]  }
0x38f: {  	v8 =	vld [tilespmem:s24+$0x80]  }
0x390: {  	v9 =	vld [tilespmem:s24+$0x90]  }
0x391: {  	v7 =	vld [tilespmem:s24+$0xA0]  }
0x392: {  	v6 =	vld [tilespmem:s24+$0xB0]  }
0x393: {  	[tilespmem:s24+$0xC0F0] =	vst.add.f32.msk $0xffff, v3  }
.Ltmp16:
0x394: {  	v5 =	vld [tilespmem:s24+$0xC0];
	(pc) =	sbr.rel @p0 .LBB2_34-.Ltmp16, $4  }
0x395: {  	v3 =	vld [tilespmem:s24+$0xD0]  }
0x396: {  	v4 =	vld [tilespmem:s24+$0xE0]  }
0x397: {  	[tilespmem:s24+$0xC080] =	vst.add.f32.msk $0xffff, v8  }
0x398: {  	[tilespmem:s24+$0xC090] =	vst.add.f32.msk $0xffff, v9  }
0x399: {  	[tilespmem:s24+$0xC0A0] =	vst.add.f32.msk $0xffff, v7  }
0x39a: {  	[tilespmem:s24+$0xC0B0] =	vst.add.f32.msk $0xffff, v6  }
0x39b: {  	[tilespmem:s24+$0xC0C0] =	vst.add.f32.msk $0xffff, v5  }
0x39c: {  	[tilespmem:s24+$0xC0D0] =	vst.add.f32.msk $0xffff, v3  }
0x39d: {  	[tilespmem:s24+$0xC0E0] =	vst.add.f32.msk $0xffff, v4  }
0x39e: {  	s24 =	sld [smem:$0x7DC];
	_ =	sdelay $0x1  }
0x39f: {  	s23 =	simm.s32 $0x0  }
0x3a0: {  	[hbm4b:s24+s23] =	stream.linear.scatter [tilespmem:s22], [sflag:$0x9], $0x4000, $0x38;
	[tilespmem:$0x1C080] =	vst v63  }
0x3a1: {  	_ =	swait.ge [sflag:s19], $0x4000  }
0x3a2: {  	s26 =	sld [smem:$0x7E1]  }
0x3a3: {  	[sflag:s19] =	ssyncset.done $0x0  }
0x3a4: {  	s28 =	simm.s32 $0x0;
	s25 =	sand.u32 $0x1C00, s23;
	[sflag:s19] =	ssyncadd.s32 $0xFFFFC000  }
0x3a5: {  	[tilespmem:s7], [sflag:$0x7] =	stream.linear.gather [hbm4b:s26+s23], $0x4000, $0x38;
	[tilespmem:$0x1C080] =	vst v63  }
0x3a6: {  	s24 =	sand.u32 $0x2000, s28;
	s26 =	simm.s32 $0x0;
	_ =	swait.ge [sflag:s8], $0x4000  }
0x3a7: {  	s24 =	sor.u32 s25, s24;
	s29 =	sand.u32 $0x380, s26;
	[sflag:s8] =	ssyncset.done $0x0  }
0x3a8: {  	s24 =	sor.u32 s29, s24;
	[sflag:s8] =	ssyncadd.s32 $0xFFFFC000  }
0x3a9: {  	v3 =	vld [tilespmem:s24+$0xF0]  }
0x3aa: {  	v8 =	vld [tilespmem:s24+$0x80]  }
0x3ab: {  	v9 =	vld [tilespmem:s24+$0x90]  }
0x3ac: {  	v7 =	vld [tilespmem:s24+$0xA0]  }
0x3ad: {  	v6 =	vld [tilespmem:s24+$0xB0]  }
0x3ae: {  	v5 =	vld [tilespmem:s24+$0xC0]  }
0x3af: {  	v4 =	vld [tilespmem:s24+$0xE0]  }
0x3b0: {  	[tilespmem:s24+$0x100F0] =	vst.add.f32.msk $0xffff, v3  }
0x3b1: {  	v3 =	vld [tilespmem:s24+$0xD0]  }
0x3b2: {  	[tilespmem:s24+$0x10080] =	vst.add.f32.msk $0xffff, v8  }
0x3b3: {  	s25 =	simm.s32 $0x0;
	[tilespmem:s24+$0x10090] =	vst.add.f32.msk $0xffff, v9  }
.LBB2_36:
0x3b4: {  	s25 =	sadd.s32 $0x8, s25;
	[tilespmem:s24+$0x100A0] =	vst.add.f32.msk $0xffff, v7  }
0x3b5: {  	s23 =	sadd.s32 $0x400, s23;
	s26 =	sshll.u32 s25, $0x4;
	p0 =	slt.u32 s25, $0x3F8;
	[tilespmem:s24+$0x100B0] =	vst.add.f32.msk $0xffff, v6  }
0x3b6: {  	s28 =	sand.u32 $0x1C00, s23;
	s29 =	sshll.u32 s25, $0x1;
	s26 =	sand.u32 $0x2000, s26;
	[tilespmem:s24+$0x100C0] =	vst.add.f32.msk $0xffff, v5  }
0x3b7: {  	s26 =	sor.u32 s28, s26;
	s28 =	sand.u32 $0x380, s29;
	[tilespmem:s24+$0x100D0] =	vst.add.f32.msk $0xffff, v3  }
0x3b8: {  	[tilespmem:s24+$0x100E0] =	vst.add.f32.msk $0xffff, v4;
	s24 =	sor.u32 s28, s26  }
0x3b9: {  	v3 =	vld [tilespmem:s24+$0xF0]  }
0x3ba: {  	v8 =	vld [tilespmem:s24+$0x80]  }
0x3bb: {  	v9 =	vld [tilespmem:s24+$0x90]  }
0x3bc: {  	v7 =	vld [tilespmem:s24+$0xA0]  }
0x3bd: {  	v6 =	vld [tilespmem:s24+$0xB0]  }
0x3be: {  	[tilespmem:s24+$0x100F0] =	vst.add.f32.msk $0xffff, v3  }
.Ltmp17:
0x3bf: {  	v5 =	vld [tilespmem:s24+$0xC0];
	(pc) =	sbr.rel @p0 .LBB2_36-.Ltmp17, $4  }
0x3c0: {  	v3 =	vld [tilespmem:s24+$0xD0]  }
0x3c1: {  	v4 =	vld [tilespmem:s24+$0xE0]  }
0x3c2: {  	[tilespmem:s24+$0x10080] =	vst.add.f32.msk $0xffff, v8  }
0x3c3: {  	[tilespmem:s24+$0x10090] =	vst.add.f32.msk $0xffff, v9  }
0x3c4: {  	[tilespmem:s24+$0x100A0] =	vst.add.f32.msk $0xffff, v7  }
0x3c5: {  	[tilespmem:s24+$0x100B0] =	vst.add.f32.msk $0xffff, v6  }
0x3c6: {  	[tilespmem:s24+$0x100C0] =	vst.add.f32.msk $0xffff, v5  }
0x3c7: {  	[tilespmem:s24+$0x100D0] =	vst.add.f32.msk $0xffff, v3  }
0x3c8: {  	[tilespmem:s24+$0x100E0] =	vst.add.f32.msk $0xffff, v4  }
0x3c9: {  	s24 =	sld [smem:$0x7DE];
	_ =	sdelay $0x1  }
0x3ca: {  	s23 =	simm.s32 $0x0  }
0x3cb: {  	[hbm4b:s24+s23] =	stream.linear.scatter [tilespmem:s3], [sflag:$0xA], $0x4000, $0x38;
	[tilespmem:$0x1C080] =	vst v63  }
0x3cc: {  	_ =	swait.ge [sflag:s12], $0x4000  }
0x3cd: {  	s26 =	sld [smem:$0x7E3]  }
0x3ce: {  	[sflag:s12] =	ssyncset.done $0x0  }
0x3cf: {  	s28 =	simm.s32 $0x0;
	s25 =	sand.u32 $0x1C00, s23;
	[sflag:s12] =	ssyncadd.s32 $0xFFFFC000  }
0x3d0: {  	[tilespmem:s21], [sflag:$0x3] =	stream.linear.gather [hbm4b:s26+s23], $0x4000, $0x38;
	[tilespmem:$0x1C080] =	vst v63  }
0x3d1: {  	s24 =	sand.u32 $0x2000, s28;
	s26 =	simm.s32 $0x0;
	_ =	swait.ge [sflag:s13], $0x4000  }
0x3d2: {  	s24 =	sor.u32 s25, s24;
	s29 =	sand.u32 $0x380, s26;
	[sflag:s13] =	ssyncset.done $0x0  }
0x3d3: {  	s24 =	sor.u32 s29, s24;
	[sflag:s13] =	ssyncadd.s32 $0xFFFFC000  }
0x3d4: {  	v3 =	vld [tilespmem:s24+$0xF0]  }
0x3d5: {  	v8 =	vld [tilespmem:s24+$0x80]  }
0x3d6: {  	v9 =	vld [tilespmem:s24+$0x90]  }
0x3d7: {  	v7 =	vld [tilespmem:s24+$0xA0]  }
0x3d8: {  	v6 =	vld [tilespmem:s24+$0xB0]  }
0x3d9: {  	v5 =	vld [tilespmem:s24+$0xC0]  }
0x3da: {  	v4 =	vld [tilespmem:s24+$0xE0]  }
0x3db: {  	[tilespmem:s24+$0x140F0] =	vst.add.f32.msk $0xffff, v3  }
0x3dc: {  	v3 =	vld [tilespmem:s24+$0xD0]  }
0x3dd: {  	[tilespmem:s24+$0x14080] =	vst.add.f32.msk $0xffff, v8  }
0x3de: {  	s25 =	simm.s32 $0x0;
	[tilespmem:s24+$0x14090] =	vst.add.f32.msk $0xffff, v9  }
.LBB2_38:
0x3df: {  	s25 =	sadd.s32 $0x8, s25;
	[tilespmem:s24+$0x140A0] =	vst.add.f32.msk $0xffff, v7  }
0x3e0: {  	s23 =	sadd.s32 $0x400, s23;
	s26 =	sshll.u32 s25, $0x4;
	p0 =	slt.u32 s25, $0x3F8;
	[tilespmem:s24+$0x140B0] =	vst.add.f32.msk $0xffff, v6  }
0x3e1: {  	s28 =	sand.u32 $0x1C00, s23;
	s29 =	sshll.u32 s25, $0x1;
	s26 =	sand.u32 $0x2000, s26;
	[tilespmem:s24+$0x140C0] =	vst.add.f32.msk $0xffff, v5  }
0x3e2: {  	s26 =	sor.u32 s28, s26;
	s28 =	sand.u32 $0x380, s29;
	[tilespmem:s24+$0x140D0] =	vst.add.f32.msk $0xffff, v3  }
0x3e3: {  	[tilespmem:s24+$0x140E0] =	vst.add.f32.msk $0xffff, v4;
	s24 =	sor.u32 s28, s26  }
0x3e4: {  	v3 =	vld [tilespmem:s24+$0xF0]  }
0x3e5: {  	v8 =	vld [tilespmem:s24+$0x80]  }
0x3e6: {  	v9 =	vld [tilespmem:s24+$0x90]  }
0x3e7: {  	v7 =	vld [tilespmem:s24+$0xA0]  }
0x3e8: {  	v6 =	vld [tilespmem:s24+$0xB0]  }
0x3e9: {  	[tilespmem:s24+$0x140F0] =	vst.add.f32.msk $0xffff, v3  }
.Ltmp18:
0x3ea: {  	v5 =	vld [tilespmem:s24+$0xC0];
	(pc) =	sbr.rel @p0 .LBB2_38-.Ltmp18, $4  }
0x3eb: {  	v3 =	vld [tilespmem:s24+$0xD0]  }
0x3ec: {  	v4 =	vld [tilespmem:s24+$0xE0]  }
0x3ed: {  	[tilespmem:s24+$0x14080] =	vst.add.f32.msk $0xffff, v8  }
0x3ee: {  	[tilespmem:s24+$0x14090] =	vst.add.f32.msk $0xffff, v9  }
0x3ef: {  	[tilespmem:s24+$0x140A0] =	vst.add.f32.msk $0xffff, v7  }
0x3f0: {  	[tilespmem:s24+$0x140B0] =	vst.add.f32.msk $0xffff, v6  }
0x3f1: {  	[tilespmem:s24+$0x140C0] =	vst.add.f32.msk $0xffff, v5  }
0x3f2: {  	[tilespmem:s24+$0x140D0] =	vst.add.f32.msk $0xffff, v3  }
0x3f3: {  	[tilespmem:s24+$0x140E0] =	vst.add.f32.msk $0xffff, v4  }
0x3f4: {  	s24 =	sld [smem:$0x7E0];
	_ =	sdelay $0x1  }
0x3f5: {  	s23 =	simm.s32 $0x0  }
0x3f6: {  	[hbm4b:s24+s23] =	stream.linear.scatter [tilespmem:s5], [sflag:$0xB], $0x4000, $0x38;
	[tilespmem:$0x1C080] =	vst v63  }
0x3f7: {  	_ =	swait.ge [sflag:s15], $0x4000  }
0x3f8: {  	s26 =	sld [smem:$0x7E5]  }
0x3f9: {  	[sflag:s15] =	ssyncset.done $0x0  }
0x3fa: {  	s28 =	simm.s32 $0x0;
	s25 =	sand.u32 $0x1C00, s23;
	[sflag:s15] =	ssyncadd.s32 $0xFFFFC000  }
0x3fb: {  	[tilespmem:s22], [sflag:$0x4] =	stream.linear.gather [hbm4b:s26+s23], $0x4000, $0x38;
	[tilespmem:$0x1C080] =	vst v63  }
0x3fc: {  	s24 =	sand.u32 $0x2000, s28;
	s26 =	simm.s32 $0x0;
	_ =	swait.ge [sflag:s16], $0x4000  }
0x3fd: {  	s24 =	sor.u32 s25, s24;
	s29 =	sand.u32 $0x380, s26;
	[sflag:s16] =	ssyncset.done $0x0  }
0x3fe: {  	s24 =	sor.u32 s29, s24;
	[sflag:s16] =	ssyncadd.s32 $0xFFFFC000  }
0x3ff: {  	v3 =	vld [tilespmem:s24+$0xF0]  }
0x400: {  	v8 =	vld [tilespmem:s24+$0x80]  }
0x401: {  	v9 =	vld [tilespmem:s24+$0x90]  }
0x402: {  	v7 =	vld [tilespmem:s24+$0xA0]  }
0x403: {  	v6 =	vld [tilespmem:s24+$0xB0]  }
0x404: {  	v5 =	vld [tilespmem:s24+$0xC0]  }
0x405: {  	v4 =	vld [tilespmem:s24+$0xE0]  }
0x406: {  	[tilespmem:s24+$0x180F0] =	vst.add.f32.msk $0xffff, v3  }
0x407: {  	v3 =	vld [tilespmem:s24+$0xD0]  }
0x408: {  	[tilespmem:s24+$0x18080] =	vst.add.f32.msk $0xffff, v8  }
0x409: {  	s25 =	simm.s32 $0x0;
	[tilespmem:s24+$0x18090] =	vst.add.f32.msk $0xffff, v9  }
.LBB2_40:
0x40a: {  	s25 =	sadd.s32 $0x8, s25;
	[tilespmem:s24+$0x180A0] =	vst.add.f32.msk $0xffff, v7  }
0x40b: {  	s23 =	sadd.s32 $0x400, s23;
	s26 =	sshll.u32 s25, $0x4;
	p0 =	slt.u32 s25, $0x3F8;
	[tilespmem:s24+$0x180B0] =	vst.add.f32.msk $0xffff, v6  }
0x40c: {  	s28 =	sand.u32 $0x1C00, s23;
	s29 =	sshll.u32 s25, $0x1;
	s26 =	sand.u32 $0x2000, s26;
	[tilespmem:s24+$0x180C0] =	vst.add.f32.msk $0xffff, v5  }
0x40d: {  	s26 =	sor.u32 s28, s26;
	s28 =	sand.u32 $0x380, s29;
	[tilespmem:s24+$0x180D0] =	vst.add.f32.msk $0xffff, v3  }
0x40e: {  	[tilespmem:s24+$0x180E0] =	vst.add.f32.msk $0xffff, v4;
	s24 =	sor.u32 s28, s26  }
0x40f: {  	v3 =	vld [tilespmem:s24+$0xF0]  }
0x410: {  	v8 =	vld [tilespmem:s24+$0x80]  }
0x411: {  	v9 =	vld [tilespmem:s24+$0x90]  }
0x412: {  	v7 =	vld [tilespmem:s24+$0xA0]  }
0x413: {  	v6 =	vld [tilespmem:s24+$0xB0]  }
0x414: {  	[tilespmem:s24+$0x180F0] =	vst.add.f32.msk $0xffff, v3  }
.Ltmp19:
0x415: {  	v5 =	vld [tilespmem:s24+$0xC0];
	(pc) =	sbr.rel @p0 .LBB2_40-.Ltmp19, $4  }
0x416: {  	v3 =	vld [tilespmem:s24+$0xD0]  }
0x417: {  	v4 =	vld [tilespmem:s24+$0xE0]  }
0x418: {  	[tilespmem:s24+$0x18080] =	vst.add.f32.msk $0xffff, v8  }
0x419: {  	[tilespmem:s24+$0x18090] =	vst.add.f32.msk $0xffff, v9  }
0x41a: {  	[tilespmem:s24+$0x180A0] =	vst.add.f32.msk $0xffff, v7  }
0x41b: {  	[tilespmem:s24+$0x180B0] =	vst.add.f32.msk $0xffff, v6  }
0x41c: {  	[tilespmem:s24+$0x180C0] =	vst.add.f32.msk $0xffff, v5  }
0x41d: {  	[tilespmem:s24+$0x180D0] =	vst.add.f32.msk $0xffff, v3  }
0x41e: {  	[tilespmem:s24+$0x180E0] =	vst.add.f32.msk $0xffff, v4  }
0x41f: {  	s24 =	sld [smem:$0x7E2];
	_ =	sdelay $0x1  }
0x420: {  	s23 =	simm.s32 $0x0  }
0x421: {  	[hbm4b:s24+s23] =	stream.linear.scatter [tilespmem:s7], [sflag:$0xC], $0x4000, $0x38;
	[tilespmem:$0x1C080] =	vst v63  }
0x422: {  	v3 =	vld [tilespmem:$0x60];
	_ =	sdelay $0x4  }
0x423: {  	v4 =	vshll.u32 v3, $0x3  }
0x424: {  	v3 =	vand.u32 $0x7, v3;
	v4 =	vand.u32 $0xFFFFFFC0, v4  }
0x425: {  	v3 =	vor.u32 v3, v4  }
0x426: {  	v4 =	vperm.xlane v3, v0;
	_ =	sdelay $0x1  }
0x427: {  	v4 =	vadd.s32 v1, v4;
	_ =	sdelay $0x3  }
0x428: {  	s26 =	simm.s32 $0x80  }
0x429: {  	[tilespmem:s26], [sflag:$0x1] =	stream.indirect_vreg.gather [hbm4b:s0+s23], $0x80, v4, vm0, $0xb8;
	[tilespmem:$0x1C080] =	vst v63  }
0x42a: {  	s28 =	simm.s32 $0x880;
	v3 =	vperm.xlane v3, v2  }
0x42b: {  	[tilespmem:s28], [sflag:$0x1] =	stream.indirect_vreg.gather [hbm4b:s9+s23], $0x80, v4, vm0, $0xb8;
	[tilespmem:$0x1C080] =	vst v63  }
0x42c: {  	s29 =	simm.s32 $0x1080;
	v3 =	vadd.s32 v1, v3  }
0x42d: {  	[tilespmem:s29], [sflag:$0x1] =	stream.indirect_vreg.gather [hbm4b:s10+s23], $0x80, v4, vm0, $0xb8;
	[tilespmem:$0x1C080] =	vst v63  }
0x42e: {  	s25 =	simm.s32 $0x1880  }
0x42f: {  	[tilespmem:s25], [sflag:$0x1] =	stream.indirect_vreg.gather [hbm4b:s11+s23], $0x80, v4, vm0, $0xb8;
	[tilespmem:$0x1C080] =	vst v63  }
0x430: {  	s26 =	simm.s32 $0x2080  }
0x431: {  	[tilespmem:s26], [sflag:$0x1] =	stream.indirect_vreg.gather [hbm4b:s0+s23], $0x80, v3, vm0, $0xb8;
	[tilespmem:$0x1C080] =	vst v63  }
0x432: {  	s28 =	simm.s32 $0x2880  }
0x433: {  	[tilespmem:s28], [sflag:$0x1] =	stream.indirect_vreg.gather [hbm4b:s9+s23], $0x80, v3, vm0, $0xb8;
	[tilespmem:$0x1C080] =	vst v63  }
0x434: {  	s29 =	simm.s32 $0x3080  }
0x435: {  	[tilespmem:s29], [sflag:$0x1] =	stream.indirect_vreg.gather [hbm4b:s10+s23], $0x80, v3, vm0, $0xb8;
	[tilespmem:$0x1C080] =	vst v63  }
0x436: {  	s25 =	simm.s32 $0x3880  }
0x437: {  	[tilespmem:s25], [sflag:$0x1] =	stream.indirect_vreg.gather [hbm4b:s11+s23], $0x80, v3, vm0, $0xb8;
	[tilespmem:$0x1C080] =	vst v63  }
0x438: {  	_ =	swait.ge [sflag:s14], $0x4000  }
0x439: {  	[sflag:s14] =	ssyncset.done $0x0  }
0x43a: {  	[sflag:s14] =	ssyncadd.s32 $0xFFFFC000  }
0x43b: {  	_ =	swait.ge [sflag:s17], $0x4000  }
0x43c: {  	s26 =	sld [smem:$0x7E7]  }
0x43d: {  	s28 =	simm.s32 $0x0;
	[sflag:s17] =	ssyncset.done $0x0  }
0x43e: {  	s24 =	sand.u32 $0x2000, s28;
	[sflag:s17] =	ssyncadd.s32 $0xFFFFC000  }
0x43f: {  	[tilespmem:s3], [sflag:$0x5] =	stream.linear.gather [hbm4b:s26+s23], $0x4000, $0x38;
	[tilespmem:$0x1C080] =	vst v63  }
0x440: {  	s25 =	sand.u32 $0x1C00, s23;
	s26 =	simm.s32 $0x0;
	_ =	swait.ge [sflag:s4], $0x4000  }
0x441: {  	s24 =	sor.u32 s25, s24;
	s29 =	sand.u32 $0x380, s26;
	[sflag:s4] =	ssyncset.done $0x0  }
0x442: {  	s24 =	sor.u32 s29, s24;
	[sflag:s4] =	ssyncadd.s32 $0xFFFFC000  }
0x443: {  	v3 =	vld [tilespmem:s24+$0x40F0]  }
0x444: {  	v8 =	vld [tilespmem:s24+$0x4080]  }
0x445: {  	v9 =	vld [tilespmem:s24+$0x4090]  }
0x446: {  	v7 =	vld [tilespmem:s24+$0x40A0]  }
0x447: {  	v6 =	vld [tilespmem:s24+$0x40B0]  }
0x448: {  	v5 =	vld [tilespmem:s24+$0x40C0]  }
0x449: {  	v4 =	vld [tilespmem:s24+$0x40E0]  }
0x44a: {  	[tilespmem:s24+$0x80F0] =	vst.add.f32.msk $0xffff, v3  }
0x44b: {  	v3 =	vld [tilespmem:s24+$0x40D0]  }
0x44c: {  	[tilespmem:s24+$0x8080] =	vst.add.f32.msk $0xffff, v8  }
0x44d: {  	s25 =	simm.s32 $0x0;
	[tilespmem:s24+$0x8090] =	vst.add.f32.msk $0xffff, v9  }
.LBB2_42:
0x44e: {  	s25 =	sadd.s32 $0x8, s25;
	[tilespmem:s24+$0x80A0] =	vst.add.f32.msk $0xffff, v7  }
0x44f: {  	s23 =	sadd.s32 $0x400, s23;
	s26 =	sshll.u32 s25, $0x4;
	p0 =	slt.u32 s25, $0x3F8;
	[tilespmem:s24+$0x80B0] =	vst.add.f32.msk $0xffff, v6  }
0x450: {  	s28 =	sand.u32 $0x1C00, s23;
	s29 =	sshll.u32 s25, $0x1;
	s26 =	sand.u32 $0x2000, s26;
	[tilespmem:s24+$0x80C0] =	vst.add.f32.msk $0xffff, v5  }
0x451: {  	s26 =	sor.u32 s28, s26;
	s28 =	sand.u32 $0x380, s29;
	[tilespmem:s24+$0x80D0] =	vst.add.f32.msk $0xffff, v3  }
0x452: {  	[tilespmem:s24+$0x80E0] =	vst.add.f32.msk $0xffff, v4;
	s24 =	sor.u32 s28, s26  }
0x453: {  	v3 =	vld [tilespmem:s24+$0x40F0]  }
0x454: {  	v8 =	vld [tilespmem:s24+$0x4080]  }
0x455: {  	v9 =	vld [tilespmem:s24+$0x4090]  }
0x456: {  	v7 =	vld [tilespmem:s24+$0x40A0]  }
0x457: {  	v6 =	vld [tilespmem:s24+$0x40B0]  }
0x458: {  	[tilespmem:s24+$0x80F0] =	vst.add.f32.msk $0xffff, v3  }
.Ltmp20:
0x459: {  	v5 =	vld [tilespmem:s24+$0x40C0];
	(pc) =	sbr.rel @p0 .LBB2_42-.Ltmp20, $4  }
0x45a: {  	v3 =	vld [tilespmem:s24+$0x40D0]  }
0x45b: {  	v4 =	vld [tilespmem:s24+$0x40E0]  }
0x45c: {  	[tilespmem:s24+$0x8080] =	vst.add.f32.msk $0xffff, v8  }
0x45d: {  	[tilespmem:s24+$0x8090] =	vst.add.f32.msk $0xffff, v9  }
0x45e: {  	[tilespmem:s24+$0x80A0] =	vst.add.f32.msk $0xffff, v7  }
0x45f: {  	[tilespmem:s24+$0x80B0] =	vst.add.f32.msk $0xffff, v6  }
0x460: {  	[tilespmem:s24+$0x80C0] =	vst.add.f32.msk $0xffff, v5  }
0x461: {  	[tilespmem:s24+$0x80D0] =	vst.add.f32.msk $0xffff, v3  }
0x462: {  	[tilespmem:s24+$0x80E0] =	vst.add.f32.msk $0xffff, v4  }
0x463: {  	s24 =	sld [smem:$0x7E4];
	_ =	sdelay $0x1  }
0x464: {  	s23 =	simm.s32 $0x0  }
0x465: {  	[hbm4b:s24+s23] =	stream.linear.scatter [tilespmem:s21], [sflag:$0x8], $0x4000, $0x38;
	[tilespmem:$0x1C080] =	vst v63  }
0x466: {  	_ =	swait.ge [sflag:s18], $0x4000  }
0x467: {  	s26 =	sld [smem:$0x7E9]  }
0x468: {  	[sflag:s18] =	ssyncset.done $0x0  }
0x469: {  	s28 =	simm.s32 $0x0;
	s25 =	sand.u32 $0x1C00, s23;
	[sflag:s18] =	ssyncadd.s32 $0xFFFFC000  }
0x46a: {  	[tilespmem:s5], [sflag:$0x6] =	stream.linear.gather [hbm4b:s26+s23], $0x4000, $0x38;
	[tilespmem:$0x1C080] =	vst v63  }
0x46b: {  	s24 =	sand.u32 $0x2000, s28;
	s26 =	simm.s32 $0x0;
	_ =	swait.ge [sflag:s6], $0x4000  }
0x46c: {  	s24 =	sor.u32 s25, s24;
	s29 =	sand.u32 $0x380, s26;
	[sflag:s6] =	ssyncset.done $0x0  }
0x46d: {  	s24 =	sor.u32 s29, s24;
	[sflag:s6] =	ssyncadd.s32 $0xFFFFC000  }
0x46e: {  	v3 =	vld [tilespmem:s24+$0x40F0]  }
0x46f: {  	v8 =	vld [tilespmem:s24+$0x4080]  }
0x470: {  	v9 =	vld [tilespmem:s24+$0x4090]  }
0x471: {  	v7 =	vld [tilespmem:s24+$0x40A0]  }
0x472: {  	v6 =	vld [tilespmem:s24+$0x40B0]  }
0x473: {  	v5 =	vld [tilespmem:s24+$0x40C0]  }
0x474: {  	v4 =	vld [tilespmem:s24+$0x40E0]  }
0x475: {  	[tilespmem:s24+$0xC0F0] =	vst.add.f32.msk $0xffff, v3  }
0x476: {  	v3 =	vld [tilespmem:s24+$0x40D0]  }
0x477: {  	[tilespmem:s24+$0xC080] =	vst.add.f32.msk $0xffff, v8  }
0x478: {  	s25 =	simm.s32 $0x0;
	[tilespmem:s24+$0xC090] =	vst.add.f32.msk $0xffff, v9  }
.LBB2_44:
0x479: {  	s25 =	sadd.s32 $0x8, s25;
	[tilespmem:s24+$0xC0A0] =	vst.add.f32.msk $0xffff, v7  }
0x47a: {  	s23 =	sadd.s32 $0x400, s23;
	s26 =	sshll.u32 s25, $0x4;
	p0 =	slt.u32 s25, $0x3F8;
	[tilespmem:s24+$0xC0B0] =	vst.add.f32.msk $0xffff, v6  }
0x47b: {  	s28 =	sand.u32 $0x1C00, s23;
	s29 =	sshll.u32 s25, $0x1;
	s26 =	sand.u32 $0x2000, s26;
	[tilespmem:s24+$0xC0C0] =	vst.add.f32.msk $0xffff, v5  }
0x47c: {  	s26 =	sor.u32 s28, s26;
	s28 =	sand.u32 $0x380, s29;
	[tilespmem:s24+$0xC0D0] =	vst.add.f32.msk $0xffff, v3  }
0x47d: {  	[tilespmem:s24+$0xC0E0] =	vst.add.f32.msk $0xffff, v4;
	s24 =	sor.u32 s28, s26  }
0x47e: {  	v3 =	vld [tilespmem:s24+$0x40F0]  }
0x47f: {  	v8 =	vld [tilespmem:s24+$0x4080]  }
0x480: {  	v9 =	vld [tilespmem:s24+$0x4090]  }
0x481: {  	v7 =	vld [tilespmem:s24+$0x40A0]  }
0x482: {  	v6 =	vld [tilespmem:s24+$0x40B0]  }
0x483: {  	[tilespmem:s24+$0xC0F0] =	vst.add.f32.msk $0xffff, v3  }
.Ltmp21:
0x484: {  	v5 =	vld [tilespmem:s24+$0x40C0];
	(pc) =	sbr.rel @p0 .LBB2_44-.Ltmp21, $4  }
0x485: {  	v3 =	vld [tilespmem:s24+$0x40D0]  }
0x486: {  	v4 =	vld [tilespmem:s24+$0x40E0]  }
0x487: {  	[tilespmem:s24+$0xC080] =	vst.add.f32.msk $0xffff, v8  }
0x488: {  	[tilespmem:s24+$0xC090] =	vst.add.f32.msk $0xffff, v9  }
0x489: {  	[tilespmem:s24+$0xC0A0] =	vst.add.f32.msk $0xffff, v7  }
0x48a: {  	[tilespmem:s24+$0xC0B0] =	vst.add.f32.msk $0xffff, v6  }
0x48b: {  	[tilespmem:s24+$0xC0C0] =	vst.add.f32.msk $0xffff, v5  }
0x48c: {  	[tilespmem:s24+$0xC0D0] =	vst.add.f32.msk $0xffff, v3  }
0x48d: {  	[tilespmem:s24+$0xC0E0] =	vst.add.f32.msk $0xffff, v4  }
0x48e: {  	s24 =	sld [smem:$0x7E6];
	_ =	sdelay $0x1  }
0x48f: {  	s23 =	simm.s32 $0x0  }
0x490: {  	[hbm4b:s24+s23] =	stream.linear.scatter [tilespmem:s22], [sflag:$0x9], $0x4000, $0x38;
	[tilespmem:$0x1C080] =	vst v63  }
0x491: {  	_ =	swait.ge [sflag:s19], $0x4000  }
0x492: {  	s26 =	sld [smem:$0x7EB]  }
0x493: {  	[sflag:s19] =	ssyncset.done $0x0  }
0x494: {  	s28 =	simm.s32 $0x0;
	s25 =	sand.u32 $0x1C00, s23;
	[sflag:s19] =	ssyncadd.s32 $0xFFFFC000  }
0x495: {  	[tilespmem:s7], [sflag:$0x7] =	stream.linear.gather [hbm4b:s26+s23], $0x4000, $0x38;
	[tilespmem:$0x1C080] =	vst v63  }
0x496: {  	s24 =	sand.u32 $0x2000, s28;
	s26 =	simm.s32 $0x0;
	_ =	swait.ge [sflag:s8], $0x4000  }
0x497: {  	s24 =	sor.u32 s25, s24;
	s29 =	sand.u32 $0x380, s26;
	[sflag:s8] =	ssyncset.done $0x0  }
0x498: {  	s24 =	sor.u32 s29, s24;
	[sflag:s8] =	ssyncadd.s32 $0xFFFFC000  }
0x499: {  	v3 =	vld [tilespmem:s24+$0x40F0]  }
0x49a: {  	v8 =	vld [tilespmem:s24+$0x4080]  }
0x49b: {  	v9 =	vld [tilespmem:s24+$0x4090]  }
0x49c: {  	v7 =	vld [tilespmem:s24+$0x40A0]  }
0x49d: {  	v6 =	vld [tilespmem:s24+$0x40B0]  }
0x49e: {  	v5 =	vld [tilespmem:s24+$0x40C0]  }
0x49f: {  	v4 =	vld [tilespmem:s24+$0x40E0]  }
0x4a0: {  	[tilespmem:s24+$0x100F0] =	vst.add.f32.msk $0xffff, v3  }
0x4a1: {  	v3 =	vld [tilespmem:s24+$0x40D0]  }
0x4a2: {  	[tilespmem:s24+$0x10080] =	vst.add.f32.msk $0xffff, v8  }
0x4a3: {  	s25 =	simm.s32 $0x0;
	[tilespmem:s24+$0x10090] =	vst.add.f32.msk $0xffff, v9  }
.LBB2_46:
0x4a4: {  	s25 =	sadd.s32 $0x8, s25;
	[tilespmem:s24+$0x100A0] =	vst.add.f32.msk $0xffff, v7  }
0x4a5: {  	s23 =	sadd.s32 $0x400, s23;
	s26 =	sshll.u32 s25, $0x4;
	p0 =	slt.u32 s25, $0x3F8;
	[tilespmem:s24+$0x100B0] =	vst.add.f32.msk $0xffff, v6  }
0x4a6: {  	s28 =	sand.u32 $0x1C00, s23;
	s29 =	sshll.u32 s25, $0x1;
	s26 =	sand.u32 $0x2000, s26;
	[tilespmem:s24+$0x100C0] =	vst.add.f32.msk $0xffff, v5  }
0x4a7: {  	s26 =	sor.u32 s28, s26;
	s28 =	sand.u32 $0x380, s29;
	[tilespmem:s24+$0x100D0] =	vst.add.f32.msk $0xffff, v3  }
0x4a8: {  	[tilespmem:s24+$0x100E0] =	vst.add.f32.msk $0xffff, v4;
	s24 =	sor.u32 s28, s26  }
0x4a9: {  	v3 =	vld [tilespmem:s24+$0x40F0]  }
0x4aa: {  	v8 =	vld [tilespmem:s24+$0x4080]  }
0x4ab: {  	v9 =	vld [tilespmem:s24+$0x4090]  }
0x4ac: {  	v7 =	vld [tilespmem:s24+$0x40A0]  }
0x4ad: {  	v6 =	vld [tilespmem:s24+$0x40B0]  }
0x4ae: {  	[tilespmem:s24+$0x100F0] =	vst.add.f32.msk $0xffff, v3  }
.Ltmp22:
0x4af: {  	v5 =	vld [tilespmem:s24+$0x40C0];
	(pc) =	sbr.rel @p0 .LBB2_46-.Ltmp22, $4  }
0x4b0: {  	v3 =	vld [tilespmem:s24+$0x40D0]  }
0x4b1: {  	v4 =	vld [tilespmem:s24+$0x40E0]  }
0x4b2: {  	[tilespmem:s24+$0x10080] =	vst.add.f32.msk $0xffff, v8  }
0x4b3: {  	[tilespmem:s24+$0x10090] =	vst.add.f32.msk $0xffff, v9  }
0x4b4: {  	[tilespmem:s24+$0x100A0] =	vst.add.f32.msk $0xffff, v7  }
0x4b5: {  	[tilespmem:s24+$0x100B0] =	vst.add.f32.msk $0xffff, v6  }
0x4b6: {  	[tilespmem:s24+$0x100C0] =	vst.add.f32.msk $0xffff, v5  }
0x4b7: {  	[tilespmem:s24+$0x100D0] =	vst.add.f32.msk $0xffff, v3  }
0x4b8: {  	[tilespmem:s24+$0x100E0] =	vst.add.f32.msk $0xffff, v4  }
0x4b9: {  	s24 =	sld [smem:$0x7E8];
	_ =	sdelay $0x1  }
0x4ba: {  	s23 =	simm.s32 $0x0  }
0x4bb: {  	[hbm4b:s24+s23] =	stream.linear.scatter [tilespmem:s3], [sflag:$0xA], $0x4000, $0x38;
	[tilespmem:$0x1C080] =	vst v63  }
0x4bc: {  	_ =	swait.ge [sflag:s12], $0x4000  }
0x4bd: {  	s26 =	sld [smem:$0x7ED]  }
0x4be: {  	[sflag:s12] =	ssyncset.done $0x0  }
0x4bf: {  	s28 =	simm.s32 $0x0;
	s25 =	sand.u32 $0x1C00, s23;
	[sflag:s12] =	ssyncadd.s32 $0xFFFFC000  }
0x4c0: {  	[tilespmem:s21], [sflag:$0x3] =	stream.linear.gather [hbm4b:s26+s23], $0x4000, $0x38;
	[tilespmem:$0x1C080] =	vst v63  }
0x4c1: {  	s24 =	sand.u32 $0x2000, s28;
	s26 =	simm.s32 $0x0;
	_ =	swait.ge [sflag:s13], $0x4000  }
0x4c2: {  	s24 =	sor.u32 s25, s24;
	s29 =	sand.u32 $0x380, s26;
	[sflag:s13] =	ssyncset.done $0x0  }
0x4c3: {  	s24 =	sor.u32 s29, s24;
	[sflag:s13] =	ssyncadd.s32 $0xFFFFC000  }
0x4c4: {  	v3 =	vld [tilespmem:s24+$0x40F0]  }
0x4c5: {  	v8 =	vld [tilespmem:s24+$0x4080]  }
0x4c6: {  	v9 =	vld [tilespmem:s24+$0x4090]  }
0x4c7: {  	v7 =	vld [tilespmem:s24+$0x40A0]  }
0x4c8: {  	v6 =	vld [tilespmem:s24+$0x40B0]  }
0x4c9: {  	v5 =	vld [tilespmem:s24+$0x40C0]  }
0x4ca: {  	v4 =	vld [tilespmem:s24+$0x40E0]  }
0x4cb: {  	[tilespmem:s24+$0x140F0] =	vst.add.f32.msk $0xffff, v3  }
0x4cc: {  	v3 =	vld [tilespmem:s24+$0x40D0]  }
0x4cd: {  	[tilespmem:s24+$0x14080] =	vst.add.f32.msk $0xffff, v8  }
0x4ce: {  	s25 =	simm.s32 $0x0;
	[tilespmem:s24+$0x14090] =	vst.add.f32.msk $0xffff, v9  }
.LBB2_48:
0x4cf: {  	s25 =	sadd.s32 $0x8, s25;
	[tilespmem:s24+$0x140A0] =	vst.add.f32.msk $0xffff, v7  }
0x4d0: {  	s23 =	sadd.s32 $0x400, s23;
	s26 =	sshll.u32 s25, $0x4;
	p0 =	slt.u32 s25, $0x3F8;
	[tilespmem:s24+$0x140B0] =	vst.add.f32.msk $0xffff, v6  }
0x4d1: {  	s28 =	sand.u32 $0x1C00, s23;
	s29 =	sshll.u32 s25, $0x1;
	s26 =	sand.u32 $0x2000, s26;
	[tilespmem:s24+$0x140C0] =	vst.add.f32.msk $0xffff, v5  }
0x4d2: {  	s26 =	sor.u32 s28, s26;
	s28 =	sand.u32 $0x380, s29;
	[tilespmem:s24+$0x140D0] =	vst.add.f32.msk $0xffff, v3  }
0x4d3: {  	[tilespmem:s24+$0x140E0] =	vst.add.f32.msk $0xffff, v4;
	s24 =	sor.u32 s28, s26  }
0x4d4: {  	v3 =	vld [tilespmem:s24+$0x40F0]  }
0x4d5: {  	v8 =	vld [tilespmem:s24+$0x4080]  }
0x4d6: {  	v9 =	vld [tilespmem:s24+$0x4090]  }
0x4d7: {  	v7 =	vld [tilespmem:s24+$0x40A0]  }
0x4d8: {  	v6 =	vld [tilespmem:s24+$0x40B0]  }
0x4d9: {  	[tilespmem:s24+$0x140F0] =	vst.add.f32.msk $0xffff, v3  }
.Ltmp23:
0x4da: {  	v5 =	vld [tilespmem:s24+$0x40C0];
	(pc) =	sbr.rel @p0 .LBB2_48-.Ltmp23, $4  }
0x4db: {  	v3 =	vld [tilespmem:s24+$0x40D0]  }
0x4dc: {  	v4 =	vld [tilespmem:s24+$0x40E0]  }
0x4dd: {  	[tilespmem:s24+$0x14080] =	vst.add.f32.msk $0xffff, v8  }
0x4de: {  	[tilespmem:s24+$0x14090] =	vst.add.f32.msk $0xffff, v9  }
0x4df: {  	[tilespmem:s24+$0x140A0] =	vst.add.f32.msk $0xffff, v7  }
0x4e0: {  	[tilespmem:s24+$0x140B0] =	vst.add.f32.msk $0xffff, v6  }
0x4e1: {  	[tilespmem:s24+$0x140C0] =	vst.add.f32.msk $0xffff, v5  }
0x4e2: {  	[tilespmem:s24+$0x140D0] =	vst.add.f32.msk $0xffff, v3  }
0x4e3: {  	[tilespmem:s24+$0x140E0] =	vst.add.f32.msk $0xffff, v4  }
0x4e4: {  	s24 =	sld [smem:$0x7EA];
	_ =	sdelay $0x1  }
0x4e5: {  	s23 =	simm.s32 $0x0  }
0x4e6: {  	[hbm4b:s24+s23] =	stream.linear.scatter [tilespmem:s5], [sflag:$0xB], $0x4000, $0x38;
	[tilespmem:$0x1C080] =	vst v63  }
0x4e7: {  	v3 =	vld [tilespmem:$0x70];
	_ =	sdelay $0x4  }
0x4e8: {  	v4 =	vshll.u32 v3, $0x3  }
0x4e9: {  	v3 =	vand.u32 $0x7, v3;
	v4 =	vand.u32 $0xFFFFFFC0, v4  }
0x4ea: {  	v3 =	vor.u32 v3, v4  }
0x4eb: {  	v4 =	vperm.xlane v3, v0;
	_ =	sdelay $0x1  }
0x4ec: {  	v4 =	vadd.s32 v1, v4;
	_ =	sdelay $0x3  }
0x4ed: {  	s29 =	simm.s32 $0x4080  }
0x4ee: {  	[tilespmem:s29], [sflag:$0x2] =	stream.indirect_vreg.gather [hbm4b:s0+s23], $0x80, v4, vm0, $0xb8;
	[tilespmem:$0x1C080] =	vst v63  }
0x4ef: {  	s25 =	simm.s32 $0x4880;
	v3 =	vperm.xlane v3, v2  }
0x4f0: {  	[tilespmem:s25], [sflag:$0x2] =	stream.indirect_vreg.gather [hbm4b:s9+s23], $0x80, v4, vm0, $0xb8;
	[tilespmem:$0x1C080] =	vst v63  }
0x4f1: {  	s26 =	simm.s32 $0x5080;
	v3 =	vadd.s32 v1, v3  }
0x4f2: {  	[tilespmem:s26], [sflag:$0x2] =	stream.indirect_vreg.gather [hbm4b:s10+s23], $0x80, v4, vm0, $0xb8;
	[tilespmem:$0x1C080] =	vst v63  }
0x4f3: {  	s28 =	simm.s32 $0x5880  }
0x4f4: {  	[tilespmem:s28], [sflag:$0x2] =	stream.indirect_vreg.gather [hbm4b:s11+s23], $0x80, v4, vm0, $0xb8;
	[tilespmem:$0x1C080] =	vst v63  }
0x4f5: {  	s29 =	simm.s32 $0x6080  }
0x4f6: {  	[tilespmem:s29], [sflag:$0x2] =	stream.indirect_vreg.gather [hbm4b:s0+s23], $0x80, v3, vm0, $0xb8;
	[tilespmem:$0x1C080] =	vst v63  }
0x4f7: {  	s25 =	simm.s32 $0x6880  }
0x4f8: {  	[tilespmem:s25], [sflag:$0x2] =	stream.indirect_vreg.gather [hbm4b:s9+s23], $0x80, v3, vm0, $0xb8;
	[tilespmem:$0x1C080] =	vst v63  }
0x4f9: {  	_ = 	snop  }
0x4fa: {  	[tilespmem:s30], [sflag:$0x2] =	stream.indirect_vreg.gather [hbm4b:s10+s23], $0x80, v3, vm0, $0xb8;
	[tilespmem:$0x1C080] =	vst v63  }
0x4fb: {  	_ = 	snop  }
0x4fc: {  	[tilespmem:s31], [sflag:$0x2] =	stream.indirect_vreg.gather [hbm4b:s11+s23], $0x80, v3, vm0, $0xb8;
	[tilespmem:$0x1C080] =	vst v63  }
0x4fd: {  	_ =	swait.ge [sflag:s2], $0x4000  }
0x4fe: {  	[sflag:s2] =	ssyncset.done $0x0  }
0x4ff: {  	[sflag:s2] =	ssyncadd.s32 $0xFFFFC000  }
0x500: {  	_ =	swait.ge [sflag:s15], $0x4000  }
0x501: {  	s26 =	sld [smem:$0x7EF]  }
0x502: {  	s28 =	simm.s32 $0x0;
	[sflag:s15] =	ssyncset.done $0x0  }
0x503: {  	s24 =	sand.u32 $0x2000, s28;
	[sflag:s15] =	ssyncadd.s32 $0xFFFFC000  }
0x504: {  	[tilespmem:s22], [sflag:$0x4] =	stream.linear.gather [hbm4b:s26+s23], $0x4000, $0x38;
	[tilespmem:$0x1C080] =	vst v63  }
0x505: {  	s25 =	sand.u32 $0x1C00, s23;
	s26 =	simm.s32 $0x0;
	_ =	swait.ge [sflag:s16], $0x4000  }
0x506: {  	s24 =	sor.u32 s25, s24;
	s29 =	sand.u32 $0x380, s26;
	[sflag:s16] =	ssyncset.done $0x0  }
0x507: {  	s24 =	sor.u32 s29, s24;
	[sflag:s16] =	ssyncadd.s32 $0xFFFFC000  }
0x508: {  	v3 =	vld [tilespmem:s24+$0xF0]  }
0x509: {  	v8 =	vld [tilespmem:s24+$0x80]  }
0x50a: {  	v9 =	vld [tilespmem:s24+$0x90]  }
0x50b: {  	v7 =	vld [tilespmem:s24+$0xA0]  }
0x50c: {  	v6 =	vld [tilespmem:s24+$0xB0]  }
0x50d: {  	v5 =	vld [tilespmem:s24+$0xC0]  }
0x50e: {  	v4 =	vld [tilespmem:s24+$0xE0]  }
0x50f: {  	[tilespmem:s24+$0x180F0] =	vst.add.f32.msk $0xffff, v3  }
0x510: {  	v3 =	vld [tilespmem:s24+$0xD0]  }
0x511: {  	[tilespmem:s24+$0x18080] =	vst.add.f32.msk $0xffff, v8  }
0x512: {  	s25 =	simm.s32 $0x0;
	[tilespmem:s24+$0x18090] =	vst.add.f32.msk $0xffff, v9  }
.LBB2_50:
0x513: {  	s25 =	sadd.s32 $0x8, s25;
	[tilespmem:s24+$0x180A0] =	vst.add.f32.msk $0xffff, v7  }
0x514: {  	s23 =	sadd.s32 $0x400, s23;
	s26 =	sshll.u32 s25, $0x4;
	p0 =	slt.u32 s25, $0x3F8;
	[tilespmem:s24+$0x180B0] =	vst.add.f32.msk $0xffff, v6  }
0x515: {  	s28 =	sand.u32 $0x1C00, s23;
	s29 =	sshll.u32 s25, $0x1;
	s26 =	sand.u32 $0x2000, s26;
	[tilespmem:s24+$0x180C0] =	vst.add.f32.msk $0xffff, v5  }
0x516: {  	s26 =	sor.u32 s28, s26;
	s28 =	sand.u32 $0x380, s29;
	[tilespmem:s24+$0x180D0] =	vst.add.f32.msk $0xffff, v3  }
0x517: {  	[tilespmem:s24+$0x180E0] =	vst.add.f32.msk $0xffff, v4;
	s24 =	sor.u32 s28, s26  }
0x518: {  	v3 =	vld [tilespmem:s24+$0xF0]  }
0x519: {  	v8 =	vld [tilespmem:s24+$0x80]  }
0x51a: {  	v9 =	vld [tilespmem:s24+$0x90]  }
0x51b: {  	v7 =	vld [tilespmem:s24+$0xA0]  }
0x51c: {  	v6 =	vld [tilespmem:s24+$0xB0]  }
0x51d: {  	[tilespmem:s24+$0x180F0] =	vst.add.f32.msk $0xffff, v3  }
.Ltmp24:
0x51e: {  	v5 =	vld [tilespmem:s24+$0xC0];
	(pc) =	sbr.rel @p0 .LBB2_50-.Ltmp24, $4  }
0x51f: {  	v3 =	vld [tilespmem:s24+$0xD0]  }
0x520: {  	v4 =	vld [tilespmem:s24+$0xE0]  }
0x521: {  	[tilespmem:s24+$0x18080] =	vst.add.f32.msk $0xffff, v8  }
0x522: {  	[tilespmem:s24+$0x18090] =	vst.add.f32.msk $0xffff, v9  }
0x523: {  	[tilespmem:s24+$0x180A0] =	vst.add.f32.msk $0xffff, v7  }
0x524: {  	[tilespmem:s24+$0x180B0] =	vst.add.f32.msk $0xffff, v6  }
0x525: {  	[tilespmem:s24+$0x180C0] =	vst.add.f32.msk $0xffff, v5  }
0x526: {  	[tilespmem:s24+$0x180D0] =	vst.add.f32.msk $0xffff, v3  }
0x527: {  	[tilespmem:s24+$0x180E0] =	vst.add.f32.msk $0xffff, v4  }
0x528: {  	s24 =	sld [smem:$0x7EC];
	_ =	sdelay $0x1  }
0x529: {  	s23 =	simm.s32 $0x0  }
0x52a: {  	[hbm4b:s24+s23] =	stream.linear.scatter [tilespmem:s7], [sflag:$0xC], $0x4000, $0x38;
	[tilespmem:$0x1C080] =	vst v63  }
0x52b: {  	_ =	swait.ge [sflag:s17], $0x4000  }
0x52c: {  	s26 =	sld [smem:$0x7F1]  }
0x52d: {  	[sflag:s17] =	ssyncset.done $0x0  }
0x52e: {  	s28 =	simm.s32 $0x0;
	s25 =	sand.u32 $0x1C00, s23;
	[sflag:s17] =	ssyncadd.s32 $0xFFFFC000  }
0x52f: {  	[tilespmem:s3], [sflag:$0x5] =	stream.linear.gather [hbm4b:s26+s23], $0x4000, $0x38;
	[tilespmem:$0x1C080] =	vst v63  }
0x530: {  	s24 =	sand.u32 $0x2000, s28;
	s26 =	simm.s32 $0x0;
	_ =	swait.ge [sflag:s4], $0x4000  }
0x531: {  	s24 =	sor.u32 s25, s24;
	s29 =	sand.u32 $0x380, s26;
	[sflag:s4] =	ssyncset.done $0x0  }
0x532: {  	s24 =	sor.u32 s29, s24;
	[sflag:s4] =	ssyncadd.s32 $0xFFFFC000  }
0x533: {  	v3 =	vld [tilespmem:s24+$0xF0]  }
0x534: {  	v8 =	vld [tilespmem:s24+$0x80]  }
0x535: {  	v9 =	vld [tilespmem:s24+$0x90]  }
0x536: {  	v7 =	vld [tilespmem:s24+$0xA0]  }
0x537: {  	v6 =	vld [tilespmem:s24+$0xB0]  }
0x538: {  	v5 =	vld [tilespmem:s24+$0xC0]  }
0x539: {  	v4 =	vld [tilespmem:s24+$0xE0]  }
0x53a: {  	[tilespmem:s24+$0x80F0] =	vst.add.f32.msk $0xffff, v3  }
0x53b: {  	v3 =	vld [tilespmem:s24+$0xD0]  }
0x53c: {  	[tilespmem:s24+$0x8080] =	vst.add.f32.msk $0xffff, v8  }
0x53d: {  	s25 =	simm.s32 $0x0;
	[tilespmem:s24+$0x8090] =	vst.add.f32.msk $0xffff, v9  }
.LBB2_52:
0x53e: {  	s25 =	sadd.s32 $0x8, s25;
	[tilespmem:s24+$0x80A0] =	vst.add.f32.msk $0xffff, v7  }
0x53f: {  	s23 =	sadd.s32 $0x400, s23;
	s26 =	sshll.u32 s25, $0x4;
	p0 =	slt.u32 s25, $0x3F8;
	[tilespmem:s24+$0x80B0] =	vst.add.f32.msk $0xffff, v6  }
0x540: {  	s28 =	sand.u32 $0x1C00, s23;
	s29 =	sshll.u32 s25, $0x1;
	s26 =	sand.u32 $0x2000, s26;
	[tilespmem:s24+$0x80C0] =	vst.add.f32.msk $0xffff, v5  }
0x541: {  	s26 =	sor.u32 s28, s26;
	s28 =	sand.u32 $0x380, s29;
	[tilespmem:s24+$0x80D0] =	vst.add.f32.msk $0xffff, v3  }
0x542: {  	[tilespmem:s24+$0x80E0] =	vst.add.f32.msk $0xffff, v4;
	s24 =	sor.u32 s28, s26  }
0x543: {  	v3 =	vld [tilespmem:s24+$0xF0]  }
0x544: {  	v8 =	vld [tilespmem:s24+$0x80]  }
0x545: {  	v9 =	vld [tilespmem:s24+$0x90]  }
0x546: {  	v7 =	vld [tilespmem:s24+$0xA0]  }
0x547: {  	v6 =	vld [tilespmem:s24+$0xB0]  }
0x548: {  	[tilespmem:s24+$0x80F0] =	vst.add.f32.msk $0xffff, v3  }
.Ltmp25:
0x549: {  	v5 =	vld [tilespmem:s24+$0xC0];
	(pc) =	sbr.rel @p0 .LBB2_52-.Ltmp25, $4  }
0x54a: {  	v3 =	vld [tilespmem:s24+$0xD0]  }
0x54b: {  	v4 =	vld [tilespmem:s24+$0xE0]  }
0x54c: {  	[tilespmem:s24+$0x8080] =	vst.add.f32.msk $0xffff, v8  }
0x54d: {  	[tilespmem:s24+$0x8090] =	vst.add.f32.msk $0xffff, v9  }
0x54e: {  	[tilespmem:s24+$0x80A0] =	vst.add.f32.msk $0xffff, v7  }
0x54f: {  	[tilespmem:s24+$0x80B0] =	vst.add.f32.msk $0xffff, v6  }
0x550: {  	[tilespmem:s24+$0x80C0] =	vst.add.f32.msk $0xffff, v5  }
0x551: {  	[tilespmem:s24+$0x80D0] =	vst.add.f32.msk $0xffff, v3  }
0x552: {  	[tilespmem:s24+$0x80E0] =	vst.add.f32.msk $0xffff, v4  }
0x553: {  	s24 =	sld [smem:$0x7EE];
	_ =	sdelay $0x1  }
0x554: {  	s23 =	simm.s32 $0x0  }
0x555: {  	[hbm4b:s24+s23] =	stream.linear.scatter [tilespmem:s21], [sflag:$0x8], $0x4000, $0x38;
	[tilespmem:$0x1C080] =	vst v63  }
0x556: {  	_ =	swait.ge [sflag:s18], $0x4000  }
0x557: {  	s26 =	sld [smem:$0x7F3]  }
0x558: {  	[sflag:s18] =	ssyncset.done $0x0  }
0x559: {  	s28 =	simm.s32 $0x0;
	s25 =	sand.u32 $0x1C00, s23;
	[sflag:s18] =	ssyncadd.s32 $0xFFFFC000  }
0x55a: {  	[tilespmem:s5], [sflag:$0x6] =	stream.linear.gather [hbm4b:s26+s23], $0x4000, $0x38;
	[tilespmem:$0x1C080] =	vst v63  }
0x55b: {  	s24 =	sand.u32 $0x2000, s28;
	s26 =	simm.s32 $0x0;
	_ =	swait.ge [sflag:s6], $0x4000  }
0x55c: {  	s24 =	sor.u32 s25, s24;
	s29 =	sand.u32 $0x380, s26;
	[sflag:s6] =	ssyncset.done $0x0  }
0x55d: {  	s24 =	sor.u32 s29, s24;
	[sflag:s6] =	ssyncadd.s32 $0xFFFFC000  }
0x55e: {  	v3 =	vld [tilespmem:s24+$0xF0]  }
0x55f: {  	v8 =	vld [tilespmem:s24+$0x80]  }
0x560: {  	v9 =	vld [tilespmem:s24+$0x90]  }
0x561: {  	v7 =	vld [tilespmem:s24+$0xA0]  }
0x562: {  	v6 =	vld [tilespmem:s24+$0xB0]  }
0x563: {  	v5 =	vld [tilespmem:s24+$0xC0]  }
0x564: {  	v4 =	vld [tilespmem:s24+$0xE0]  }
0x565: {  	[tilespmem:s24+$0xC0F0] =	vst.add.f32.msk $0xffff, v3  }
0x566: {  	v3 =	vld [tilespmem:s24+$0xD0]  }
0x567: {  	[tilespmem:s24+$0xC080] =	vst.add.f32.msk $0xffff, v8  }
0x568: {  	s25 =	simm.s32 $0x0;
	[tilespmem:s24+$0xC090] =	vst.add.f32.msk $0xffff, v9  }
.LBB2_54:
0x569: {  	s25 =	sadd.s32 $0x8, s25;
	[tilespmem:s24+$0xC0A0] =	vst.add.f32.msk $0xffff, v7  }
0x56a: {  	s23 =	sadd.s32 $0x400, s23;
	s26 =	sshll.u32 s25, $0x4;
	p0 =	slt.u32 s25, $0x3F8;
	[tilespmem:s24+$0xC0B0] =	vst.add.f32.msk $0xffff, v6  }
0x56b: {  	s28 =	sand.u32 $0x1C00, s23;
	s29 =	sshll.u32 s25, $0x1;
	s26 =	sand.u32 $0x2000, s26;
	[tilespmem:s24+$0xC0C0] =	vst.add.f32.msk $0xffff, v5  }
0x56c: {  	s26 =	sor.u32 s28, s26;
	s28 =	sand.u32 $0x380, s29;
	[tilespmem:s24+$0xC0D0] =	vst.add.f32.msk $0xffff, v3  }
0x56d: {  	[tilespmem:s24+$0xC0E0] =	vst.add.f32.msk $0xffff, v4;
	s24 =	sor.u32 s28, s26  }
0x56e: {  	v3 =	vld [tilespmem:s24+$0xF0]  }
0x56f: {  	v8 =	vld [tilespmem:s24+$0x80]  }
0x570: {  	v9 =	vld [tilespmem:s24+$0x90]  }
0x571: {  	v7 =	vld [tilespmem:s24+$0xA0]  }
0x572: {  	v6 =	vld [tilespmem:s24+$0xB0]  }
0x573: {  	[tilespmem:s24+$0xC0F0] =	vst.add.f32.msk $0xffff, v3  }
.Ltmp26:
0x574: {  	v5 =	vld [tilespmem:s24+$0xC0];
	(pc) =	sbr.rel @p0 .LBB2_54-.Ltmp26, $4  }
0x575: {  	v3 =	vld [tilespmem:s24+$0xD0]  }
0x576: {  	v4 =	vld [tilespmem:s24+$0xE0]  }
0x577: {  	[tilespmem:s24+$0xC080] =	vst.add.f32.msk $0xffff, v8  }
0x578: {  	[tilespmem:s24+$0xC090] =	vst.add.f32.msk $0xffff, v9  }
0x579: {  	[tilespmem:s24+$0xC0A0] =	vst.add.f32.msk $0xffff, v7  }
0x57a: {  	[tilespmem:s24+$0xC0B0] =	vst.add.f32.msk $0xffff, v6  }
0x57b: {  	[tilespmem:s24+$0xC0C0] =	vst.add.f32.msk $0xffff, v5  }
0x57c: {  	[tilespmem:s24+$0xC0D0] =	vst.add.f32.msk $0xffff, v3  }
0x57d: {  	[tilespmem:s24+$0xC0E0] =	vst.add.f32.msk $0xffff, v4  }
0x57e: {  	s24 =	sld [smem:$0x7F0];
	_ =	sdelay $0x1  }
0x57f: {  	s23 =	simm.s32 $0x0  }
0x580: {  	[hbm4b:s24+s23] =	stream.linear.scatter [tilespmem:s22], [sflag:$0x9], $0x4000, $0x38;
	[tilespmem:$0x1C080] =	vst v63  }
0x581: {  	_ =	swait.ge [sflag:s19], $0x4000  }
0x582: {  	s26 =	sld [smem:$0x7F7]  }
0x583: {  	[sflag:s19] =	ssyncset.done $0x0  }
0x584: {  	s28 =	simm.s32 $0x0;
	s25 =	sand.u32 $0x1C00, s23;
	[sflag:s19] =	ssyncadd.s32 $0xFFFFC000  }
0x585: {  	[tilespmem:s7], [sflag:$0x7] =	stream.linear.gather [hbm4b:s26+s23], $0x4000, $0x38;
	[tilespmem:$0x1C080] =	vst v63  }
0x586: {  	s24 =	sand.u32 $0x2000, s28;
	s26 =	simm.s32 $0x0;
	_ =	swait.ge [sflag:s8], $0x4000  }
0x587: {  	s24 =	sor.u32 s25, s24;
	s29 =	sand.u32 $0x380, s26;
	[sflag:s8] =	ssyncset.done $0x0  }
0x588: {  	s24 =	sor.u32 s29, s24;
	[sflag:s8] =	ssyncadd.s32 $0xFFFFC000  }
0x589: {  	v3 =	vld [tilespmem:s24+$0xF0]  }
0x58a: {  	v8 =	vld [tilespmem:s24+$0x80]  }
0x58b: {  	v9 =	vld [tilespmem:s24+$0x90]  }
0x58c: {  	v7 =	vld [tilespmem:s24+$0xA0]  }
0x58d: {  	v6 =	vld [tilespmem:s24+$0xB0]  }
0x58e: {  	v5 =	vld [tilespmem:s24+$0xC0]  }
0x58f: {  	v4 =	vld [tilespmem:s24+$0xE0]  }
0x590: {  	[tilespmem:s24+$0x100F0] =	vst.add.f32.msk $0xffff, v3  }
0x591: {  	v3 =	vld [tilespmem:s24+$0xD0]  }
0x592: {  	[tilespmem:s24+$0x10080] =	vst.add.f32.msk $0xffff, v8  }
0x593: {  	s25 =	simm.s32 $0x0;
	[tilespmem:s24+$0x10090] =	vst.add.f32.msk $0xffff, v9  }
.LBB2_56:
0x594: {  	s25 =	sadd.s32 $0x8, s25;
	[tilespmem:s24+$0x100A0] =	vst.add.f32.msk $0xffff, v7  }
0x595: {  	s23 =	sadd.s32 $0x400, s23;
	s26 =	sshll.u32 s25, $0x4;
	p0 =	slt.u32 s25, $0x3F8;
	[tilespmem:s24+$0x100B0] =	vst.add.f32.msk $0xffff, v6  }
0x596: {  	s28 =	sand.u32 $0x1C00, s23;
	s29 =	sshll.u32 s25, $0x1;
	s26 =	sand.u32 $0x2000, s26;
	[tilespmem:s24+$0x100C0] =	vst.add.f32.msk $0xffff, v5  }
0x597: {  	s26 =	sor.u32 s28, s26;
	s28 =	sand.u32 $0x380, s29;
	[tilespmem:s24+$0x100D0] =	vst.add.f32.msk $0xffff, v3  }
0x598: {  	[tilespmem:s24+$0x100E0] =	vst.add.f32.msk $0xffff, v4;
	s24 =	sor.u32 s28, s26  }
0x599: {  	v3 =	vld [tilespmem:s24+$0xF0]  }
0x59a: {  	v8 =	vld [tilespmem:s24+$0x80]  }
0x59b: {  	v9 =	vld [tilespmem:s24+$0x90]  }
0x59c: {  	v7 =	vld [tilespmem:s24+$0xA0]  }
0x59d: {  	v6 =	vld [tilespmem:s24+$0xB0]  }
0x59e: {  	[tilespmem:s24+$0x100F0] =	vst.add.f32.msk $0xffff, v3  }
.Ltmp27:
0x59f: {  	v5 =	vld [tilespmem:s24+$0xC0];
	(pc) =	sbr.rel @p0 .LBB2_56-.Ltmp27, $4  }
0x5a0: {  	v3 =	vld [tilespmem:s24+$0xD0]  }
0x5a1: {  	v4 =	vld [tilespmem:s24+$0xE0]  }
0x5a2: {  	[tilespmem:s24+$0x10080] =	vst.add.f32.msk $0xffff, v8  }
0x5a3: {  	[tilespmem:s24+$0x10090] =	vst.add.f32.msk $0xffff, v9  }
0x5a4: {  	[tilespmem:s24+$0x100A0] =	vst.add.f32.msk $0xffff, v7  }
0x5a5: {  	[tilespmem:s24+$0x100B0] =	vst.add.f32.msk $0xffff, v6  }
0x5a6: {  	[tilespmem:s24+$0x100C0] =	vst.add.f32.msk $0xffff, v5  }
0x5a7: {  	[tilespmem:s24+$0x100D0] =	vst.add.f32.msk $0xffff, v3  }
0x5a8: {  	[tilespmem:s24+$0x100E0] =	vst.add.f32.msk $0xffff, v4  }
0x5a9: {  	s24 =	sld [smem:$0x7F2];
	_ =	sdelay $0x1  }
0x5aa: {  	s23 =	simm.s32 $0x0  }
0x5ab: {  	[hbm4b:s24+s23] =	stream.linear.scatter [tilespmem:s3], [sflag:$0xA], $0x4000, $0x38;
	[tilespmem:$0x1C080] =	vst v63  }
0x5ac: {  	_ =	swait.ge [sflag:s14], $0x4000  }
0x5ad: {  	[sflag:s14] =	ssyncset.done $0x0  }
0x5ae: {  	[sflag:s14] =	ssyncadd.s32 $0xFFFFC000  }
0x5af: {  	_ =	swait.ge [sflag:s12], $0x4000  }
0x5b0: {  	s26 =	sld [smem:$0x7F8]  }
0x5b1: {  	[sflag:s12] =	ssyncset.done $0x0  }
0x5b2: {  	s28 =	simm.s32 $0x0;
	s25 =	sand.u32 $0x1C00, s23;
	[sflag:s12] =	ssyncadd.s32 $0xFFFFC000  }
0x5b3: {  	[tilespmem:s21], [sflag:$0x3] =	stream.linear.gather [hbm4b:s26+s23], $0x4000, $0x38;
	[tilespmem:$0x1C080] =	vst v63  }
0x5b4: {  	s24 =	sand.u32 $0x2000, s28;
	s26 =	simm.s32 $0x0;
	_ =	swait.ge [sflag:s13], $0x4000  }
0x5b5: {  	s24 =	sor.u32 s25, s24;
	s29 =	sand.u32 $0x380, s26;
	[sflag:s13] =	ssyncset.done $0x0  }
0x5b6: {  	s24 =	sor.u32 s29, s24;
	[sflag:s13] =	ssyncadd.s32 $0xFFFFC000  }
0x5b7: {  	v3 =	vld [tilespmem:s24+$0x40F0]  }
0x5b8: {  	v8 =	vld [tilespmem:s24+$0x4080]  }
0x5b9: {  	v9 =	vld [tilespmem:s24+$0x4090]  }
0x5ba: {  	v7 =	vld [tilespmem:s24+$0x40A0]  }
0x5bb: {  	v6 =	vld [tilespmem:s24+$0x40B0]  }
0x5bc: {  	v5 =	vld [tilespmem:s24+$0x40C0]  }
0x5bd: {  	v4 =	vld [tilespmem:s24+$0x40E0]  }
0x5be: {  	[tilespmem:s24+$0x140F0] =	vst.add.f32.msk $0xffff, v3  }
0x5bf: {  	v3 =	vld [tilespmem:s24+$0x40D0]  }
0x5c0: {  	[tilespmem:s24+$0x14080] =	vst.add.f32.msk $0xffff, v8  }
0x5c1: {  	s25 =	simm.s32 $0x0;
	[tilespmem:s24+$0x14090] =	vst.add.f32.msk $0xffff, v9  }
.LBB2_58:
0x5c2: {  	s25 =	sadd.s32 $0x8, s25;
	[tilespmem:s24+$0x140A0] =	vst.add.f32.msk $0xffff, v7  }
0x5c3: {  	s23 =	sadd.s32 $0x400, s23;
	s26 =	sshll.u32 s25, $0x4;
	p0 =	slt.u32 s25, $0x3F8;
	[tilespmem:s24+$0x140B0] =	vst.add.f32.msk $0xffff, v6  }
0x5c4: {  	s28 =	sand.u32 $0x1C00, s23;
	s29 =	sshll.u32 s25, $0x1;
	s26 =	sand.u32 $0x2000, s26;
	[tilespmem:s24+$0x140C0] =	vst.add.f32.msk $0xffff, v5  }
0x5c5: {  	s26 =	sor.u32 s28, s26;
	s28 =	sand.u32 $0x380, s29;
	[tilespmem:s24+$0x140D0] =	vst.add.f32.msk $0xffff, v3  }
0x5c6: {  	[tilespmem:s24+$0x140E0] =	vst.add.f32.msk $0xffff, v4;
	s24 =	sor.u32 s28, s26  }
0x5c7: {  	v3 =	vld [tilespmem:s24+$0x40F0]  }
0x5c8: {  	v8 =	vld [tilespmem:s24+$0x4080]  }
0x5c9: {  	v9 =	vld [tilespmem:s24+$0x4090]  }
0x5ca: {  	v7 =	vld [tilespmem:s24+$0x40A0]  }
0x5cb: {  	v6 =	vld [tilespmem:s24+$0x40B0]  }
0x5cc: {  	[tilespmem:s24+$0x140F0] =	vst.add.f32.msk $0xffff, v3  }
.Ltmp28:
0x5cd: {  	v5 =	vld [tilespmem:s24+$0x40C0];
	(pc) =	sbr.rel @p0 .LBB2_58-.Ltmp28, $4  }
0x5ce: {  	v3 =	vld [tilespmem:s24+$0x40D0]  }
0x5cf: {  	v4 =	vld [tilespmem:s24+$0x40E0]  }
0x5d0: {  	[tilespmem:s24+$0x14080] =	vst.add.f32.msk $0xffff, v8  }
0x5d1: {  	[tilespmem:s24+$0x14090] =	vst.add.f32.msk $0xffff, v9  }
0x5d2: {  	[tilespmem:s24+$0x140A0] =	vst.add.f32.msk $0xffff, v7  }
0x5d3: {  	[tilespmem:s24+$0x140B0] =	vst.add.f32.msk $0xffff, v6  }
0x5d4: {  	[tilespmem:s24+$0x140C0] =	vst.add.f32.msk $0xffff, v5  }
0x5d5: {  	[tilespmem:s24+$0x140D0] =	vst.add.f32.msk $0xffff, v3  }
0x5d6: {  	[tilespmem:s24+$0x140E0] =	vst.add.f32.msk $0xffff, v4  }
0x5d7: {  	s24 =	sld [smem:$0x7F4];
	_ =	sdelay $0x1  }
0x5d8: {  	s23 =	simm.s32 $0x0  }
0x5d9: {  	[hbm4b:s24+s23] =	stream.linear.scatter [tilespmem:s5], [sflag:$0xB], $0x4000, $0x38;
	[tilespmem:$0x1C080] =	vst v63  }
0x5da: {  	_ =	swait.ge [sflag:s15], $0x4000  }
0x5db: {  	s26 =	sld [smem:$0x7F9]  }
0x5dc: {  	[sflag:s15] =	ssyncset.done $0x0  }
0x5dd: {  	s28 =	simm.s32 $0x0;
	s25 =	sand.u32 $0x1C00, s23;
	[sflag:s15] =	ssyncadd.s32 $0xFFFFC000  }
0x5de: {  	[tilespmem:s22], [sflag:$0x4] =	stream.linear.gather [hbm4b:s26+s23], $0x4000, $0x38;
	[tilespmem:$0x1C080] =	vst v63  }
0x5df: {  	s24 =	sand.u32 $0x2000, s28;
	s26 =	simm.s32 $0x0;
	_ =	swait.ge [sflag:s16], $0x4000  }
0x5e0: {  	s24 =	sor.u32 s25, s24;
	s29 =	sand.u32 $0x380, s26;
	[sflag:s16] =	ssyncset.done $0x0  }
0x5e1: {  	s24 =	sor.u32 s29, s24;
	[sflag:s16] =	ssyncadd.s32 $0xFFFFC000  }
0x5e2: {  	v3 =	vld [tilespmem:s24+$0x40F0]  }
0x5e3: {  	v8 =	vld [tilespmem:s24+$0x4080]  }
0x5e4: {  	v9 =	vld [tilespmem:s24+$0x4090]  }
0x5e5: {  	v7 =	vld [tilespmem:s24+$0x40A0]  }
0x5e6: {  	v6 =	vld [tilespmem:s24+$0x40B0]  }
0x5e7: {  	v5 =	vld [tilespmem:s24+$0x40C0]  }
0x5e8: {  	v4 =	vld [tilespmem:s24+$0x40E0]  }
0x5e9: {  	[tilespmem:s24+$0x180F0] =	vst.add.f32.msk $0xffff, v3  }
0x5ea: {  	v3 =	vld [tilespmem:s24+$0x40D0]  }
0x5eb: {  	[tilespmem:s24+$0x18080] =	vst.add.f32.msk $0xffff, v8  }
0x5ec: {  	s25 =	simm.s32 $0x0;
	[tilespmem:s24+$0x18090] =	vst.add.f32.msk $0xffff, v9  }
.LBB2_60:
0x5ed: {  	s25 =	sadd.s32 $0x8, s25;
	[tilespmem:s24+$0x180A0] =	vst.add.f32.msk $0xffff, v7  }
0x5ee: {  	s23 =	sadd.s32 $0x400, s23;
	s26 =	sshll.u32 s25, $0x4;
	p0 =	slt.u32 s25, $0x3F8;
	[tilespmem:s24+$0x180B0] =	vst.add.f32.msk $0xffff, v6  }
0x5ef: {  	s28 =	sand.u32 $0x1C00, s23;
	s29 =	sshll.u32 s25, $0x1;
	s26 =	sand.u32 $0x2000, s26;
	[tilespmem:s24+$0x180C0] =	vst.add.f32.msk $0xffff, v5  }
0x5f0: {  	s26 =	sor.u32 s28, s26;
	s28 =	sand.u32 $0x380, s29;
	[tilespmem:s24+$0x180D0] =	vst.add.f32.msk $0xffff, v3  }
0x5f1: {  	[tilespmem:s24+$0x180E0] =	vst.add.f32.msk $0xffff, v4;
	s24 =	sor.u32 s28, s26  }
0x5f2: {  	v3 =	vld [tilespmem:s24+$0x40F0]  }
0x5f3: {  	v8 =	vld [tilespmem:s24+$0x4080]  }
0x5f4: {  	v9 =	vld [tilespmem:s24+$0x4090]  }
0x5f5: {  	v7 =	vld [tilespmem:s24+$0x40A0]  }
0x5f6: {  	v6 =	vld [tilespmem:s24+$0x40B0]  }
0x5f7: {  	[tilespmem:s24+$0x180F0] =	vst.add.f32.msk $0xffff, v3  }
.Ltmp29:
0x5f8: {  	v5 =	vld [tilespmem:s24+$0x40C0];
	(pc) =	sbr.rel @p0 .LBB2_60-.Ltmp29, $4  }
0x5f9: {  	v3 =	vld [tilespmem:s24+$0x40D0]  }
0x5fa: {  	v4 =	vld [tilespmem:s24+$0x40E0]  }
0x5fb: {  	[tilespmem:s24+$0x18080] =	vst.add.f32.msk $0xffff, v8  }
0x5fc: {  	[tilespmem:s24+$0x18090] =	vst.add.f32.msk $0xffff, v9  }
0x5fd: {  	[tilespmem:s24+$0x180A0] =	vst.add.f32.msk $0xffff, v7  }
0x5fe: {  	[tilespmem:s24+$0x180B0] =	vst.add.f32.msk $0xffff, v6  }
0x5ff: {  	[tilespmem:s24+$0x180C0] =	vst.add.f32.msk $0xffff, v5  }
0x600: {  	[tilespmem:s24+$0x180D0] =	vst.add.f32.msk $0xffff, v3  }
0x601: {  	[tilespmem:s24+$0x180E0] =	vst.add.f32.msk $0xffff, v4  }
0x602: {  	s24 =	sld [smem:$0x7FA];
	_ =	sdelay $0x1  }
0x603: {  	s23 =	simm.s32 $0x0;
	s28 =	simm.s32 $0x0;
	s26 =	simm.s32 $0x0  }
0x604: {  	[hbm4b:s24+s23] =	stream.linear.scatter [tilespmem:s7], [sflag:$0xC], $0x4000, $0x38;
	[tilespmem:$0x1C080] =	vst v63  }
0x605: {  	s25 =	sand.u32 $0x1C00, s23;
	s24 =	sand.u32 $0x2000, s28;
	_ =	swait.ge [sflag:s4], $0x4000  }
0x606: {  	s29 =	sand.u32 $0x380, s26;
	s24 =	sor.u32 s25, s24;
	[sflag:s4] =	ssyncset.done $0x0  }
0x607: {  	s24 =	sor.u32 s29, s24;
	[sflag:s4] =	ssyncadd.s32 $0xFFFFC000  }
0x608: {  	v3 =	vld [tilespmem:s24+$0x40F0]  }
0x609: {  	v8 =	vld [tilespmem:s24+$0x4080]  }
0x60a: {  	v9 =	vld [tilespmem:s24+$0x4090]  }
0x60b: {  	v7 =	vld [tilespmem:s24+$0x40A0]  }
0x60c: {  	v6 =	vld [tilespmem:s24+$0x40B0]  }
0x60d: {  	v5 =	vld [tilespmem:s24+$0x40C0]  }
0x60e: {  	v4 =	vld [tilespmem:s24+$0x40E0]  }
0x60f: {  	[tilespmem:s24+$0x80F0] =	vst.add.f32.msk $0xffff, v3  }
0x610: {  	v3 =	vld [tilespmem:s24+$0x40D0]  }
0x611: {  	[tilespmem:s24+$0x8080] =	vst.add.f32.msk $0xffff, v8  }
0x612: {  	s25 =	simm.s32 $0x0;
	[tilespmem:s24+$0x8090] =	vst.add.f32.msk $0xffff, v9  }
.LBB2_62:
0x613: {  	s25 =	sadd.s32 $0x8, s25;
	[tilespmem:s24+$0x80A0] =	vst.add.f32.msk $0xffff, v7  }
0x614: {  	s23 =	sadd.s32 $0x400, s23;
	s26 =	sshll.u32 s25, $0x4;
	p0 =	slt.u32 s25, $0x3F8;
	[tilespmem:s24+$0x80B0] =	vst.add.f32.msk $0xffff, v6  }
0x615: {  	s28 =	sand.u32 $0x1C00, s23;
	s29 =	sshll.u32 s25, $0x1;
	s26 =	sand.u32 $0x2000, s26;
	[tilespmem:s24+$0x80C0] =	vst.add.f32.msk $0xffff, v5  }
0x616: {  	s26 =	sor.u32 s28, s26;
	s28 =	sand.u32 $0x380, s29;
	[tilespmem:s24+$0x80D0] =	vst.add.f32.msk $0xffff, v3  }
0x617: {  	[tilespmem:s24+$0x80E0] =	vst.add.f32.msk $0xffff, v4;
	s24 =	sor.u32 s28, s26  }
0x618: {  	v3 =	vld [tilespmem:s24+$0x40F0]  }
0x619: {  	v8 =	vld [tilespmem:s24+$0x4080]  }
0x61a: {  	v9 =	vld [tilespmem:s24+$0x4090]  }
0x61b: {  	v7 =	vld [tilespmem:s24+$0x40A0]  }
0x61c: {  	v6 =	vld [tilespmem:s24+$0x40B0]  }
0x61d: {  	[tilespmem:s24+$0x80F0] =	vst.add.f32.msk $0xffff, v3  }
.Ltmp30:
0x61e: {  	v5 =	vld [tilespmem:s24+$0x40C0];
	(pc) =	sbr.rel @p0 .LBB2_62-.Ltmp30, $4  }
0x61f: {  	v3 =	vld [tilespmem:s24+$0x40D0]  }
0x620: {  	v4 =	vld [tilespmem:s24+$0x40E0]  }
0x621: {  	[tilespmem:s24+$0x8080] =	vst.add.f32.msk $0xffff, v8  }
0x622: {  	[tilespmem:s24+$0x8090] =	vst.add.f32.msk $0xffff, v9  }
0x623: {  	[tilespmem:s24+$0x80A0] =	vst.add.f32.msk $0xffff, v7  }
0x624: {  	[tilespmem:s24+$0x80B0] =	vst.add.f32.msk $0xffff, v6  }
0x625: {  	[tilespmem:s24+$0x80C0] =	vst.add.f32.msk $0xffff, v5  }
0x626: {  	[tilespmem:s24+$0x80D0] =	vst.add.f32.msk $0xffff, v3  }
0x627: {  	[tilespmem:s24+$0x80E0] =	vst.add.f32.msk $0xffff, v4  }
0x628: {  	s24 =	sld [smem:$0x7FB];
	_ =	sdelay $0x1  }
0x629: {  	s23 =	simm.s32 $0x0;
	s28 =	simm.s32 $0x0;
	s26 =	simm.s32 $0x0  }
0x62a: {  	[hbm4b:s24+s23] =	stream.linear.scatter [tilespmem:s21], [sflag:$0x8], $0x4000, $0x38;
	[tilespmem:$0x1C080] =	vst v63  }
0x62b: {  	s25 =	sand.u32 $0x1C00, s23;
	s24 =	sand.u32 $0x2000, s28;
	_ =	swait.ge [sflag:s6], $0x4000  }
0x62c: {  	s29 =	sand.u32 $0x380, s26;
	s24 =	sor.u32 s25, s24;
	[sflag:s6] =	ssyncset.done $0x0  }
0x62d: {  	s24 =	sor.u32 s29, s24;
	[sflag:s6] =	ssyncadd.s32 $0xFFFFC000  }
0x62e: {  	v3 =	vld [tilespmem:s24+$0x40F0]  }
0x62f: {  	v8 =	vld [tilespmem:s24+$0x4080]  }
0x630: {  	v9 =	vld [tilespmem:s24+$0x4090]  }
0x631: {  	v7 =	vld [tilespmem:s24+$0x40A0]  }
0x632: {  	v6 =	vld [tilespmem:s24+$0x40B0]  }
0x633: {  	v5 =	vld [tilespmem:s24+$0x40C0]  }
0x634: {  	v4 =	vld [tilespmem:s24+$0x40E0]  }
0x635: {  	[tilespmem:s24+$0xC0F0] =	vst.add.f32.msk $0xffff, v3  }
0x636: {  	v3 =	vld [tilespmem:s24+$0x40D0]  }
0x637: {  	[tilespmem:s24+$0xC080] =	vst.add.f32.msk $0xffff, v8  }
0x638: {  	s25 =	simm.s32 $0x0;
	[tilespmem:s24+$0xC090] =	vst.add.f32.msk $0xffff, v9  }
.LBB2_64:
0x639: {  	s25 =	sadd.s32 $0x8, s25;
	[tilespmem:s24+$0xC0A0] =	vst.add.f32.msk $0xffff, v7  }
0x63a: {  	s23 =	sadd.s32 $0x400, s23;
	s26 =	sshll.u32 s25, $0x4;
	p0 =	slt.u32 s25, $0x3F8;
	[tilespmem:s24+$0xC0B0] =	vst.add.f32.msk $0xffff, v6  }
0x63b: {  	s28 =	sand.u32 $0x1C00, s23;
	s29 =	sshll.u32 s25, $0x1;
	s26 =	sand.u32 $0x2000, s26;
	[tilespmem:s24+$0xC0C0] =	vst.add.f32.msk $0xffff, v5  }
0x63c: {  	s26 =	sor.u32 s28, s26;
	s28 =	sand.u32 $0x380, s29;
	[tilespmem:s24+$0xC0D0] =	vst.add.f32.msk $0xffff, v3  }
0x63d: {  	[tilespmem:s24+$0xC0E0] =	vst.add.f32.msk $0xffff, v4;
	s24 =	sor.u32 s28, s26  }
0x63e: {  	v3 =	vld [tilespmem:s24+$0x40F0]  }
0x63f: {  	v8 =	vld [tilespmem:s24+$0x4080]  }
0x640: {  	v9 =	vld [tilespmem:s24+$0x4090]  }
0x641: {  	v7 =	vld [tilespmem:s24+$0x40A0]  }
0x642: {  	v6 =	vld [tilespmem:s24+$0x40B0]  }
0x643: {  	[tilespmem:s24+$0xC0F0] =	vst.add.f32.msk $0xffff, v3  }
.Ltmp31:
0x644: {  	v5 =	vld [tilespmem:s24+$0x40C0];
	(pc) =	sbr.rel @p0 .LBB2_64-.Ltmp31, $4  }
0x645: {  	v3 =	vld [tilespmem:s24+$0x40D0]  }
0x646: {  	v4 =	vld [tilespmem:s24+$0x40E0]  }
0x647: {  	[tilespmem:s24+$0xC080] =	vst.add.f32.msk $0xffff, v8  }
0x648: {  	[tilespmem:s24+$0xC090] =	vst.add.f32.msk $0xffff, v9  }
0x649: {  	[tilespmem:s24+$0xC0A0] =	vst.add.f32.msk $0xffff, v7  }
0x64a: {  	[tilespmem:s24+$0xC0B0] =	vst.add.f32.msk $0xffff, v6  }
0x64b: {  	[tilespmem:s24+$0xC0C0] =	vst.add.f32.msk $0xffff, v5  }
0x64c: {  	[tilespmem:s24+$0xC0D0] =	vst.add.f32.msk $0xffff, v3  }
0x64d: {  	[tilespmem:s24+$0xC0E0] =	vst.add.f32.msk $0xffff, v4  }
0x64e: {  	s23 =	sld [smem:$0x7FC];
	_ =	sdelay $0x2  }
0x64f: {  	[hbm4b:s23+s1] =	stream.linear.scatter [tilespmem:s22], [sflag:$0x9], $0x4000, $0x38;
	[tilespmem:$0x1C080] =	vst v63  }
0x650: {  	_ =	swait.ge [sflag:s17], $0x4000  }
0x651: {  	[sflag:s17] =	ssyncset.done $0x0  }
0x652: {  	[sflag:s17] =	ssyncadd.s32 $0xFFFFC000  }
0x653: {  	_ =	swait.ge [sflag:s18], $0x4000  }
0x654: {  	[sflag:s18] =	ssyncset.done $0x0  }
0x655: {  	[sflag:s18] =	ssyncadd.s32 $0xFFFFC000  }
0x656: {  	_ =	swait.ge [sflag:s19], $0x4000  }
0x657: {  	[sflag:s19] =	ssyncset.done $0x0  }
0x658: {  	[sflag:s19] =	ssyncadd.s32 $0xFFFFC000  }
0x659: {  	_ =	swait.ge [sflag:s12], $0x4000  }
0x65a: {  	[sflag:s12] =	ssyncset.done $0x0  }
0x65b: {  	[sflag:s12] =	ssyncadd.s32 $0xFFFFC000  }
0x65c: {  	_ =	swait.ge [sflag:s15], $0x4000  }
0x65d: {  	s29 =	sld [smem:$0x7FD];
	_ =	sdelay $0x1  }
0x65e: {  	s20 =	sadd.s32 $0x1, s20  }
0x65f: {  	p0 =	sne.s32 s20, s29  }
.Ltmp32:
0x660: {  	_ = 	snop;
	(pc) =	sbr.rel @p0 .LBB2_1-.Ltmp32, $3  }
0x661: {  	_ =	sdelay $0x1  }
0x662: {  	[sflag:s15] =	ssyncset.done $0x0  }
0x663: {  	[sflag:s15] =	ssyncadd.s32 $0xFFFFC000  }
0x664: {  	_ =	sfence.sel $0x180000  }
0x665: {  	[bflag:$0x0] =	sbarrier.arrive $0xFFFF  }
0x666: {  	_ =	strace $0x90000047  }
0x667: {  	s0 =	stileid.u32;
	[bflag:$0x2] =	sbarrier.arrive $0xFFFF  }
0x668: {  	p0 =	sne.s32 s0, $0x0;
	s0 =	rddreg [dreg:$0x4]  }
0x669: {  	s0 =	sadd.s32 @!p0 $0x100000, s0  }
0x66a: {  	[sflag:s0] =	ssyncadd.tile.s32 @!p0 $0x1;
	_ =	shalt  }
.Lfunc_end2:
_tile_overlayer_lowered:
.L_overlay_start_2:
0x66b: {  	(tag) =	ssettag $0x2  }
0x66c: {  	s0 =	rddreg [dreg:$0x0];
	s2 =	stileid.u32  }
0x66d: {  	s1 =	rddreg [dreg:$0x1];
	p0 =	sne.s32 s2, $0x0  }
0x66e: {  	s3 =	rddreg [dreg:$0x2];
	[bflag:$0x3] =	sbarrier.arrive $0xFFFF;
	s2 =	simm.s32 @!p0 $0x1C0D  }
0x66f: {  	[timem:s3], [sflag:s2] =	dma.local @!p0 [hbm:s0], s1  }
0x670: {  	s0 =	simm.s32 @!p0 $0xD  }
0x671: {  	_ =	swait.ge @!p0 [sflag:s0], s1  }
0x672: {  	s1 =	ssub.s32 @!p0 $0x0, s1;
	[sflag:s0] =	ssyncset.done @!p0 $0x0  }
0x673: {  	[sflag:s0] =	ssyncadd.s32 @!p0 s1  }
0x674: {  	[bflag:$0x3] =	sbarrier.arrive $0xFFFF  }
0x675: {  	_ =	shalt  }

</sc_bundles>
